<compile_context>
chip_gen: v7x
topology: tpu7x:2x2x1
jax: 0.10.2.dev20260603
libtpu: 0.0.44.dev20260713+nightly
codegen_flags: <defaults>
</compile_context>

<pallas_src>
import functools

import jax
import jax.numpy as jnp
from jax import lax
from jax.experimental import pallas as pl
from jax.experimental.pallas import tpu as pltpu
from jax.experimental.pallas import tpu_sc as plsc

N = 10000
E = 320000
IN = 128
H = 64
C = 16
ALPHA = 0.1
NITER = 10

NC = 2
NS = 16
NT = NC * NS
NPAD = 10240
HALF = NPAD // 2
RPU = NPAD // NT
AIS = NPAD // NS
CHUNK = 128
K = 10
EPT = E // NT
NCHUNK = 80
EPT_PAD = NCHUNK * CHUNK
PAD = EPT_PAD * NT - E

_MESH = plsc.VectorSubcoreMesh(core_axis_name="c", subcore_axis_name="s")
_SEMMESH = plsc.VectorSubcoreMesh(core_axis_name="cc", subcore_axis_name="ss")



def _mlp_body(x_ref, w1t_ref, w2t_ref, out_ref):
    h = jnp.tanh(jnp.dot(x_ref[...], w1t_ref[...],
                         preferred_element_type=jnp.float32))
    out_ref[...] = jnp.dot(h, w2t_ref[...],
                           preferred_element_type=jnp.float32)


def _mlp(local_preds, w1t, w2t):
    return pl.pallas_call(
        _mlp_body,
        out_shape=jax.ShapeDtypeStruct((NPAD, C), jnp.float32),
    )(local_preds, w1t, w2t)



def _rsqrt(x):
    i = plsc.bitcast(x, jnp.int32)
    i = jnp.int32(0x5F3759DF) - lax.shift_right_arithmetic(i, 1)
    y = plsc.bitcast(i, jnp.float32)
    for _ in range(3):
        y = y * (1.5 - 0.5 * x * y * y)
    return y


def _sc_body(logits_hbm, colb_hbm, rowb_hbm, preds_hbm, u_hbm, pexp_hbm,
             acc, ucache, colv, rowv, gbufa, gbufb, ones, zbuf, dinvv, alv,
             ubuf, gsema, gsemb, ssema, ssemb, xsem):
    cid = lax.axis_index("c")
    sid = lax.axis_index("s")
    w = cid * NS + sid
    ubase = cid * HALF + sid * RPU
    xbase = (1 - cid) * HALF + sid * RPU

    def fire_gathers(c0, gbuf, gsem):
        for j in range(K):
            pltpu.async_copy(ucache.at[colv.at[c0 + j]],
                             gbuf.at[pl.ds(j * CHUNK, CHUNK)], gsem)

    def drain_gathers(c0, gbuf, gsem):
        for j in range(K):
            pltpu.make_async_copy(ucache.at[colv.at[c0 + j]],
                                  gbuf.at[pl.ds(j * CHUNK, CHUNK)],
                                  gsem).wait()

    def refresh_ucache():
        pltpu.sync_copy(ubuf, ucache.at[pl.ds(ubase, RPU)])
        pltpu.sync_copy(u_hbm.at[pl.ds(xbase, RPU)], xbuf)
        pltpu.sync_copy(xbuf, ucache.at[pl.ds(xbase, RPU)])

    def fire_scatters(c0, gbuf, ssem):
        for j in range(K):
            pltpu.async_copy(gbuf.at[pl.ds(j * CHUNK, CHUNK)],
                             acc.at[rowv.at[c0 + j]], ssem, add=True)

    def drain_scatters(c0, gbuf, ssem):
        for j in range(K):
            pltpu.make_async_copy(gbuf.at[pl.ds(j * CHUNK, CHUNK)],
                                  acc.at[rowv.at[c0 + j]], ssem).wait()

    def export_and_rendezvous():
        stage = gbufb.at[pl.ds(RPU, RPU)]
        pltpu.async_copy(acc.at[pl.ds(xbase, RPU)], stage, gsema)
        pltpu.async_copy(acc.at[pl.ds(ubase, RPU)], tbuf, gsemb)
        pltpu.make_async_copy(acc.at[pl.ds(xbase, RPU)], stage, gsema).wait()
        pltpu.async_copy(stage, pexp_hbm.at[pl.ds(xbase, RPU)], gsema)
        pltpu.sync_copy(zbuf.at[pl.ds(0, RPU)], acc.at[pl.ds(xbase, RPU)])
        pltpu.make_async_copy(stage, pexp_hbm.at[pl.ds(xbase, RPU)],
                              gsema).wait()
        pltpu.semaphore_signal(xsem, 1, device_id={"cc": 1 - cid, "ss": sid})
        pltpu.semaphore_wait(xsem, 1)

    def full_barrier():
        plsc.subcore_barrier()
        pltpu.semaphore_signal(xsem, 1, device_id={"cc": 1 - cid, "ss": sid})
        pltpu.semaphore_wait(xsem, 1)

    tbuf = gbufa.at[pl.ds(0, RPU)]
    xbuf = gbufa.at[pl.ds(RPU, RPU)]
    pbuf = gbufb.at[pl.ds(0, RPU)]

    pltpu.sync_copy(colb_hbm.at[w], colv)
    pltpu.sync_copy(rowb_hbm.at[w], rowv)

    @pl.loop(0, CHUNK)
    def _(j):
        ones[j] = jnp.full((C,), 1.0, jnp.float32)

    @pl.loop(0, AIS)
    def _(j):
        zbuf[j] = jnp.full((C,), 0.0, jnp.float32)

    pltpu.sync_copy(zbuf, acc.at[pl.ds(sid * AIS, AIS)])
    plsc.subcore_barrier()

    @pl.loop(0, NCHUNK, step=2 * K)
    def _(c0):
        for j in range(K):
            pltpu.async_copy(ones, acc.at[rowv.at[c0 + j]], ssema, add=True)
        for j in range(K):
            pltpu.async_copy(ones, acc.at[rowv.at[c0 + K + j]], ssemb,
                             add=True)
        for j in range(K):
            pltpu.make_async_copy(ones, acc.at[rowv.at[c0 + j]],
                                  ssema).wait()
        for j in range(K):
            pltpu.make_async_copy(ones, acc.at[rowv.at[c0 + K + j]],
                                  ssemb).wait()

    plsc.subcore_barrier()
    export_and_rendezvous()

    pltpu.make_async_copy(acc.at[pl.ds(ubase, RPU)], tbuf, gsemb).wait()
    pltpu.sync_copy(zbuf.at[pl.ds(0, RPU)], acc.at[pl.ds(ubase, RPU)])
    pltpu.sync_copy(pexp_hbm.at[pl.ds(ubase, RPU)], xbuf)
    pltpu.sync_copy(logits_hbm.at[pl.ds(ubase, RPU)], alv)

    @pl.loop(0, RPU)
    def _(j):
        d = _rsqrt(tbuf[j] + xbuf[j] + 1.0)
        dinvv[j] = d
        lg = alv[j]
        ubuf[j] = d * lg
        alv[j] = ALPHA * lg

    pltpu.sync_copy(ubuf, u_hbm.at[pl.ds(ubase, RPU)])
    full_barrier()
    refresh_ucache()
    plsc.subcore_barrier()

    @pl.loop(0, NITER)
    def _(it):
        fire_gathers(0, gbufa, gsema)

        @pl.loop(0, NCHUNK, step=2 * K)
        def _(c0):
            fire_gathers(c0 + K, gbufb, gsemb)
            drain_gathers(c0, gbufa, gsema)
            fire_scatters(c0, gbufa, ssema)
            drain_scatters(c0, gbufa, ssema)

            @pl.when(c0 + 2 * K < NCHUNK)
            def _():
                fire_gathers(c0 + 2 * K, gbufa, gsema)

            drain_gathers(c0 + K, gbufb, gsemb)
            fire_scatters(c0 + K, gbufb, ssemb)
            drain_scatters(c0 + K, gbufb, ssemb)

        plsc.subcore_barrier()
        export_and_rendezvous()

        pltpu.make_async_copy(acc.at[pl.ds(ubase, RPU)], tbuf, gsemb).wait()
        pltpu.async_copy(zbuf.at[pl.ds(0, RPU)], acc.at[pl.ds(ubase, RPU)],
                         ssema)
        pltpu.sync_copy(pexp_hbm.at[pl.ds(ubase, RPU)], xbuf)

        @pl.loop(0, RPU)
        def _(j):
            t = tbuf[j] + xbuf[j] + ubuf[j]
            d = dinvv[j]
            p = (1.0 - ALPHA) * d * t + alv[j]
            pbuf[j] = p
            ubuf[j] = d * p

        pltpu.async_copy(pbuf, preds_hbm.at[pl.ds(ubase, RPU)], gsema)
        pltpu.async_copy(ubuf, u_hbm.at[pl.ds(ubase, RPU)], gsemb)
        pltpu.async_copy(ubuf, ucache.at[pl.ds(ubase, RPU)], ssemb)
        pltpu.make_async_copy(zbuf.at[pl.ds(0, RPU)],
                              acc.at[pl.ds(ubase, RPU)], ssema).wait()
        pltpu.make_async_copy(pbuf, preds_hbm.at[pl.ds(ubase, RPU)],
                              gsema).wait()
        pltpu.make_async_copy(ubuf, u_hbm.at[pl.ds(ubase, RPU)],
                              gsemb).wait()
        pltpu.make_async_copy(ubuf, ucache.at[pl.ds(ubase, RPU)],
                              ssemb).wait()
        full_barrier()
        pltpu.sync_copy(u_hbm.at[pl.ds(xbase, RPU)], xbuf)
        pltpu.sync_copy(xbuf, ucache.at[pl.ds(xbase, RPU)])
        plsc.subcore_barrier()


_sc_kernel = functools.partial(
    pl.kernel,
    out_type=(jax.ShapeDtypeStruct((NPAD, C), jnp.float32),
              jax.ShapeDtypeStruct((NPAD, C), jnp.float32),
              jax.ShapeDtypeStruct((NPAD, C), jnp.float32)),
    mesh=_MESH,
    compiler_params=pltpu.CompilerParams(use_tc_tiling_on_sc=False,
                                         needs_layout_passes=False),
    scratch_types=[
        pltpu.VMEM_SHARED((NPAD, C), jnp.float32),
        pltpu.VMEM_SHARED((NPAD, C), jnp.float32),
        pltpu.VMEM((NCHUNK, CHUNK), jnp.int32),
        pltpu.VMEM((NCHUNK, CHUNK), jnp.int32),
        pltpu.VMEM((K * CHUNK, C), jnp.float32),
        pltpu.VMEM((K * CHUNK, C), jnp.float32),
        pltpu.VMEM((CHUNK, C), jnp.float32),
        pltpu.VMEM((AIS, C), jnp.float32),
        pltpu.VMEM((RPU, C), jnp.float32),
        pltpu.VMEM((RPU, C), jnp.float32),
        pltpu.VMEM((RPU, C), jnp.float32),
        pltpu.SemaphoreType.DMA,
        pltpu.SemaphoreType.DMA,
        pltpu.SemaphoreType.DMA,
        pltpu.SemaphoreType.DMA,
        pltpu.SemaphoreType.REGULAR @ _SEMMESH,
    ],
)(_sc_body)


def kernel(local_preds, W1, W2, edge_row, edge_col):
    xpad = jnp.pad(local_preds, ((0, NPAD - N), (0, 0)))
    logits = _mlp(xpad, W1.T, W2.T)
    colb = jnp.concatenate(
        [edge_col, jnp.zeros((PAD,), jnp.int32)]).reshape(NT, NCHUNK, CHUNK)
    rowb = jnp.concatenate(
        [edge_row, jnp.full((PAD,), N, jnp.int32)]).reshape(NT, NCHUNK, CHUNK)
    preds, _, _ = _sc_kernel(logits, colb, rowb)
    return preds[:N]

# --- scband reference (transcript-rebuilt; emitter-appended) ---
"""Pipeline reference for scband-pprpower-iteration-68143951118847 (READ-ONLY COPY).

The authoritative reference and input builder live on the scoring server;
editing this copy changes nothing except your own understanding.
"""

import jax, jax.numpy as jnp
import numpy as np

N = 10000
E = 320000
IN = 128
H = 64
C = 16
ALPHA = 0.1
NITER = 10


def setup_inputs(seed: int = 0) -> dict:
    key = jax.random.key(seed)
    k1, k2, k3, k4, k5 = jax.random.split(key, 5)
    local_preds = jax.random.normal(k1, (N, IN), dtype=jnp.float32)
    # nn.Linear(in, out, bias=False) weights stored as [out, in]
    W1 = jax.random.normal(k2, (H, IN), dtype=jnp.float32) * (1.0 / np.sqrt(IN))
    W2 = jax.random.normal(k3, (C, H), dtype=jnp.float32) * (1.0 / np.sqrt(H))
    # random sparse adjacency in COO form (row, col), binary values
    edge_row = jax.random.randint(k4, (E,), 0, N, dtype=jnp.int32)
    edge_col = jax.random.randint(k5, (E,), 0, N, dtype=jnp.int32)
    return {"local_preds": local_preds, "W1": W1, "W2": W2,
            "edge_row": edge_row, "edge_col": edge_col}


def reference(local_preds, W1, W2, edge_row, edge_col):
    # --- calc_A_hat: A = adj + I; D = rowsum(A); A_hat = D^{-1/2} A D^{-1/2} ---
    self_loops = jnp.arange(N, dtype=jnp.int32)
    row = jnp.concatenate([edge_row, self_loops])
    col = jnp.concatenate([edge_col, self_loops])
    vals = jnp.ones(row.shape[0], dtype=jnp.float32)
    deg = jax.ops.segment_sum(vals, row, num_segments=N)
    dinv = 1.0 / jnp.sqrt(deg)
    # buffer stores (1 - alpha) * A_hat
    a_vals = (1.0 - ALPHA) * dinv[row] * vals * dinv[col]

    # --- MLP: dropout is identity (drop_prob=None), bns=False ---
    h = jnp.tanh(local_preds @ W1.T)
    logits = h @ W2.T  # [N, C]

    # --- PPR power iteration: preds = A_hat_drop @ preds + alpha * logits ---
    preds = logits
    for _ in range(NITER):
        gathered = a_vals[:, None] * preds[col]            # gather by src/col
        agg = jax.ops.segment_sum(gathered, row, num_segments=N)  # scatter-add by row
        preds = agg + ALPHA * logits
    return preds

if __name__ == "__main__":
    import jax
    _d = setup_inputs()
    print(jax.jit(kernel)(*tuple(_d.values())))

</pallas_src>

<mosaic_0001>
#map = affine_map<(d0, d1) -> (0, 0)>
#map1 = affine_map<(d0, d1) -> (0, 0, 0)>
module attributes {stable_mosaic.version = 14 : i64} {
  func.func @_sc_body(%arg0: i32, %arg1: i32, %arg2: memref<10240x16xf32, #tpu.memory_space<hbm>>, %arg3: memref<32x80x128xi32, #tpu.memory_space<hbm>>, %arg4: memref<32x80x128xi32, #tpu.memory_space<hbm>>, %arg5: memref<10240x16xf32, #tpu.memory_space<hbm>>, %arg6: memref<10240x16xf32, #tpu.memory_space<hbm>>, %arg7: memref<10240x16xf32, #tpu.memory_space<hbm>>, %arg8: memref<10240x16xf32, #tpu.memory_space<vmem_shared>>, %arg9: memref<10240x16xf32, #tpu.memory_space<vmem_shared>>, %arg10: memref<80x128xi32, #tpu.memory_space<vmem>>, %arg11: memref<80x128xi32, #tpu.memory_space<vmem>>, %arg12: memref<1280x16xf32, #tpu.memory_space<vmem>>, %arg13: memref<1280x16xf32, #tpu.memory_space<vmem>>, %arg14: memref<128x16xf32, #tpu.memory_space<vmem>>, %arg15: memref<640x16xf32, #tpu.memory_space<vmem>>, %arg16: memref<320x16xf32, #tpu.memory_space<vmem>>, %arg17: memref<320x16xf32, #tpu.memory_space<vmem>>, %arg18: memref<320x16xf32, #tpu.memory_space<vmem>>, %arg19: memref<!tpu.dma_semaphore, #tpu.memory_space<semaphore_mem>>, %arg20: memref<!tpu.dma_semaphore, #tpu.memory_space<semaphore_mem>>, %arg21: memref<!tpu.dma_semaphore, #tpu.memory_space<semaphore_mem>>, %arg22: memref<!tpu.dma_semaphore, #tpu.memory_space<semaphore_mem>>, %arg23: memref<!tpu.semaphore, #tpu.memory_space<semaphore_mem>>) attributes {dimension_semantics = [#tpu.dimension_semantics<core_parallel>, #tpu.dimension_semantics<subcore_parallel>], iteration_bounds = array<i64: 2, 16>, scalar_prefetch = 0 : i64, scratch_operands = 16 : i64, tpu.core_type = #tpu.core_type<sc_vector_subcore>, window_params = [{transform_indices = #map}, {transform_indices = #map1}, {transform_indices = #map1}, {transform_indices = #map}, {transform_indices = #map}, {transform_indices = #map}]} {
    %mul3A = arith.constant 16 : i32
    %mul3A_0 = arith.muli %arg0, %mul3A : i32
    %add3A = arith.addi %mul3A_0, %arg1 : i32
    %mul3A_1 = arith.constant 5120 : i32
    %mul3A_2 = arith.muli %arg0, %mul3A_1 : i32
    %mul3A_3 = arith.constant 320 : i32
    %mul3A_4 = arith.muli %arg1, %mul3A_3 : i32
    %add3A_5 = arith.addi %mul3A_2, %mul3A_4 : i32
    %sub3A = arith.constant 1 : i32
    %sub3A_6 = arith.subi %sub3A, %arg0 : i32
    %mul3A_7 = arith.constant 5120 : i32
    %mul3A_8 = arith.muli %sub3A_6, %mul3A_7 : i32
    %mul3A_9 = arith.constant 320 : i32
    %mul3A_10 = arith.muli %arg1, %mul3A_9 : i32
    %add3A_11 = arith.addi %mul3A_8, %mul3A_10 : i32
    "tpu.region"() ({
      %run_scoped3A = tpu.sem_alloc : memref<!tpu.dma_semaphore, #tpu.memory_space<semaphore_mem>>
      %dma_start3A_107 = arith.constant 0 : i32
      %dma_start3A_108 = arith.constant 0 : i32
      %dma_start3A_109 = tpu.memref_slice %arg3[%add3A, %dma_start3A_107, %dma_start3A_108] : memref<32x80x128xi32, #tpu.memory_space<hbm>> -> memref<1x80x128xi32, #tpu.memory_space<hbm>>
      %dma_start3A_110 = tpu.memref_squeeze %dma_start3A_109 : memref<1x80x128xi32, #tpu.memory_space<hbm>> -> memref<80x128xi32, #tpu.memory_space<hbm>>
      %dma_start3A_111 = arith.constant 0 : i32
      %dma_start3A_112 = arith.constant 0 : i32
      %dma_start3A_113 = tpu.memref_slice %arg3[%add3A, %dma_start3A_111, %dma_start3A_112] : memref<32x80x128xi32, #tpu.memory_space<hbm>> -> memref<1x80x128xi32, #tpu.memory_space<hbm>>
      %dma_start3A_114 = tpu.memref_squeeze %dma_start3A_113 : memref<1x80x128xi32, #tpu.memory_space<hbm>> -> memref<80x128xi32, #tpu.memory_space<hbm>>
      tpu.enqueue_dma source(%dma_start3A_114 : memref<80x128xi32, #tpu.memory_space<hbm>>) target(%arg10 : memref<80x128xi32, #tpu.memory_space<vmem>>) target_semaphore(%run_scoped3A : memref<!tpu.dma_semaphore, #tpu.memory_space<semaphore_mem>>)
      %dma_wait3A_115 = arith.constant 0 : i32
      %dma_wait3A_116 = arith.constant 0 : i32
      %dma_wait3A_117 = tpu.memref_slice %arg3[%add3A, %dma_wait3A_115, %dma_wait3A_116] : memref<32x80x128xi32, #tpu.memory_space<hbm>> -> memref<1x80x128xi32, #tpu.memory_space<hbm>>
      %dma_wait3A_118 = tpu.memref_squeeze %dma_wait3A_117 : memref<1x80x128xi32, #tpu.memory_space<hbm>> -> memref<80x128xi32, #tpu.memory_space<hbm>>
      %dma_wait3A_119 = arith.constant 0 : i32
      %dma_wait3A_120 = arith.constant 0 : i32
      %dma_wait3A_121 = tpu.memref_slice %arg3[%add3A, %dma_wait3A_119, %dma_wait3A_120] : memref<32x80x128xi32, #tpu.memory_space<hbm>> -> memref<1x80x128xi32, #tpu.memory_space<hbm>>
      %dma_wait3A_122 = tpu.memref_squeeze %dma_wait3A_121 : memref<1x80x128xi32, #tpu.memory_space<hbm>> -> memref<80x128xi32, #tpu.memory_space<hbm>>
      tpu.wait_dma2 semaphore(%run_scoped3A : memref<!tpu.dma_semaphore, #tpu.memory_space<semaphore_mem>>) src(%dma_wait3A_122 : memref<80x128xi32, #tpu.memory_space<hbm>>) dst(%arg10 : memref<80x128xi32, #tpu.memory_space<vmem>>)
      tpu.yield
    }) : () -> ()
    "tpu.region"() ({
      %run_scoped3A = tpu.sem_alloc : memref<!tpu.dma_semaphore, #tpu.memory_space<semaphore_mem>>
      %dma_start3A_107 = arith.constant 0 : i32
      %dma_start3A_108 = arith.constant 0 : i32
      %dma_start3A_109 = tpu.memref_slice %arg4[%add3A, %dma_start3A_107, %dma_start3A_108] : memref<32x80x128xi32, #tpu.memory_space<hbm>> -> memref<1x80x128xi32, #tpu.memory_space<hbm>>
      %dma_start3A_110 = tpu.memref_squeeze %dma_start3A_109 : memref<1x80x128xi32, #tpu.memory_space<hbm>> -> memref<80x128xi32, #tpu.memory_space<hbm>>
      %dma_start3A_111 = arith.constant 0 : i32
      %dma_start3A_112 = arith.constant 0 : i32
      %dma_start3A_113 = tpu.memref_slice %arg4[%add3A, %dma_start3A_111, %dma_start3A_112] : memref<32x80x128xi32, #tpu.memory_space<hbm>> -> memref<1x80x128xi32, #tpu.memory_space<hbm>>
      %dma_start3A_114 = tpu.memref_squeeze %dma_start3A_113 : memref<1x80x128xi32, #tpu.memory_space<hbm>> -> memref<80x128xi32, #tpu.memory_space<hbm>>
      tpu.enqueue_dma source(%dma_start3A_114 : memref<80x128xi32, #tpu.memory_space<hbm>>) target(%arg11 : memref<80x128xi32, #tpu.memory_space<vmem>>) target_semaphore(%run_scoped3A : memref<!tpu.dma_semaphore, #tpu.memory_space<semaphore_mem>>)
      %dma_wait3A_115 = arith.constant 0 : i32
      %dma_wait3A_116 = arith.constant 0 : i32
      %dma_wait3A_117 = tpu.memref_slice %arg4[%add3A, %dma_wait3A_115, %dma_wait3A_116] : memref<32x80x128xi32, #tpu.memory_space<hbm>> -> memref<1x80x128xi32, #tpu.memory_space<hbm>>
      %dma_wait3A_118 = tpu.memref_squeeze %dma_wait3A_117 : memref<1x80x128xi32, #tpu.memory_space<hbm>> -> memref<80x128xi32, #tpu.memory_space<hbm>>
      %dma_wait3A_119 = arith.constant 0 : i32
      %dma_wait3A_120 = arith.constant 0 : i32
      %dma_wait3A_121 = tpu.memref_slice %arg4[%add3A, %dma_wait3A_119, %dma_wait3A_120] : memref<32x80x128xi32, #tpu.memory_space<hbm>> -> memref<1x80x128xi32, #tpu.memory_space<hbm>>
      %dma_wait3A_122 = tpu.memref_squeeze %dma_wait3A_121 : memref<1x80x128xi32, #tpu.memory_space<hbm>> -> memref<80x128xi32, #tpu.memory_space<hbm>>
      tpu.wait_dma2 semaphore(%run_scoped3A : memref<!tpu.dma_semaphore, #tpu.memory_space<semaphore_mem>>) src(%dma_wait3A_122 : memref<80x128xi32, #tpu.memory_space<hbm>>) dst(%arg11 : memref<80x128xi32, #tpu.memory_space<vmem>>)
      tpu.yield
    }) : () -> ()
    %scan3A = arith.constant 0 : i32
    %scan3A_12 = arith.constant 128 : i32
    %scan3A_13 = arith.addi %scan3A, %scan3A_12 : i32
    %scan3A_14 = arith.constant 1 : i32
    scf.for %scan3A_107 = %scan3A to %scan3A_13 step %scan3A_14  : i32 {
      %mul3A_108 = arith.constant 1 : i32
      %mul3A_109 = arith.muli %scan3A_107, %mul3A_108 : i32
      %add3A_110 = arith.constant 0 : i32
      %add3A_111 = arith.addi %add3A_110, %mul3A_109 : i32
      %broadcast_in_dim3A = arith.constant 1.000000e+00 : f32
      %broadcast_in_dim3A_112 = vector.broadcast %broadcast_in_dim3A : f32 to vector<16xf32>
      %swap3A = arith.index_cast %add3A_111 : i32 to index
      %swap3A_113 = arith.constant 0 : index
      %swap3A_114 = tpu.vector_load %arg14[%swap3A, %swap3A_113] {strides = array<i32>} : memref<128x16xf32, #tpu.memory_space<vmem>>, vector<16xf32>,
      tpu.vector_store %arg14[%swap3A, %swap3A_113], %broadcast_in_dim3A_112 {strides = array<i32>} : memref<128x16xf32, #tpu.memory_space<vmem>>, vector<16xf32>,
    }
    %scan3A_15 = arith.constant 128 : i32
    %scan3A_16 = arith.constant 0 : i32
    %scan3A_17 = arith.constant 640 : i32
    %scan3A_18 = arith.addi %scan3A_16, %scan3A_17 : i32
    %scan3A_19 = arith.constant 1 : i32
    scf.for %scan3A_107 = %scan3A_16 to %scan3A_18 step %scan3A_19  : i32 {
      %mul3A_108 = arith.constant 1 : i32
      %mul3A_109 = arith.muli %scan3A_107, %mul3A_108 : i32
      %add3A_110 = arith.constant 0 : i32
      %add3A_111 = arith.addi %add3A_110, %mul3A_109 : i32
      %broadcast_in_dim3A = arith.constant 0.000000e+00 : f32
      %broadcast_in_dim3A_112 = vector.broadcast %broadcast_in_dim3A : f32 to vector<16xf32>
      %swap3A = arith.index_cast %add3A_111 : i32 to index
      %swap3A_113 = arith.constant 0 : index
      %swap3A_114 = tpu.vector_load %arg15[%swap3A, %swap3A_113] {strides = array<i32>} : memref<640x16xf32, #tpu.memory_space<vmem>>, vector<16xf32>,
      tpu.vector_store %arg15[%swap3A, %swap3A_113], %broadcast_in_dim3A_112 {strides = array<i32>} : memref<640x16xf32, #tpu.memory_space<vmem>>, vector<16xf32>,
    }
    %scan3A_20 = arith.constant 640 : i32
    %mul3A_21 = arith.constant 640 : i32
    %mul3A_22 = arith.muli %arg1, %mul3A_21 : i32
    "tpu.region"() ({
      %run_scoped3A = tpu.sem_alloc : memref<!tpu.dma_semaphore, #tpu.memory_space<semaphore_mem>>
      %dma_start3A_107 = arith.constant 0 : i32
      %dma_start3A_108 = tpu.memref_slice %arg8[%mul3A_22, %dma_start3A_107] : memref<10240x16xf32, #tpu.memory_space<vmem_shared>> -> memref<640x16xf32, #tpu.memory_space<vmem_shared>>
      %dma_start3A_109 = arith.constant 0 : i32
      %dma_start3A_110 = tpu.memref_slice %arg8[%mul3A_22, %dma_start3A_109] : memref<10240x16xf32, #tpu.memory_space<vmem_shared>> -> memref<640x16xf32, #tpu.memory_space<vmem_shared>>
      tpu.enqueue_dma source(%arg15 : memref<640x16xf32, #tpu.memory_space<vmem>>) target(%dma_start3A_110 : memref<640x16xf32, #tpu.memory_space<vmem_shared>>) target_semaphore(%run_scoped3A : memref<!tpu.dma_semaphore, #tpu.memory_space<semaphore_mem>>)
      %dma_wait3A_111 = arith.constant 0 : i32
      %dma_wait3A_112 = tpu.memref_slice %arg8[%mul3A_22, %dma_wait3A_111] : memref<10240x16xf32, #tpu.memory_space<vmem_shared>> -> memref<640x16xf32, #tpu.memory_space<vmem_shared>>
      %dma_wait3A_113 = arith.constant 0 : i32
      %dma_wait3A_114 = tpu.memref_slice %arg8[%mul3A_22, %dma_wait3A_113] : memref<10240x16xf32, #tpu.memory_space<vmem_shared>> -> memref<640x16xf32, #tpu.memory_space<vmem_shared>>
      tpu.wait_dma2 semaphore(%run_scoped3A : memref<!tpu.dma_semaphore, #tpu.memory_space<semaphore_mem>>) src(%arg15 : memref<640x16xf32, #tpu.memory_space<vmem>>) dst(%dma_wait3A_114 : memref<640x16xf32, #tpu.memory_space<vmem_shared>>)
      tpu.yield
    }) : () -> ()
    %barrier3A = arith.constant 0 : index
    tpu.barrier barrier_id(%barrier3A)
    %scan3A_23 = arith.constant 0 : i32
    %scan3A_24 = arith.constant 4 : i32
    %scan3A_25 = arith.addi %scan3A_23, %scan3A_24 : i32
    %scan3A_26 = arith.constant 1 : i32
    scf.for %scan3A_107 = %scan3A_23 to %scan3A_25 step %scan3A_26  : i32 {
      %mul3A_108 = arith.constant 20 : i32
      %mul3A_109 = arith.muli %scan3A_107, %mul3A_108 : i32
      %add3A_110 = arith.constant 0 : i32
      %add3A_111 = arith.addi %add3A_110, %mul3A_109 : i32
      %add3A_112 = arith.constant 0 : i32
      %add3A_113 = arith.addi %add3A_111, %add3A_112 : i32
      %dma_start3A_114 = arith.constant 0 : i32
      %dma_start3A_115 = tpu.memref_slice %arg11[%add3A_113, %dma_start3A_114] : memref<80x128xi32, #tpu.memory_space<vmem>> -> memref<1x128xi32, #tpu.memory_space<vmem>>
      %dma_start3A_116 = tpu.memref_squeeze %dma_start3A_115 : memref<1x128xi32, #tpu.memory_space<vmem>> -> memref<128xi32, #tpu.memory_space<vmem>>
      %dma_start3A_117 = arith.constant 0 : i32
      %dma_start3A_118 = arith.constant 0 : i32
      %dma_start3A_119 = tpu.memref_slice %arg8[%dma_start3A_117, %dma_start3A_118] : memref<10240x16xf32, #tpu.memory_space<vmem_shared>> -> memref<10240x16xf32, #tpu.memory_space<vmem_shared>>
      tpu.enqueue_indirect_dma source(%arg14 : memref<128x16xf32, #tpu.memory_space<vmem>>) target(%dma_start3A_119 : memref<10240x16xf32, #tpu.memory_space<vmem_shared>>) offsets(%dma_start3A_116 : memref<128xi32, #tpu.memory_space<vmem>>) semaphore(%arg21 : memref<!tpu.dma_semaphore, #tpu.memory_space<semaphore_mem>>) {add = true}
      %add3A_120 = arith.constant 1 : i32
      %add3A_121 = arith.addi %add3A_111, %add3A_120 : i32
      %dma_start3A_122 = arith.constant 0 : i32
      %dma_start3A_123 = tpu.memref_slice %arg11[%add3A_121, %dma_start3A_122] : memref<80x128xi32, #tpu.memory_space<vmem>> -> memref<1x128xi32, #tpu.memory_space<vmem>>
      %dma_start3A_124 = tpu.memref_squeeze %dma_start3A_123 : memref<1x128xi32, #tpu.memory_space<vmem>> -> memref<128xi32, #tpu.memory_space<vmem>>
      %dma_start3A_125 = arith.constant 0 : i32
      %dma_start3A_126 = arith.constant 0 : i32
      %dma_start3A_127 = tpu.memref_slice %arg8[%dma_start3A_125, %dma_start3A_126] : memref<10240x16xf32, #tpu.memory_space<vmem_shared>> -> memref<10240x16xf32, #tpu.memory_space<vmem_shared>>
      tpu.enqueue_indirect_dma source(%arg14 : memref<128x16xf32, #tpu.memory_space<vmem>>) target(%dma_start3A_127 : memref<10240x16xf32, #tpu.memory_space<vmem_shared>>) offsets(%dma_start3A_124 : memref<128xi32, #tpu.memory_space<vmem>>) semaphore(%arg21 : memref<!tpu.dma_semaphore, #tpu.memory_space<semaphore_mem>>) {add = true}
      %add3A_128 = arith.constant 2 : i32
      %add3A_129 = arith.addi %add3A_111, %add3A_128 : i32
      %dma_start3A_130 = arith.constant 0 : i32
      %dma_start3A_131 = tpu.memref_slice %arg11[%add3A_129, %dma_start3A_130] : memref<80x128xi32, #tpu.memory_space<vmem>> -> memref<1x128xi32, #tpu.memory_space<vmem>>
      %dma_start3A_132 = tpu.memref_squeeze %dma_start3A_131 : memref<1x128xi32, #tpu.memory_space<vmem>> -> memref<128xi32, #tpu.memory_space<vmem>>
      %dma_start3A_133 = arith.constant 0 : i32
      %dma_start3A_134 = arith.constant 0 : i32
      %dma_start3A_135 = tpu.memref_slice %arg8[%dma_start3A_133, %dma_start3A_134] : memref<10240x16xf32, #tpu.memory_space<vmem_shared>> -> memref<10240x16xf32, #tpu.memory_space<vmem_shared>>
      tpu.enqueue_indirect_dma source(%arg14 : memref<128x16xf32, #tpu.memory_space<vmem>>) target(%dma_start3A_135 : memref<10240x16xf32, #tpu.memory_space<vmem_shared>>) offsets(%dma_start3A_132 : memref<128xi32, #tpu.memory_space<vmem>>) semaphore(%arg21 : memref<!tpu.dma_semaphore, #tpu.memory_space<semaphore_mem>>) {add = true}
      %add3A_136 = arith.constant 3 : i32
      %add3A_137 = arith.addi %add3A_111, %add3A_136 : i32
      %dma_start3A_138 = arith.constant 0 : i32
      %dma_start3A_139 = tpu.memref_slice %arg11[%add3A_137, %dma_start3A_138] : memref<80x128xi32, #tpu.memory_space<vmem>> -> memref<1x128xi32, #tpu.memory_space<vmem>>
      %dma_start3A_140 = tpu.memref_squeeze %dma_start3A_139 : memref<1x128xi32, #tpu.memory_space<vmem>> -> memref<128xi32, #tpu.memory_space<vmem>>
      %dma_start3A_141 = arith.constant 0 : i32
      %dma_start3A_142 = arith.constant 0 : i32
      %dma_start3A_143 = tpu.memref_slice %arg8[%dma_start3A_141, %dma_start3A_142] : memref<10240x16xf32, #tpu.memory_space<vmem_shared>> -> memref<10240x16xf32, #tpu.memory_space<vmem_shared>>
      tpu.enqueue_indirect_dma source(%arg14 : memref<128x16xf32, #tpu.memory_space<vmem>>) target(%dma_start3A_143 : memref<10240x16xf32, #tpu.memory_space<vmem_shared>>) offsets(%dma_start3A_140 : memref<128xi32, #tpu.memory_space<vmem>>) semaphore(%arg21 : memref<!tpu.dma_semaphore, #tpu.memory_space<semaphore_mem>>) {add = true}
      %add3A_144 = arith.constant 4 : i32
      %add3A_145 = arith.addi %add3A_111, %add3A_144 : i32
      %dma_start3A_146 = arith.constant 0 : i32
      %dma_start3A_147 = tpu.memref_slice %arg11[%add3A_145, %dma_start3A_146] : memref<80x128xi32, #tpu.memory_space<vmem>> -> memref<1x128xi32, #tpu.memory_space<vmem>>
      %dma_start3A_148 = tpu.memref_squeeze %dma_start3A_147 : memref<1x128xi32, #tpu.memory_space<vmem>> -> memref<128xi32, #tpu.memory_space<vmem>>
      %dma_start3A_149 = arith.constant 0 : i32
      %dma_start3A_150 = arith.constant 0 : i32
      %dma_start3A_151 = tpu.memref_slice %arg8[%dma_start3A_149, %dma_start3A_150] : memref<10240x16xf32, #tpu.memory_space<vmem_shared>> -> memref<10240x16xf32, #tpu.memory_space<vmem_shared>>
      tpu.enqueue_indirect_dma source(%arg14 : memref<128x16xf32, #tpu.memory_space<vmem>>) target(%dma_start3A_151 : memref<10240x16xf32, #tpu.memory_space<vmem_shared>>) offsets(%dma_start3A_148 : memref<128xi32, #tpu.memory_space<vmem>>) semaphore(%arg21 : memref<!tpu.dma_semaphore, #tpu.memory_space<semaphore_mem>>) {add = true}
      %add3A_152 = arith.constant 5 : i32
      %add3A_153 = arith.addi %add3A_111, %add3A_152 : i32
      %dma_start3A_154 = arith.constant 0 : i32
      %dma_start3A_155 = tpu.memref_slice %arg11[%add3A_153, %dma_start3A_154] : memref<80x128xi32, #tpu.memory_space<vmem>> -> memref<1x128xi32, #tpu.memory_space<vmem>>
      %dma_start3A_156 = tpu.memref_squeeze %dma_start3A_155 : memref<1x128xi32, #tpu.memory_space<vmem>> -> memref<128xi32, #tpu.memory_space<vmem>>
      %dma_start3A_157 = arith.constant 0 : i32
      %dma_start3A_158 = arith.constant 0 : i32
      %dma_start3A_159 = tpu.memref_slice %arg8[%dma_start3A_157, %dma_start3A_158] : memref<10240x16xf32, #tpu.memory_space<vmem_shared>> -> memref<10240x16xf32, #tpu.memory_space<vmem_shared>>
      tpu.enqueue_indirect_dma source(%arg14 : memref<128x16xf32, #tpu.memory_space<vmem>>) target(%dma_start3A_159 : memref<10240x16xf32, #tpu.memory_space<vmem_shared>>) offsets(%dma_start3A_156 : memref<128xi32, #tpu.memory_space<vmem>>) semaphore(%arg21 : memref<!tpu.dma_semaphore, #tpu.memory_space<semaphore_mem>>) {add = true}
      %add3A_160 = arith.constant 6 : i32
      %add3A_161 = arith.addi %add3A_111, %add3A_160 : i32
      %dma_start3A_162 = arith.constant 0 : i32
      %dma_start3A_163 = tpu.memref_slice %arg11[%add3A_161, %dma_start3A_162] : memref<80x128xi32, #tpu.memory_space<vmem>> -> memref<1x128xi32, #tpu.memory_space<vmem>>
      %dma_start3A_164 = tpu.memref_squeeze %dma_start3A_163 : memref<1x128xi32, #tpu.memory_space<vmem>> -> memref<128xi32, #tpu.memory_space<vmem>>
      %dma_start3A_165 = arith.constant 0 : i32
      %dma_start3A_166 = arith.constant 0 : i32
      %dma_start3A_167 = tpu.memref_slice %arg8[%dma_start3A_165, %dma_start3A_166] : memref<10240x16xf32, #tpu.memory_space<vmem_shared>> -> memref<10240x16xf32, #tpu.memory_space<vmem_shared>>
      tpu.enqueue_indirect_dma source(%arg14 : memref<128x16xf32, #tpu.memory_space<vmem>>) target(%dma_start3A_167 : memref<10240x16xf32, #tpu.memory_space<vmem_shared>>) offsets(%dma_start3A_164 : memref<128xi32, #tpu.memory_space<vmem>>) semaphore(%arg21 : memref<!tpu.dma_semaphore, #tpu.memory_space<semaphore_mem>>) {add = true}
      %add3A_168 = arith.constant 7 : i32
      %add3A_169 = arith.addi %add3A_111, %add3A_168 : i32
      %dma_start3A_170 = arith.constant 0 : i32
      %dma_start3A_171 = tpu.memref_slice %arg11[%add3A_169, %dma_start3A_170] : memref<80x128xi32, #tpu.memory_space<vmem>> -> memref<1x128xi32, #tpu.memory_space<vmem>>
      %dma_start3A_172 = tpu.memref_squeeze %dma_start3A_171 : memref<1x128xi32, #tpu.memory_space<vmem>> -> memref<128xi32, #tpu.memory_space<vmem>>
      %dma_start3A_173 = arith.constant 0 : i32
      %dma_start3A_174 = arith.constant 0 : i32
      %dma_start3A_175 = tpu.memref_slice %arg8[%dma_start3A_173, %dma_start3A_174] : memref<10240x16xf32, #tpu.memory_space<vmem_shared>> -> memref<10240x16xf32, #tpu.memory_space<vmem_shared>>
      tpu.enqueue_indirect_dma source(%arg14 : memref<128x16xf32, #tpu.memory_space<vmem>>) target(%dma_start3A_175 : memref<10240x16xf32, #tpu.memory_space<vmem_shared>>) offsets(%dma_start3A_172 : memref<128xi32, #tpu.memory_space<vmem>>) semaphore(%arg21 : memref<!tpu.dma_semaphore, #tpu.memory_space<semaphore_mem>>) {add = true}
      %add3A_176 = arith.constant 8 : i32
      %add3A_177 = arith.addi %add3A_111, %add3A_176 : i32
      %dma_start3A_178 = arith.constant 0 : i32
      %dma_start3A_179 = tpu.memref_slice %arg11[%add3A_177, %dma_start3A_178] : memref<80x128xi32, #tpu.memory_space<vmem>> -> memref<1x128xi32, #tpu.memory_space<vmem>>
      %dma_start3A_180 = tpu.memref_squeeze %dma_start3A_179 : memref<1x128xi32, #tpu.memory_space<vmem>> -> memref<128xi32, #tpu.memory_space<vmem>>
      %dma_start3A_181 = arith.constant 0 : i32
      %dma_start3A_182 = arith.constant 0 : i32
      %dma_start3A_183 = tpu.memref_slice %arg8[%dma_start3A_181, %dma_start3A_182] : memref<10240x16xf32, #tpu.memory_space<vmem_shared>> -> memref<10240x16xf32, #tpu.memory_space<vmem_shared>>
      tpu.enqueue_indirect_dma source(%arg14 : memref<128x16xf32, #tpu.memory_space<vmem>>) target(%dma_start3A_183 : memref<10240x16xf32, #tpu.memory_space<vmem_shared>>) offsets(%dma_start3A_180 : memref<128xi32, #tpu.memory_space<vmem>>) semaphore(%arg21 : memref<!tpu.dma_semaphore, #tpu.memory_space<semaphore_mem>>) {add = true}
      %add3A_184 = arith.constant 9 : i32
      %add3A_185 = arith.addi %add3A_111, %add3A_184 : i32
      %dma_start3A_186 = arith.constant 0 : i32
      %dma_start3A_187 = tpu.memref_slice %arg11[%add3A_185, %dma_start3A_186] : memref<80x128xi32, #tpu.memory_space<vmem>> -> memref<1x128xi32, #tpu.memory_space<vmem>>
      %dma_start3A_188 = tpu.memref_squeeze %dma_start3A_187 : memref<1x128xi32, #tpu.memory_space<vmem>> -> memref<128xi32, #tpu.memory_space<vmem>>
      %dma_start3A_189 = arith.constant 0 : i32
      %dma_start3A_190 = arith.constant 0 : i32
      %dma_start3A_191 = tpu.memref_slice %arg8[%dma_start3A_189, %dma_start3A_190] : memref<10240x16xf32, #tpu.memory_space<vmem_shared>> -> memref<10240x16xf32, #tpu.memory_space<vmem_shared>>
      tpu.enqueue_indirect_dma source(%arg14 : memref<128x16xf32, #tpu.memory_space<vmem>>) target(%dma_start3A_191 : memref<10240x16xf32, #tpu.memory_space<vmem_shared>>) offsets(%dma_start3A_188 : memref<128xi32, #tpu.memory_space<vmem>>) semaphore(%arg21 : memref<!tpu.dma_semaphore, #tpu.memory_space<semaphore_mem>>) {add = true}
      %add3A_192 = arith.constant 10 : i32
      %add3A_193 = arith.addi %add3A_111, %add3A_192 : i32
      %add3A_194 = arith.constant 0 : i32
      %add3A_195 = arith.addi %add3A_193, %add3A_194 : i32
      %dma_start3A_196 = arith.constant 0 : i32
      %dma_start3A_197 = tpu.memref_slice %arg11[%add3A_195, %dma_start3A_196] : memref<80x128xi32, #tpu.memory_space<vmem>> -> memref<1x128xi32, #tpu.memory_space<vmem>>
      %dma_start3A_198 = tpu.memref_squeeze %dma_start3A_197 : memref<1x128xi32, #tpu.memory_space<vmem>> -> memref<128xi32, #tpu.memory_space<vmem>>
      %dma_start3A_199 = arith.constant 0 : i32
      %dma_start3A_200 = arith.constant 0 : i32
      %dma_start3A_201 = tpu.memref_slice %arg8[%dma_start3A_199, %dma_start3A_200] : memref<10240x16xf32, #tpu.memory_space<vmem_shared>> -> memref<10240x16xf32, #tpu.memory_space<vmem_shared>>
      tpu.enqueue_indirect_dma source(%arg14 : memref<128x16xf32, #tpu.memory_space<vmem>>) target(%dma_start3A_201 : memref<10240x16xf32, #tpu.memory_space<vmem_shared>>) offsets(%dma_start3A_198 : memref<128xi32, #tpu.memory_space<vmem>>) semaphore(%arg22 : memref<!tpu.dma_semaphore, #tpu.memory_space<semaphore_mem>>) {add = true}
      %add3A_202 = arith.constant 10 : i32
      %add3A_203 = arith.addi %add3A_111, %add3A_202 : i32
      %add3A_204 = arith.constant 1 : i32
      %add3A_205 = arith.addi %add3A_203, %add3A_204 : i32
      %dma_start3A_206 = arith.constant 0 : i32
      %dma_start3A_207 = tpu.memref_slice %arg11[%add3A_205, %dma_start3A_206] : memref<80x128xi32, #tpu.memory_space<vmem>> -> memref<1x128xi32, #tpu.memory_space<vmem>>
      %dma_start3A_208 = tpu.memref_squeeze %dma_start3A_207 : memref<1x128xi32, #tpu.memory_space<vmem>> -> memref<128xi32, #tpu.memory_space<vmem>>
      %dma_start3A_209 = arith.constant 0 : i32
      %dma_start3A_210 = arith.constant 0 : i32
      %dma_start3A_211 = tpu.memref_slice %arg8[%dma_start3A_209, %dma_start3A_210] : memref<10240x16xf32, #tpu.memory_space<vmem_shared>> -> memref<10240x16xf32, #tpu.memory_space<vmem_shared>>
      tpu.enqueue_indirect_dma source(%arg14 : memref<128x16xf32, #tpu.memory_space<vmem>>) target(%dma_start3A_211 : memref<10240x16xf32, #tpu.memory_space<vmem_shared>>) offsets(%dma_start3A_208 : memref<128xi32, #tpu.memory_space<vmem>>) semaphore(%arg22 : memref<!tpu.dma_semaphore, #tpu.memory_space<semaphore_mem>>) {add = true}
      %add3A_212 = arith.constant 10 : i32
      %add3A_213 = arith.addi %add3A_111, %add3A_212 : i32
      %add3A_214 = arith.constant 2 : i32
      %add3A_215 = arith.addi %add3A_213, %add3A_214 : i32
      %dma_start3A_216 = arith.constant 0 : i32
      %dma_start3A_217 = tpu.memref_slice %arg11[%add3A_215, %dma_start3A_216] : memref<80x128xi32, #tpu.memory_space<vmem>> -> memref<1x128xi32, #tpu.memory_space<vmem>>
      %dma_start3A_218 = tpu.memref_squeeze %dma_start3A_217 : memref<1x128xi32, #tpu.memory_space<vmem>> -> memref<128xi32, #tpu.memory_space<vmem>>
      %dma_start3A_219 = arith.constant 0 : i32
      %dma_start3A_220 = arith.constant 0 : i32
      %dma_start3A_221 = tpu.memref_slice %arg8[%dma_start3A_219, %dma_start3A_220] : memref<10240x16xf32, #tpu.memory_space<vmem_shared>> -> memref<10240x16xf32, #tpu.memory_space<vmem_shared>>
      tpu.enqueue_indirect_dma source(%arg14 : memref<128x16xf32, #tpu.memory_space<vmem>>) target(%dma_start3A_221 : memref<10240x16xf32, #tpu.memory_space<vmem_shared>>) offsets(%dma_start3A_218 : memref<128xi32, #tpu.memory_space<vmem>>) semaphore(%arg22 : memref<!tpu.dma_semaphore, #tpu.memory_space<semaphore_mem>>) {add = true}
      %add3A_222 = arith.constant 10 : i32
      %add3A_223 = arith.addi %add3A_111, %add3A_222 : i32
      %add3A_224 = arith.constant 3 : i32
      %add3A_225 = arith.addi %add3A_223, %add3A_224 : i32
      %dma_start3A_226 = arith.constant 0 : i32
      %dma_start3A_227 = tpu.memref_slice %arg11[%add3A_225, %dma_start3A_226] : memref<80x128xi32, #tpu.memory_space<vmem>> -> memref<1x128xi32, #tpu.memory_space<vmem>>
      %dma_start3A_228 = tpu.memref_squeeze %dma_start3A_227 : memref<1x128xi32, #tpu.memory_space<vmem>> -> memref<128xi32, #tpu.memory_space<vmem>>
      %dma_start3A_229 = arith.constant 0 : i32
      %dma_start3A_230 = arith.constant 0 : i32
      %dma_start3A_231 = tpu.memref_slice %arg8[%dma_start3A_229, %dma_start3A_230] : memref<10240x16xf32, #tpu.memory_space<vmem_shared>> -> memref<10240x16xf32, #tpu.memory_space<vmem_shared>>
      tpu.enqueue_indirect_dma source(%arg14 : memref<128x16xf32, #tpu.memory_space<vmem>>) target(%dma_start3A_231 : memref<10240x16xf32, #tpu.memory_space<vmem_shared>>) offsets(%dma_start3A_228 : memref<128xi32, #tpu.memory_space<vmem>>) semaphore(%arg22 : memref<!tpu.dma_semaphore, #tpu.memory_space<semaphore_mem>>) {add = true}
      %add3A_232 = arith.constant 10 : i32
      %add3A_233 = arith.addi %add3A_111, %add3A_232 : i32
      %add3A_234 = arith.constant 4 : i32
      %add3A_235 = arith.addi %add3A_233, %add3A_234 : i32
      %dma_start3A_236 = arith.constant 0 : i32
      %dma_start3A_237 = tpu.memref_slice %arg11[%add3A_235, %dma_start3A_236] : memref<80x128xi32, #tpu.memory_space<vmem>> -> memref<1x128xi32, #tpu.memory_space<vmem>>
      %dma_start3A_238 = tpu.memref_squeeze %dma_start3A_237 : memref<1x128xi32, #tpu.memory_space<vmem>> -> memref<128xi32, #tpu.memory_space<vmem>>
      %dma_start3A_239 = arith.constant 0 : i32
      %dma_start3A_240 = arith.constant 0 : i32
      %dma_start3A_241 = tpu.memref_slice %arg8[%dma_start3A_239, %dma_start3A_240] : memref<10240x16xf32, #tpu.memory_space<vmem_shared>> -> memref<10240x16xf32, #tpu.memory_space<vmem_shared>>
      tpu.enqueue_indirect_dma source(%arg14 : memref<128x16xf32, #tpu.memory_space<vmem>>) target(%dma_start3A_241 : memref<10240x16xf32, #tpu.memory_space<vmem_shared>>) offsets(%dma_start3A_238 : memref<128xi32, #tpu.memory_space<vmem>>) semaphore(%arg22 : memref<!tpu.dma_semaphore, #tpu.memory_space<semaphore_mem>>) {add = true}
      %add3A_242 = arith.constant 10 : i32
      %add3A_243 = arith.addi %add3A_111, %add3A_242 : i32
      %add3A_244 = arith.constant 5 : i32
      %add3A_245 = arith.addi %add3A_243, %add3A_244 : i32
      %dma_start3A_246 = arith.constant 0 : i32
      %dma_start3A_247 = tpu.memref_slice %arg11[%add3A_245, %dma_start3A_246] : memref<80x128xi32, #tpu.memory_space<vmem>> -> memref<1x128xi32, #tpu.memory_space<vmem>>
      %dma_start3A_248 = tpu.memref_squeeze %dma_start3A_247 : memref<1x128xi32, #tpu.memory_space<vmem>> -> memref<128xi32, #tpu.memory_space<vmem>>
      %dma_start3A_249 = arith.constant 0 : i32
      %dma_start3A_250 = arith.constant 0 : i32
      %dma_start3A_251 = tpu.memref_slice %arg8[%dma_start3A_249, %dma_start3A_250] : memref<10240x16xf32, #tpu.memory_space<vmem_shared>> -> memref<10240x16xf32, #tpu.memory_space<vmem_shared>>
      tpu.enqueue_indirect_dma source(%arg14 : memref<128x16xf32, #tpu.memory_space<vmem>>) target(%dma_start3A_251 : memref<10240x16xf32, #tpu.memory_space<vmem_shared>>) offsets(%dma_start3A_248 : memref<128xi32, #tpu.memory_space<vmem>>) semaphore(%arg22 : memref<!tpu.dma_semaphore, #tpu.memory_space<semaphore_mem>>) {add = true}
      %add3A_252 = arith.constant 10 : i32
      %add3A_253 = arith.addi %add3A_111, %add3A_252 : i32
      %add3A_254 = arith.constant 6 : i32
      %add3A_255 = arith.addi %add3A_253, %add3A_254 : i32
      %dma_start3A_256 = arith.constant 0 : i32
      %dma_start3A_257 = tpu.memref_slice %arg11[%add3A_255, %dma_start3A_256] : memref<80x128xi32, #tpu.memory_space<vmem>> -> memref<1x128xi32, #tpu.memory_space<vmem>>
      %dma_start3A_258 = tpu.memref_squeeze %dma_start3A_257 : memref<1x128xi32, #tpu.memory_space<vmem>> -> memref<128xi32, #tpu.memory_space<vmem>>
      %dma_start3A_259 = arith.constant 0 : i32
      %dma_start3A_260 = arith.constant 0 : i32
      %dma_start3A_261 = tpu.memref_slice %arg8[%dma_start3A_259, %dma_start3A_260] : memref<10240x16xf32, #tpu.memory_space<vmem_shared>> -> memref<10240x16xf32, #tpu.memory_space<vmem_shared>>
      tpu.enqueue_indirect_dma source(%arg14 : memref<128x16xf32, #tpu.memory_space<vmem>>) target(%dma_start3A_261 : memref<10240x16xf32, #tpu.memory_space<vmem_shared>>) offsets(%dma_start3A_258 : memref<128xi32, #tpu.memory_space<vmem>>) semaphore(%arg22 : memref<!tpu.dma_semaphore, #tpu.memory_space<semaphore_mem>>) {add = true}
      %add3A_262 = arith.constant 10 : i32
      %add3A_263 = arith.addi %add3A_111, %add3A_262 : i32
      %add3A_264 = arith.constant 7 : i32
      %add3A_265 = arith.addi %add3A_263, %add3A_264 : i32
      %dma_start3A_266 = arith.constant 0 : i32
      %dma_start3A_267 = tpu.memref_slice %arg11[%add3A_265, %dma_start3A_266] : memref<80x128xi32, #tpu.memory_space<vmem>> -> memref<1x128xi32, #tpu.memory_space<vmem>>
      %dma_start3A_268 = tpu.memref_squeeze %dma_start3A_267 : memref<1x128xi32, #tpu.memory_space<vmem>> -> memref<128xi32, #tpu.memory_space<vmem>>
      %dma_start3A_269 = arith.constant 0 : i32
      %dma_start3A_270 = arith.constant 0 : i32
      %dma_start3A_271 = tpu.memref_slice %arg8[%dma_start3A_269, %dma_start3A_270] : memref<10240x16xf32, #tpu.memory_space<vmem_shared>> -> memref<10240x16xf32, #tpu.memory_space<vmem_shared>>
      tpu.enqueue_indirect_dma source(%arg14 : memref<128x16xf32, #tpu.memory_space<vmem>>) target(%dma_start3A_271 : memref<10240x16xf32, #tpu.memory_space<vmem_shared>>) offsets(%dma_start3A_268 : memref<128xi32, #tpu.memory_space<vmem>>) semaphore(%arg22 : memref<!tpu.dma_semaphore, #tpu.memory_space<semaphore_mem>>) {add = true}
      %add3A_272 = arith.constant 10 : i32
      %add3A_273 = arith.addi %add3A_111, %add3A_272 : i32
      %add3A_274 = arith.constant 8 : i32
      %add3A_275 = arith.addi %add3A_273, %add3A_274 : i32
      %dma_start3A_276 = arith.constant 0 : i32
      %dma_start3A_277 = tpu.memref_slice %arg11[%add3A_275, %dma_start3A_276] : memref<80x128xi32, #tpu.memory_space<vmem>> -> memref<1x128xi32, #tpu.memory_space<vmem>>
      %dma_start3A_278 = tpu.memref_squeeze %dma_start3A_277 : memref<1x128xi32, #tpu.memory_space<vmem>> -> memref<128xi32, #tpu.memory_space<vmem>>
      %dma_start3A_279 = arith.constant 0 : i32
      %dma_start3A_280 = arith.constant 0 : i32
      %dma_start3A_281 = tpu.memref_slice %arg8[%dma_start3A_279, %dma_start3A_280] : memref<10240x16xf32, #tpu.memory_space<vmem_shared>> -> memref<10240x16xf32, #tpu.memory_space<vmem_shared>>
      tpu.enqueue_indirect_dma source(%arg14 : memref<128x16xf32, #tpu.memory_space<vmem>>) target(%dma_start3A_281 : memref<10240x16xf32, #tpu.memory_space<vmem_shared>>) offsets(%dma_start3A_278 : memref<128xi32, #tpu.memory_space<vmem>>) semaphore(%arg22 : memref<!tpu.dma_semaphore, #tpu.memory_space<semaphore_mem>>) {add = true}
      %add3A_282 = arith.constant 10 : i32
      %add3A_283 = arith.addi %add3A_111, %add3A_282 : i32
      %add3A_284 = arith.constant 9 : i32
      %add3A_285 = arith.addi %add3A_283, %add3A_284 : i32
      %dma_start3A_286 = arith.constant 0 : i32
      %dma_start3A_287 = tpu.memref_slice %arg11[%add3A_285, %dma_start3A_286] : memref<80x128xi32, #tpu.memory_space<vmem>> -> memref<1x128xi32, #tpu.memory_space<vmem>>
      %dma_start3A_288 = tpu.memref_squeeze %dma_start3A_287 : memref<1x128xi32, #tpu.memory_space<vmem>> -> memref<128xi32, #tpu.memory_space<vmem>>
      %dma_start3A_289 = arith.constant 0 : i32
      %dma_start3A_290 = arith.constant 0 : i32
      %dma_start3A_291 = tpu.memref_slice %arg8[%dma_start3A_289, %dma_start3A_290] : memref<10240x16xf32, #tpu.memory_space<vmem_shared>> -> memref<10240x16xf32, #tpu.memory_space<vmem_shared>>
      tpu.enqueue_indirect_dma source(%arg14 : memref<128x16xf32, #tpu.memory_space<vmem>>) target(%dma_start3A_291 : memref<10240x16xf32, #tpu.memory_space<vmem_shared>>) offsets(%dma_start3A_288 : memref<128xi32, #tpu.memory_space<vmem>>) semaphore(%arg22 : memref<!tpu.dma_semaphore, #tpu.memory_space<semaphore_mem>>) {add = true}
      %add3A_292 = arith.constant 0 : i32
      %add3A_293 = arith.addi %add3A_111, %add3A_292 : i32
      %dma_wait3A_294 = arith.constant 0 : i32
      %dma_wait3A_295 = tpu.memref_slice %arg11[%add3A_293, %dma_wait3A_294] : memref<80x128xi32, #tpu.memory_space<vmem>> -> memref<1x128xi32, #tpu.memory_space<vmem>>
      %dma_wait3A_296 = tpu.memref_squeeze %dma_wait3A_295 : memref<1x128xi32, #tpu.memory_space<vmem>> -> memref<128xi32, #tpu.memory_space<vmem>>
      %dma_wait3A_297 = arith.constant 0 : i32
      %dma_wait3A_298 = arith.constant 0 : i32
      %dma_wait3A_299 = tpu.memref_slice %arg8[%dma_wait3A_297, %dma_wait3A_298] : memref<10240x16xf32, #tpu.memory_space<vmem_shared>> -> memref<10240x16xf32, #tpu.memory_space<vmem_shared>>
      tpu.wait_indirect_dma semaphore(%arg21 : memref<!tpu.dma_semaphore, #tpu.memory_space<semaphore_mem>>) src(%arg14 : memref<128x16xf32, #tpu.memory_space<vmem>>) dst(%dma_wait3A_299 : memref<10240x16xf32, #tpu.memory_space<vmem_shared>>)
      %add3A_300 = arith.constant 1 : i32
      %add3A_301 = arith.addi %add3A_111, %add3A_300 : i32
      %dma_wait3A_302 = arith.constant 0 : i32
      %dma_wait3A_303 = tpu.memref_slice %arg11[%add3A_301, %dma_wait3A_302] : memref<80x128xi32, #tpu.memory_space<vmem>> -> memref<1x128xi32, #tpu.memory_space<vmem>>
      %dma_wait3A_304 = tpu.memref_squeeze %dma_wait3A_303 : memref<1x128xi32, #tpu.memory_space<vmem>> -> memref<128xi32, #tpu.memory_space<vmem>>
      %dma_wait3A_305 = arith.constant 0 : i32
      %dma_wait3A_306 = arith.constant 0 : i32
      %dma_wait3A_307 = tpu.memref_slice %arg8[%dma_wait3A_305, %dma_wait3A_306] : memref<10240x16xf32, #tpu.memory_space<vmem_shared>> -> memref<10240x16xf32, #tpu.memory_space<vmem_shared>>
      tpu.wait_indirect_dma semaphore(%arg21 : memref<!tpu.dma_semaphore, #tpu.memory_space<semaphore_mem>>) src(%arg14 : memref<128x16xf32, #tpu.memory_space<vmem>>) dst(%dma_wait3A_307 : memref<10240x16xf32, #tpu.memory_space<vmem_shared>>)
      %add3A_308 = arith.constant 2 : i32
      %add3A_309 = arith.addi %add3A_111, %add3A_308 : i32
      %dma_wait3A_310 = arith.constant 0 : i32
      %dma_wait3A_311 = tpu.memref_slice %arg11[%add3A_309, %dma_wait3A_310] : memref<80x128xi32, #tpu.memory_space<vmem>> -> memref<1x128xi32, #tpu.memory_space<vmem>>
      %dma_wait3A_312 = tpu.memref_squeeze %dma_wait3A_311 : memref<1x128xi32, #tpu.memory_space<vmem>> -> memref<128xi32, #tpu.memory_space<vmem>>
      %dma_wait3A_313 = arith.constant 0 : i32
      %dma_wait3A_314 = arith.constant 0 : i32
      %dma_wait3A_315 = tpu.memref_slice %arg8[%dma_wait3A_313, %dma_wait3A_314] : memref<10240x16xf32, #tpu.memory_space<vmem_shared>> -> memref<10240x16xf32, #tpu.memory_space<vmem_shared>>
      tpu.wait_indirect_dma semaphore(%arg21 : memref<!tpu.dma_semaphore, #tpu.memory_space<semaphore_mem>>) src(%arg14 : memref<128x16xf32, #tpu.memory_space<vmem>>) dst(%dma_wait3A_315 : memref<10240x16xf32, #tpu.memory_space<vmem_shared>>)
      %add3A_316 = arith.constant 3 : i32
      %add3A_317 = arith.addi %add3A_111, %add3A_316 : i32
      %dma_wait3A_318 = arith.constant 0 : i32
      %dma_wait3A_319 = tpu.memref_slice %arg11[%add3A_317, %dma_wait3A_318] : memref<80x128xi32, #tpu.memory_space<vmem>> -> memref<1x128xi32, #tpu.memory_space<vmem>>
      %dma_wait3A_320 = tpu.memref_squeeze %dma_wait3A_319 : memref<1x128xi32, #tpu.memory_space<vmem>> -> memref<128xi32, #tpu.memory_space<vmem>>
      %dma_wait3A_321 = arith.constant 0 : i32
      %dma_wait3A_322 = arith.constant 0 : i32
      %dma_wait3A_323 = tpu.memref_slice %arg8[%dma_wait3A_321, %dma_wait3A_322] : memref<10240x16xf32, #tpu.memory_space<vmem_shared>> -> memref<10240x16xf32, #tpu.memory_space<vmem_shared>>
      tpu.wait_indirect_dma semaphore(%arg21 : memref<!tpu.dma_semaphore, #tpu.memory_space<semaphore_mem>>) src(%arg14 : memref<128x16xf32, #tpu.memory_space<vmem>>) dst(%dma_wait3A_323 : memref<10240x16xf32, #tpu.memory_space<vmem_shared>>)
      %add3A_324 = arith.constant 4 : i32
      %add3A_325 = arith.addi %add3A_111, %add3A_324 : i32
      %dma_wait3A_326 = arith.constant 0 : i32
      %dma_wait3A_327 = tpu.memref_slice %arg11[%add3A_325, %dma_wait3A_326] : memref<80x128xi32, #tpu.memory_space<vmem>> -> memref<1x128xi32, #tpu.memory_space<vmem>>
      %dma_wait3A_328 = tpu.memref_squeeze %dma_wait3A_327 : memref<1x128xi32, #tpu.memory_space<vmem>> -> memref<128xi32, #tpu.memory_space<vmem>>
      %dma_wait3A_329 = arith.constant 0 : i32
      %dma_wait3A_330 = arith.constant 0 : i32
      %dma_wait3A_331 = tpu.memref_slice %arg8[%dma_wait3A_329, %dma_wait3A_330] : memref<10240x16xf32, #tpu.memory_space<vmem_shared>> -> memref<10240x16xf32, #tpu.memory_space<vmem_shared>>
      tpu.wait_indirect_dma semaphore(%arg21 : memref<!tpu.dma_semaphore, #tpu.memory_space<semaphore_mem>>) src(%arg14 : memref<128x16xf32, #tpu.memory_space<vmem>>) dst(%dma_wait3A_331 : memref<10240x16xf32, #tpu.memory_space<vmem_shared>>)
      %add3A_332 = arith.constant 5 : i32
      %add3A_333 = arith.addi %add3A_111, %add3A_332 : i32
      %dma_wait3A_334 = arith.constant 0 : i32
      %dma_wait3A_335 = tpu.memref_slice %arg11[%add3A_333, %dma_wait3A_334] : memref<80x128xi32, #tpu.memory_space<vmem>> -> memref<1x128xi32, #tpu.memory_space<vmem>>
      %dma_wait3A_336 = tpu.memref_squeeze %dma_wait3A_335 : memref<1x128xi32, #tpu.memory_space<vmem>> -> memref<128xi32, #tpu.memory_space<vmem>>
      %dma_wait3A_337 = arith.constant 0 : i32
      %dma_wait3A_338 = arith.constant 0 : i32
      %dma_wait3A_339 = tpu.memref_slice %arg8[%dma_wait3A_337, %dma_wait3A_338] : memref<10240x16xf32, #tpu.memory_space<vmem_shared>> -> memref<10240x16xf32, #tpu.memory_space<vmem_shared>>
      tpu.wait_indirect_dma semaphore(%arg21 : memref<!tpu.dma_semaphore, #tpu.memory_space<semaphore_mem>>) src(%arg14 : memref<128x16xf32, #tpu.memory_space<vmem>>) dst(%dma_wait3A_339 : memref<10240x16xf32, #tpu.memory_space<vmem_shared>>)
      %add3A_340 = arith.constant 6 : i32
      %add3A_341 = arith.addi %add3A_111, %add3A_340 : i32
      %dma_wait3A_342 = arith.constant 0 : i32
      %dma_wait3A_343 = tpu.memref_slice %arg11[%add3A_341, %dma_wait3A_342] : memref<80x128xi32, #tpu.memory_space<vmem>> -> memref<1x128xi32, #tpu.memory_space<vmem>>
      %dma_wait3A_344 = tpu.memref_squeeze %dma_wait3A_343 : memref<1x128xi32, #tpu.memory_space<vmem>> -> memref<128xi32, #tpu.memory_space<vmem>>
      %dma_wait3A_345 = arith.constant 0 : i32
      %dma_wait3A_346 = arith.constant 0 : i32
      %dma_wait3A_347 = tpu.memref_slice %arg8[%dma_wait3A_345, %dma_wait3A_346] : memref<10240x16xf32, #tpu.memory_space<vmem_shared>> -> memref<10240x16xf32, #tpu.memory_space<vmem_shared>>
      tpu.wait_indirect_dma semaphore(%arg21 : memref<!tpu.dma_semaphore, #tpu.memory_space<semaphore_mem>>) src(%arg14 : memref<128x16xf32, #tpu.memory_space<vmem>>) dst(%dma_wait3A_347 : memref<10240x16xf32, #tpu.memory_space<vmem_shared>>)
      %add3A_348 = arith.constant 7 : i32
      %add3A_349 = arith.addi %add3A_111, %add3A_348 : i32
      %dma_wait3A_350 = arith.constant 0 : i32
      %dma_wait3A_351 = tpu.memref_slice %arg11[%add3A_349, %dma_wait3A_350] : memref<80x128xi32, #tpu.memory_space<vmem>> -> memref<1x128xi32, #tpu.memory_space<vmem>>
      %dma_wait3A_352 = tpu.memref_squeeze %dma_wait3A_351 : memref<1x128xi32, #tpu.memory_space<vmem>> -> memref<128xi32, #tpu.memory_space<vmem>>
      %dma_wait3A_353 = arith.constant 0 : i32
      %dma_wait3A_354 = arith.constant 0 : i32
      %dma_wait3A_355 = tpu.memref_slice %arg8[%dma_wait3A_353, %dma_wait3A_354] : memref<10240x16xf32, #tpu.memory_space<vmem_shared>> -> memref<10240x16xf32, #tpu.memory_space<vmem_shared>>
      tpu.wait_indirect_dma semaphore(%arg21 : memref<!tpu.dma_semaphore, #tpu.memory_space<semaphore_mem>>) src(%arg14 : memref<128x16xf32, #tpu.memory_space<vmem>>) dst(%dma_wait3A_355 : memref<10240x16xf32, #tpu.memory_space<vmem_shared>>)
      %add3A_356 = arith.constant 8 : i32
      %add3A_357 = arith.addi %add3A_111, %add3A_356 : i32
      %dma_wait3A_358 = arith.constant 0 : i32
      %dma_wait3A_359 = tpu.memref_slice %arg11[%add3A_357, %dma_wait3A_358] : memref<80x128xi32, #tpu.memory_space<vmem>> -> memref<1x128xi32, #tpu.memory_space<vmem>>
      %dma_wait3A_360 = tpu.memref_squeeze %dma_wait3A_359 : memref<1x128xi32, #tpu.memory_space<vmem>> -> memref<128xi32, #tpu.memory_space<vmem>>
      %dma_wait3A_361 = arith.constant 0 : i32
      %dma_wait3A_362 = arith.constant 0 : i32
      %dma_wait3A_363 = tpu.memref_slice %arg8[%dma_wait3A_361, %dma_wait3A_362] : memref<10240x16xf32, #tpu.memory_space<vmem_shared>> -> memref<10240x16xf32, #tpu.memory_space<vmem_shared>>
      tpu.wait_indirect_dma semaphore(%arg21 : memref<!tpu.dma_semaphore, #tpu.memory_space<semaphore_mem>>) src(%arg14 : memref<128x16xf32, #tpu.memory_space<vmem>>) dst(%dma_wait3A_363 : memref<10240x16xf32, #tpu.memory_space<vmem_shared>>)
      %add3A_364 = arith.constant 9 : i32
      %add3A_365 = arith.addi %add3A_111, %add3A_364 : i32
      %dma_wait3A_366 = arith.constant 0 : i32
      %dma_wait3A_367 = tpu.memref_slice %arg11[%add3A_365, %dma_wait3A_366] : memref<80x128xi32, #tpu.memory_space<vmem>> -> memref<1x128xi32, #tpu.memory_space<vmem>>
      %dma_wait3A_368 = tpu.memref_squeeze %dma_wait3A_367 : memref<1x128xi32, #tpu.memory_space<vmem>> -> memref<128xi32, #tpu.memory_space<vmem>>
      %dma_wait3A_369 = arith.constant 0 : i32
      %dma_wait3A_370 = arith.constant 0 : i32
      %dma_wait3A_371 = tpu.memref_slice %arg8[%dma_wait3A_369, %dma_wait3A_370] : memref<10240x16xf32, #tpu.memory_space<vmem_shared>> -> memref<10240x16xf32, #tpu.memory_space<vmem_shared>>
      tpu.wait_indirect_dma semaphore(%arg21 : memref<!tpu.dma_semaphore, #tpu.memory_space<semaphore_mem>>) src(%arg14 : memref<128x16xf32, #tpu.memory_space<vmem>>) dst(%dma_wait3A_371 : memref<10240x16xf32, #tpu.memory_space<vmem_shared>>)
      %add3A_372 = arith.constant 10 : i32
      %add3A_373 = arith.addi %add3A_111, %add3A_372 : i32
      %add3A_374 = arith.constant 0 : i32
      %add3A_375 = arith.addi %add3A_373, %add3A_374 : i32
      %dma_wait3A_376 = arith.constant 0 : i32
      %dma_wait3A_377 = tpu.memref_slice %arg11[%add3A_375, %dma_wait3A_376] : memref<80x128xi32, #tpu.memory_space<vmem>> -> memref<1x128xi32, #tpu.memory_space<vmem>>
      %dma_wait3A_378 = tpu.memref_squeeze %dma_wait3A_377 : memref<1x128xi32, #tpu.memory_space<vmem>> -> memref<128xi32, #tpu.memory_space<vmem>>
      %dma_wait3A_379 = arith.constant 0 : i32
      %dma_wait3A_380 = arith.constant 0 : i32
      %dma_wait3A_381 = tpu.memref_slice %arg8[%dma_wait3A_379, %dma_wait3A_380] : memref<10240x16xf32, #tpu.memory_space<vmem_shared>> -> memref<10240x16xf32, #tpu.memory_space<vmem_shared>>
      tpu.wait_indirect_dma semaphore(%arg22 : memref<!tpu.dma_semaphore, #tpu.memory_space<semaphore_mem>>) src(%arg14 : memref<128x16xf32, #tpu.memory_space<vmem>>) dst(%dma_wait3A_381 : memref<10240x16xf32, #tpu.memory_space<vmem_shared>>)
      %add3A_382 = arith.constant 10 : i32
      %add3A_383 = arith.addi %add3A_111, %add3A_382 : i32
      %add3A_384 = arith.constant 1 : i32
      %add3A_385 = arith.addi %add3A_383, %add3A_384 : i32
      %dma_wait3A_386 = arith.constant 0 : i32
      %dma_wait3A_387 = tpu.memref_slice %arg11[%add3A_385, %dma_wait3A_386] : memref<80x128xi32, #tpu.memory_space<vmem>> -> memref<1x128xi32, #tpu.memory_space<vmem>>
      %dma_wait3A_388 = tpu.memref_squeeze %dma_wait3A_387 : memref<1x128xi32, #tpu.memory_space<vmem>> -> memref<128xi32, #tpu.memory_space<vmem>>
      %dma_wait3A_389 = arith.constant 0 : i32
      %dma_wait3A_390 = arith.constant 0 : i32
      %dma_wait3A_391 = tpu.memref_slice %arg8[%dma_wait3A_389, %dma_wait3A_390] : memref<10240x16xf32, #tpu.memory_space<vmem_shared>> -> memref<10240x16xf32, #tpu.memory_space<vmem_shared>>
      tpu.wait_indirect_dma semaphore(%arg22 : memref<!tpu.dma_semaphore, #tpu.memory_space<semaphore_mem>>) src(%arg14 : memref<128x16xf32, #tpu.memory_space<vmem>>) dst(%dma_wait3A_391 : memref<10240x16xf32, #tpu.memory_space<vmem_shared>>)
      %add3A_392 = arith.constant 10 : i32
      %add3A_393 = arith.addi %add3A_111, %add3A_392 : i32
      %add3A_394 = arith.constant 2 : i32
      %add3A_395 = arith.addi %add3A_393, %add3A_394 : i32
      %dma_wait3A_396 = arith.constant 0 : i32
      %dma_wait3A_397 = tpu.memref_slice %arg11[%add3A_395, %dma_wait3A_396] : memref<80x128xi32, #tpu.memory_space<vmem>> -> memref<1x128xi32, #tpu.memory_space<vmem>>
      %dma_wait3A_398 = tpu.memref_squeeze %dma_wait3A_397 : memref<1x128xi32, #tpu.memory_space<vmem>> -> memref<128xi32, #tpu.memory_space<vmem>>
      %dma_wait3A_399 = arith.constant 0 : i32
      %dma_wait3A_400 = arith.constant 0 : i32
      %dma_wait3A_401 = tpu.memref_slice %arg8[%dma_wait3A_399, %dma_wait3A_400] : memref<10240x16xf32, #tpu.memory_space<vmem_shared>> -> memref<10240x16xf32, #tpu.memory_space<vmem_shared>>
      tpu.wait_indirect_dma semaphore(%arg22 : memref<!tpu.dma_semaphore, #tpu.memory_space<semaphore_mem>>) src(%arg14 : memref<128x16xf32, #tpu.memory_space<vmem>>) dst(%dma_wait3A_401 : memref<10240x16xf32, #tpu.memory_space<vmem_shared>>)
      %add3A_402 = arith.constant 10 : i32
      %add3A_403 = arith.addi %add3A_111, %add3A_402 : i32
      %add3A_404 = arith.constant 3 : i32
      %add3A_405 = arith.addi %add3A_403, %add3A_404 : i32
      %dma_wait3A_406 = arith.constant 0 : i32
      %dma_wait3A_407 = tpu.memref_slice %arg11[%add3A_405, %dma_wait3A_406] : memref<80x128xi32, #tpu.memory_space<vmem>> -> memref<1x128xi32, #tpu.memory_space<vmem>>
      %dma_wait3A_408 = tpu.memref_squeeze %dma_wait3A_407 : memref<1x128xi32, #tpu.memory_space<vmem>> -> memref<128xi32, #tpu.memory_space<vmem>>
      %dma_wait3A_409 = arith.constant 0 : i32
      %dma_wait3A_410 = arith.constant 0 : i32
      %dma_wait3A_411 = tpu.memref_slice %arg8[%dma_wait3A_409, %dma_wait3A_410] : memref<10240x16xf32, #tpu.memory_space<vmem_shared>> -> memref<10240x16xf32, #tpu.memory_space<vmem_shared>>
      tpu.wait_indirect_dma semaphore(%arg22 : memref<!tpu.dma_semaphore, #tpu.memory_space<semaphore_mem>>) src(%arg14 : memref<128x16xf32, #tpu.memory_space<vmem>>) dst(%dma_wait3A_411 : memref<10240x16xf32, #tpu.memory_space<vmem_shared>>)
      %add3A_412 = arith.constant 10 : i32
      %add3A_413 = arith.addi %add3A_111, %add3A_412 : i32
      %add3A_414 = arith.constant 4 : i32
      %add3A_415 = arith.addi %add3A_413, %add3A_414 : i32
      %dma_wait3A_416 = arith.constant 0 : i32
      %dma_wait3A_417 = tpu.memref_slice %arg11[%add3A_415, %dma_wait3A_416] : memref<80x128xi32, #tpu.memory_space<vmem>> -> memref<1x128xi32, #tpu.memory_space<vmem>>
      %dma_wait3A_418 = tpu.memref_squeeze %dma_wait3A_417 : memref<1x128xi32, #tpu.memory_space<vmem>> -> memref<128xi32, #tpu.memory_space<vmem>>
      %dma_wait3A_419 = arith.constant 0 : i32
      %dma_wait3A_420 = arith.constant 0 : i32
      %dma_wait3A_421 = tpu.memref_slice %arg8[%dma_wait3A_419, %dma_wait3A_420] : memref<10240x16xf32, #tpu.memory_space<vmem_shared>> -> memref<10240x16xf32, #tpu.memory_space<vmem_shared>>
      tpu.wait_indirect_dma semaphore(%arg22 : memref<!tpu.dma_semaphore, #tpu.memory_space<semaphore_mem>>) src(%arg14 : memref<128x16xf32, #tpu.memory_space<vmem>>) dst(%dma_wait3A_421 : memref<10240x16xf32, #tpu.memory_space<vmem_shared>>)
      %add3A_422 = arith.constant 10 : i32
      %add3A_423 = arith.addi %add3A_111, %add3A_422 : i32
      %add3A_424 = arith.constant 5 : i32
      %add3A_425 = arith.addi %add3A_423, %add3A_424 : i32
      %dma_wait3A_426 = arith.constant 0 : i32
      %dma_wait3A_427 = tpu.memref_slice %arg11[%add3A_425, %dma_wait3A_426] : memref<80x128xi32, #tpu.memory_space<vmem>> -> memref<1x128xi32, #tpu.memory_space<vmem>>
      %dma_wait3A_428 = tpu.memref_squeeze %dma_wait3A_427 : memref<1x128xi32, #tpu.memory_space<vmem>> -> memref<128xi32, #tpu.memory_space<vmem>>
      %dma_wait3A_429 = arith.constant 0 : i32
      %dma_wait3A_430 = arith.constant 0 : i32
      %dma_wait3A_431 = tpu.memref_slice %arg8[%dma_wait3A_429, %dma_wait3A_430] : memref<10240x16xf32, #tpu.memory_space<vmem_shared>> -> memref<10240x16xf32, #tpu.memory_space<vmem_shared>>
      tpu.wait_indirect_dma semaphore(%arg22 : memref<!tpu.dma_semaphore, #tpu.memory_space<semaphore_mem>>) src(%arg14 : memref<128x16xf32, #tpu.memory_space<vmem>>) dst(%dma_wait3A_431 : memref<10240x16xf32, #tpu.memory_space<vmem_shared>>)
      %add3A_432 = arith.constant 10 : i32
      %add3A_433 = arith.addi %add3A_111, %add3A_432 : i32
      %add3A_434 = arith.constant 6 : i32
      %add3A_435 = arith.addi %add3A_433, %add3A_434 : i32
      %dma_wait3A_436 = arith.constant 0 : i32
      %dma_wait3A_437 = tpu.memref_slice %arg11[%add3A_435, %dma_wait3A_436] : memref<80x128xi32, #tpu.memory_space<vmem>> -> memref<1x128xi32, #tpu.memory_space<vmem>>
      %dma_wait3A_438 = tpu.memref_squeeze %dma_wait3A_437 : memref<1x128xi32, #tpu.memory_space<vmem>> -> memref<128xi32, #tpu.memory_space<vmem>>
      %dma_wait3A_439 = arith.constant 0 : i32
      %dma_wait3A_440 = arith.constant 0 : i32
      %dma_wait3A_441 = tpu.memref_slice %arg8[%dma_wait3A_439, %dma_wait3A_440] : memref<10240x16xf32, #tpu.memory_space<vmem_shared>> -> memref<10240x16xf32, #tpu.memory_space<vmem_shared>>
      tpu.wait_indirect_dma semaphore(%arg22 : memref<!tpu.dma_semaphore, #tpu.memory_space<semaphore_mem>>) src(%arg14 : memref<128x16xf32, #tpu.memory_space<vmem>>) dst(%dma_wait3A_441 : memref<10240x16xf32, #tpu.memory_space<vmem_shared>>)
      %add3A_442 = arith.constant 10 : i32
      %add3A_443 = arith.addi %add3A_111, %add3A_442 : i32
      %add3A_444 = arith.constant 7 : i32
      %add3A_445 = arith.addi %add3A_443, %add3A_444 : i32
      %dma_wait3A_446 = arith.constant 0 : i32
      %dma_wait3A_447 = tpu.memref_slice %arg11[%add3A_445, %dma_wait3A_446] : memref<80x128xi32, #tpu.memory_space<vmem>> -> memref<1x128xi32, #tpu.memory_space<vmem>>
      %dma_wait3A_448 = tpu.memref_squeeze %dma_wait3A_447 : memref<1x128xi32, #tpu.memory_space<vmem>> -> memref<128xi32, #tpu.memory_space<vmem>>
      %dma_wait3A_449 = arith.constant 0 : i32
      %dma_wait3A_450 = arith.constant 0 : i32
      %dma_wait3A_451 = tpu.memref_slice %arg8[%dma_wait3A_449, %dma_wait3A_450] : memref<10240x16xf32, #tpu.memory_space<vmem_shared>> -> memref<10240x16xf32, #tpu.memory_space<vmem_shared>>
      tpu.wait_indirect_dma semaphore(%arg22 : memref<!tpu.dma_semaphore, #tpu.memory_space<semaphore_mem>>) src(%arg14 : memref<128x16xf32, #tpu.memory_space<vmem>>) dst(%dma_wait3A_451 : memref<10240x16xf32, #tpu.memory_space<vmem_shared>>)
      %add3A_452 = arith.constant 10 : i32
      %add3A_453 = arith.addi %add3A_111, %add3A_452 : i32
      %add3A_454 = arith.constant 8 : i32
      %add3A_455 = arith.addi %add3A_453, %add3A_454 : i32
      %dma_wait3A_456 = arith.constant 0 : i32
      %dma_wait3A_457 = tpu.memref_slice %arg11[%add3A_455, %dma_wait3A_456] : memref<80x128xi32, #tpu.memory_space<vmem>> -> memref<1x128xi32, #tpu.memory_space<vmem>>
      %dma_wait3A_458 = tpu.memref_squeeze %dma_wait3A_457 : memref<1x128xi32, #tpu.memory_space<vmem>> -> memref<128xi32, #tpu.memory_space<vmem>>
      %dma_wait3A_459 = arith.constant 0 : i32
      %dma_wait3A_460 = arith.constant 0 : i32
      %dma_wait3A_461 = tpu.memref_slice %arg8[%dma_wait3A_459, %dma_wait3A_460] : memref<10240x16xf32, #tpu.memory_space<vmem_shared>> -> memref<10240x16xf32, #tpu.memory_space<vmem_shared>>
      tpu.wait_indirect_dma semaphore(%arg22 : memref<!tpu.dma_semaphore, #tpu.memory_space<semaphore_mem>>) src(%arg14 : memref<128x16xf32, #tpu.memory_space<vmem>>) dst(%dma_wait3A_461 : memref<10240x16xf32, #tpu.memory_space<vmem_shared>>)
      %add3A_462 = arith.constant 10 : i32
      %add3A_463 = arith.addi %add3A_111, %add3A_462 : i32
      %add3A_464 = arith.constant 9 : i32
      %add3A_465 = arith.addi %add3A_463, %add3A_464 : i32
      %dma_wait3A_466 = arith.constant 0 : i32
      %dma_wait3A_467 = tpu.memref_slice %arg11[%add3A_465, %dma_wait3A_466] : memref<80x128xi32, #tpu.memory_space<vmem>> -> memref<1x128xi32, #tpu.memory_space<vmem>>
      %dma_wait3A_468 = tpu.memref_squeeze %dma_wait3A_467 : memref<1x128xi32, #tpu.memory_space<vmem>> -> memref<128xi32, #tpu.memory_space<vmem>>
      %dma_wait3A_469 = arith.constant 0 : i32
      %dma_wait3A_470 = arith.constant 0 : i32
      %dma_wait3A_471 = tpu.memref_slice %arg8[%dma_wait3A_469, %dma_wait3A_470] : memref<10240x16xf32, #tpu.memory_space<vmem_shared>> -> memref<10240x16xf32, #tpu.memory_space<vmem_shared>>
      tpu.wait_indirect_dma semaphore(%arg22 : memref<!tpu.dma_semaphore, #tpu.memory_space<semaphore_mem>>) src(%arg14 : memref<128x16xf32, #tpu.memory_space<vmem>>) dst(%dma_wait3A_471 : memref<10240x16xf32, #tpu.memory_space<vmem_shared>>)
    }
    %scan3A_27 = arith.constant 4 : i32
    %barrier3A_28 = arith.constant 0 : index
    tpu.barrier barrier_id(%barrier3A_28)
    %dma_start3A = arith.constant 320 : i32
    %dma_start3A_29 = arith.constant 0 : i32
    %dma_start3A_30 = tpu.memref_slice %arg13[%dma_start3A, %dma_start3A_29] : memref<1280x16xf32, #tpu.memory_space<vmem>> -> memref<320x16xf32, #tpu.memory_space<vmem>>
    %dma_start3A_31 = arith.constant 0 : i32
    %dma_start3A_32 = tpu.memref_slice %arg8[%add3A_11, %dma_start3A_31] : memref<10240x16xf32, #tpu.memory_space<vmem_shared>> -> memref<320x16xf32, #tpu.memory_space<vmem_shared>>
    %dma_start3A_33 = arith.constant 320 : i32
    %dma_start3A_34 = arith.constant 0 : i32
    %dma_start3A_35 = tpu.memref_slice %arg13[%dma_start3A_33, %dma_start3A_34] : memref<1280x16xf32, #tpu.memory_space<vmem>> -> memref<320x16xf32, #tpu.memory_space<vmem>>
    %dma_start3A_36 = arith.constant 0 : i32
    %dma_start3A_37 = tpu.memref_slice %arg8[%add3A_11, %dma_start3A_36] : memref<10240x16xf32, #tpu.memory_space<vmem_shared>> -> memref<320x16xf32, #tpu.memory_space<vmem_shared>>
    tpu.enqueue_dma source(%dma_start3A_37 : memref<320x16xf32, #tpu.memory_space<vmem_shared>>) target(%dma_start3A_35 : memref<320x16xf32, #tpu.memory_space<vmem>>) target_semaphore(%arg19 : memref<!tpu.dma_semaphore, #tpu.memory_space<semaphore_mem>>)
    %dma_start3A_38 = arith.constant 0 : i32
    %dma_start3A_39 = arith.constant 0 : i32
    %dma_start3A_40 = tpu.memref_slice %arg12[%dma_start3A_38, %dma_start3A_39] : memref<1280x16xf32, #tpu.memory_space<vmem>> -> memref<320x16xf32, #tpu.memory_space<vmem>>
    %dma_start3A_41 = arith.constant 0 : i32
    %dma_start3A_42 = tpu.memref_slice %arg8[%add3A_5, %dma_start3A_41] : memref<10240x16xf32, #tpu.memory_space<vmem_shared>> -> memref<320x16xf32, #tpu.memory_space<vmem_shared>>
    %dma_start3A_43 = arith.constant 0 : i32
    %dma_start3A_44 = arith.constant 0 : i32
    %dma_start3A_45 = tpu.memref_slice %arg12[%dma_start3A_43, %dma_start3A_44] : memref<1280x16xf32, #tpu.memory_space<vmem>> -> memref<320x16xf32, #tpu.memory_space<vmem>>
    %dma_start3A_46 = arith.constant 0 : i32
    %dma_start3A_47 = tpu.memref_slice %arg8[%add3A_5, %dma_start3A_46] : memref<10240x16xf32, #tpu.memory_space<vmem_shared>> -> memref<320x16xf32, #tpu.memory_space<vmem_shared>>
    tpu.enqueue_dma source(%dma_start3A_47 : memref<320x16xf32, #tpu.memory_space<vmem_shared>>) target(%dma_start3A_45 : memref<320x16xf32, #tpu.memory_space<vmem>>) target_semaphore(%arg20 : memref<!tpu.dma_semaphore, #tpu.memory_space<semaphore_mem>>)
    %dma_wait3A = arith.constant 320 : i32
    %dma_wait3A_48 = arith.constant 0 : i32
    %dma_wait3A_49 = tpu.memref_slice %arg13[%dma_wait3A, %dma_wait3A_48] : memref<1280x16xf32, #tpu.memory_space<vmem>> -> memref<320x16xf32, #tpu.memory_space<vmem>>
    %dma_wait3A_50 = arith.constant 0 : i32
    %dma_wait3A_51 = tpu.memref_slice %arg8[%add3A_11, %dma_wait3A_50] : memref<10240x16xf32, #tpu.memory_space<vmem_shared>> -> memref<320x16xf32, #tpu.memory_space<vmem_shared>>
    %dma_wait3A_52 = arith.constant 320 : i32
    %dma_wait3A_53 = arith.constant 0 : i32
    %dma_wait3A_54 = tpu.memref_slice %arg13[%dma_wait3A_52, %dma_wait3A_53] : memref<1280x16xf32, #tpu.memory_space<vmem>> -> memref<320x16xf32, #tpu.memory_space<vmem>>
    %dma_wait3A_55 = arith.constant 0 : i32
    %dma_wait3A_56 = tpu.memref_slice %arg8[%add3A_11, %dma_wait3A_55] : memref<10240x16xf32, #tpu.memory_space<vmem_shared>> -> memref<320x16xf32, #tpu.memory_space<vmem_shared>>
    tpu.wait_dma2 semaphore(%arg19 : memref<!tpu.dma_semaphore, #tpu.memory_space<semaphore_mem>>) src(%dma_wait3A_56 : memref<320x16xf32, #tpu.memory_space<vmem_shared>>) dst(%dma_wait3A_54 : memref<320x16xf32, #tpu.memory_space<vmem>>)
    %dma_start3A_57 = arith.constant 320 : i32
    %dma_start3A_58 = arith.constant 0 : i32
    %dma_start3A_59 = tpu.memref_slice %arg13[%dma_start3A_57, %dma_start3A_58] : memref<1280x16xf32, #tpu.memory_space<vmem>> -> memref<320x16xf32, #tpu.memory_space<vmem>>
    %dma_start3A_60 = arith.constant 0 : i32
    %dma_start3A_61 = tpu.memref_slice %arg7[%add3A_11, %dma_start3A_60] : memref<10240x16xf32, #tpu.memory_space<hbm>> -> memref<320x16xf32, #tpu.memory_space<hbm>>
    %dma_start3A_62 = arith.constant 0 : i32
    %dma_start3A_63 = tpu.memref_slice %arg7[%add3A_11, %dma_start3A_62] : memref<10240x16xf32, #tpu.memory_space<hbm>> -> memref<320x16xf32, #tpu.memory_space<hbm>>
    %dma_start3A_64 = arith.constant 320 : i32
    %dma_start3A_65 = arith.constant 0 : i32
    %dma_start3A_66 = tpu.memref_slice %arg13[%dma_start3A_64, %dma_start3A_65] : memref<1280x16xf32, #tpu.memory_space<vmem>> -> memref<320x16xf32, #tpu.memory_space<vmem>>
    tpu.enqueue_dma source(%dma_start3A_66 : memref<320x16xf32, #tpu.memory_space<vmem>>) target(%dma_start3A_63 : memref<320x16xf32, #tpu.memory_space<hbm>>) target_semaphore(%arg19 : memref<!tpu.dma_semaphore, #tpu.memory_space<semaphore_mem>>)
    "tpu.region"() ({
      %run_scoped3A = tpu.sem_alloc : memref<!tpu.dma_semaphore, #tpu.memory_space<semaphore_mem>>
      %dma_start3A_107 = arith.constant 0 : i32
      %dma_start3A_108 = arith.constant 0 : i32
      %dma_start3A_109 = tpu.memref_slice %arg15[%dma_start3A_107, %dma_start3A_108] : memref<640x16xf32, #tpu.memory_space<vmem>> -> memref<320x16xf32, #tpu.memory_space<vmem>>
      %dma_start3A_110 = arith.constant 0 : i32
      %dma_start3A_111 = tpu.memref_slice %arg8[%add3A_11, %dma_start3A_110] : memref<10240x16xf32, #tpu.memory_space<vmem_shared>> -> memref<320x16xf32, #tpu.memory_space<vmem_shared>>
      %dma_start3A_112 = arith.constant 0 : i32
      %dma_start3A_113 = tpu.memref_slice %arg8[%add3A_11, %dma_start3A_112] : memref<10240x16xf32, #tpu.memory_space<vmem_shared>> -> memref<320x16xf32, #tpu.memory_space<vmem_shared>>
      %dma_start3A_114 = arith.constant 0 : i32
      %dma_start3A_115 = arith.constant 0 : i32
      %dma_start3A_116 = tpu.memref_slice %arg15[%dma_start3A_114, %dma_start3A_115] : memref<640x16xf32, #tpu.memory_space<vmem>> -> memref<320x16xf32, #tpu.memory_space<vmem>>
      tpu.enqueue_dma source(%dma_start3A_116 : memref<320x16xf32, #tpu.memory_space<vmem>>) target(%dma_start3A_113 : memref<320x16xf32, #tpu.memory_space<vmem_shared>>) target_semaphore(%run_scoped3A : memref<!tpu.dma_semaphore, #tpu.memory_space<semaphore_mem>>)
      %dma_wait3A_117 = arith.constant 0 : i32
      %dma_wait3A_118 = arith.constant 0 : i32
      %dma_wait3A_119 = tpu.memref_slice %arg15[%dma_wait3A_117, %dma_wait3A_118] : memref<640x16xf32, #tpu.memory_space<vmem>> -> memref<320x16xf32, #tpu.memory_space<vmem>>
      %dma_wait3A_120 = arith.constant 0 : i32
      %dma_wait3A_121 = tpu.memref_slice %arg8[%add3A_11, %dma_wait3A_120] : memref<10240x16xf32, #tpu.memory_space<vmem_shared>> -> memref<320x16xf32, #tpu.memory_space<vmem_shared>>
      %dma_wait3A_122 = arith.constant 0 : i32
      %dma_wait3A_123 = tpu.memref_slice %arg8[%add3A_11, %dma_wait3A_122] : memref<10240x16xf32, #tpu.memory_space<vmem_shared>> -> memref<320x16xf32, #tpu.memory_space<vmem_shared>>
      %dma_wait3A_124 = arith.constant 0 : i32
      %dma_wait3A_125 = arith.constant 0 : i32
      %dma_wait3A_126 = tpu.memref_slice %arg15[%dma_wait3A_124, %dma_wait3A_125] : memref<640x16xf32, #tpu.memory_space<vmem>> -> memref<320x16xf32, #tpu.memory_space<vmem>>
      tpu.wait_dma2 semaphore(%run_scoped3A : memref<!tpu.dma_semaphore, #tpu.memory_space<semaphore_mem>>) src(%dma_wait3A_126 : memref<320x16xf32, #tpu.memory_space<vmem>>) dst(%dma_wait3A_123 : memref<320x16xf32, #tpu.memory_space<vmem_shared>>)
      tpu.yield
    }) : () -> ()
    %dma_wait3A_67 = arith.constant 320 : i32
    %dma_wait3A_68 = arith.constant 0 : i32
    %dma_wait3A_69 = tpu.memref_slice %arg13[%dma_wait3A_67, %dma_wait3A_68] : memref<1280x16xf32, #tpu.memory_space<vmem>> -> memref<320x16xf32, #tpu.memory_space<vmem>>
    %dma_wait3A_70 = arith.constant 0 : i32
    %dma_wait3A_71 = tpu.memref_slice %arg7[%add3A_11, %dma_wait3A_70] : memref<10240x16xf32, #tpu.memory_space<hbm>> -> memref<320x16xf32, #tpu.memory_space<hbm>>
    %dma_wait3A_72 = arith.constant 0 : i32
    %dma_wait3A_73 = tpu.memref_slice %arg7[%add3A_11, %dma_wait3A_72] : memref<10240x16xf32, #tpu.memory_space<hbm>> -> memref<320x16xf32, #tpu.memory_space<hbm>>
    %dma_wait3A_74 = arith.constant 320 : i32
    %dma_wait3A_75 = arith.constant 0 : i32
    %dma_wait3A_76 = tpu.memref_slice %arg13[%dma_wait3A_74, %dma_wait3A_75] : memref<1280x16xf32, #tpu.memory_space<vmem>> -> memref<320x16xf32, #tpu.memory_space<vmem>>
    tpu.wait_dma2 semaphore(%arg19 : memref<!tpu.dma_semaphore, #tpu.memory_space<semaphore_mem>>) src(%dma_wait3A_76 : memref<320x16xf32, #tpu.memory_space<vmem>>) dst(%dma_wait3A_73 : memref<320x16xf32, #tpu.memory_space<hbm>>)
    %sub3A_77 = arith.constant 1 : i32
    %sub3A_78 = arith.subi %sub3A_77, %arg0 : i32
    %semaphore_signal3A = arith.constant 1 : i32
    tpu.sem_signal %arg23, %semaphore_signal3A core_id %sub3A_78 subcore_id %arg1 : memref<!tpu.semaphore, #tpu.memory_space<semaphore_mem>>
    %semaphore_wait3A = arith.constant 1 : i32
    %semaphore_wait3A_79 = arith.constant true
    tpu.sem_wait %arg23, %semaphore_wait3A : memref<!tpu.semaphore, #tpu.memory_space<semaphore_mem>>
    %dma_wait3A_80 = arith.constant 0 : i32
    %dma_wait3A_81 = arith.constant 0 : i32
    %dma_wait3A_82 = tpu.memref_slice %arg12[%dma_wait3A_80, %dma_wait3A_81] : memref<1280x16xf32, #tpu.memory_space<vmem>> -> memref<320x16xf32, #tpu.memory_space<vmem>>
    %dma_wait3A_83 = arith.constant 0 : i32
    %dma_wait3A_84 = tpu.memref_slice %arg8[%add3A_5, %dma_wait3A_83] : memref<10240x16xf32, #tpu.memory_space<vmem_shared>> -> memref<320x16xf32, #tpu.memory_space<vmem_shared>>
    %dma_wait3A_85 = arith.constant 0 : i32
    %dma_wait3A_86 = arith.constant 0 : i32
    %dma_wait3A_87 = tpu.memref_slice %arg12[%dma_wait3A_85, %dma_wait3A_86] : memref<1280x16xf32, #tpu.memory_space<vmem>> -> memref<320x16xf32, #tpu.memory_space<vmem>>
    %dma_wait3A_88 = arith.constant 0 : i32
    %dma_wait3A_89 = tpu.memref_slice %arg8[%add3A_5, %dma_wait3A_88] : memref<10240x16xf32, #tpu.memory_space<vmem_shared>> -> memref<320x16xf32, #tpu.memory_space<vmem_shared>>
    tpu.wait_dma2 semaphore(%arg20 : memref<!tpu.dma_semaphore, #tpu.memory_space<semaphore_mem>>) src(%dma_wait3A_89 : memref<320x16xf32, #tpu.memory_space<vmem_shared>>) dst(%dma_wait3A_87 : memref<320x16xf32, #tpu.memory_space<vmem>>)
    "tpu.region"() ({
      %run_scoped3A = tpu.sem_alloc : memref<!tpu.dma_semaphore, #tpu.memory_space<semaphore_mem>>
      %dma_start3A_107 = arith.constant 0 : i32
      %dma_start3A_108 = arith.constant 0 : i32
      %dma_start3A_109 = tpu.memref_slice %arg15[%dma_start3A_107, %dma_start3A_108] : memref<640x16xf32, #tpu.memory_space<vmem>> -> memref<320x16xf32, #tpu.memory_space<vmem>>
      %dma_start3A_110 = arith.constant 0 : i32
      %dma_start3A_111 = tpu.memref_slice %arg8[%add3A_5, %dma_start3A_110] : memref<10240x16xf32, #tpu.memory_space<vmem_shared>> -> memref<320x16xf32, #tpu.memory_space<vmem_shared>>
      %dma_start3A_112 = arith.constant 0 : i32
      %dma_start3A_113 = tpu.memref_slice %arg8[%add3A_5, %dma_start3A_112] : memref<10240x16xf32, #tpu.memory_space<vmem_shared>> -> memref<320x16xf32, #tpu.memory_space<vmem_shared>>
      %dma_start3A_114 = arith.constant 0 : i32
      %dma_start3A_115 = arith.constant 0 : i32
      %dma_start3A_116 = tpu.memref_slice %arg15[%dma_start3A_114, %dma_start3A_115] : memref<640x16xf32, #tpu.memory_space<vmem>> -> memref<320x16xf32, #tpu.memory_space<vmem>>
      tpu.enqueue_dma source(%dma_start3A_116 : memref<320x16xf32, #tpu.memory_space<vmem>>) target(%dma_start3A_113 : memref<320x16xf32, #tpu.memory_space<vmem_shared>>) target_semaphore(%run_scoped3A : memref<!tpu.dma_semaphore, #tpu.memory_space<semaphore_mem>>)
      %dma_wait3A_117 = arith.constant 0 : i32
      %dma_wait3A_118 = arith.constant 0 : i32
      %dma_wait3A_119 = tpu.memref_slice %arg15[%dma_wait3A_117, %dma_wait3A_118] : memref<640x16xf32, #tpu.memory_space<vmem>> -> memref<320x16xf32, #tpu.memory_space<vmem>>
      %dma_wait3A_120 = arith.constant 0 : i32
      %dma_wait3A_121 = tpu.memref_slice %arg8[%add3A_5, %dma_wait3A_120] : memref<10240x16xf32, #tpu.memory_space<vmem_shared>> -> memref<320x16xf32, #tpu.memory_space<vmem_shared>>
      %dma_wait3A_122 = arith.constant 0 : i32
      %dma_wait3A_123 = tpu.memref_slice %arg8[%add3A_5, %dma_wait3A_122] : memref<10240x16xf32, #tpu.memory_space<vmem_shared>> -> memref<320x16xf32, #tpu.memory_space<vmem_shared>>
      %dma_wait3A_124 = arith.constant 0 : i32
      %dma_wait3A_125 = arith.constant 0 : i32
      %dma_wait3A_126 = tpu.memref_slice %arg15[%dma_wait3A_124, %dma_wait3A_125] : memref<640x16xf32, #tpu.memory_space<vmem>> -> memref<320x16xf32, #tpu.memory_space<vmem>>
      tpu.wait_dma2 semaphore(%run_scoped3A : memref<!tpu.dma_semaphore, #tpu.memory_space<semaphore_mem>>) src(%dma_wait3A_126 : memref<320x16xf32, #tpu.memory_space<vmem>>) dst(%dma_wait3A_123 : memref<320x16xf32, #tpu.memory_space<vmem_shared>>)
      tpu.yield
    }) : () -> ()
    "tpu.region"() ({
      %run_scoped3A = tpu.sem_alloc : memref<!tpu.dma_semaphore, #tpu.memory_space<semaphore_mem>>
      %dma_start3A_107 = arith.constant 320 : i32
      %dma_start3A_108 = arith.constant 0 : i32
      %dma_start3A_109 = tpu.memref_slice %arg12[%dma_start3A_107, %dma_start3A_108] : memref<1280x16xf32, #tpu.memory_space<vmem>> -> memref<320x16xf32, #tpu.memory_space<vmem>>
      %dma_start3A_110 = arith.constant 0 : i32
      %dma_start3A_111 = tpu.memref_slice %arg7[%add3A_5, %dma_start3A_110] : memref<10240x16xf32, #tpu.memory_space<hbm>> -> memref<320x16xf32, #tpu.memory_space<hbm>>
      %dma_start3A_112 = arith.constant 320 : i32
      %dma_start3A_113 = arith.constant 0 : i32
      %dma_start3A_114 = tpu.memref_slice %arg12[%dma_start3A_112, %dma_start3A_113] : memref<1280x16xf32, #tpu.memory_space<vmem>> -> memref<320x16xf32, #tpu.memory_space<vmem>>
      %dma_start3A_115 = arith.constant 0 : i32
      %dma_start3A_116 = tpu.memref_slice %arg7[%add3A_5, %dma_start3A_115] : memref<10240x16xf32, #tpu.memory_space<hbm>> -> memref<320x16xf32, #tpu.memory_space<hbm>>
      tpu.enqueue_dma source(%dma_start3A_116 : memref<320x16xf32, #tpu.memory_space<hbm>>) target(%dma_start3A_114 : memref<320x16xf32, #tpu.memory_space<vmem>>) target_semaphore(%run_scoped3A : memref<!tpu.dma_semaphore, #tpu.memory_space<semaphore_mem>>)
      %dma_wait3A_117 = arith.constant 320 : i32
      %dma_wait3A_118 = arith.constant 0 : i32
      %dma_wait3A_119 = tpu.memref_slice %arg12[%dma_wait3A_117, %dma_wait3A_118] : memref<1280x16xf32, #tpu.memory_space<vmem>> -> memref<320x16xf32, #tpu.memory_space<vmem>>
      %dma_wait3A_120 = arith.constant 0 : i32
      %dma_wait3A_121 = tpu.memref_slice %arg7[%add3A_5, %dma_wait3A_120] : memref<10240x16xf32, #tpu.memory_space<hbm>> -> memref<320x16xf32, #tpu.memory_space<hbm>>
      %dma_wait3A_122 = arith.constant 320 : i32
      %dma_wait3A_123 = arith.constant 0 : i32
      %dma_wait3A_124 = tpu.memref_slice %arg12[%dma_wait3A_122, %dma_wait3A_123] : memref<1280x16xf32, #tpu.memory_space<vmem>> -> memref<320x16xf32, #tpu.memory_space<vmem>>
      %dma_wait3A_125 = arith.constant 0 : i32
      %dma_wait3A_126 = tpu.memref_slice %arg7[%add3A_5, %dma_wait3A_125] : memref<10240x16xf32, #tpu.memory_space<hbm>> -> memref<320x16xf32, #tpu.memory_space<hbm>>
      tpu.wait_dma2 semaphore(%run_scoped3A : memref<!tpu.dma_semaphore, #tpu.memory_space<semaphore_mem>>) src(%dma_wait3A_126 : memref<320x16xf32, #tpu.memory_space<hbm>>) dst(%dma_wait3A_124 : memref<320x16xf32, #tpu.memory_space<vmem>>)
      tpu.yield
    }) : () -> ()
    "tpu.region"() ({
      %run_scoped3A = tpu.sem_alloc : memref<!tpu.dma_semaphore, #tpu.memory_space<semaphore_mem>>
      %dma_start3A_107 = arith.constant 0 : i32
      %dma_start3A_108 = tpu.memref_slice %arg2[%add3A_5, %dma_start3A_107] : memref<10240x16xf32, #tpu.memory_space<hbm>> -> memref<320x16xf32, #tpu.memory_space<hbm>>
      %dma_start3A_109 = arith.constant 0 : i32
      %dma_start3A_110 = tpu.memref_slice %arg2[%add3A_5, %dma_start3A_109] : memref<10240x16xf32, #tpu.memory_space<hbm>> -> memref<320x16xf32, #tpu.memory_space<hbm>>
      tpu.enqueue_dma source(%dma_start3A_110 : memref<320x16xf32, #tpu.memory_space<hbm>>) target(%arg17 : memref<320x16xf32, #tpu.memory_space<vmem>>) target_semaphore(%run_scoped3A : memref<!tpu.dma_semaphore, #tpu.memory_space<semaphore_mem>>)
      %dma_wait3A_111 = arith.constant 0 : i32
      %dma_wait3A_112 = tpu.memref_slice %arg2[%add3A_5, %dma_wait3A_111] : memref<10240x16xf32, #tpu.memory_space<hbm>> -> memref<320x16xf32, #tpu.memory_space<hbm>>
      %dma_wait3A_113 = arith.constant 0 : i32
      %dma_wait3A_114 = tpu.memref_slice %arg2[%add3A_5, %dma_wait3A_113] : memref<10240x16xf32, #tpu.memory_space<hbm>> -> memref<320x16xf32, #tpu.memory_space<hbm>>
      tpu.wait_dma2 semaphore(%run_scoped3A : memref<!tpu.dma_semaphore, #tpu.memory_space<semaphore_mem>>) src(%dma_wait3A_114 : memref<320x16xf32, #tpu.memory_space<hbm>>) dst(%arg17 : memref<320x16xf32, #tpu.memory_space<vmem>>)
      tpu.yield
    }) : () -> ()
    %scan3A_90 = arith.constant 0 : i32
    %scan3A_91 = arith.constant 320 : i32
    %scan3A_92 = arith.addi %scan3A_90, %scan3A_91 : i32
    %scan3A_93 = arith.constant 1 : i32
    scf.for %scan3A_107 = %scan3A_90 to %scan3A_92 step %scan3A_93  : i32 {
      %mul3A_108 = arith.constant 1 : i32
      %mul3A_109 = arith.muli %scan3A_107, %mul3A_108 : i32
      %add3A_110 = arith.constant 0 : i32
      %add3A_111 = arith.addi %add3A_110, %mul3A_109 : i32
      %get3A = arith.constant 0 : i32
      %get3A_112 = arith.constant 0 : i32
      %get3A_113 = tpu.memref_slice %arg12[%get3A, %get3A_112] : memref<1280x16xf32, #tpu.memory_space<vmem>> -> memref<320x16xf32, #tpu.memory_space<vmem>>
      %get3A_114 = arith.index_cast %add3A_111 : i32 to index
      %get3A_115 = arith.constant 0 : index
      %get3A_116 = tpu.vector_load %get3A_113[%get3A_114, %get3A_115] {strides = array<i32>} : memref<320x16xf32, #tpu.memory_space<vmem>>, vector<16xf32>,
      %get3A_117 = arith.constant 320 : i32
      %get3A_118 = arith.constant 0 : i32
      %get3A_119 = tpu.memref_slice %arg12[%get3A_117, %get3A_118] : memref<1280x16xf32, #tpu.memory_space<vmem>> -> memref<320x16xf32, #tpu.memory_space<vmem>>
      %get3A_120 = arith.index_cast %add3A_111 : i32 to index
      %get3A_121 = arith.constant 0 : index
      %get3A_122 = tpu.vector_load %get3A_119[%get3A_120, %get3A_121] {strides = array<i32>} : memref<320x16xf32, #tpu.memory_space<vmem>>, vector<16xf32>,
      %add3A_123 = arith.addf %get3A_116, %get3A_122 : vector<16xf32>
      %add3A_124 = arith.constant 1.000000e+00 : f32
      %add3A_125 = vector.broadcast %add3A_124 : f32 to vector<16xf32>
      %add3A_126 = arith.addf %add3A_123, %add3A_125 : vector<16xf32>
      %bitcast3A = vector.bitcast %add3A_126 : vector<16xf32> to vector<16xi32>
      %shift_right_arithmetic3A = arith.constant 1 : i32
      %shift_right_arithmetic3A_127 = vector.broadcast %shift_right_arithmetic3A : i32 to vector<16xi32>
      %shift_right_arithmetic3A_128 = arith.shrsi %bitcast3A, %shift_right_arithmetic3A_127 : vector<16xi32>
      %sub3A_129 = arith.constant 1597463007 : i32
      %sub3A_130 = vector.broadcast %sub3A_129 : i32 to vector<16xi32>
      %sub3A_131 = arith.subi %sub3A_130, %shift_right_arithmetic3A_128 : vector<16xi32>
      %bitcast3A_132 = vector.bitcast %sub3A_131 : vector<16xi32> to vector<16xf32>
      %mul3A_133 = arith.constant 5.000000e-01 : f32
      %mul3A_134 = vector.broadcast %mul3A_133 : f32 to vector<16xf32>
      %mul3A_135 = arith.mulf %mul3A_134, %add3A_126 : vector<16xf32>
      %mul3A_136 = arith.mulf %mul3A_135, %bitcast3A_132 : vector<16xf32>
      %mul3A_137 = arith.mulf %mul3A_136, %bitcast3A_132 : vector<16xf32>
      %sub3A_138 = arith.constant 1.500000e+00 : f32
      %sub3A_139 = vector.broadcast %sub3A_138 : f32 to vector<16xf32>
      %sub3A_140 = arith.subf %sub3A_139, %mul3A_137 : vector<16xf32>
      %mul3A_141 = arith.mulf %bitcast3A_132, %sub3A_140 : vector<16xf32>
      %mul3A_142 = arith.constant 5.000000e-01 : f32
      %mul3A_143 = vector.broadcast %mul3A_142 : f32 to vector<16xf32>
      %mul3A_144 = arith.mulf %mul3A_143, %add3A_126 : vector<16xf32>
      %mul3A_145 = arith.mulf %mul3A_144, %mul3A_141 : vector<16xf32>
      %mul3A_146 = arith.mulf %mul3A_145, %mul3A_141 : vector<16xf32>
      %sub3A_147 = arith.constant 1.500000e+00 : f32
      %sub3A_148 = vector.broadcast %sub3A_147 : f32 to vector<16xf32>
      %sub3A_149 = arith.subf %sub3A_148, %mul3A_146 : vector<16xf32>
      %mul3A_150 = arith.mulf %mul3A_141, %sub3A_149 : vector<16xf32>
      %mul3A_151 = arith.constant 5.000000e-01 : f32
      %mul3A_152 = vector.broadcast %mul3A_151 : f32 to vector<16xf32>
      %mul3A_153 = arith.mulf %mul3A_152, %add3A_126 : vector<16xf32>
      %mul3A_154 = arith.mulf %mul3A_153, %mul3A_150 : vector<16xf32>
      %mul3A_155 = arith.mulf %mul3A_154, %mul3A_150 : vector<16xf32>
      %sub3A_156 = arith.constant 1.500000e+00 : f32
      %sub3A_157 = vector.broadcast %sub3A_156 : f32 to vector<16xf32>
      %sub3A_158 = arith.subf %sub3A_157, %mul3A_155 : vector<16xf32>
      %mul3A_159 = arith.mulf %mul3A_150, %sub3A_158 : vector<16xf32>
      %swap3A = arith.index_cast %add3A_111 : i32 to index
      %swap3A_160 = arith.constant 0 : index
      %swap3A_161 = tpu.vector_load %arg16[%swap3A, %swap3A_160] {strides = array<i32>} : memref<320x16xf32, #tpu.memory_space<vmem>>, vector<16xf32>,
      tpu.vector_store %arg16[%swap3A, %swap3A_160], %mul3A_159 {strides = array<i32>} : memref<320x16xf32, #tpu.memory_space<vmem>>, vector<16xf32>,
      %get3A_162 = arith.index_cast %add3A_111 : i32 to index
      %get3A_163 = arith.constant 0 : index
      %get3A_164 = tpu.vector_load %arg17[%get3A_162, %get3A_163] {strides = array<i32>} : memref<320x16xf32, #tpu.memory_space<vmem>>, vector<16xf32>,
      %mul3A_165 = arith.mulf %mul3A_159, %get3A_164 : vector<16xf32>
      %swap3A_166 = arith.index_cast %add3A_111 : i32 to index
      %swap3A_167 = arith.constant 0 : index
      %swap3A_168 = tpu.vector_load %arg18[%swap3A_166, %swap3A_167] {strides = array<i32>} : memref<320x16xf32, #tpu.memory_space<vmem>>, vector<16xf32>,
      tpu.vector_store %arg18[%swap3A_166, %swap3A_167], %mul3A_165 {strides = array<i32>} : memref<320x16xf32, #tpu.memory_space<vmem>>, vector<16xf32>,
      %mul3A_169 = arith.constant 1.000000e-01 : f32
      %mul3A_170 = vector.broadcast %mul3A_169 : f32 to vector<16xf32>
      %mul3A_171 = arith.mulf %mul3A_170, %get3A_164 : vector<16xf32>
      %swap3A_172 = arith.index_cast %add3A_111 : i32 to index
      %swap3A_173 = arith.constant 0 : index
      %swap3A_174 = tpu.vector_load %arg17[%swap3A_172, %swap3A_173] {strides = array<i32>} : memref<320x16xf32, #tpu.memory_space<vmem>>, vector<16xf32>,
      tpu.vector_store %arg17[%swap3A_172, %swap3A_173], %mul3A_171 {strides = array<i32>} : memref<320x16xf32, #tpu.memory_space<vmem>>, vector<16xf32>,
    }
    %scan3A_94 = arith.constant 320 : i32
    "tpu.region"() ({
      %run_scoped3A = tpu.sem_alloc : memref<!tpu.dma_semaphore, #tpu.memory_space<semaphore_mem>>
      %dma_start3A_107 = arith.constant 0 : i32
      %dma_start3A_108 = tpu.memref_slice %arg6[%add3A_5, %dma_start3A_107] : memref<10240x16xf32, #tpu.memory_space<hbm>> -> memref<320x16xf32, #tpu.memory_space<hbm>>
      %dma_start3A_109 = arith.constant 0 : i32
      %dma_start3A_110 = tpu.memref_slice %arg6[%add3A_5, %dma_start3A_109] : memref<10240x16xf32, #tpu.memory_space<hbm>> -> memref<320x16xf32, #tpu.memory_space<hbm>>
      tpu.enqueue_dma source(%arg18 : memref<320x16xf32, #tpu.memory_space<vmem>>) target(%dma_start3A_110 : memref<320x16xf32, #tpu.memory_space<hbm>>) target_semaphore(%run_scoped3A : memref<!tpu.dma_semaphore, #tpu.memory_space<semaphore_mem>>)
      %dma_wait3A_111 = arith.constant 0 : i32
      %dma_wait3A_112 = tpu.memref_slice %arg6[%add3A_5, %dma_wait3A_111] : memref<10240x16xf32, #tpu.memory_space<hbm>> -> memref<320x16xf32, #tpu.memory_space<hbm>>
      %dma_wait3A_113 = arith.constant 0 : i32
      %dma_wait3A_114 = tpu.memref_slice %arg6[%add3A_5, %dma_wait3A_113] : memref<10240x16xf32, #tpu.memory_space<hbm>> -> memref<320x16xf32, #tpu.memory_space<hbm>>
      tpu.wait_dma2 semaphore(%run_scoped3A : memref<!tpu.dma_semaphore, #tpu.memory_space<semaphore_mem>>) src(%arg18 : memref<320x16xf32, #tpu.memory_space<vmem>>) dst(%dma_wait3A_114 : memref<320x16xf32, #tpu.memory_space<hbm>>)
      tpu.yield
    }) : () -> ()
    %barrier3A_95 = arith.constant 0 : index
    tpu.barrier barrier_id(%barrier3A_95)
    %sub3A_96 = arith.constant 1 : i32
    %sub3A_97 = arith.subi %sub3A_96, %arg0 : i32
    %semaphore_signal3A_98 = arith.constant 1 : i32
    tpu.sem_signal %arg23, %semaphore_signal3A_98 core_id %sub3A_97 subcore_id %arg1 : memref<!tpu.semaphore, #tpu.memory_space<semaphore_mem>>
    %semaphore_wait3A_99 = arith.constant 1 : i32
    %semaphore_wait3A_100 = arith.constant true
    tpu.sem_wait %arg23, %semaphore_wait3A_99 : memref<!tpu.semaphore, #tpu.memory_space<semaphore_mem>>
    "tpu.region"() ({
      %run_scoped3A = tpu.sem_alloc : memref<!tpu.dma_semaphore, #tpu.memory_space<semaphore_mem>>
      %dma_start3A_107 = arith.constant 0 : i32
      %dma_start3A_108 = tpu.memref_slice %arg9[%add3A_5, %dma_start3A_107] : memref<10240x16xf32, #tpu.memory_space<vmem_shared>> -> memref<320x16xf32, #tpu.memory_space<vmem_shared>>
      %dma_start3A_109 = arith.constant 0 : i32
      %dma_start3A_110 = tpu.memref_slice %arg9[%add3A_5, %dma_start3A_109] : memref<10240x16xf32, #tpu.memory_space<vmem_shared>> -> memref<320x16xf32, #tpu.memory_space<vmem_shared>>
      tpu.enqueue_dma source(%arg18 : memref<320x16xf32, #tpu.memory_space<vmem>>) target(%dma_start3A_110 : memref<320x16xf32, #tpu.memory_space<vmem_shared>>) target_semaphore(%run_scoped3A : memref<!tpu.dma_semaphore, #tpu.memory_space<semaphore_mem>>)
      %dma_wait3A_111 = arith.constant 0 : i32
      %dma_wait3A_112 = tpu.memref_slice %arg9[%add3A_5, %dma_wait3A_111] : memref<10240x16xf32, #tpu.memory_space<vmem_shared>> -> memref<320x16xf32, #tpu.memory_space<vmem_shared>>
      %dma_wait3A_113 = arith.constant 0 : i32
      %dma_wait3A_114 = tpu.memref_slice %arg9[%add3A_5, %dma_wait3A_113] : memref<10240x16xf32, #tpu.memory_space<vmem_shared>> -> memref<320x16xf32, #tpu.memory_space<vmem_shared>>
      tpu.wait_dma2 semaphore(%run_scoped3A : memref<!tpu.dma_semaphore, #tpu.memory_space<semaphore_mem>>) src(%arg18 : memref<320x16xf32, #tpu.memory_space<vmem>>) dst(%dma_wait3A_114 : memref<320x16xf32, #tpu.memory_space<vmem_shared>>)
      tpu.yield
    }) : () -> ()
    "tpu.region"() ({
      %run_scoped3A = tpu.sem_alloc : memref<!tpu.dma_semaphore, #tpu.memory_space<semaphore_mem>>
      %dma_start3A_107 = arith.constant 320 : i32
      %dma_start3A_108 = arith.constant 0 : i32
      %dma_start3A_109 = tpu.memref_slice %arg12[%dma_start3A_107, %dma_start3A_108] : memref<1280x16xf32, #tpu.memory_space<vmem>> -> memref<320x16xf32, #tpu.memory_space<vmem>>
      %dma_start3A_110 = arith.constant 0 : i32
      %dma_start3A_111 = tpu.memref_slice %arg6[%add3A_11, %dma_start3A_110] : memref<10240x16xf32, #tpu.memory_space<hbm>> -> memref<320x16xf32, #tpu.memory_space<hbm>>
      %dma_start3A_112 = arith.constant 320 : i32
      %dma_start3A_113 = arith.constant 0 : i32
      %dma_start3A_114 = tpu.memref_slice %arg12[%dma_start3A_112, %dma_start3A_113] : memref<1280x16xf32, #tpu.memory_space<vmem>> -> memref<320x16xf32, #tpu.memory_space<vmem>>
      %dma_start3A_115 = arith.constant 0 : i32
      %dma_start3A_116 = tpu.memref_slice %arg6[%add3A_11, %dma_start3A_115] : memref<10240x16xf32, #tpu.memory_space<hbm>> -> memref<320x16xf32, #tpu.memory_space<hbm>>
      tpu.enqueue_dma source(%dma_start3A_116 : memref<320x16xf32, #tpu.memory_space<hbm>>) target(%dma_start3A_114 : memref<320x16xf32, #tpu.memory_space<vmem>>) target_semaphore(%run_scoped3A : memref<!tpu.dma_semaphore, #tpu.memory_space<semaphore_mem>>)
      %dma_wait3A_117 = arith.constant 320 : i32
      %dma_wait3A_118 = arith.constant 0 : i32
      %dma_wait3A_119 = tpu.memref_slice %arg12[%dma_wait3A_117, %dma_wait3A_118] : memref<1280x16xf32, #tpu.memory_space<vmem>> -> memref<320x16xf32, #tpu.memory_space<vmem>>
      %dma_wait3A_120 = arith.constant 0 : i32
      %dma_wait3A_121 = tpu.memref_slice %arg6[%add3A_11, %dma_wait3A_120] : memref<10240x16xf32, #tpu.memory_space<hbm>> -> memref<320x16xf32, #tpu.memory_space<hbm>>
      %dma_wait3A_122 = arith.constant 320 : i32
      %dma_wait3A_123 = arith.constant 0 : i32
      %dma_wait3A_124 = tpu.memref_slice %arg12[%dma_wait3A_122, %dma_wait3A_123] : memref<1280x16xf32, #tpu.memory_space<vmem>> -> memref<320x16xf32, #tpu.memory_space<vmem>>
      %dma_wait3A_125 = arith.constant 0 : i32
      %dma_wait3A_126 = tpu.memref_slice %arg6[%add3A_11, %dma_wait3A_125] : memref<10240x16xf32, #tpu.memory_space<hbm>> -> memref<320x16xf32, #tpu.memory_space<hbm>>
      tpu.wait_dma2 semaphore(%run_scoped3A : memref<!tpu.dma_semaphore, #tpu.memory_space<semaphore_mem>>) src(%dma_wait3A_126 : memref<320x16xf32, #tpu.memory_space<hbm>>) dst(%dma_wait3A_124 : memref<320x16xf32, #tpu.memory_space<vmem>>)
      tpu.yield
    }) : () -> ()
    "tpu.region"() ({
      %run_scoped3A = tpu.sem_alloc : memref<!tpu.dma_semaphore, #tpu.memory_space<semaphore_mem>>
      %dma_start3A_107 = arith.constant 320 : i32
      %dma_start3A_108 = arith.constant 0 : i32
      %dma_start3A_109 = tpu.memref_slice %arg12[%dma_start3A_107, %dma_start3A_108] : memref<1280x16xf32, #tpu.memory_space<vmem>> -> memref<320x16xf32, #tpu.memory_space<vmem>>
      %dma_start3A_110 = arith.constant 0 : i32
      %dma_start3A_111 = tpu.memref_slice %arg9[%add3A_11, %dma_start3A_110] : memref<10240x16xf32, #tpu.memory_space<vmem_shared>> -> memref<320x16xf32, #tpu.memory_space<vmem_shared>>
      %dma_start3A_112 = arith.constant 0 : i32
      %dma_start3A_113 = tpu.memref_slice %arg9[%add3A_11, %dma_start3A_112] : memref<10240x16xf32, #tpu.memory_space<vmem_shared>> -> memref<320x16xf32, #tpu.memory_space<vmem_shared>>
      %dma_start3A_114 = arith.constant 320 : i32
      %dma_start3A_115 = arith.constant 0 : i32
      %dma_start3A_116 = tpu.memref_slice %arg12[%dma_start3A_114, %dma_start3A_115] : memref<1280x16xf32, #tpu.memory_space<vmem>> -> memref<320x16xf32, #tpu.memory_space<vmem>>
      tpu.enqueue_dma source(%dma_start3A_116 : memref<320x16xf32, #tpu.memory_space<vmem>>) target(%dma_start3A_113 : memref<320x16xf32, #tpu.memory_space<vmem_shared>>) target_semaphore(%run_scoped3A : memref<!tpu.dma_semaphore, #tpu.memory_space<semaphore_mem>>)
      %dma_wait3A_117 = arith.constant 320 : i32
      %dma_wait3A_118 = arith.constant 0 : i32
      %dma_wait3A_119 = tpu.memref_slice %arg12[%dma_wait3A_117, %dma_wait3A_118] : memref<1280x16xf32, #tpu.memory_space<vmem>> -> memref<320x16xf32, #tpu.memory_space<vmem>>
      %dma_wait3A_120 = arith.constant 0 : i32
      %dma_wait3A_121 = tpu.memref_slice %arg9[%add3A_11, %dma_wait3A_120] : memref<10240x16xf32, #tpu.memory_space<vmem_shared>> -> memref<320x16xf32, #tpu.memory_space<vmem_shared>>
      %dma_wait3A_122 = arith.constant 0 : i32
      %dma_wait3A_123 = tpu.memref_slice %arg9[%add3A_11, %dma_wait3A_122] : memref<10240x16xf32, #tpu.memory_space<vmem_shared>> -> memref<320x16xf32, #tpu.memory_space<vmem_shared>>
      %dma_wait3A_124 = arith.constant 320 : i32
      %dma_wait3A_125 = arith.constant 0 : i32
      %dma_wait3A_126 = tpu.memref_slice %arg12[%dma_wait3A_124, %dma_wait3A_125] : memref<1280x16xf32, #tpu.memory_space<vmem>> -> memref<320x16xf32, #tpu.memory_space<vmem>>
      tpu.wait_dma2 semaphore(%run_scoped3A : memref<!tpu.dma_semaphore, #tpu.memory_space<semaphore_mem>>) src(%dma_wait3A_126 : memref<320x16xf32, #tpu.memory_space<vmem>>) dst(%dma_wait3A_123 : memref<320x16xf32, #tpu.memory_space<vmem_shared>>)
      tpu.yield
    }) : () -> ()
    %barrier3A_101 = arith.constant 0 : index
    tpu.barrier barrier_id(%barrier3A_101)
    %scan3A_102 = arith.constant 0 : i32
    %scan3A_103 = arith.constant 10 : i32
    %scan3A_104 = arith.addi %scan3A_102, %scan3A_103 : i32
    %scan3A_105 = arith.constant 1 : i32
    scf.for %scan3A_107 = %scan3A_102 to %scan3A_104 step %scan3A_105  : i32 {
      %mul3A_108 = arith.constant 1 : i32
      %mul3A_109 = arith.muli %scan3A_107, %mul3A_108 : i32
      %add3A_110 = arith.constant 0 : i32
      %add3A_111 = arith.addi %add3A_110, %mul3A_109 : i32
      %dma_start3A_112 = arith.constant 0 : i32
      %dma_start3A_113 = arith.constant 0 : i32
      %dma_start3A_114 = arith.constant 0 : i32
      %dma_start3A_115 = tpu.memref_slice %arg12[%dma_start3A_113, %dma_start3A_114] : memref<1280x16xf32, #tpu.memory_space<vmem>> -> memref<128x16xf32, #tpu.memory_space<vmem>>
      %dma_start3A_116 = arith.constant 0 : i32
      %dma_start3A_117 = tpu.memref_slice %arg10[%dma_start3A_112, %dma_start3A_116] : memref<80x128xi32, #tpu.memory_space<vmem>> -> memref<1x128xi32, #tpu.memory_space<vmem>>
      %dma_start3A_118 = tpu.memref_squeeze %dma_start3A_117 : memref<1x128xi32, #tpu.memory_space<vmem>> -> memref<128xi32, #tpu.memory_space<vmem>>
      %dma_start3A_119 = arith.constant 0 : i32
      %dma_start3A_120 = arith.constant 0 : i32
      %dma_start3A_121 = tpu.memref_slice %arg9[%dma_start3A_119, %dma_start3A_120] : memref<10240x16xf32, #tpu.memory_space<vmem_shared>> -> memref<10240x16xf32, #tpu.memory_space<vmem_shared>>
      tpu.enqueue_indirect_dma source(%dma_start3A_121 : memref<10240x16xf32, #tpu.memory_space<vmem_shared>>) target(%dma_start3A_115 : memref<128x16xf32, #tpu.memory_space<vmem>>) offsets(%dma_start3A_118 : memref<128xi32, #tpu.memory_space<vmem>>) semaphore(%arg19 : memref<!tpu.dma_semaphore, #tpu.memory_space<semaphore_mem>>)
      %dma_start3A_122 = arith.constant 1 : i32
      %dma_start3A_123 = arith.constant 128 : i32
      %dma_start3A_124 = arith.constant 0 : i32
      %dma_start3A_125 = tpu.memref_slice %arg12[%dma_start3A_123, %dma_start3A_124] : memref<1280x16xf32, #tpu.memory_space<vmem>> -> memref<128x16xf32, #tpu.memory_space<vmem>>
      %dma_start3A_126 = arith.constant 0 : i32
      %dma_start3A_127 = tpu.memref_slice %arg10[%dma_start3A_122, %dma_start3A_126] : memref<80x128xi32, #tpu.memory_space<vmem>> -> memref<1x128xi32, #tpu.memory_space<vmem>>
      %dma_start3A_128 = tpu.memref_squeeze %dma_start3A_127 : memref<1x128xi32, #tpu.memory_space<vmem>> -> memref<128xi32, #tpu.memory_space<vmem>>
      %dma_start3A_129 = arith.constant 0 : i32
      %dma_start3A_130 = arith.constant 0 : i32
      %dma_start3A_131 = tpu.memref_slice %arg9[%dma_start3A_129, %dma_start3A_130] : memref<10240x16xf32, #tpu.memory_space<vmem_shared>> -> memref<10240x16xf32, #tpu.memory_space<vmem_shared>>
      tpu.enqueue_indirect_dma source(%dma_start3A_131 : memref<10240x16xf32, #tpu.memory_space<vmem_shared>>) target(%dma_start3A_125 : memref<128x16xf32, #tpu.memory_space<vmem>>) offsets(%dma_start3A_128 : memref<128xi32, #tpu.memory_space<vmem>>) semaphore(%arg19 : memref<!tpu.dma_semaphore, #tpu.memory_space<semaphore_mem>>)
      %dma_start3A_132 = arith.constant 2 : i32
      %dma_start3A_133 = arith.constant 256 : i32
      %dma_start3A_134 = arith.constant 0 : i32
      %dma_start3A_135 = tpu.memref_slice %arg12[%dma_start3A_133, %dma_start3A_134] : memref<1280x16xf32, #tpu.memory_space<vmem>> -> memref<128x16xf32, #tpu.memory_space<vmem>>
      %dma_start3A_136 = arith.constant 0 : i32
      %dma_start3A_137 = tpu.memref_slice %arg10[%dma_start3A_132, %dma_start3A_136] : memref<80x128xi32, #tpu.memory_space<vmem>> -> memref<1x128xi32, #tpu.memory_space<vmem>>
      %dma_start3A_138 = tpu.memref_squeeze %dma_start3A_137 : memref<1x128xi32, #tpu.memory_space<vmem>> -> memref<128xi32, #tpu.memory_space<vmem>>
      %dma_start3A_139 = arith.constant 0 : i32
      %dma_start3A_140 = arith.constant 0 : i32
      %dma_start3A_141 = tpu.memref_slice %arg9[%dma_start3A_139, %dma_start3A_140] : memref<10240x16xf32, #tpu.memory_space<vmem_shared>> -> memref<10240x16xf32, #tpu.memory_space<vmem_shared>>
      tpu.enqueue_indirect_dma source(%dma_start3A_141 : memref<10240x16xf32, #tpu.memory_space<vmem_shared>>) target(%dma_start3A_135 : memref<128x16xf32, #tpu.memory_space<vmem>>) offsets(%dma_start3A_138 : memref<128xi32, #tpu.memory_space<vmem>>) semaphore(%arg19 : memref<!tpu.dma_semaphore, #tpu.memory_space<semaphore_mem>>)
      %dma_start3A_142 = arith.constant 3 : i32
      %dma_start3A_143 = arith.constant 384 : i32
      %dma_start3A_144 = arith.constant 0 : i32
      %dma_start3A_145 = tpu.memref_slice %arg12[%dma_start3A_143, %dma_start3A_144] : memref<1280x16xf32, #tpu.memory_space<vmem>> -> memref<128x16xf32, #tpu.memory_space<vmem>>
      %dma_start3A_146 = arith.constant 0 : i32
      %dma_start3A_147 = tpu.memref_slice %arg10[%dma_start3A_142, %dma_start3A_146] : memref<80x128xi32, #tpu.memory_space<vmem>> -> memref<1x128xi32, #tpu.memory_space<vmem>>
      %dma_start3A_148 = tpu.memref_squeeze %dma_start3A_147 : memref<1x128xi32, #tpu.memory_space<vmem>> -> memref<128xi32, #tpu.memory_space<vmem>>
      %dma_start3A_149 = arith.constant 0 : i32
      %dma_start3A_150 = arith.constant 0 : i32
      %dma_start3A_151 = tpu.memref_slice %arg9[%dma_start3A_149, %dma_start3A_150] : memref<10240x16xf32, #tpu.memory_space<vmem_shared>> -> memref<10240x16xf32, #tpu.memory_space<vmem_shared>>
      tpu.enqueue_indirect_dma source(%dma_start3A_151 : memref<10240x16xf32, #tpu.memory_space<vmem_shared>>) target(%dma_start3A_145 : memref<128x16xf32, #tpu.memory_space<vmem>>) offsets(%dma_start3A_148 : memref<128xi32, #tpu.memory_space<vmem>>) semaphore(%arg19 : memref<!tpu.dma_semaphore, #tpu.memory_space<semaphore_mem>>)
      %dma_start3A_152 = arith.constant 4 : i32
      %dma_start3A_153 = arith.constant 512 : i32
      %dma_start3A_154 = arith.constant 0 : i32
      %dma_start3A_155 = tpu.memref_slice %arg12[%dma_start3A_153, %dma_start3A_154] : memref<1280x16xf32, #tpu.memory_space<vmem>> -> memref<128x16xf32, #tpu.memory_space<vmem>>
      %dma_start3A_156 = arith.constant 0 : i32
      %dma_start3A_157 = tpu.memref_slice %arg10[%dma_start3A_152, %dma_start3A_156] : memref<80x128xi32, #tpu.memory_space<vmem>> -> memref<1x128xi32, #tpu.memory_space<vmem>>
      %dma_start3A_158 = tpu.memref_squeeze %dma_start3A_157 : memref<1x128xi32, #tpu.memory_space<vmem>> -> memref<128xi32, #tpu.memory_space<vmem>>
      %dma_start3A_159 = arith.constant 0 : i32
      %dma_start3A_160 = arith.constant 0 : i32
      %dma_start3A_161 = tpu.memref_slice %arg9[%dma_start3A_159, %dma_start3A_160] : memref<10240x16xf32, #tpu.memory_space<vmem_shared>> -> memref<10240x16xf32, #tpu.memory_space<vmem_shared>>
      tpu.enqueue_indirect_dma source(%dma_start3A_161 : memref<10240x16xf32, #tpu.memory_space<vmem_shared>>) target(%dma_start3A_155 : memref<128x16xf32, #tpu.memory_space<vmem>>) offsets(%dma_start3A_158 : memref<128xi32, #tpu.memory_space<vmem>>) semaphore(%arg19 : memref<!tpu.dma_semaphore, #tpu.memory_space<semaphore_mem>>)
      %dma_start3A_162 = arith.constant 5 : i32
      %dma_start3A_163 = arith.constant 640 : i32
      %dma_start3A_164 = arith.constant 0 : i32
      %dma_start3A_165 = tpu.memref_slice %arg12[%dma_start3A_163, %dma_start3A_164] : memref<1280x16xf32, #tpu.memory_space<vmem>> -> memref<128x16xf32, #tpu.memory_space<vmem>>
      %dma_start3A_166 = arith.constant 0 : i32
      %dma_start3A_167 = tpu.memref_slice %arg10[%dma_start3A_162, %dma_start3A_166] : memref<80x128xi32, #tpu.memory_space<vmem>> -> memref<1x128xi32, #tpu.memory_space<vmem>>
      %dma_start3A_168 = tpu.memref_squeeze %dma_start3A_167 : memref<1x128xi32, #tpu.memory_space<vmem>> -> memref<128xi32, #tpu.memory_space<vmem>>
      %dma_start3A_169 = arith.constant 0 : i32
      %dma_start3A_170 = arith.constant 0 : i32
      %dma_start3A_171 = tpu.memref_slice %arg9[%dma_start3A_169, %dma_start3A_170] : memref<10240x16xf32, #tpu.memory_space<vmem_shared>> -> memref<10240x16xf32, #tpu.memory_space<vmem_shared>>
      tpu.enqueue_indirect_dma source(%dma_start3A_171 : memref<10240x16xf32, #tpu.memory_space<vmem_shared>>) target(%dma_start3A_165 : memref<128x16xf32, #tpu.memory_space<vmem>>) offsets(%dma_start3A_168 : memref<128xi32, #tpu.memory_space<vmem>>) semaphore(%arg19 : memref<!tpu.dma_semaphore, #tpu.memory_space<semaphore_mem>>)
      %dma_start3A_172 = arith.constant 6 : i32
      %dma_start3A_173 = arith.constant 768 : i32
      %dma_start3A_174 = arith.constant 0 : i32
      %dma_start3A_175 = tpu.memref_slice %arg12[%dma_start3A_173, %dma_start3A_174] : memref<1280x16xf32, #tpu.memory_space<vmem>> -> memref<128x16xf32, #tpu.memory_space<vmem>>
      %dma_start3A_176 = arith.constant 0 : i32
      %dma_start3A_177 = tpu.memref_slice %arg10[%dma_start3A_172, %dma_start3A_176] : memref<80x128xi32, #tpu.memory_space<vmem>> -> memref<1x128xi32, #tpu.memory_space<vmem>>
      %dma_start3A_178 = tpu.memref_squeeze %dma_start3A_177 : memref<1x128xi32, #tpu.memory_space<vmem>> -> memref<128xi32, #tpu.memory_space<vmem>>
      %dma_start3A_179 = arith.constant 0 : i32
      %dma_start3A_180 = arith.constant 0 : i32
      %dma_start3A_181 = tpu.memref_slice %arg9[%dma_start3A_179, %dma_start3A_180] : memref<10240x16xf32, #tpu.memory_space<vmem_shared>> -> memref<10240x16xf32, #tpu.memory_space<vmem_shared>>
      tpu.enqueue_indirect_dma source(%dma_start3A_181 : memref<10240x16xf32, #tpu.memory_space<vmem_shared>>) target(%dma_start3A_175 : memref<128x16xf32, #tpu.memory_space<vmem>>) offsets(%dma_start3A_178 : memref<128xi32, #tpu.memory_space<vmem>>) semaphore(%arg19 : memref<!tpu.dma_semaphore, #tpu.memory_space<semaphore_mem>>)
      %dma_start3A_182 = arith.constant 7 : i32
      %dma_start3A_183 = arith.constant 896 : i32
      %dma_start3A_184 = arith.constant 0 : i32
      %dma_start3A_185 = tpu.memref_slice %arg12[%dma_start3A_183, %dma_start3A_184] : memref<1280x16xf32, #tpu.memory_space<vmem>> -> memref<128x16xf32, #tpu.memory_space<vmem>>
      %dma_start3A_186 = arith.constant 0 : i32
      %dma_start3A_187 = tpu.memref_slice %arg10[%dma_start3A_182, %dma_start3A_186] : memref<80x128xi32, #tpu.memory_space<vmem>> -> memref<1x128xi32, #tpu.memory_space<vmem>>
      %dma_start3A_188 = tpu.memref_squeeze %dma_start3A_187 : memref<1x128xi32, #tpu.memory_space<vmem>> -> memref<128xi32, #tpu.memory_space<vmem>>
      %dma_start3A_189 = arith.constant 0 : i32
      %dma_start3A_190 = arith.constant 0 : i32
      %dma_start3A_191 = tpu.memref_slice %arg9[%dma_start3A_189, %dma_start3A_190] : memref<10240x16xf32, #tpu.memory_space<vmem_shared>> -> memref<10240x16xf32, #tpu.memory_space<vmem_shared>>
      tpu.enqueue_indirect_dma source(%dma_start3A_191 : memref<10240x16xf32, #tpu.memory_space<vmem_shared>>) target(%dma_start3A_185 : memref<128x16xf32, #tpu.memory_space<vmem>>) offsets(%dma_start3A_188 : memref<128xi32, #tpu.memory_space<vmem>>) semaphore(%arg19 : memref<!tpu.dma_semaphore, #tpu.memory_space<semaphore_mem>>)
      %dma_start3A_192 = arith.constant 8 : i32
      %dma_start3A_193 = arith.constant 1024 : i32
      %dma_start3A_194 = arith.constant 0 : i32
      %dma_start3A_195 = tpu.memref_slice %arg12[%dma_start3A_193, %dma_start3A_194] : memref<1280x16xf32, #tpu.memory_space<vmem>> -> memref<128x16xf32, #tpu.memory_space<vmem>>
      %dma_start3A_196 = arith.constant 0 : i32
      %dma_start3A_197 = tpu.memref_slice %arg10[%dma_start3A_192, %dma_start3A_196] : memref<80x128xi32, #tpu.memory_space<vmem>> -> memref<1x128xi32, #tpu.memory_space<vmem>>
      %dma_start3A_198 = tpu.memref_squeeze %dma_start3A_197 : memref<1x128xi32, #tpu.memory_space<vmem>> -> memref<128xi32, #tpu.memory_space<vmem>>
      %dma_start3A_199 = arith.constant 0 : i32
      %dma_start3A_200 = arith.constant 0 : i32
      %dma_start3A_201 = tpu.memref_slice %arg9[%dma_start3A_199, %dma_start3A_200] : memref<10240x16xf32, #tpu.memory_space<vmem_shared>> -> memref<10240x16xf32, #tpu.memory_space<vmem_shared>>
      tpu.enqueue_indirect_dma source(%dma_start3A_201 : memref<10240x16xf32, #tpu.memory_space<vmem_shared>>) target(%dma_start3A_195 : memref<128x16xf32, #tpu.memory_space<vmem>>) offsets(%dma_start3A_198 : memref<128xi32, #tpu.memory_space<vmem>>) semaphore(%arg19 : memref<!tpu.dma_semaphore, #tpu.memory_space<semaphore_mem>>)
      %dma_start3A_202 = arith.constant 9 : i32
      %dma_start3A_203 = arith.constant 1152 : i32
      %dma_start3A_204 = arith.constant 0 : i32
      %dma_start3A_205 = tpu.memref_slice %arg12[%dma_start3A_203, %dma_start3A_204] : memref<1280x16xf32, #tpu.memory_space<vmem>> -> memref<128x16xf32, #tpu.memory_space<vmem>>
      %dma_start3A_206 = arith.constant 0 : i32
      %dma_start3A_207 = tpu.memref_slice %arg10[%dma_start3A_202, %dma_start3A_206] : memref<80x128xi32, #tpu.memory_space<vmem>> -> memref<1x128xi32, #tpu.memory_space<vmem>>
      %dma_start3A_208 = tpu.memref_squeeze %dma_start3A_207 : memref<1x128xi32, #tpu.memory_space<vmem>> -> memref<128xi32, #tpu.memory_space<vmem>>
      %dma_start3A_209 = arith.constant 0 : i32
      %dma_start3A_210 = arith.constant 0 : i32
      %dma_start3A_211 = tpu.memref_slice %arg9[%dma_start3A_209, %dma_start3A_210] : memref<10240x16xf32, #tpu.memory_space<vmem_shared>> -> memref<10240x16xf32, #tpu.memory_space<vmem_shared>>
      tpu.enqueue_indirect_dma source(%dma_start3A_211 : memref<10240x16xf32, #tpu.memory_space<vmem_shared>>) target(%dma_start3A_205 : memref<128x16xf32, #tpu.memory_space<vmem>>) offsets(%dma_start3A_208 : memref<128xi32, #tpu.memory_space<vmem>>) semaphore(%arg19 : memref<!tpu.dma_semaphore, #tpu.memory_space<semaphore_mem>>)
      %scan3A_212 = arith.constant 0 : i32
      %scan3A_213 = arith.constant 4 : i32
      %scan3A_214 = arith.addi %scan3A_212, %scan3A_213 : i32
      %scan3A_215 = arith.constant 1 : i32
      scf.for %scan3A_351 = %scan3A_212 to %scan3A_214 step %scan3A_215  : i32 {
        %mul3A_352 = arith.constant 20 : i32
        %mul3A_353 = arith.muli %scan3A_351, %mul3A_352 : i32
        %add3A_354 = arith.constant 0 : i32
        %add3A_355 = arith.addi %add3A_354, %mul3A_353 : i32
        %add3A_356 = arith.constant 10 : i32
        %add3A_357 = arith.addi %add3A_355, %add3A_356 : i32
        %add3A_358 = arith.constant 0 : i32
        %add3A_359 = arith.addi %add3A_357, %add3A_358 : i32
        %dma_start3A_360 = arith.constant 0 : i32
        %dma_start3A_361 = arith.constant 0 : i32
        %dma_start3A_362 = tpu.memref_slice %arg13[%dma_start3A_360, %dma_start3A_361] : memref<1280x16xf32, #tpu.memory_space<vmem>> -> memref<128x16xf32, #tpu.memory_space<vmem>>
        %dma_start3A_363 = arith.constant 0 : i32
        %dma_start3A_364 = tpu.memref_slice %arg10[%add3A_359, %dma_start3A_363] : memref<80x128xi32, #tpu.memory_space<vmem>> -> memref<1x128xi32, #tpu.memory_space<vmem>>
        %dma_start3A_365 = tpu.memref_squeeze %dma_start3A_364 : memref<1x128xi32, #tpu.memory_space<vmem>> -> memref<128xi32, #tpu.memory_space<vmem>>
        %dma_start3A_366 = arith.constant 0 : i32
        %dma_start3A_367 = arith.constant 0 : i32
        %dma_start3A_368 = tpu.memref_slice %arg9[%dma_start3A_366, %dma_start3A_367] : memref<10240x16xf32, #tpu.memory_space<vmem_shared>> -> memref<10240x16xf32, #tpu.memory_space<vmem_shared>>
        tpu.enqueue_indirect_dma source(%dma_start3A_368 : memref<10240x16xf32, #tpu.memory_space<vmem_shared>>) target(%dma_start3A_362 : memref<128x16xf32, #tpu.memory_space<vmem>>) offsets(%dma_start3A_365 : memref<128xi32, #tpu.memory_space<vmem>>) semaphore(%arg20 : memref<!tpu.dma_semaphore, #tpu.memory_space<semaphore_mem>>)
        %add3A_369 = arith.constant 1 : i32
        %add3A_370 = arith.addi %add3A_357, %add3A_369 : i32
        %dma_start3A_371 = arith.constant 128 : i32
        %dma_start3A_372 = arith.constant 0 : i32
        %dma_start3A_373 = tpu.memref_slice %arg13[%dma_start3A_371, %dma_start3A_372] : memref<1280x16xf32, #tpu.memory_space<vmem>> -> memref<128x16xf32, #tpu.memory_space<vmem>>
        %dma_start3A_374 = arith.constant 0 : i32
        %dma_start3A_375 = tpu.memref_slice %arg10[%add3A_370, %dma_start3A_374] : memref<80x128xi32, #tpu.memory_space<vmem>> -> memref<1x128xi32, #tpu.memory_space<vmem>>
        %dma_start3A_376 = tpu.memref_squeeze %dma_start3A_375 : memref<1x128xi32, #tpu.memory_space<vmem>> -> memref<128xi32, #tpu.memory_space<vmem>>
        %dma_start3A_377 = arith.constant 0 : i32
        %dma_start3A_378 = arith.constant 0 : i32
        %dma_start3A_379 = tpu.memref_slice %arg9[%dma_start3A_377, %dma_start3A_378] : memref<10240x16xf32, #tpu.memory_space<vmem_shared>> -> memref<10240x16xf32, #tpu.memory_space<vmem_shared>>
        tpu.enqueue_indirect_dma source(%dma_start3A_379 : memref<10240x16xf32, #tpu.memory_space<vmem_shared>>) target(%dma_start3A_373 : memref<128x16xf32, #tpu.memory_space<vmem>>) offsets(%dma_start3A_376 : memref<128xi32, #tpu.memory_space<vmem>>) semaphore(%arg20 : memref<!tpu.dma_semaphore, #tpu.memory_space<semaphore_mem>>)
        %add3A_380 = arith.constant 2 : i32
        %add3A_381 = arith.addi %add3A_357, %add3A_380 : i32
        %dma_start3A_382 = arith.constant 256 : i32
        %dma_start3A_383 = arith.constant 0 : i32
        %dma_start3A_384 = tpu.memref_slice %arg13[%dma_start3A_382, %dma_start3A_383] : memref<1280x16xf32, #tpu.memory_space<vmem>> -> memref<128x16xf32, #tpu.memory_space<vmem>>
        %dma_start3A_385 = arith.constant 0 : i32
        %dma_start3A_386 = tpu.memref_slice %arg10[%add3A_381, %dma_start3A_385] : memref<80x128xi32, #tpu.memory_space<vmem>> -> memref<1x128xi32, #tpu.memory_space<vmem>>
        %dma_start3A_387 = tpu.memref_squeeze %dma_start3A_386 : memref<1x128xi32, #tpu.memory_space<vmem>> -> memref<128xi32, #tpu.memory_space<vmem>>
        %dma_start3A_388 = arith.constant 0 : i32
        %dma_start3A_389 = arith.constant 0 : i32
        %dma_start3A_390 = tpu.memref_slice %arg9[%dma_start3A_388, %dma_start3A_389] : memref<10240x16xf32, #tpu.memory_space<vmem_shared>> -> memref<10240x16xf32, #tpu.memory_space<vmem_shared>>
        tpu.enqueue_indirect_dma source(%dma_start3A_390 : memref<10240x16xf32, #tpu.memory_space<vmem_shared>>) target(%dma_start3A_384 : memref<128x16xf32, #tpu.memory_space<vmem>>) offsets(%dma_start3A_387 : memref<128xi32, #tpu.memory_space<vmem>>) semaphore(%arg20 : memref<!tpu.dma_semaphore, #tpu.memory_space<semaphore_mem>>)
        %add3A_391 = arith.constant 3 : i32
        %add3A_392 = arith.addi %add3A_357, %add3A_391 : i32
        %dma_start3A_393 = arith.constant 384 : i32
        %dma_start3A_394 = arith.constant 0 : i32
        %dma_start3A_395 = tpu.memref_slice %arg13[%dma_start3A_393, %dma_start3A_394] : memref<1280x16xf32, #tpu.memory_space<vmem>> -> memref<128x16xf32, #tpu.memory_space<vmem>>
        %dma_start3A_396 = arith.constant 0 : i32
        %dma_start3A_397 = tpu.memref_slice %arg10[%add3A_392, %dma_start3A_396] : memref<80x128xi32, #tpu.memory_space<vmem>> -> memref<1x128xi32, #tpu.memory_space<vmem>>
        %dma_start3A_398 = tpu.memref_squeeze %dma_start3A_397 : memref<1x128xi32, #tpu.memory_space<vmem>> -> memref<128xi32, #tpu.memory_space<vmem>>
        %dma_start3A_399 = arith.constant 0 : i32
        %dma_start3A_400 = arith.constant 0 : i32
        %dma_start3A_401 = tpu.memref_slice %arg9[%dma_start3A_399, %dma_start3A_400] : memref<10240x16xf32, #tpu.memory_space<vmem_shared>> -> memref<10240x16xf32, #tpu.memory_space<vmem_shared>>
        tpu.enqueue_indirect_dma source(%dma_start3A_401 : memref<10240x16xf32, #tpu.memory_space<vmem_shared>>) target(%dma_start3A_395 : memref<128x16xf32, #tpu.memory_space<vmem>>) offsets(%dma_start3A_398 : memref<128xi32, #tpu.memory_space<vmem>>) semaphore(%arg20 : memref<!tpu.dma_semaphore, #tpu.memory_space<semaphore_mem>>)
        %add3A_402 = arith.constant 4 : i32
        %add3A_403 = arith.addi %add3A_357, %add3A_402 : i32
        %dma_start3A_404 = arith.constant 512 : i32
        %dma_start3A_405 = arith.constant 0 : i32
        %dma_start3A_406 = tpu.memref_slice %arg13[%dma_start3A_404, %dma_start3A_405] : memref<1280x16xf32, #tpu.memory_space<vmem>> -> memref<128x16xf32, #tpu.memory_space<vmem>>
        %dma_start3A_407 = arith.constant 0 : i32
        %dma_start3A_408 = tpu.memref_slice %arg10[%add3A_403, %dma_start3A_407] : memref<80x128xi32, #tpu.memory_space<vmem>> -> memref<1x128xi32, #tpu.memory_space<vmem>>
        %dma_start3A_409 = tpu.memref_squeeze %dma_start3A_408 : memref<1x128xi32, #tpu.memory_space<vmem>> -> memref<128xi32, #tpu.memory_space<vmem>>
        %dma_start3A_410 = arith.constant 0 : i32
        %dma_start3A_411 = arith.constant 0 : i32
        %dma_start3A_412 = tpu.memref_slice %arg9[%dma_start3A_410, %dma_start3A_411] : memref<10240x16xf32, #tpu.memory_space<vmem_shared>> -> memref<10240x16xf32, #tpu.memory_space<vmem_shared>>
        tpu.enqueue_indirect_dma source(%dma_start3A_412 : memref<10240x16xf32, #tpu.memory_space<vmem_shared>>) target(%dma_start3A_406 : memref<128x16xf32, #tpu.memory_space<vmem>>) offsets(%dma_start3A_409 : memref<128xi32, #tpu.memory_space<vmem>>) semaphore(%arg20 : memref<!tpu.dma_semaphore, #tpu.memory_space<semaphore_mem>>)
        %add3A_413 = arith.constant 5 : i32
        %add3A_414 = arith.addi %add3A_357, %add3A_413 : i32
        %dma_start3A_415 = arith.constant 640 : i32
        %dma_start3A_416 = arith.constant 0 : i32
        %dma_start3A_417 = tpu.memref_slice %arg13[%dma_start3A_415, %dma_start3A_416] : memref<1280x16xf32, #tpu.memory_space<vmem>> -> memref<128x16xf32, #tpu.memory_space<vmem>>
        %dma_start3A_418 = arith.constant 0 : i32
        %dma_start3A_419 = tpu.memref_slice %arg10[%add3A_414, %dma_start3A_418] : memref<80x128xi32, #tpu.memory_space<vmem>> -> memref<1x128xi32, #tpu.memory_space<vmem>>
        %dma_start3A_420 = tpu.memref_squeeze %dma_start3A_419 : memref<1x128xi32, #tpu.memory_space<vmem>> -> memref<128xi32, #tpu.memory_space<vmem>>
        %dma_start3A_421 = arith.constant 0 : i32
        %dma_start3A_422 = arith.constant 0 : i32
        %dma_start3A_423 = tpu.memref_slice %arg9[%dma_start3A_421, %dma_start3A_422] : memref<10240x16xf32, #tpu.memory_space<vmem_shared>> -> memref<10240x16xf32, #tpu.memory_space<vmem_shared>>
        tpu.enqueue_indirect_dma source(%dma_start3A_423 : memref<10240x16xf32, #tpu.memory_space<vmem_shared>>) target(%dma_start3A_417 : memref<128x16xf32, #tpu.memory_space<vmem>>) offsets(%dma_start3A_420 : memref<128xi32, #tpu.memory_space<vmem>>) semaphore(%arg20 : memref<!tpu.dma_semaphore, #tpu.memory_space<semaphore_mem>>)
        %add3A_424 = arith.constant 6 : i32
        %add3A_425 = arith.addi %add3A_357, %add3A_424 : i32
        %dma_start3A_426 = arith.constant 768 : i32
        %dma_start3A_427 = arith.constant 0 : i32
        %dma_start3A_428 = tpu.memref_slice %arg13[%dma_start3A_426, %dma_start3A_427] : memref<1280x16xf32, #tpu.memory_space<vmem>> -> memref<128x16xf32, #tpu.memory_space<vmem>>
        %dma_start3A_429 = arith.constant 0 : i32
        %dma_start3A_430 = tpu.memref_slice %arg10[%add3A_425, %dma_start3A_429] : memref<80x128xi32, #tpu.memory_space<vmem>> -> memref<1x128xi32, #tpu.memory_space<vmem>>
        %dma_start3A_431 = tpu.memref_squeeze %dma_start3A_430 : memref<1x128xi32, #tpu.memory_space<vmem>> -> memref<128xi32, #tpu.memory_space<vmem>>
        %dma_start3A_432 = arith.constant 0 : i32
        %dma_start3A_433 = arith.constant 0 : i32
        %dma_start3A_434 = tpu.memref_slice %arg9[%dma_start3A_432, %dma_start3A_433] : memref<10240x16xf32, #tpu.memory_space<vmem_shared>> -> memref<10240x16xf32, #tpu.memory_space<vmem_shared>>
        tpu.enqueue_indirect_dma source(%dma_start3A_434 : memref<10240x16xf32, #tpu.memory_space<vmem_shared>>) target(%dma_start3A_428 : memref<128x16xf32, #tpu.memory_space<vmem>>) offsets(%dma_start3A_431 : memref<128xi32, #tpu.memory_space<vmem>>) semaphore(%arg20 : memref<!tpu.dma_semaphore, #tpu.memory_space<semaphore_mem>>)
        %add3A_435 = arith.constant 7 : i32
        %add3A_436 = arith.addi %add3A_357, %add3A_435 : i32
        %dma_start3A_437 = arith.constant 896 : i32
        %dma_start3A_438 = arith.constant 0 : i32
        %dma_start3A_439 = tpu.memref_slice %arg13[%dma_start3A_437, %dma_start3A_438] : memref<1280x16xf32, #tpu.memory_space<vmem>> -> memref<128x16xf32, #tpu.memory_space<vmem>>
        %dma_start3A_440 = arith.constant 0 : i32
        %dma_start3A_441 = tpu.memref_slice %arg10[%add3A_436, %dma_start3A_440] : memref<80x128xi32, #tpu.memory_space<vmem>> -> memref<1x128xi32, #tpu.memory_space<vmem>>
        %dma_start3A_442 = tpu.memref_squeeze %dma_start3A_441 : memref<1x128xi32, #tpu.memory_space<vmem>> -> memref<128xi32, #tpu.memory_space<vmem>>
        %dma_start3A_443 = arith.constant 0 : i32
        %dma_start3A_444 = arith.constant 0 : i32
        %dma_start3A_445 = tpu.memref_slice %arg9[%dma_start3A_443, %dma_start3A_444] : memref<10240x16xf32, #tpu.memory_space<vmem_shared>> -> memref<10240x16xf32, #tpu.memory_space<vmem_shared>>
        tpu.enqueue_indirect_dma source(%dma_start3A_445 : memref<10240x16xf32, #tpu.memory_space<vmem_shared>>) target(%dma_start3A_439 : memref<128x16xf32, #tpu.memory_space<vmem>>) offsets(%dma_start3A_442 : memref<128xi32, #tpu.memory_space<vmem>>) semaphore(%arg20 : memref<!tpu.dma_semaphore, #tpu.memory_space<semaphore_mem>>)
        %add3A_446 = arith.constant 8 : i32
        %add3A_447 = arith.addi %add3A_357, %add3A_446 : i32
        %dma_start3A_448 = arith.constant 1024 : i32
        %dma_start3A_449 = arith.constant 0 : i32
        %dma_start3A_450 = tpu.memref_slice %arg13[%dma_start3A_448, %dma_start3A_449] : memref<1280x16xf32, #tpu.memory_space<vmem>> -> memref<128x16xf32, #tpu.memory_space<vmem>>
        %dma_start3A_451 = arith.constant 0 : i32
        %dma_start3A_452 = tpu.memref_slice %arg10[%add3A_447, %dma_start3A_451] : memref<80x128xi32, #tpu.memory_space<vmem>> -> memref<1x128xi32, #tpu.memory_space<vmem>>
        %dma_start3A_453 = tpu.memref_squeeze %dma_start3A_452 : memref<1x128xi32, #tpu.memory_space<vmem>> -> memref<128xi32, #tpu.memory_space<vmem>>
        %dma_start3A_454 = arith.constant 0 : i32
        %dma_start3A_455 = arith.constant 0 : i32
        %dma_start3A_456 = tpu.memref_slice %arg9[%dma_start3A_454, %dma_start3A_455] : memref<10240x16xf32, #tpu.memory_space<vmem_shared>> -> memref<10240x16xf32, #tpu.memory_space<vmem_shared>>
        tpu.enqueue_indirect_dma source(%dma_start3A_456 : memref<10240x16xf32, #tpu.memory_space<vmem_shared>>) target(%dma_start3A_450 : memref<128x16xf32, #tpu.memory_space<vmem>>) offsets(%dma_start3A_453 : memref<128xi32, #tpu.memory_space<vmem>>) semaphore(%arg20 : memref<!tpu.dma_semaphore, #tpu.memory_space<semaphore_mem>>)
        %add3A_457 = arith.constant 9 : i32
        %add3A_458 = arith.addi %add3A_357, %add3A_457 : i32
        %dma_start3A_459 = arith.constant 1152 : i32
        %dma_start3A_460 = arith.constant 0 : i32
        %dma_start3A_461 = tpu.memref_slice %arg13[%dma_start3A_459, %dma_start3A_460] : memref<1280x16xf32, #tpu.memory_space<vmem>> -> memref<128x16xf32, #tpu.memory_space<vmem>>
        %dma_start3A_462 = arith.constant 0 : i32
        %dma_start3A_463 = tpu.memref_slice %arg10[%add3A_458, %dma_start3A_462] : memref<80x128xi32, #tpu.memory_space<vmem>> -> memref<1x128xi32, #tpu.memory_space<vmem>>
        %dma_start3A_464 = tpu.memref_squeeze %dma_start3A_463 : memref<1x128xi32, #tpu.memory_space<vmem>> -> memref<128xi32, #tpu.memory_space<vmem>>
        %dma_start3A_465 = arith.constant 0 : i32
        %dma_start3A_466 = arith.constant 0 : i32
        %dma_start3A_467 = tpu.memref_slice %arg9[%dma_start3A_465, %dma_start3A_466] : memref<10240x16xf32, #tpu.memory_space<vmem_shared>> -> memref<10240x16xf32, #tpu.memory_space<vmem_shared>>
        tpu.enqueue_indirect_dma source(%dma_start3A_467 : memref<10240x16xf32, #tpu.memory_space<vmem_shared>>) target(%dma_start3A_461 : memref<128x16xf32, #tpu.memory_space<vmem>>) offsets(%dma_start3A_464 : memref<128xi32, #tpu.memory_space<vmem>>) semaphore(%arg20 : memref<!tpu.dma_semaphore, #tpu.memory_space<semaphore_mem>>)
        %add3A_468 = arith.constant 0 : i32
        %add3A_469 = arith.addi %add3A_355, %add3A_468 : i32
        %dma_wait3A_470 = arith.constant 0 : i32
        %dma_wait3A_471 = arith.constant 0 : i32
        %dma_wait3A_472 = tpu.memref_slice %arg12[%dma_wait3A_470, %dma_wait3A_471] : memref<1280x16xf32, #tpu.memory_space<vmem>> -> memref<128x16xf32, #tpu.memory_space<vmem>>
        %dma_wait3A_473 = arith.constant 0 : i32
        %dma_wait3A_474 = tpu.memref_slice %arg10[%add3A_469, %dma_wait3A_473] : memref<80x128xi32, #tpu.memory_space<vmem>> -> memref<1x128xi32, #tpu.memory_space<vmem>>
        %dma_wait3A_475 = tpu.memref_squeeze %dma_wait3A_474 : memref<1x128xi32, #tpu.memory_space<vmem>> -> memref<128xi32, #tpu.memory_space<vmem>>
        %dma_wait3A_476 = arith.constant 0 : i32
        %dma_wait3A_477 = arith.constant 0 : i32
        %dma_wait3A_478 = tpu.memref_slice %arg9[%dma_wait3A_476, %dma_wait3A_477] : memref<10240x16xf32, #tpu.memory_space<vmem_shared>> -> memref<10240x16xf32, #tpu.memory_space<vmem_shared>>
        tpu.wait_indirect_dma semaphore(%arg19 : memref<!tpu.dma_semaphore, #tpu.memory_space<semaphore_mem>>) src(%dma_wait3A_478 : memref<10240x16xf32, #tpu.memory_space<vmem_shared>>) dst(%dma_wait3A_472 : memref<128x16xf32, #tpu.memory_space<vmem>>)
        %add3A_479 = arith.constant 1 : i32
        %add3A_480 = arith.addi %add3A_355, %add3A_479 : i32
        %dma_wait3A_481 = arith.constant 128 : i32
        %dma_wait3A_482 = arith.constant 0 : i32
        %dma_wait3A_483 = tpu.memref_slice %arg12[%dma_wait3A_481, %dma_wait3A_482] : memref<1280x16xf32, #tpu.memory_space<vmem>> -> memref<128x16xf32, #tpu.memory_space<vmem>>
        %dma_wait3A_484 = arith.constant 0 : i32
        %dma_wait3A_485 = tpu.memref_slice %arg10[%add3A_480, %dma_wait3A_484] : memref<80x128xi32, #tpu.memory_space<vmem>> -> memref<1x128xi32, #tpu.memory_space<vmem>>
        %dma_wait3A_486 = tpu.memref_squeeze %dma_wait3A_485 : memref<1x128xi32, #tpu.memory_space<vmem>> -> memref<128xi32, #tpu.memory_space<vmem>>
        %dma_wait3A_487 = arith.constant 0 : i32
        %dma_wait3A_488 = arith.constant 0 : i32
        %dma_wait3A_489 = tpu.memref_slice %arg9[%dma_wait3A_487, %dma_wait3A_488] : memref<10240x16xf32, #tpu.memory_space<vmem_shared>> -> memref<10240x16xf32, #tpu.memory_space<vmem_shared>>
        tpu.wait_indirect_dma semaphore(%arg19 : memref<!tpu.dma_semaphore, #tpu.memory_space<semaphore_mem>>) src(%dma_wait3A_489 : memref<10240x16xf32, #tpu.memory_space<vmem_shared>>) dst(%dma_wait3A_483 : memref<128x16xf32, #tpu.memory_space<vmem>>)
        %add3A_490 = arith.constant 2 : i32
        %add3A_491 = arith.addi %add3A_355, %add3A_490 : i32
        %dma_wait3A_492 = arith.constant 256 : i32
        %dma_wait3A_493 = arith.constant 0 : i32
        %dma_wait3A_494 = tpu.memref_slice %arg12[%dma_wait3A_492, %dma_wait3A_493] : memref<1280x16xf32, #tpu.memory_space<vmem>> -> memref<128x16xf32, #tpu.memory_space<vmem>>
        %dma_wait3A_495 = arith.constant 0 : i32
        %dma_wait3A_496 = tpu.memref_slice %arg10[%add3A_491, %dma_wait3A_495] : memref<80x128xi32, #tpu.memory_space<vmem>> -> memref<1x128xi32, #tpu.memory_space<vmem>>
        %dma_wait3A_497 = tpu.memref_squeeze %dma_wait3A_496 : memref<1x128xi32, #tpu.memory_space<vmem>> -> memref<128xi32, #tpu.memory_space<vmem>>
        %dma_wait3A_498 = arith.constant 0 : i32
        %dma_wait3A_499 = arith.constant 0 : i32
        %dma_wait3A_500 = tpu.memref_slice %arg9[%dma_wait3A_498, %dma_wait3A_499] : memref<10240x16xf32, #tpu.memory_space<vmem_shared>> -> memref<10240x16xf32, #tpu.memory_space<vmem_shared>>
        tpu.wait_indirect_dma semaphore(%arg19 : memref<!tpu.dma_semaphore, #tpu.memory_space<semaphore_mem>>) src(%dma_wait3A_500 : memref<10240x16xf32, #tpu.memory_space<vmem_shared>>) dst(%dma_wait3A_494 : memref<128x16xf32, #tpu.memory_space<vmem>>)
        %add3A_501 = arith.constant 3 : i32
        %add3A_502 = arith.addi %add3A_355, %add3A_501 : i32
        %dma_wait3A_503 = arith.constant 384 : i32
        %dma_wait3A_504 = arith.constant 0 : i32
        %dma_wait3A_505 = tpu.memref_slice %arg12[%dma_wait3A_503, %dma_wait3A_504] : memref<1280x16xf32, #tpu.memory_space<vmem>> -> memref<128x16xf32, #tpu.memory_space<vmem>>
        %dma_wait3A_506 = arith.constant 0 : i32
        %dma_wait3A_507 = tpu.memref_slice %arg10[%add3A_502, %dma_wait3A_506] : memref<80x128xi32, #tpu.memory_space<vmem>> -> memref<1x128xi32, #tpu.memory_space<vmem>>
        %dma_wait3A_508 = tpu.memref_squeeze %dma_wait3A_507 : memref<1x128xi32, #tpu.memory_space<vmem>> -> memref<128xi32, #tpu.memory_space<vmem>>
        %dma_wait3A_509 = arith.constant 0 : i32
        %dma_wait3A_510 = arith.constant 0 : i32
        %dma_wait3A_511 = tpu.memref_slice %arg9[%dma_wait3A_509, %dma_wait3A_510] : memref<10240x16xf32, #tpu.memory_space<vmem_shared>> -> memref<10240x16xf32, #tpu.memory_space<vmem_shared>>
        tpu.wait_indirect_dma semaphore(%arg19 : memref<!tpu.dma_semaphore, #tpu.memory_space<semaphore_mem>>) src(%dma_wait3A_511 : memref<10240x16xf32, #tpu.memory_space<vmem_shared>>) dst(%dma_wait3A_505 : memref<128x16xf32, #tpu.memory_space<vmem>>)
        %add3A_512 = arith.constant 4 : i32
        %add3A_513 = arith.addi %add3A_355, %add3A_512 : i32
        %dma_wait3A_514 = arith.constant 512 : i32
        %dma_wait3A_515 = arith.constant 0 : i32
        %dma_wait3A_516 = tpu.memref_slice %arg12[%dma_wait3A_514, %dma_wait3A_515] : memref<1280x16xf32, #tpu.memory_space<vmem>> -> memref<128x16xf32, #tpu.memory_space<vmem>>
        %dma_wait3A_517 = arith.constant 0 : i32
        %dma_wait3A_518 = tpu.memref_slice %arg10[%add3A_513, %dma_wait3A_517] : memref<80x128xi32, #tpu.memory_space<vmem>> -> memref<1x128xi32, #tpu.memory_space<vmem>>
        %dma_wait3A_519 = tpu.memref_squeeze %dma_wait3A_518 : memref<1x128xi32, #tpu.memory_space<vmem>> -> memref<128xi32, #tpu.memory_space<vmem>>
        %dma_wait3A_520 = arith.constant 0 : i32
        %dma_wait3A_521 = arith.constant 0 : i32
        %dma_wait3A_522 = tpu.memref_slice %arg9[%dma_wait3A_520, %dma_wait3A_521] : memref<10240x16xf32, #tpu.memory_space<vmem_shared>> -> memref<10240x16xf32, #tpu.memory_space<vmem_shared>>
        tpu.wait_indirect_dma semaphore(%arg19 : memref<!tpu.dma_semaphore, #tpu.memory_space<semaphore_mem>>) src(%dma_wait3A_522 : memref<10240x16xf32, #tpu.memory_space<vmem_shared>>) dst(%dma_wait3A_516 : memref<128x16xf32, #tpu.memory_space<vmem>>)
        %add3A_523 = arith.constant 5 : i32
        %add3A_524 = arith.addi %add3A_355, %add3A_523 : i32
        %dma_wait3A_525 = arith.constant 640 : i32
        %dma_wait3A_526 = arith.constant 0 : i32
        %dma_wait3A_527 = tpu.memref_slice %arg12[%dma_wait3A_525, %dma_wait3A_526] : memref<1280x16xf32, #tpu.memory_space<vmem>> -> memref<128x16xf32, #tpu.memory_space<vmem>>
        %dma_wait3A_528 = arith.constant 0 : i32
        %dma_wait3A_529 = tpu.memref_slice %arg10[%add3A_524, %dma_wait3A_528] : memref<80x128xi32, #tpu.memory_space<vmem>> -> memref<1x128xi32, #tpu.memory_space<vmem>>
        %dma_wait3A_530 = tpu.memref_squeeze %dma_wait3A_529 : memref<1x128xi32, #tpu.memory_space<vmem>> -> memref<128xi32, #tpu.memory_space<vmem>>
        %dma_wait3A_531 = arith.constant 0 : i32
        %dma_wait3A_532 = arith.constant 0 : i32
        %dma_wait3A_533 = tpu.memref_slice %arg9[%dma_wait3A_531, %dma_wait3A_532] : memref<10240x16xf32, #tpu.memory_space<vmem_shared>> -> memref<10240x16xf32, #tpu.memory_space<vmem_shared>>
        tpu.wait_indirect_dma semaphore(%arg19 : memref<!tpu.dma_semaphore, #tpu.memory_space<semaphore_mem>>) src(%dma_wait3A_533 : memref<10240x16xf32, #tpu.memory_space<vmem_shared>>) dst(%dma_wait3A_527 : memref<128x16xf32, #tpu.memory_space<vmem>>)
        %add3A_534 = arith.constant 6 : i32
        %add3A_535 = arith.addi %add3A_355, %add3A_534 : i32
        %dma_wait3A_536 = arith.constant 768 : i32
        %dma_wait3A_537 = arith.constant 0 : i32
        %dma_wait3A_538 = tpu.memref_slice %arg12[%dma_wait3A_536, %dma_wait3A_537] : memref<1280x16xf32, #tpu.memory_space<vmem>> -> memref<128x16xf32, #tpu.memory_space<vmem>>
        %dma_wait3A_539 = arith.constant 0 : i32
        %dma_wait3A_540 = tpu.memref_slice %arg10[%add3A_535, %dma_wait3A_539] : memref<80x128xi32, #tpu.memory_space<vmem>> -> memref<1x128xi32, #tpu.memory_space<vmem>>
        %dma_wait3A_541 = tpu.memref_squeeze %dma_wait3A_540 : memref<1x128xi32, #tpu.memory_space<vmem>> -> memref<128xi32, #tpu.memory_space<vmem>>
        %dma_wait3A_542 = arith.constant 0 : i32
        %dma_wait3A_543 = arith.constant 0 : i32
        %dma_wait3A_544 = tpu.memref_slice %arg9[%dma_wait3A_542, %dma_wait3A_543] : memref<10240x16xf32, #tpu.memory_space<vmem_shared>> -> memref<10240x16xf32, #tpu.memory_space<vmem_shared>>
        tpu.wait_indirect_dma semaphore(%arg19 : memref<!tpu.dma_semaphore, #tpu.memory_space<semaphore_mem>>) src(%dma_wait3A_544 : memref<10240x16xf32, #tpu.memory_space<vmem_shared>>) dst(%dma_wait3A_538 : memref<128x16xf32, #tpu.memory_space<vmem>>)
        %add3A_545 = arith.constant 7 : i32
        %add3A_546 = arith.addi %add3A_355, %add3A_545 : i32
        %dma_wait3A_547 = arith.constant 896 : i32
        %dma_wait3A_548 = arith.constant 0 : i32
        %dma_wait3A_549 = tpu.memref_slice %arg12[%dma_wait3A_547, %dma_wait3A_548] : memref<1280x16xf32, #tpu.memory_space<vmem>> -> memref<128x16xf32, #tpu.memory_space<vmem>>
        %dma_wait3A_550 = arith.constant 0 : i32
        %dma_wait3A_551 = tpu.memref_slice %arg10[%add3A_546, %dma_wait3A_550] : memref<80x128xi32, #tpu.memory_space<vmem>> -> memref<1x128xi32, #tpu.memory_space<vmem>>
        %dma_wait3A_552 = tpu.memref_squeeze %dma_wait3A_551 : memref<1x128xi32, #tpu.memory_space<vmem>> -> memref<128xi32, #tpu.memory_space<vmem>>
        %dma_wait3A_553 = arith.constant 0 : i32
        %dma_wait3A_554 = arith.constant 0 : i32
        %dma_wait3A_555 = tpu.memref_slice %arg9[%dma_wait3A_553, %dma_wait3A_554] : memref<10240x16xf32, #tpu.memory_space<vmem_shared>> -> memref<10240x16xf32, #tpu.memory_space<vmem_shared>>
        tpu.wait_indirect_dma semaphore(%arg19 : memref<!tpu.dma_semaphore, #tpu.memory_space<semaphore_mem>>) src(%dma_wait3A_555 : memref<10240x16xf32, #tpu.memory_space<vmem_shared>>) dst(%dma_wait3A_549 : memref<128x16xf32, #tpu.memory_space<vmem>>)
        %add3A_556 = arith.constant 8 : i32
        %add3A_557 = arith.addi %add3A_355, %add3A_556 : i32
        %dma_wait3A_558 = arith.constant 1024 : i32
        %dma_wait3A_559 = arith.constant 0 : i32
        %dma_wait3A_560 = tpu.memref_slice %arg12[%dma_wait3A_558, %dma_wait3A_559] : memref<1280x16xf32, #tpu.memory_space<vmem>> -> memref<128x16xf32, #tpu.memory_space<vmem>>
        %dma_wait3A_561 = arith.constant 0 : i32
        %dma_wait3A_562 = tpu.memref_slice %arg10[%add3A_557, %dma_wait3A_561] : memref<80x128xi32, #tpu.memory_space<vmem>> -> memref<1x128xi32, #tpu.memory_space<vmem>>
        %dma_wait3A_563 = tpu.memref_squeeze %dma_wait3A_562 : memref<1x128xi32, #tpu.memory_space<vmem>> -> memref<128xi32, #tpu.memory_space<vmem>>
        %dma_wait3A_564 = arith.constant 0 : i32
        %dma_wait3A_565 = arith.constant 0 : i32
        %dma_wait3A_566 = tpu.memref_slice %arg9[%dma_wait3A_564, %dma_wait3A_565] : memref<10240x16xf32, #tpu.memory_space<vmem_shared>> -> memref<10240x16xf32, #tpu.memory_space<vmem_shared>>
        tpu.wait_indirect_dma semaphore(%arg19 : memref<!tpu.dma_semaphore, #tpu.memory_space<semaphore_mem>>) src(%dma_wait3A_566 : memref<10240x16xf32, #tpu.memory_space<vmem_shared>>) dst(%dma_wait3A_560 : memref<128x16xf32, #tpu.memory_space<vmem>>)
        %add3A_567 = arith.constant 9 : i32
        %add3A_568 = arith.addi %add3A_355, %add3A_567 : i32
        %dma_wait3A_569 = arith.constant 1152 : i32
        %dma_wait3A_570 = arith.constant 0 : i32
        %dma_wait3A_571 = tpu.memref_slice %arg12[%dma_wait3A_569, %dma_wait3A_570] : memref<1280x16xf32, #tpu.memory_space<vmem>> -> memref<128x16xf32, #tpu.memory_space<vmem>>
        %dma_wait3A_572 = arith.constant 0 : i32
        %dma_wait3A_573 = tpu.memref_slice %arg10[%add3A_568, %dma_wait3A_572] : memref<80x128xi32, #tpu.memory_space<vmem>> -> memref<1x128xi32, #tpu.memory_space<vmem>>
        %dma_wait3A_574 = tpu.memref_squeeze %dma_wait3A_573 : memref<1x128xi32, #tpu.memory_space<vmem>> -> memref<128xi32, #tpu.memory_space<vmem>>
        %dma_wait3A_575 = arith.constant 0 : i32
        %dma_wait3A_576 = arith.constant 0 : i32
        %dma_wait3A_577 = tpu.memref_slice %arg9[%dma_wait3A_575, %dma_wait3A_576] : memref<10240x16xf32, #tpu.memory_space<vmem_shared>> -> memref<10240x16xf32, #tpu.memory_space<vmem_shared>>
        tpu.wait_indirect_dma semaphore(%arg19 : memref<!tpu.dma_semaphore, #tpu.memory_space<semaphore_mem>>) src(%dma_wait3A_577 : memref<10240x16xf32, #tpu.memory_space<vmem_shared>>) dst(%dma_wait3A_571 : memref<128x16xf32, #tpu.memory_space<vmem>>)
        %add3A_578 = arith.constant 0 : i32
        %add3A_579 = arith.addi %add3A_355, %add3A_578 : i32
        %dma_start3A_580 = arith.constant 0 : i32
        %dma_start3A_581 = arith.constant 0 : i32
        %dma_start3A_582 = tpu.memref_slice %arg12[%dma_start3A_580, %dma_start3A_581] : memref<1280x16xf32, #tpu.memory_space<vmem>> -> memref<128x16xf32, #tpu.memory_space<vmem>>
        %dma_start3A_583 = arith.constant 0 : i32
        %dma_start3A_584 = tpu.memref_slice %arg11[%add3A_579, %dma_start3A_583] : memref<80x128xi32, #tpu.memory_space<vmem>> -> memref<1x128xi32, #tpu.memory_space<vmem>>
        %dma_start3A_585 = tpu.memref_squeeze %dma_start3A_584 : memref<1x128xi32, #tpu.memory_space<vmem>> -> memref<128xi32, #tpu.memory_space<vmem>>
        %dma_start3A_586 = arith.constant 0 : i32
        %dma_start3A_587 = arith.constant 0 : i32
        %dma_start3A_588 = tpu.memref_slice %arg8[%dma_start3A_586, %dma_start3A_587] : memref<10240x16xf32, #tpu.memory_space<vmem_shared>> -> memref<10240x16xf32, #tpu.memory_space<vmem_shared>>
        tpu.enqueue_indirect_dma source(%dma_start3A_582 : memref<128x16xf32, #tpu.memory_space<vmem>>) target(%dma_start3A_588 : memref<10240x16xf32, #tpu.memory_space<vmem_shared>>) offsets(%dma_start3A_585 : memref<128xi32, #tpu.memory_space<vmem>>) semaphore(%arg21 : memref<!tpu.dma_semaphore, #tpu.memory_space<semaphore_mem>>) {add = true}
        %add3A_589 = arith.constant 1 : i32
        %add3A_590 = arith.addi %add3A_355, %add3A_589 : i32
        %dma_start3A_591 = arith.constant 128 : i32
        %dma_start3A_592 = arith.constant 0 : i32
        %dma_start3A_593 = tpu.memref_slice %arg12[%dma_start3A_591, %dma_start3A_592] : memref<1280x16xf32, #tpu.memory_space<vmem>> -> memref<128x16xf32, #tpu.memory_space<vmem>>
        %dma_start3A_594 = arith.constant 0 : i32
        %dma_start3A_595 = tpu.memref_slice %arg11[%add3A_590, %dma_start3A_594] : memref<80x128xi32, #tpu.memory_space<vmem>> -> memref<1x128xi32, #tpu.memory_space<vmem>>
        %dma_start3A_596 = tpu.memref_squeeze %dma_start3A_595 : memref<1x128xi32, #tpu.memory_space<vmem>> -> memref<128xi32, #tpu.memory_space<vmem>>
        %dma_start3A_597 = arith.constant 0 : i32
        %dma_start3A_598 = arith.constant 0 : i32
        %dma_start3A_599 = tpu.memref_slice %arg8[%dma_start3A_597, %dma_start3A_598] : memref<10240x16xf32, #tpu.memory_space<vmem_shared>> -> memref<10240x16xf32, #tpu.memory_space<vmem_shared>>
        tpu.enqueue_indirect_dma source(%dma_start3A_593 : memref<128x16xf32, #tpu.memory_space<vmem>>) target(%dma_start3A_599 : memref<10240x16xf32, #tpu.memory_space<vmem_shared>>) offsets(%dma_start3A_596 : memref<128xi32, #tpu.memory_space<vmem>>) semaphore(%arg21 : memref<!tpu.dma_semaphore, #tpu.memory_space<semaphore_mem>>) {add = true}
        %add3A_600 = arith.constant 2 : i32
        %add3A_601 = arith.addi %add3A_355, %add3A_600 : i32
        %dma_start3A_602 = arith.constant 256 : i32
        %dma_start3A_603 = arith.constant 0 : i32
        %dma_start3A_604 = tpu.memref_slice %arg12[%dma_start3A_602, %dma_start3A_603] : memref<1280x16xf32, #tpu.memory_space<vmem>> -> memref<128x16xf32, #tpu.memory_space<vmem>>
        %dma_start3A_605 = arith.constant 0 : i32
        %dma_start3A_606 = tpu.memref_slice %arg11[%add3A_601, %dma_start3A_605] : memref<80x128xi32, #tpu.memory_space<vmem>> -> memref<1x128xi32, #tpu.memory_space<vmem>>
        %dma_start3A_607 = tpu.memref_squeeze %dma_start3A_606 : memref<1x128xi32, #tpu.memory_space<vmem>> -> memref<128xi32, #tpu.memory_space<vmem>>
        %dma_start3A_608 = arith.constant 0 : i32
        %dma_start3A_609 = arith.constant 0 : i32
        %dma_start3A_610 = tpu.memref_slice %arg8[%dma_start3A_608, %dma_start3A_609] : memref<10240x16xf32, #tpu.memory_space<vmem_shared>> -> memref<10240x16xf32, #tpu.memory_space<vmem_shared>>
        tpu.enqueue_indirect_dma source(%dma_start3A_604 : memref<128x16xf32, #tpu.memory_space<vmem>>) target(%dma_start3A_610 : memref<10240x16xf32, #tpu.memory_space<vmem_shared>>) offsets(%dma_start3A_607 : memref<128xi32, #tpu.memory_space<vmem>>) semaphore(%arg21 : memref<!tpu.dma_semaphore, #tpu.memory_space<semaphore_mem>>) {add = true}
        %add3A_611 = arith.constant 3 : i32
        %add3A_612 = arith.addi %add3A_355, %add3A_611 : i32
        %dma_start3A_613 = arith.constant 384 : i32
        %dma_start3A_614 = arith.constant 0 : i32
        %dma_start3A_615 = tpu.memref_slice %arg12[%dma_start3A_613, %dma_start3A_614] : memref<1280x16xf32, #tpu.memory_space<vmem>> -> memref<128x16xf32, #tpu.memory_space<vmem>>
        %dma_start3A_616 = arith.constant 0 : i32
        %dma_start3A_617 = tpu.memref_slice %arg11[%add3A_612, %dma_start3A_616] : memref<80x128xi32, #tpu.memory_space<vmem>> -> memref<1x128xi32, #tpu.memory_space<vmem>>
        %dma_start3A_618 = tpu.memref_squeeze %dma_start3A_617 : memref<1x128xi32, #tpu.memory_space<vmem>> -> memref<128xi32, #tpu.memory_space<vmem>>
        %dma_start3A_619 = arith.constant 0 : i32
        %dma_start3A_620 = arith.constant 0 : i32
        %dma_start3A_621 = tpu.memref_slice %arg8[%dma_start3A_619, %dma_start3A_620] : memref<10240x16xf32, #tpu.memory_space<vmem_shared>> -> memref<10240x16xf32, #tpu.memory_space<vmem_shared>>
        tpu.enqueue_indirect_dma source(%dma_start3A_615 : memref<128x16xf32, #tpu.memory_space<vmem>>) target(%dma_start3A_621 : memref<10240x16xf32, #tpu.memory_space<vmem_shared>>) offsets(%dma_start3A_618 : memref<128xi32, #tpu.memory_space<vmem>>) semaphore(%arg21 : memref<!tpu.dma_semaphore, #tpu.memory_space<semaphore_mem>>) {add = true}
        %add3A_622 = arith.constant 4 : i32
        %add3A_623 = arith.addi %add3A_355, %add3A_622 : i32
        %dma_start3A_624 = arith.constant 512 : i32
        %dma_start3A_625 = arith.constant 0 : i32
        %dma_start3A_626 = tpu.memref_slice %arg12[%dma_start3A_624, %dma_start3A_625] : memref<1280x16xf32, #tpu.memory_space<vmem>> -> memref<128x16xf32, #tpu.memory_space<vmem>>
        %dma_start3A_627 = arith.constant 0 : i32
        %dma_start3A_628 = tpu.memref_slice %arg11[%add3A_623, %dma_start3A_627] : memref<80x128xi32, #tpu.memory_space<vmem>> -> memref<1x128xi32, #tpu.memory_space<vmem>>
        %dma_start3A_629 = tpu.memref_squeeze %dma_start3A_628 : memref<1x128xi32, #tpu.memory_space<vmem>> -> memref<128xi32, #tpu.memory_space<vmem>>
        %dma_start3A_630 = arith.constant 0 : i32
        %dma_start3A_631 = arith.constant 0 : i32
        %dma_start3A_632 = tpu.memref_slice %arg8[%dma_start3A_630, %dma_start3A_631] : memref<10240x16xf32, #tpu.memory_space<vmem_shared>> -> memref<10240x16xf32, #tpu.memory_space<vmem_shared>>
        tpu.enqueue_indirect_dma source(%dma_start3A_626 : memref<128x16xf32, #tpu.memory_space<vmem>>) target(%dma_start3A_632 : memref<10240x16xf32, #tpu.memory_space<vmem_shared>>) offsets(%dma_start3A_629 : memref<128xi32, #tpu.memory_space<vmem>>) semaphore(%arg21 : memref<!tpu.dma_semaphore, #tpu.memory_space<semaphore_mem>>) {add = true}
        %add3A_633 = arith.constant 5 : i32
        %add3A_634 = arith.addi %add3A_355, %add3A_633 : i32
        %dma_start3A_635 = arith.constant 640 : i32
        %dma_start3A_636 = arith.constant 0 : i32
        %dma_start3A_637 = tpu.memref_slice %arg12[%dma_start3A_635, %dma_start3A_636] : memref<1280x16xf32, #tpu.memory_space<vmem>> -> memref<128x16xf32, #tpu.memory_space<vmem>>
        %dma_start3A_638 = arith.constant 0 : i32
        %dma_start3A_639 = tpu.memref_slice %arg11[%add3A_634, %dma_start3A_638] : memref<80x128xi32, #tpu.memory_space<vmem>> -> memref<1x128xi32, #tpu.memory_space<vmem>>
        %dma_start3A_640 = tpu.memref_squeeze %dma_start3A_639 : memref<1x128xi32, #tpu.memory_space<vmem>> -> memref<128xi32, #tpu.memory_space<vmem>>
        %dma_start3A_641 = arith.constant 0 : i32
        %dma_start3A_642 = arith.constant 0 : i32
        %dma_start3A_643 = tpu.memref_slice %arg8[%dma_start3A_641, %dma_start3A_642] : memref<10240x16xf32, #tpu.memory_space<vmem_shared>> -> memref<10240x16xf32, #tpu.memory_space<vmem_shared>>
        tpu.enqueue_indirect_dma source(%dma_start3A_637 : memref<128x16xf32, #tpu.memory_space<vmem>>) target(%dma_start3A_643 : memref<10240x16xf32, #tpu.memory_space<vmem_shared>>) offsets(%dma_start3A_640 : memref<128xi32, #tpu.memory_space<vmem>>) semaphore(%arg21 : memref<!tpu.dma_semaphore, #tpu.memory_space<semaphore_mem>>) {add = true}
        %add3A_644 = arith.constant 6 : i32
        %add3A_645 = arith.addi %add3A_355, %add3A_644 : i32
        %dma_start3A_646 = arith.constant 768 : i32
        %dma_start3A_647 = arith.constant 0 : i32
        %dma_start3A_648 = tpu.memref_slice %arg12[%dma_start3A_646, %dma_start3A_647] : memref<1280x16xf32, #tpu.memory_space<vmem>> -> memref<128x16xf32, #tpu.memory_space<vmem>>
        %dma_start3A_649 = arith.constant 0 : i32
        %dma_start3A_650 = tpu.memref_slice %arg11[%add3A_645, %dma_start3A_649] : memref<80x128xi32, #tpu.memory_space<vmem>> -> memref<1x128xi32, #tpu.memory_space<vmem>>
        %dma_start3A_651 = tpu.memref_squeeze %dma_start3A_650 : memref<1x128xi32, #tpu.memory_space<vmem>> -> memref<128xi32, #tpu.memory_space<vmem>>
        %dma_start3A_652 = arith.constant 0 : i32
        %dma_start3A_653 = arith.constant 0 : i32
        %dma_start3A_654 = tpu.memref_slice %arg8[%dma_start3A_652, %dma_start3A_653] : memref<10240x16xf32, #tpu.memory_space<vmem_shared>> -> memref<10240x16xf32, #tpu.memory_space<vmem_shared>>
        tpu.enqueue_indirect_dma source(%dma_start3A_648 : memref<128x16xf32, #tpu.memory_space<vmem>>) target(%dma_start3A_654 : memref<10240x16xf32, #tpu.memory_space<vmem_shared>>) offsets(%dma_start3A_651 : memref<128xi32, #tpu.memory_space<vmem>>) semaphore(%arg21 : memref<!tpu.dma_semaphore, #tpu.memory_space<semaphore_mem>>) {add = true}
        %add3A_655 = arith.constant 7 : i32
        %add3A_656 = arith.addi %add3A_355, %add3A_655 : i32
        %dma_start3A_657 = arith.constant 896 : i32
        %dma_start3A_658 = arith.constant 0 : i32
        %dma_start3A_659 = tpu.memref_slice %arg12[%dma_start3A_657, %dma_start3A_658] : memref<1280x16xf32, #tpu.memory_space<vmem>> -> memref<128x16xf32, #tpu.memory_space<vmem>>
        %dma_start3A_660 = arith.constant 0 : i32
        %dma_start3A_661 = tpu.memref_slice %arg11[%add3A_656, %dma_start3A_660] : memref<80x128xi32, #tpu.memory_space<vmem>> -> memref<1x128xi32, #tpu.memory_space<vmem>>
        %dma_start3A_662 = tpu.memref_squeeze %dma_start3A_661 : memref<1x128xi32, #tpu.memory_space<vmem>> -> memref<128xi32, #tpu.memory_space<vmem>>
        %dma_start3A_663 = arith.constant 0 : i32
        %dma_start3A_664 = arith.constant 0 : i32
        %dma_start3A_665 = tpu.memref_slice %arg8[%dma_start3A_663, %dma_start3A_664] : memref<10240x16xf32, #tpu.memory_space<vmem_shared>> -> memref<10240x16xf32, #tpu.memory_space<vmem_shared>>
        tpu.enqueue_indirect_dma source(%dma_start3A_659 : memref<128x16xf32, #tpu.memory_space<vmem>>) target(%dma_start3A_665 : memref<10240x16xf32, #tpu.memory_space<vmem_shared>>) offsets(%dma_start3A_662 : memref<128xi32, #tpu.memory_space<vmem>>) semaphore(%arg21 : memref<!tpu.dma_semaphore, #tpu.memory_space<semaphore_mem>>) {add = true}
        %add3A_666 = arith.constant 8 : i32
        %add3A_667 = arith.addi %add3A_355, %add3A_666 : i32
        %dma_start3A_668 = arith.constant 1024 : i32
        %dma_start3A_669 = arith.constant 0 : i32
        %dma_start3A_670 = tpu.memref_slice %arg12[%dma_start3A_668, %dma_start3A_669] : memref<1280x16xf32, #tpu.memory_space<vmem>> -> memref<128x16xf32, #tpu.memory_space<vmem>>
        %dma_start3A_671 = arith.constant 0 : i32
        %dma_start3A_672 = tpu.memref_slice %arg11[%add3A_667, %dma_start3A_671] : memref<80x128xi32, #tpu.memory_space<vmem>> -> memref<1x128xi32, #tpu.memory_space<vmem>>
        %dma_start3A_673 = tpu.memref_squeeze %dma_start3A_672 : memref<1x128xi32, #tpu.memory_space<vmem>> -> memref<128xi32, #tpu.memory_space<vmem>>
        %dma_start3A_674 = arith.constant 0 : i32
        %dma_start3A_675 = arith.constant 0 : i32
        %dma_start3A_676 = tpu.memref_slice %arg8[%dma_start3A_674, %dma_start3A_675] : memref<10240x16xf32, #tpu.memory_space<vmem_shared>> -> memref<10240x16xf32, #tpu.memory_space<vmem_shared>>
        tpu.enqueue_indirect_dma source(%dma_start3A_670 : memref<128x16xf32, #tpu.memory_space<vmem>>) target(%dma_start3A_676 : memref<10240x16xf32, #tpu.memory_space<vmem_shared>>) offsets(%dma_start3A_673 : memref<128xi32, #tpu.memory_space<vmem>>) semaphore(%arg21 : memref<!tpu.dma_semaphore, #tpu.memory_space<semaphore_mem>>) {add = true}
        %add3A_677 = arith.constant 9 : i32
        %add3A_678 = arith.addi %add3A_355, %add3A_677 : i32
        %dma_start3A_679 = arith.constant 1152 : i32
        %dma_start3A_680 = arith.constant 0 : i32
        %dma_start3A_681 = tpu.memref_slice %arg12[%dma_start3A_679, %dma_start3A_680] : memref<1280x16xf32, #tpu.memory_space<vmem>> -> memref<128x16xf32, #tpu.memory_space<vmem>>
        %dma_start3A_682 = arith.constant 0 : i32
        %dma_start3A_683 = tpu.memref_slice %arg11[%add3A_678, %dma_start3A_682] : memref<80x128xi32, #tpu.memory_space<vmem>> -> memref<1x128xi32, #tpu.memory_space<vmem>>
        %dma_start3A_684 = tpu.memref_squeeze %dma_start3A_683 : memref<1x128xi32, #tpu.memory_space<vmem>> -> memref<128xi32, #tpu.memory_space<vmem>>
        %dma_start3A_685 = arith.constant 0 : i32
        %dma_start3A_686 = arith.constant 0 : i32
        %dma_start3A_687 = tpu.memref_slice %arg8[%dma_start3A_685, %dma_start3A_686] : memref<10240x16xf32, #tpu.memory_space<vmem_shared>> -> memref<10240x16xf32, #tpu.memory_space<vmem_shared>>
        tpu.enqueue_indirect_dma source(%dma_start3A_681 : memref<128x16xf32, #tpu.memory_space<vmem>>) target(%dma_start3A_687 : memref<10240x16xf32, #tpu.memory_space<vmem_shared>>) offsets(%dma_start3A_684 : memref<128xi32, #tpu.memory_space<vmem>>) semaphore(%arg21 : memref<!tpu.dma_semaphore, #tpu.memory_space<semaphore_mem>>) {add = true}
        %add3A_688 = arith.constant 0 : i32
        %add3A_689 = arith.addi %add3A_355, %add3A_688 : i32
        %dma_wait3A_690 = arith.constant 0 : i32
        %dma_wait3A_691 = arith.constant 0 : i32
        %dma_wait3A_692 = tpu.memref_slice %arg12[%dma_wait3A_690, %dma_wait3A_691] : memref<1280x16xf32, #tpu.memory_space<vmem>> -> memref<128x16xf32, #tpu.memory_space<vmem>>
        %dma_wait3A_693 = arith.constant 0 : i32
        %dma_wait3A_694 = tpu.memref_slice %arg11[%add3A_689, %dma_wait3A_693] : memref<80x128xi32, #tpu.memory_space<vmem>> -> memref<1x128xi32, #tpu.memory_space<vmem>>
        %dma_wait3A_695 = tpu.memref_squeeze %dma_wait3A_694 : memref<1x128xi32, #tpu.memory_space<vmem>> -> memref<128xi32, #tpu.memory_space<vmem>>
        %dma_wait3A_696 = arith.constant 0 : i32
        %dma_wait3A_697 = arith.constant 0 : i32
        %dma_wait3A_698 = tpu.memref_slice %arg8[%dma_wait3A_696, %dma_wait3A_697] : memref<10240x16xf32, #tpu.memory_space<vmem_shared>> -> memref<10240x16xf32, #tpu.memory_space<vmem_shared>>
        tpu.wait_indirect_dma semaphore(%arg21 : memref<!tpu.dma_semaphore, #tpu.memory_space<semaphore_mem>>) src(%dma_wait3A_692 : memref<128x16xf32, #tpu.memory_space<vmem>>) dst(%dma_wait3A_698 : memref<10240x16xf32, #tpu.memory_space<vmem_shared>>)
        %add3A_699 = arith.constant 1 : i32
        %add3A_700 = arith.addi %add3A_355, %add3A_699 : i32
        %dma_wait3A_701 = arith.constant 128 : i32
        %dma_wait3A_702 = arith.constant 0 : i32
        %dma_wait3A_703 = tpu.memref_slice %arg12[%dma_wait3A_701, %dma_wait3A_702] : memref<1280x16xf32, #tpu.memory_space<vmem>> -> memref<128x16xf32, #tpu.memory_space<vmem>>
        %dma_wait3A_704 = arith.constant 0 : i32
        %dma_wait3A_705 = tpu.memref_slice %arg11[%add3A_700, %dma_wait3A_704] : memref<80x128xi32, #tpu.memory_space<vmem>> -> memref<1x128xi32, #tpu.memory_space<vmem>>
        %dma_wait3A_706 = tpu.memref_squeeze %dma_wait3A_705 : memref<1x128xi32, #tpu.memory_space<vmem>> -> memref<128xi32, #tpu.memory_space<vmem>>
        %dma_wait3A_707 = arith.constant 0 : i32
        %dma_wait3A_708 = arith.constant 0 : i32
        %dma_wait3A_709 = tpu.memref_slice %arg8[%dma_wait3A_707, %dma_wait3A_708] : memref<10240x16xf32, #tpu.memory_space<vmem_shared>> -> memref<10240x16xf32, #tpu.memory_space<vmem_shared>>
        tpu.wait_indirect_dma semaphore(%arg21 : memref<!tpu.dma_semaphore, #tpu.memory_space<semaphore_mem>>) src(%dma_wait3A_703 : memref<128x16xf32, #tpu.memory_space<vmem>>) dst(%dma_wait3A_709 : memref<10240x16xf32, #tpu.memory_space<vmem_shared>>)
        %add3A_710 = arith.constant 2 : i32
        %add3A_711 = arith.addi %add3A_355, %add3A_710 : i32
        %dma_wait3A_712 = arith.constant 256 : i32
        %dma_wait3A_713 = arith.constant 0 : i32
        %dma_wait3A_714 = tpu.memref_slice %arg12[%dma_wait3A_712, %dma_wait3A_713] : memref<1280x16xf32, #tpu.memory_space<vmem>> -> memref<128x16xf32, #tpu.memory_space<vmem>>
        %dma_wait3A_715 = arith.constant 0 : i32
        %dma_wait3A_716 = tpu.memref_slice %arg11[%add3A_711, %dma_wait3A_715] : memref<80x128xi32, #tpu.memory_space<vmem>> -> memref<1x128xi32, #tpu.memory_space<vmem>>
        %dma_wait3A_717 = tpu.memref_squeeze %dma_wait3A_716 : memref<1x128xi32, #tpu.memory_space<vmem>> -> memref<128xi32, #tpu.memory_space<vmem>>
        %dma_wait3A_718 = arith.constant 0 : i32
        %dma_wait3A_719 = arith.constant 0 : i32
        %dma_wait3A_720 = tpu.memref_slice %arg8[%dma_wait3A_718, %dma_wait3A_719] : memref<10240x16xf32, #tpu.memory_space<vmem_shared>> -> memref<10240x16xf32, #tpu.memory_space<vmem_shared>>
        tpu.wait_indirect_dma semaphore(%arg21 : memref<!tpu.dma_semaphore, #tpu.memory_space<semaphore_mem>>) src(%dma_wait3A_714 : memref<128x16xf32, #tpu.memory_space<vmem>>) dst(%dma_wait3A_720 : memref<10240x16xf32, #tpu.memory_space<vmem_shared>>)
        %add3A_721 = arith.constant 3 : i32
        %add3A_722 = arith.addi %add3A_355, %add3A_721 : i32
        %dma_wait3A_723 = arith.constant 384 : i32
        %dma_wait3A_724 = arith.constant 0 : i32
        %dma_wait3A_725 = tpu.memref_slice %arg12[%dma_wait3A_723, %dma_wait3A_724] : memref<1280x16xf32, #tpu.memory_space<vmem>> -> memref<128x16xf32, #tpu.memory_space<vmem>>
        %dma_wait3A_726 = arith.constant 0 : i32
        %dma_wait3A_727 = tpu.memref_slice %arg11[%add3A_722, %dma_wait3A_726] : memref<80x128xi32, #tpu.memory_space<vmem>> -> memref<1x128xi32, #tpu.memory_space<vmem>>
        %dma_wait3A_728 = tpu.memref_squeeze %dma_wait3A_727 : memref<1x128xi32, #tpu.memory_space<vmem>> -> memref<128xi32, #tpu.memory_space<vmem>>
        %dma_wait3A_729 = arith.constant 0 : i32
        %dma_wait3A_730 = arith.constant 0 : i32
        %dma_wait3A_731 = tpu.memref_slice %arg8[%dma_wait3A_729, %dma_wait3A_730] : memref<10240x16xf32, #tpu.memory_space<vmem_shared>> -> memref<10240x16xf32, #tpu.memory_space<vmem_shared>>
        tpu.wait_indirect_dma semaphore(%arg21 : memref<!tpu.dma_semaphore, #tpu.memory_space<semaphore_mem>>) src(%dma_wait3A_725 : memref<128x16xf32, #tpu.memory_space<vmem>>) dst(%dma_wait3A_731 : memref<10240x16xf32, #tpu.memory_space<vmem_shared>>)
        %add3A_732 = arith.constant 4 : i32
        %add3A_733 = arith.addi %add3A_355, %add3A_732 : i32
        %dma_wait3A_734 = arith.constant 512 : i32
        %dma_wait3A_735 = arith.constant 0 : i32
        %dma_wait3A_736 = tpu.memref_slice %arg12[%dma_wait3A_734, %dma_wait3A_735] : memref<1280x16xf32, #tpu.memory_space<vmem>> -> memref<128x16xf32, #tpu.memory_space<vmem>>
        %dma_wait3A_737 = arith.constant 0 : i32
        %dma_wait3A_738 = tpu.memref_slice %arg11[%add3A_733, %dma_wait3A_737] : memref<80x128xi32, #tpu.memory_space<vmem>> -> memref<1x128xi32, #tpu.memory_space<vmem>>
        %dma_wait3A_739 = tpu.memref_squeeze %dma_wait3A_738 : memref<1x128xi32, #tpu.memory_space<vmem>> -> memref<128xi32, #tpu.memory_space<vmem>>
        %dma_wait3A_740 = arith.constant 0 : i32
        %dma_wait3A_741 = arith.constant 0 : i32
        %dma_wait3A_742 = tpu.memref_slice %arg8[%dma_wait3A_740, %dma_wait3A_741] : memref<10240x16xf32, #tpu.memory_space<vmem_shared>> -> memref<10240x16xf32, #tpu.memory_space<vmem_shared>>
        tpu.wait_indirect_dma semaphore(%arg21 : memref<!tpu.dma_semaphore, #tpu.memory_space<semaphore_mem>>) src(%dma_wait3A_736 : memref<128x16xf32, #tpu.memory_space<vmem>>) dst(%dma_wait3A_742 : memref<10240x16xf32, #tpu.memory_space<vmem_shared>>)
        %add3A_743 = arith.constant 5 : i32
        %add3A_744 = arith.addi %add3A_355, %add3A_743 : i32
        %dma_wait3A_745 = arith.constant 640 : i32
        %dma_wait3A_746 = arith.constant 0 : i32
        %dma_wait3A_747 = tpu.memref_slice %arg12[%dma_wait3A_745, %dma_wait3A_746] : memref<1280x16xf32, #tpu.memory_space<vmem>> -> memref<128x16xf32, #tpu.memory_space<vmem>>
        %dma_wait3A_748 = arith.constant 0 : i32
        %dma_wait3A_749 = tpu.memref_slice %arg11[%add3A_744, %dma_wait3A_748] : memref<80x128xi32, #tpu.memory_space<vmem>> -> memref<1x128xi32, #tpu.memory_space<vmem>>
        %dma_wait3A_750 = tpu.memref_squeeze %dma_wait3A_749 : memref<1x128xi32, #tpu.memory_space<vmem>> -> memref<128xi32, #tpu.memory_space<vmem>>
        %dma_wait3A_751 = arith.constant 0 : i32
        %dma_wait3A_752 = arith.constant 0 : i32
        %dma_wait3A_753 = tpu.memref_slice %arg8[%dma_wait3A_751, %dma_wait3A_752] : memref<10240x16xf32, #tpu.memory_space<vmem_shared>> -> memref<10240x16xf32, #tpu.memory_space<vmem_shared>>
        tpu.wait_indirect_dma semaphore(%arg21 : memref<!tpu.dma_semaphore, #tpu.memory_space<semaphore_mem>>) src(%dma_wait3A_747 : memref<128x16xf32, #tpu.memory_space<vmem>>) dst(%dma_wait3A_753 : memref<10240x16xf32, #tpu.memory_space<vmem_shared>>)
        %add3A_754 = arith.constant 6 : i32
        %add3A_755 = arith.addi %add3A_355, %add3A_754 : i32
        %dma_wait3A_756 = arith.constant 768 : i32
        %dma_wait3A_757 = arith.constant 0 : i32
        %dma_wait3A_758 = tpu.memref_slice %arg12[%dma_wait3A_756, %dma_wait3A_757] : memref<1280x16xf32, #tpu.memory_space<vmem>> -> memref<128x16xf32, #tpu.memory_space<vmem>>
        %dma_wait3A_759 = arith.constant 0 : i32
        %dma_wait3A_760 = tpu.memref_slice %arg11[%add3A_755, %dma_wait3A_759] : memref<80x128xi32, #tpu.memory_space<vmem>> -> memref<1x128xi32, #tpu.memory_space<vmem>>
        %dma_wait3A_761 = tpu.memref_squeeze %dma_wait3A_760 : memref<1x128xi32, #tpu.memory_space<vmem>> -> memref<128xi32, #tpu.memory_space<vmem>>
        %dma_wait3A_762 = arith.constant 0 : i32
        %dma_wait3A_763 = arith.constant 0 : i32
        %dma_wait3A_764 = tpu.memref_slice %arg8[%dma_wait3A_762, %dma_wait3A_763] : memref<10240x16xf32, #tpu.memory_space<vmem_shared>> -> memref<10240x16xf32, #tpu.memory_space<vmem_shared>>
        tpu.wait_indirect_dma semaphore(%arg21 : memref<!tpu.dma_semaphore, #tpu.memory_space<semaphore_mem>>) src(%dma_wait3A_758 : memref<128x16xf32, #tpu.memory_space<vmem>>) dst(%dma_wait3A_764 : memref<10240x16xf32, #tpu.memory_space<vmem_shared>>)
        %add3A_765 = arith.constant 7 : i32
        %add3A_766 = arith.addi %add3A_355, %add3A_765 : i32
        %dma_wait3A_767 = arith.constant 896 : i32
        %dma_wait3A_768 = arith.constant 0 : i32
        %dma_wait3A_769 = tpu.memref_slice %arg12[%dma_wait3A_767, %dma_wait3A_768] : memref<1280x16xf32, #tpu.memory_space<vmem>> -> memref<128x16xf32, #tpu.memory_space<vmem>>
        %dma_wait3A_770 = arith.constant 0 : i32
        %dma_wait3A_771 = tpu.memref_slice %arg11[%add3A_766, %dma_wait3A_770] : memref<80x128xi32, #tpu.memory_space<vmem>> -> memref<1x128xi32, #tpu.memory_space<vmem>>
        %dma_wait3A_772 = tpu.memref_squeeze %dma_wait3A_771 : memref<1x128xi32, #tpu.memory_space<vmem>> -> memref<128xi32, #tpu.memory_space<vmem>>
        %dma_wait3A_773 = arith.constant 0 : i32
        %dma_wait3A_774 = arith.constant 0 : i32
        %dma_wait3A_775 = tpu.memref_slice %arg8[%dma_wait3A_773, %dma_wait3A_774] : memref<10240x16xf32, #tpu.memory_space<vmem_shared>> -> memref<10240x16xf32, #tpu.memory_space<vmem_shared>>
        tpu.wait_indirect_dma semaphore(%arg21 : memref<!tpu.dma_semaphore, #tpu.memory_space<semaphore_mem>>) src(%dma_wait3A_769 : memref<128x16xf32, #tpu.memory_space<vmem>>) dst(%dma_wait3A_775 : memref<10240x16xf32, #tpu.memory_space<vmem_shared>>)
        %add3A_776 = arith.constant 8 : i32
        %add3A_777 = arith.addi %add3A_355, %add3A_776 : i32
        %dma_wait3A_778 = arith.constant 1024 : i32
        %dma_wait3A_779 = arith.constant 0 : i32
        %dma_wait3A_780 = tpu.memref_slice %arg12[%dma_wait3A_778, %dma_wait3A_779] : memref<1280x16xf32, #tpu.memory_space<vmem>> -> memref<128x16xf32, #tpu.memory_space<vmem>>
        %dma_wait3A_781 = arith.constant 0 : i32
        %dma_wait3A_782 = tpu.memref_slice %arg11[%add3A_777, %dma_wait3A_781] : memref<80x128xi32, #tpu.memory_space<vmem>> -> memref<1x128xi32, #tpu.memory_space<vmem>>
        %dma_wait3A_783 = tpu.memref_squeeze %dma_wait3A_782 : memref<1x128xi32, #tpu.memory_space<vmem>> -> memref<128xi32, #tpu.memory_space<vmem>>
        %dma_wait3A_784 = arith.constant 0 : i32
        %dma_wait3A_785 = arith.constant 0 : i32
        %dma_wait3A_786 = tpu.memref_slice %arg8[%dma_wait3A_784, %dma_wait3A_785] : memref<10240x16xf32, #tpu.memory_space<vmem_shared>> -> memref<10240x16xf32, #tpu.memory_space<vmem_shared>>
        tpu.wait_indirect_dma semaphore(%arg21 : memref<!tpu.dma_semaphore, #tpu.memory_space<semaphore_mem>>) src(%dma_wait3A_780 : memref<128x16xf32, #tpu.memory_space<vmem>>) dst(%dma_wait3A_786 : memref<10240x16xf32, #tpu.memory_space<vmem_shared>>)
        %add3A_787 = arith.constant 9 : i32
        %add3A_788 = arith.addi %add3A_355, %add3A_787 : i32
        %dma_wait3A_789 = arith.constant 1152 : i32
        %dma_wait3A_790 = arith.constant 0 : i32
        %dma_wait3A_791 = tpu.memref_slice %arg12[%dma_wait3A_789, %dma_wait3A_790] : memref<1280x16xf32, #tpu.memory_space<vmem>> -> memref<128x16xf32, #tpu.memory_space<vmem>>
        %dma_wait3A_792 = arith.constant 0 : i32
        %dma_wait3A_793 = tpu.memref_slice %arg11[%add3A_788, %dma_wait3A_792] : memref<80x128xi32, #tpu.memory_space<vmem>> -> memref<1x128xi32, #tpu.memory_space<vmem>>
        %dma_wait3A_794 = tpu.memref_squeeze %dma_wait3A_793 : memref<1x128xi32, #tpu.memory_space<vmem>> -> memref<128xi32, #tpu.memory_space<vmem>>
        %dma_wait3A_795 = arith.constant 0 : i32
        %dma_wait3A_796 = arith.constant 0 : i32
        %dma_wait3A_797 = tpu.memref_slice %arg8[%dma_wait3A_795, %dma_wait3A_796] : memref<10240x16xf32, #tpu.memory_space<vmem_shared>> -> memref<10240x16xf32, #tpu.memory_space<vmem_shared>>
        tpu.wait_indirect_dma semaphore(%arg21 : memref<!tpu.dma_semaphore, #tpu.memory_space<semaphore_mem>>) src(%dma_wait3A_791 : memref<128x16xf32, #tpu.memory_space<vmem>>) dst(%dma_wait3A_797 : memref<10240x16xf32, #tpu.memory_space<vmem_shared>>)
        %add3A_798 = arith.constant 20 : i32
        %add3A_799 = arith.addi %add3A_355, %add3A_798 : i32
        %lt3A = arith.constant 80 : i32
        %lt3A_800 = arith.cmpi slt, %add3A_799, %lt3A : i32
        %convert_element_type3A = arith.extui %lt3A_800 : i1 to i32
        %cond3A = arith.constant 0 : i32
        %cond3A_801 = arith.cmpi ne, %convert_element_type3A, %cond3A : i32
        scf.if %cond3A_801 {
          %add3A_1138 = arith.constant 20 : i32
          %add3A_1139 = arith.addi %add3A_355, %add3A_1138 : i32
          %add3A_1140 = arith.constant 0 : i32
          %add3A_1141 = arith.addi %add3A_1139, %add3A_1140 : i32
          %dma_start3A_1142 = arith.constant 0 : i32
          %dma_start3A_1143 = arith.constant 0 : i32
          %dma_start3A_1144 = tpu.memref_slice %arg12[%dma_start3A_1142, %dma_start3A_1143] : memref<1280x16xf32, #tpu.memory_space<vmem>> -> memref<128x16xf32, #tpu.memory_space<vmem>>
          %dma_start3A_1145 = arith.constant 0 : i32
          %dma_start3A_1146 = tpu.memref_slice %arg10[%add3A_1141, %dma_start3A_1145] : memref<80x128xi32, #tpu.memory_space<vmem>> -> memref<1x128xi32, #tpu.memory_space<vmem>>
          %dma_start3A_1147 = tpu.memref_squeeze %dma_start3A_1146 : memref<1x128xi32, #tpu.memory_space<vmem>> -> memref<128xi32, #tpu.memory_space<vmem>>
          %dma_start3A_1148 = arith.constant 0 : i32
          %dma_start3A_1149 = arith.constant 0 : i32
          %dma_start3A_1150 = tpu.memref_slice %arg9[%dma_start3A_1148, %dma_start3A_1149] : memref<10240x16xf32, #tpu.memory_space<vmem_shared>> -> memref<10240x16xf32, #tpu.memory_space<vmem_shared>>
          tpu.enqueue_indirect_dma source(%dma_start3A_1150 : memref<10240x16xf32, #tpu.memory_space<vmem_shared>>) target(%dma_start3A_1144 : memref<128x16xf32, #tpu.memory_space<vmem>>) offsets(%dma_start3A_1147 : memref<128xi32, #tpu.memory_space<vmem>>) semaphore(%arg19 : memref<!tpu.dma_semaphore, #tpu.memory_space<semaphore_mem>>)
          %add3A_1151 = arith.constant 1 : i32
          %add3A_1152 = arith.addi %add3A_1139, %add3A_1151 : i32
          %dma_start3A_1153 = arith.constant 128 : i32
          %dma_start3A_1154 = arith.constant 0 : i32
          %dma_start3A_1155 = tpu.memref_slice %arg12[%dma_start3A_1153, %dma_start3A_1154] : memref<1280x16xf32, #tpu.memory_space<vmem>> -> memref<128x16xf32, #tpu.memory_space<vmem>>
          %dma_start3A_1156 = arith.constant 0 : i32
          %dma_start3A_1157 = tpu.memref_slice %arg10[%add3A_1152, %dma_start3A_1156] : memref<80x128xi32, #tpu.memory_space<vmem>> -> memref<1x128xi32, #tpu.memory_space<vmem>>
          %dma_start3A_1158 = tpu.memref_squeeze %dma_start3A_1157 : memref<1x128xi32, #tpu.memory_space<vmem>> -> memref<128xi32, #tpu.memory_space<vmem>>
          %dma_start3A_1159 = arith.constant 0 : i32
          %dma_start3A_1160 = arith.constant 0 : i32
          %dma_start3A_1161 = tpu.memref_slice %arg9[%dma_start3A_1159, %dma_start3A_1160] : memref<10240x16xf32, #tpu.memory_space<vmem_shared>> -> memref<10240x16xf32, #tpu.memory_space<vmem_shared>>
          tpu.enqueue_indirect_dma source(%dma_start3A_1161 : memref<10240x16xf32, #tpu.memory_space<vmem_shared>>) target(%dma_start3A_1155 : memref<128x16xf32, #tpu.memory_space<vmem>>) offsets(%dma_start3A_1158 : memref<128xi32, #tpu.memory_space<vmem>>) semaphore(%arg19 : memref<!tpu.dma_semaphore, #tpu.memory_space<semaphore_mem>>)
          %add3A_1162 = arith.constant 2 : i32
          %add3A_1163 = arith.addi %add3A_1139, %add3A_1162 : i32
          %dma_start3A_1164 = arith.constant 256 : i32
          %dma_start3A_1165 = arith.constant 0 : i32
          %dma_start3A_1166 = tpu.memref_slice %arg12[%dma_start3A_1164, %dma_start3A_1165] : memref<1280x16xf32, #tpu.memory_space<vmem>> -> memref<128x16xf32, #tpu.memory_space<vmem>>
          %dma_start3A_1167 = arith.constant 0 : i32
          %dma_start3A_1168 = tpu.memref_slice %arg10[%add3A_1163, %dma_start3A_1167] : memref<80x128xi32, #tpu.memory_space<vmem>> -> memref<1x128xi32, #tpu.memory_space<vmem>>
          %dma_start3A_1169 = tpu.memref_squeeze %dma_start3A_1168 : memref<1x128xi32, #tpu.memory_space<vmem>> -> memref<128xi32, #tpu.memory_space<vmem>>
          %dma_start3A_1170 = arith.constant 0 : i32
          %dma_start3A_1171 = arith.constant 0 : i32
          %dma_start3A_1172 = tpu.memref_slice %arg9[%dma_start3A_1170, %dma_start3A_1171] : memref<10240x16xf32, #tpu.memory_space<vmem_shared>> -> memref<10240x16xf32, #tpu.memory_space<vmem_shared>>
          tpu.enqueue_indirect_dma source(%dma_start3A_1172 : memref<10240x16xf32, #tpu.memory_space<vmem_shared>>) target(%dma_start3A_1166 : memref<128x16xf32, #tpu.memory_space<vmem>>) offsets(%dma_start3A_1169 : memref<128xi32, #tpu.memory_space<vmem>>) semaphore(%arg19 : memref<!tpu.dma_semaphore, #tpu.memory_space<semaphore_mem>>)
          %add3A_1173 = arith.constant 3 : i32
          %add3A_1174 = arith.addi %add3A_1139, %add3A_1173 : i32
          %dma_start3A_1175 = arith.constant 384 : i32
          %dma_start3A_1176 = arith.constant 0 : i32
          %dma_start3A_1177 = tpu.memref_slice %arg12[%dma_start3A_1175, %dma_start3A_1176] : memref<1280x16xf32, #tpu.memory_space<vmem>> -> memref<128x16xf32, #tpu.memory_space<vmem>>
          %dma_start3A_1178 = arith.constant 0 : i32
          %dma_start3A_1179 = tpu.memref_slice %arg10[%add3A_1174, %dma_start3A_1178] : memref<80x128xi32, #tpu.memory_space<vmem>> -> memref<1x128xi32, #tpu.memory_space<vmem>>
          %dma_start3A_1180 = tpu.memref_squeeze %dma_start3A_1179 : memref<1x128xi32, #tpu.memory_space<vmem>> -> memref<128xi32, #tpu.memory_space<vmem>>
          %dma_start3A_1181 = arith.constant 0 : i32
          %dma_start3A_1182 = arith.constant 0 : i32
          %dma_start3A_1183 = tpu.memref_slice %arg9[%dma_start3A_1181, %dma_start3A_1182] : memref<10240x16xf32, #tpu.memory_space<vmem_shared>> -> memref<10240x16xf32, #tpu.memory_space<vmem_shared>>
          tpu.enqueue_indirect_dma source(%dma_start3A_1183 : memref<10240x16xf32, #tpu.memory_space<vmem_shared>>) target(%dma_start3A_1177 : memref<128x16xf32, #tpu.memory_space<vmem>>) offsets(%dma_start3A_1180 : memref<128xi32, #tpu.memory_space<vmem>>) semaphore(%arg19 : memref<!tpu.dma_semaphore, #tpu.memory_space<semaphore_mem>>)
          %add3A_1184 = arith.constant 4 : i32
          %add3A_1185 = arith.addi %add3A_1139, %add3A_1184 : i32
          %dma_start3A_1186 = arith.constant 512 : i32
          %dma_start3A_1187 = arith.constant 0 : i32
          %dma_start3A_1188 = tpu.memref_slice %arg12[%dma_start3A_1186, %dma_start3A_1187] : memref<1280x16xf32, #tpu.memory_space<vmem>> -> memref<128x16xf32, #tpu.memory_space<vmem>>
          %dma_start3A_1189 = arith.constant 0 : i32
          %dma_start3A_1190 = tpu.memref_slice %arg10[%add3A_1185, %dma_start3A_1189] : memref<80x128xi32, #tpu.memory_space<vmem>> -> memref<1x128xi32, #tpu.memory_space<vmem>>
          %dma_start3A_1191 = tpu.memref_squeeze %dma_start3A_1190 : memref<1x128xi32, #tpu.memory_space<vmem>> -> memref<128xi32, #tpu.memory_space<vmem>>
          %dma_start3A_1192 = arith.constant 0 : i32
          %dma_start3A_1193 = arith.constant 0 : i32
          %dma_start3A_1194 = tpu.memref_slice %arg9[%dma_start3A_1192, %dma_start3A_1193] : memref<10240x16xf32, #tpu.memory_space<vmem_shared>> -> memref<10240x16xf32, #tpu.memory_space<vmem_shared>>
          tpu.enqueue_indirect_dma source(%dma_start3A_1194 : memref<10240x16xf32, #tpu.memory_space<vmem_shared>>) target(%dma_start3A_1188 : memref<128x16xf32, #tpu.memory_space<vmem>>) offsets(%dma_start3A_1191 : memref<128xi32, #tpu.memory_space<vmem>>) semaphore(%arg19 : memref<!tpu.dma_semaphore, #tpu.memory_space<semaphore_mem>>)
          %add3A_1195 = arith.constant 5 : i32
          %add3A_1196 = arith.addi %add3A_1139, %add3A_1195 : i32
          %dma_start3A_1197 = arith.constant 640 : i32
          %dma_start3A_1198 = arith.constant 0 : i32
          %dma_start3A_1199 = tpu.memref_slice %arg12[%dma_start3A_1197, %dma_start3A_1198] : memref<1280x16xf32, #tpu.memory_space<vmem>> -> memref<128x16xf32, #tpu.memory_space<vmem>>
          %dma_start3A_1200 = arith.constant 0 : i32
          %dma_start3A_1201 = tpu.memref_slice %arg10[%add3A_1196, %dma_start3A_1200] : memref<80x128xi32, #tpu.memory_space<vmem>> -> memref<1x128xi32, #tpu.memory_space<vmem>>
          %dma_start3A_1202 = tpu.memref_squeeze %dma_start3A_1201 : memref<1x128xi32, #tpu.memory_space<vmem>> -> memref<128xi32, #tpu.memory_space<vmem>>
          %dma_start3A_1203 = arith.constant 0 : i32
          %dma_start3A_1204 = arith.constant 0 : i32
          %dma_start3A_1205 = tpu.memref_slice %arg9[%dma_start3A_1203, %dma_start3A_1204] : memref<10240x16xf32, #tpu.memory_space<vmem_shared>> -> memref<10240x16xf32, #tpu.memory_space<vmem_shared>>
          tpu.enqueue_indirect_dma source(%dma_start3A_1205 : memref<10240x16xf32, #tpu.memory_space<vmem_shared>>) target(%dma_start3A_1199 : memref<128x16xf32, #tpu.memory_space<vmem>>) offsets(%dma_start3A_1202 : memref<128xi32, #tpu.memory_space<vmem>>) semaphore(%arg19 : memref<!tpu.dma_semaphore, #tpu.memory_space<semaphore_mem>>)
          %add3A_1206 = arith.constant 6 : i32
          %add3A_1207 = arith.addi %add3A_1139, %add3A_1206 : i32
          %dma_start3A_1208 = arith.constant 768 : i32
          %dma_start3A_1209 = arith.constant 0 : i32
          %dma_start3A_1210 = tpu.memref_slice %arg12[%dma_start3A_1208, %dma_start3A_1209] : memref<1280x16xf32, #tpu.memory_space<vmem>> -> memref<128x16xf32, #tpu.memory_space<vmem>>
          %dma_start3A_1211 = arith.constant 0 : i32
          %dma_start3A_1212 = tpu.memref_slice %arg10[%add3A_1207, %dma_start3A_1211] : memref<80x128xi32, #tpu.memory_space<vmem>> -> memref<1x128xi32, #tpu.memory_space<vmem>>
          %dma_start3A_1213 = tpu.memref_squeeze %dma_start3A_1212 : memref<1x128xi32, #tpu.memory_space<vmem>> -> memref<128xi32, #tpu.memory_space<vmem>>
          %dma_start3A_1214 = arith.constant 0 : i32
          %dma_start3A_1215 = arith.constant 0 : i32
          %dma_start3A_1216 = tpu.memref_slice %arg9[%dma_start3A_1214, %dma_start3A_1215] : memref<10240x16xf32, #tpu.memory_space<vmem_shared>> -> memref<10240x16xf32, #tpu.memory_space<vmem_shared>>
          tpu.enqueue_indirect_dma source(%dma_start3A_1216 : memref<10240x16xf32, #tpu.memory_space<vmem_shared>>) target(%dma_start3A_1210 : memref<128x16xf32, #tpu.memory_space<vmem>>) offsets(%dma_start3A_1213 : memref<128xi32, #tpu.memory_space<vmem>>) semaphore(%arg19 : memref<!tpu.dma_semaphore, #tpu.memory_space<semaphore_mem>>)
          %add3A_1217 = arith.constant 7 : i32
          %add3A_1218 = arith.addi %add3A_1139, %add3A_1217 : i32
          %dma_start3A_1219 = arith.constant 896 : i32
          %dma_start3A_1220 = arith.constant 0 : i32
          %dma_start3A_1221 = tpu.memref_slice %arg12[%dma_start3A_1219, %dma_start3A_1220] : memref<1280x16xf32, #tpu.memory_space<vmem>> -> memref<128x16xf32, #tpu.memory_space<vmem>>
          %dma_start3A_1222 = arith.constant 0 : i32
          %dma_start3A_1223 = tpu.memref_slice %arg10[%add3A_1218, %dma_start3A_1222] : memref<80x128xi32, #tpu.memory_space<vmem>> -> memref<1x128xi32, #tpu.memory_space<vmem>>
          %dma_start3A_1224 = tpu.memref_squeeze %dma_start3A_1223 : memref<1x128xi32, #tpu.memory_space<vmem>> -> memref<128xi32, #tpu.memory_space<vmem>>
          %dma_start3A_1225 = arith.constant 0 : i32
          %dma_start3A_1226 = arith.constant 0 : i32
          %dma_start3A_1227 = tpu.memref_slice %arg9[%dma_start3A_1225, %dma_start3A_1226] : memref<10240x16xf32, #tpu.memory_space<vmem_shared>> -> memref<10240x16xf32, #tpu.memory_space<vmem_shared>>
          tpu.enqueue_indirect_dma source(%dma_start3A_1227 : memref<10240x16xf32, #tpu.memory_space<vmem_shared>>) target(%dma_start3A_1221 : memref<128x16xf32, #tpu.memory_space<vmem>>) offsets(%dma_start3A_1224 : memref<128xi32, #tpu.memory_space<vmem>>) semaphore(%arg19 : memref<!tpu.dma_semaphore, #tpu.memory_space<semaphore_mem>>)
          %add3A_1228 = arith.constant 8 : i32
          %add3A_1229 = arith.addi %add3A_1139, %add3A_1228 : i32
          %dma_start3A_1230 = arith.constant 1024 : i32
          %dma_start3A_1231 = arith.constant 0 : i32
          %dma_start3A_1232 = tpu.memref_slice %arg12[%dma_start3A_1230, %dma_start3A_1231] : memref<1280x16xf32, #tpu.memory_space<vmem>> -> memref<128x16xf32, #tpu.memory_space<vmem>>
          %dma_start3A_1233 = arith.constant 0 : i32
          %dma_start3A_1234 = tpu.memref_slice %arg10[%add3A_1229, %dma_start3A_1233] : memref<80x128xi32, #tpu.memory_space<vmem>> -> memref<1x128xi32, #tpu.memory_space<vmem>>
          %dma_start3A_1235 = tpu.memref_squeeze %dma_start3A_1234 : memref<1x128xi32, #tpu.memory_space<vmem>> -> memref<128xi32, #tpu.memory_space<vmem>>
          %dma_start3A_1236 = arith.constant 0 : i32
          %dma_start3A_1237 = arith.constant 0 : i32
          %dma_start3A_1238 = tpu.memref_slice %arg9[%dma_start3A_1236, %dma_start3A_1237] : memref<10240x16xf32, #tpu.memory_space<vmem_shared>> -> memref<10240x16xf32, #tpu.memory_space<vmem_shared>>
          tpu.enqueue_indirect_dma source(%dma_start3A_1238 : memref<10240x16xf32, #tpu.memory_space<vmem_shared>>) target(%dma_start3A_1232 : memref<128x16xf32, #tpu.memory_space<vmem>>) offsets(%dma_start3A_1235 : memref<128xi32, #tpu.memory_space<vmem>>) semaphore(%arg19 : memref<!tpu.dma_semaphore, #tpu.memory_space<semaphore_mem>>)
          %add3A_1239 = arith.constant 9 : i32
          %add3A_1240 = arith.addi %add3A_1139, %add3A_1239 : i32
          %dma_start3A_1241 = arith.constant 1152 : i32
          %dma_start3A_1242 = arith.constant 0 : i32
          %dma_start3A_1243 = tpu.memref_slice %arg12[%dma_start3A_1241, %dma_start3A_1242] : memref<1280x16xf32, #tpu.memory_space<vmem>> -> memref<128x16xf32, #tpu.memory_space<vmem>>
          %dma_start3A_1244 = arith.constant 0 : i32
          %dma_start3A_1245 = tpu.memref_slice %arg10[%add3A_1240, %dma_start3A_1244] : memref<80x128xi32, #tpu.memory_space<vmem>> -> memref<1x128xi32, #tpu.memory_space<vmem>>
          %dma_start3A_1246 = tpu.memref_squeeze %dma_start3A_1245 : memref<1x128xi32, #tpu.memory_space<vmem>> -> memref<128xi32, #tpu.memory_space<vmem>>
          %dma_start3A_1247 = arith.constant 0 : i32
          %dma_start3A_1248 = arith.constant 0 : i32
          %dma_start3A_1249 = tpu.memref_slice %arg9[%dma_start3A_1247, %dma_start3A_1248] : memref<10240x16xf32, #tpu.memory_space<vmem_shared>> -> memref<10240x16xf32, #tpu.memory_space<vmem_shared>>
          tpu.enqueue_indirect_dma source(%dma_start3A_1249 : memref<10240x16xf32, #tpu.memory_space<vmem_shared>>) target(%dma_start3A_1243 : memref<128x16xf32, #tpu.memory_space<vmem>>) offsets(%dma_start3A_1246 : memref<128xi32, #tpu.memory_space<vmem>>) semaphore(%arg19 : memref<!tpu.dma_semaphore, #tpu.memory_space<semaphore_mem>>)
        } else {
        }
        %add3A_802 = arith.constant 10 : i32
        %add3A_803 = arith.addi %add3A_355, %add3A_802 : i32
        %add3A_804 = arith.constant 0 : i32
        %add3A_805 = arith.addi %add3A_803, %add3A_804 : i32
        %dma_wait3A_806 = arith.constant 0 : i32
        %dma_wait3A_807 = arith.constant 0 : i32
        %dma_wait3A_808 = tpu.memref_slice %arg13[%dma_wait3A_806, %dma_wait3A_807] : memref<1280x16xf32, #tpu.memory_space<vmem>> -> memref<128x16xf32, #tpu.memory_space<vmem>>
        %dma_wait3A_809 = arith.constant 0 : i32
        %dma_wait3A_810 = tpu.memref_slice %arg10[%add3A_805, %dma_wait3A_809] : memref<80x128xi32, #tpu.memory_space<vmem>> -> memref<1x128xi32, #tpu.memory_space<vmem>>
        %dma_wait3A_811 = tpu.memref_squeeze %dma_wait3A_810 : memref<1x128xi32, #tpu.memory_space<vmem>> -> memref<128xi32, #tpu.memory_space<vmem>>
        %dma_wait3A_812 = arith.constant 0 : i32
        %dma_wait3A_813 = arith.constant 0 : i32
        %dma_wait3A_814 = tpu.memref_slice %arg9[%dma_wait3A_812, %dma_wait3A_813] : memref<10240x16xf32, #tpu.memory_space<vmem_shared>> -> memref<10240x16xf32, #tpu.memory_space<vmem_shared>>
        tpu.wait_indirect_dma semaphore(%arg20 : memref<!tpu.dma_semaphore, #tpu.memory_space<semaphore_mem>>) src(%dma_wait3A_814 : memref<10240x16xf32, #tpu.memory_space<vmem_shared>>) dst(%dma_wait3A_808 : memref<128x16xf32, #tpu.memory_space<vmem>>)
        %add3A_815 = arith.constant 1 : i32
        %add3A_816 = arith.addi %add3A_803, %add3A_815 : i32
        %dma_wait3A_817 = arith.constant 128 : i32
        %dma_wait3A_818 = arith.constant 0 : i32
        %dma_wait3A_819 = tpu.memref_slice %arg13[%dma_wait3A_817, %dma_wait3A_818] : memref<1280x16xf32, #tpu.memory_space<vmem>> -> memref<128x16xf32, #tpu.memory_space<vmem>>
        %dma_wait3A_820 = arith.constant 0 : i32
        %dma_wait3A_821 = tpu.memref_slice %arg10[%add3A_816, %dma_wait3A_820] : memref<80x128xi32, #tpu.memory_space<vmem>> -> memref<1x128xi32, #tpu.memory_space<vmem>>
        %dma_wait3A_822 = tpu.memref_squeeze %dma_wait3A_821 : memref<1x128xi32, #tpu.memory_space<vmem>> -> memref<128xi32, #tpu.memory_space<vmem>>
        %dma_wait3A_823 = arith.constant 0 : i32
        %dma_wait3A_824 = arith.constant 0 : i32
        %dma_wait3A_825 = tpu.memref_slice %arg9[%dma_wait3A_823, %dma_wait3A_824] : memref<10240x16xf32, #tpu.memory_space<vmem_shared>> -> memref<10240x16xf32, #tpu.memory_space<vmem_shared>>
        tpu.wait_indirect_dma semaphore(%arg20 : memref<!tpu.dma_semaphore, #tpu.memory_space<semaphore_mem>>) src(%dma_wait3A_825 : memref<10240x16xf32, #tpu.memory_space<vmem_shared>>) dst(%dma_wait3A_819 : memref<128x16xf32, #tpu.memory_space<vmem>>)
        %add3A_826 = arith.constant 2 : i32
        %add3A_827 = arith.addi %add3A_803, %add3A_826 : i32
        %dma_wait3A_828 = arith.constant 256 : i32
        %dma_wait3A_829 = arith.constant 0 : i32
        %dma_wait3A_830 = tpu.memref_slice %arg13[%dma_wait3A_828, %dma_wait3A_829] : memref<1280x16xf32, #tpu.memory_space<vmem>> -> memref<128x16xf32, #tpu.memory_space<vmem>>
        %dma_wait3A_831 = arith.constant 0 : i32
        %dma_wait3A_832 = tpu.memref_slice %arg10[%add3A_827, %dma_wait3A_831] : memref<80x128xi32, #tpu.memory_space<vmem>> -> memref<1x128xi32, #tpu.memory_space<vmem>>
        %dma_wait3A_833 = tpu.memref_squeeze %dma_wait3A_832 : memref<1x128xi32, #tpu.memory_space<vmem>> -> memref<128xi32, #tpu.memory_space<vmem>>
        %dma_wait3A_834 = arith.constant 0 : i32
        %dma_wait3A_835 = arith.constant 0 : i32
        %dma_wait3A_836 = tpu.memref_slice %arg9[%dma_wait3A_834, %dma_wait3A_835] : memref<10240x16xf32, #tpu.memory_space<vmem_shared>> -> memref<10240x16xf32, #tpu.memory_space<vmem_shared>>
        tpu.wait_indirect_dma semaphore(%arg20 : memref<!tpu.dma_semaphore, #tpu.memory_space<semaphore_mem>>) src(%dma_wait3A_836 : memref<10240x16xf32, #tpu.memory_space<vmem_shared>>) dst(%dma_wait3A_830 : memref<128x16xf32, #tpu.memory_space<vmem>>)
        %add3A_837 = arith.constant 3 : i32
        %add3A_838 = arith.addi %add3A_803, %add3A_837 : i32
        %dma_wait3A_839 = arith.constant 384 : i32
        %dma_wait3A_840 = arith.constant 0 : i32
        %dma_wait3A_841 = tpu.memref_slice %arg13[%dma_wait3A_839, %dma_wait3A_840] : memref<1280x16xf32, #tpu.memory_space<vmem>> -> memref<128x16xf32, #tpu.memory_space<vmem>>
        %dma_wait3A_842 = arith.constant 0 : i32
        %dma_wait3A_843 = tpu.memref_slice %arg10[%add3A_838, %dma_wait3A_842] : memref<80x128xi32, #tpu.memory_space<vmem>> -> memref<1x128xi32, #tpu.memory_space<vmem>>
        %dma_wait3A_844 = tpu.memref_squeeze %dma_wait3A_843 : memref<1x128xi32, #tpu.memory_space<vmem>> -> memref<128xi32, #tpu.memory_space<vmem>>
        %dma_wait3A_845 = arith.constant 0 : i32
        %dma_wait3A_846 = arith.constant 0 : i32
        %dma_wait3A_847 = tpu.memref_slice %arg9[%dma_wait3A_845, %dma_wait3A_846] : memref<10240x16xf32, #tpu.memory_space<vmem_shared>> -> memref<10240x16xf32, #tpu.memory_space<vmem_shared>>
        tpu.wait_indirect_dma semaphore(%arg20 : memref<!tpu.dma_semaphore, #tpu.memory_space<semaphore_mem>>) src(%dma_wait3A_847 : memref<10240x16xf32, #tpu.memory_space<vmem_shared>>) dst(%dma_wait3A_841 : memref<128x16xf32, #tpu.memory_space<vmem>>)
        %add3A_848 = arith.constant 4 : i32
        %add3A_849 = arith.addi %add3A_803, %add3A_848 : i32
        %dma_wait3A_850 = arith.constant 512 : i32
        %dma_wait3A_851 = arith.constant 0 : i32
        %dma_wait3A_852 = tpu.memref_slice %arg13[%dma_wait3A_850, %dma_wait3A_851] : memref<1280x16xf32, #tpu.memory_space<vmem>> -> memref<128x16xf32, #tpu.memory_space<vmem>>
        %dma_wait3A_853 = arith.constant 0 : i32
        %dma_wait3A_854 = tpu.memref_slice %arg10[%add3A_849, %dma_wait3A_853] : memref<80x128xi32, #tpu.memory_space<vmem>> -> memref<1x128xi32, #tpu.memory_space<vmem>>
        %dma_wait3A_855 = tpu.memref_squeeze %dma_wait3A_854 : memref<1x128xi32, #tpu.memory_space<vmem>> -> memref<128xi32, #tpu.memory_space<vmem>>
        %dma_wait3A_856 = arith.constant 0 : i32
        %dma_wait3A_857 = arith.constant 0 : i32
        %dma_wait3A_858 = tpu.memref_slice %arg9[%dma_wait3A_856, %dma_wait3A_857] : memref<10240x16xf32, #tpu.memory_space<vmem_shared>> -> memref<10240x16xf32, #tpu.memory_space<vmem_shared>>
        tpu.wait_indirect_dma semaphore(%arg20 : memref<!tpu.dma_semaphore, #tpu.memory_space<semaphore_mem>>) src(%dma_wait3A_858 : memref<10240x16xf32, #tpu.memory_space<vmem_shared>>) dst(%dma_wait3A_852 : memref<128x16xf32, #tpu.memory_space<vmem>>)
        %add3A_859 = arith.constant 5 : i32
        %add3A_860 = arith.addi %add3A_803, %add3A_859 : i32
        %dma_wait3A_861 = arith.constant 640 : i32
        %dma_wait3A_862 = arith.constant 0 : i32
        %dma_wait3A_863 = tpu.memref_slice %arg13[%dma_wait3A_861, %dma_wait3A_862] : memref<1280x16xf32, #tpu.memory_space<vmem>> -> memref<128x16xf32, #tpu.memory_space<vmem>>
        %dma_wait3A_864 = arith.constant 0 : i32
        %dma_wait3A_865 = tpu.memref_slice %arg10[%add3A_860, %dma_wait3A_864] : memref<80x128xi32, #tpu.memory_space<vmem>> -> memref<1x128xi32, #tpu.memory_space<vmem>>
        %dma_wait3A_866 = tpu.memref_squeeze %dma_wait3A_865 : memref<1x128xi32, #tpu.memory_space<vmem>> -> memref<128xi32, #tpu.memory_space<vmem>>
        %dma_wait3A_867 = arith.constant 0 : i32
        %dma_wait3A_868 = arith.constant 0 : i32
        %dma_wait3A_869 = tpu.memref_slice %arg9[%dma_wait3A_867, %dma_wait3A_868] : memref<10240x16xf32, #tpu.memory_space<vmem_shared>> -> memref<10240x16xf32, #tpu.memory_space<vmem_shared>>
        tpu.wait_indirect_dma semaphore(%arg20 : memref<!tpu.dma_semaphore, #tpu.memory_space<semaphore_mem>>) src(%dma_wait3A_869 : memref<10240x16xf32, #tpu.memory_space<vmem_shared>>) dst(%dma_wait3A_863 : memref<128x16xf32, #tpu.memory_space<vmem>>)
        %add3A_870 = arith.constant 6 : i32
        %add3A_871 = arith.addi %add3A_803, %add3A_870 : i32
        %dma_wait3A_872 = arith.constant 768 : i32
        %dma_wait3A_873 = arith.constant 0 : i32
        %dma_wait3A_874 = tpu.memref_slice %arg13[%dma_wait3A_872, %dma_wait3A_873] : memref<1280x16xf32, #tpu.memory_space<vmem>> -> memref<128x16xf32, #tpu.memory_space<vmem>>
        %dma_wait3A_875 = arith.constant 0 : i32
        %dma_wait3A_876 = tpu.memref_slice %arg10[%add3A_871, %dma_wait3A_875] : memref<80x128xi32, #tpu.memory_space<vmem>> -> memref<1x128xi32, #tpu.memory_space<vmem>>
        %dma_wait3A_877 = tpu.memref_squeeze %dma_wait3A_876 : memref<1x128xi32, #tpu.memory_space<vmem>> -> memref<128xi32, #tpu.memory_space<vmem>>
        %dma_wait3A_878 = arith.constant 0 : i32
        %dma_wait3A_879 = arith.constant 0 : i32
        %dma_wait3A_880 = tpu.memref_slice %arg9[%dma_wait3A_878, %dma_wait3A_879] : memref<10240x16xf32, #tpu.memory_space<vmem_shared>> -> memref<10240x16xf32, #tpu.memory_space<vmem_shared>>
        tpu.wait_indirect_dma semaphore(%arg20 : memref<!tpu.dma_semaphore, #tpu.memory_space<semaphore_mem>>) src(%dma_wait3A_880 : memref<10240x16xf32, #tpu.memory_space<vmem_shared>>) dst(%dma_wait3A_874 : memref<128x16xf32, #tpu.memory_space<vmem>>)
        %add3A_881 = arith.constant 7 : i32
        %add3A_882 = arith.addi %add3A_803, %add3A_881 : i32
        %dma_wait3A_883 = arith.constant 896 : i32
        %dma_wait3A_884 = arith.constant 0 : i32
        %dma_wait3A_885 = tpu.memref_slice %arg13[%dma_wait3A_883, %dma_wait3A_884] : memref<1280x16xf32, #tpu.memory_space<vmem>> -> memref<128x16xf32, #tpu.memory_space<vmem>>
        %dma_wait3A_886 = arith.constant 0 : i32
        %dma_wait3A_887 = tpu.memref_slice %arg10[%add3A_882, %dma_wait3A_886] : memref<80x128xi32, #tpu.memory_space<vmem>> -> memref<1x128xi32, #tpu.memory_space<vmem>>
        %dma_wait3A_888 = tpu.memref_squeeze %dma_wait3A_887 : memref<1x128xi32, #tpu.memory_space<vmem>> -> memref<128xi32, #tpu.memory_space<vmem>>
        %dma_wait3A_889 = arith.constant 0 : i32
        %dma_wait3A_890 = arith.constant 0 : i32
        %dma_wait3A_891 = tpu.memref_slice %arg9[%dma_wait3A_889, %dma_wait3A_890] : memref<10240x16xf32, #tpu.memory_space<vmem_shared>> -> memref<10240x16xf32, #tpu.memory_space<vmem_shared>>
        tpu.wait_indirect_dma semaphore(%arg20 : memref<!tpu.dma_semaphore, #tpu.memory_space<semaphore_mem>>) src(%dma_wait3A_891 : memref<10240x16xf32, #tpu.memory_space<vmem_shared>>) dst(%dma_wait3A_885 : memref<128x16xf32, #tpu.memory_space<vmem>>)
        %add3A_892 = arith.constant 8 : i32
        %add3A_893 = arith.addi %add3A_803, %add3A_892 : i32
        %dma_wait3A_894 = arith.constant 1024 : i32
        %dma_wait3A_895 = arith.constant 0 : i32
        %dma_wait3A_896 = tpu.memref_slice %arg13[%dma_wait3A_894, %dma_wait3A_895] : memref<1280x16xf32, #tpu.memory_space<vmem>> -> memref<128x16xf32, #tpu.memory_space<vmem>>
        %dma_wait3A_897 = arith.constant 0 : i32
        %dma_wait3A_898 = tpu.memref_slice %arg10[%add3A_893, %dma_wait3A_897] : memref<80x128xi32, #tpu.memory_space<vmem>> -> memref<1x128xi32, #tpu.memory_space<vmem>>
        %dma_wait3A_899 = tpu.memref_squeeze %dma_wait3A_898 : memref<1x128xi32, #tpu.memory_space<vmem>> -> memref<128xi32, #tpu.memory_space<vmem>>
        %dma_wait3A_900 = arith.constant 0 : i32
        %dma_wait3A_901 = arith.constant 0 : i32
        %dma_wait3A_902 = tpu.memref_slice %arg9[%dma_wait3A_900, %dma_wait3A_901] : memref<10240x16xf32, #tpu.memory_space<vmem_shared>> -> memref<10240x16xf32, #tpu.memory_space<vmem_shared>>
        tpu.wait_indirect_dma semaphore(%arg20 : memref<!tpu.dma_semaphore, #tpu.memory_space<semaphore_mem>>) src(%dma_wait3A_902 : memref<10240x16xf32, #tpu.memory_space<vmem_shared>>) dst(%dma_wait3A_896 : memref<128x16xf32, #tpu.memory_space<vmem>>)
        %add3A_903 = arith.constant 9 : i32
        %add3A_904 = arith.addi %add3A_803, %add3A_903 : i32
        %dma_wait3A_905 = arith.constant 1152 : i32
        %dma_wait3A_906 = arith.constant 0 : i32
        %dma_wait3A_907 = tpu.memref_slice %arg13[%dma_wait3A_905, %dma_wait3A_906] : memref<1280x16xf32, #tpu.memory_space<vmem>> -> memref<128x16xf32, #tpu.memory_space<vmem>>
        %dma_wait3A_908 = arith.constant 0 : i32
        %dma_wait3A_909 = tpu.memref_slice %arg10[%add3A_904, %dma_wait3A_908] : memref<80x128xi32, #tpu.memory_space<vmem>> -> memref<1x128xi32, #tpu.memory_space<vmem>>
        %dma_wait3A_910 = tpu.memref_squeeze %dma_wait3A_909 : memref<1x128xi32, #tpu.memory_space<vmem>> -> memref<128xi32, #tpu.memory_space<vmem>>
        %dma_wait3A_911 = arith.constant 0 : i32
        %dma_wait3A_912 = arith.constant 0 : i32
        %dma_wait3A_913 = tpu.memref_slice %arg9[%dma_wait3A_911, %dma_wait3A_912] : memref<10240x16xf32, #tpu.memory_space<vmem_shared>> -> memref<10240x16xf32, #tpu.memory_space<vmem_shared>>
        tpu.wait_indirect_dma semaphore(%arg20 : memref<!tpu.dma_semaphore, #tpu.memory_space<semaphore_mem>>) src(%dma_wait3A_913 : memref<10240x16xf32, #tpu.memory_space<vmem_shared>>) dst(%dma_wait3A_907 : memref<128x16xf32, #tpu.memory_space<vmem>>)
        %add3A_914 = arith.constant 10 : i32
        %add3A_915 = arith.addi %add3A_355, %add3A_914 : i32
        %add3A_916 = arith.constant 0 : i32
        %add3A_917 = arith.addi %add3A_915, %add3A_916 : i32
        %dma_start3A_918 = arith.constant 0 : i32
        %dma_start3A_919 = arith.constant 0 : i32
        %dma_start3A_920 = tpu.memref_slice %arg13[%dma_start3A_918, %dma_start3A_919] : memref<1280x16xf32, #tpu.memory_space<vmem>> -> memref<128x16xf32, #tpu.memory_space<vmem>>
        %dma_start3A_921 = arith.constant 0 : i32
        %dma_start3A_922 = tpu.memref_slice %arg11[%add3A_917, %dma_start3A_921] : memref<80x128xi32, #tpu.memory_space<vmem>> -> memref<1x128xi32, #tpu.memory_space<vmem>>
        %dma_start3A_923 = tpu.memref_squeeze %dma_start3A_922 : memref<1x128xi32, #tpu.memory_space<vmem>> -> memref<128xi32, #tpu.memory_space<vmem>>
        %dma_start3A_924 = arith.constant 0 : i32
        %dma_start3A_925 = arith.constant 0 : i32
        %dma_start3A_926 = tpu.memref_slice %arg8[%dma_start3A_924, %dma_start3A_925] : memref<10240x16xf32, #tpu.memory_space<vmem_shared>> -> memref<10240x16xf32, #tpu.memory_space<vmem_shared>>
        tpu.enqueue_indirect_dma source(%dma_start3A_920 : memref<128x16xf32, #tpu.memory_space<vmem>>) target(%dma_start3A_926 : memref<10240x16xf32, #tpu.memory_space<vmem_shared>>) offsets(%dma_start3A_923 : memref<128xi32, #tpu.memory_space<vmem>>) semaphore(%arg22 : memref<!tpu.dma_semaphore, #tpu.memory_space<semaphore_mem>>) {add = true}
        %add3A_927 = arith.constant 1 : i32
        %add3A_928 = arith.addi %add3A_915, %add3A_927 : i32
        %dma_start3A_929 = arith.constant 128 : i32
        %dma_start3A_930 = arith.constant 0 : i32
        %dma_start3A_931 = tpu.memref_slice %arg13[%dma_start3A_929, %dma_start3A_930] : memref<1280x16xf32, #tpu.memory_space<vmem>> -> memref<128x16xf32, #tpu.memory_space<vmem>>
        %dma_start3A_932 = arith.constant 0 : i32
        %dma_start3A_933 = tpu.memref_slice %arg11[%add3A_928, %dma_start3A_932] : memref<80x128xi32, #tpu.memory_space<vmem>> -> memref<1x128xi32, #tpu.memory_space<vmem>>
        %dma_start3A_934 = tpu.memref_squeeze %dma_start3A_933 : memref<1x128xi32, #tpu.memory_space<vmem>> -> memref<128xi32, #tpu.memory_space<vmem>>
        %dma_start3A_935 = arith.constant 0 : i32
        %dma_start3A_936 = arith.constant 0 : i32
        %dma_start3A_937 = tpu.memref_slice %arg8[%dma_start3A_935, %dma_start3A_936] : memref<10240x16xf32, #tpu.memory_space<vmem_shared>> -> memref<10240x16xf32, #tpu.memory_space<vmem_shared>>
        tpu.enqueue_indirect_dma source(%dma_start3A_931 : memref<128x16xf32, #tpu.memory_space<vmem>>) target(%dma_start3A_937 : memref<10240x16xf32, #tpu.memory_space<vmem_shared>>) offsets(%dma_start3A_934 : memref<128xi32, #tpu.memory_space<vmem>>) semaphore(%arg22 : memref<!tpu.dma_semaphore, #tpu.memory_space<semaphore_mem>>) {add = true}
        %add3A_938 = arith.constant 2 : i32
        %add3A_939 = arith.addi %add3A_915, %add3A_938 : i32
        %dma_start3A_940 = arith.constant 256 : i32
        %dma_start3A_941 = arith.constant 0 : i32
        %dma_start3A_942 = tpu.memref_slice %arg13[%dma_start3A_940, %dma_start3A_941] : memref<1280x16xf32, #tpu.memory_space<vmem>> -> memref<128x16xf32, #tpu.memory_space<vmem>>
        %dma_start3A_943 = arith.constant 0 : i32
        %dma_start3A_944 = tpu.memref_slice %arg11[%add3A_939, %dma_start3A_943] : memref<80x128xi32, #tpu.memory_space<vmem>> -> memref<1x128xi32, #tpu.memory_space<vmem>>
        %dma_start3A_945 = tpu.memref_squeeze %dma_start3A_944 : memref<1x128xi32, #tpu.memory_space<vmem>> -> memref<128xi32, #tpu.memory_space<vmem>>
        %dma_start3A_946 = arith.constant 0 : i32
        %dma_start3A_947 = arith.constant 0 : i32
        %dma_start3A_948 = tpu.memref_slice %arg8[%dma_start3A_946, %dma_start3A_947] : memref<10240x16xf32, #tpu.memory_space<vmem_shared>> -> memref<10240x16xf32, #tpu.memory_space<vmem_shared>>
        tpu.enqueue_indirect_dma source(%dma_start3A_942 : memref<128x16xf32, #tpu.memory_space<vmem>>) target(%dma_start3A_948 : memref<10240x16xf32, #tpu.memory_space<vmem_shared>>) offsets(%dma_start3A_945 : memref<128xi32, #tpu.memory_space<vmem>>) semaphore(%arg22 : memref<!tpu.dma_semaphore, #tpu.memory_space<semaphore_mem>>) {add = true}
        %add3A_949 = arith.constant 3 : i32
        %add3A_950 = arith.addi %add3A_915, %add3A_949 : i32
        %dma_start3A_951 = arith.constant 384 : i32
        %dma_start3A_952 = arith.constant 0 : i32
        %dma_start3A_953 = tpu.memref_slice %arg13[%dma_start3A_951, %dma_start3A_952] : memref<1280x16xf32, #tpu.memory_space<vmem>> -> memref<128x16xf32, #tpu.memory_space<vmem>>
        %dma_start3A_954 = arith.constant 0 : i32
        %dma_start3A_955 = tpu.memref_slice %arg11[%add3A_950, %dma_start3A_954] : memref<80x128xi32, #tpu.memory_space<vmem>> -> memref<1x128xi32, #tpu.memory_space<vmem>>
        %dma_start3A_956 = tpu.memref_squeeze %dma_start3A_955 : memref<1x128xi32, #tpu.memory_space<vmem>> -> memref<128xi32, #tpu.memory_space<vmem>>
        %dma_start3A_957 = arith.constant 0 : i32
        %dma_start3A_958 = arith.constant 0 : i32
        %dma_start3A_959 = tpu.memref_slice %arg8[%dma_start3A_957, %dma_start3A_958] : memref<10240x16xf32, #tpu.memory_space<vmem_shared>> -> memref<10240x16xf32, #tpu.memory_space<vmem_shared>>
        tpu.enqueue_indirect_dma source(%dma_start3A_953 : memref<128x16xf32, #tpu.memory_space<vmem>>) target(%dma_start3A_959 : memref<10240x16xf32, #tpu.memory_space<vmem_shared>>) offsets(%dma_start3A_956 : memref<128xi32, #tpu.memory_space<vmem>>) semaphore(%arg22 : memref<!tpu.dma_semaphore, #tpu.memory_space<semaphore_mem>>) {add = true}
        %add3A_960 = arith.constant 4 : i32
        %add3A_961 = arith.addi %add3A_915, %add3A_960 : i32
        %dma_start3A_962 = arith.constant 512 : i32
        %dma_start3A_963 = arith.constant 0 : i32
        %dma_start3A_964 = tpu.memref_slice %arg13[%dma_start3A_962, %dma_start3A_963] : memref<1280x16xf32, #tpu.memory_space<vmem>> -> memref<128x16xf32, #tpu.memory_space<vmem>>
        %dma_start3A_965 = arith.constant 0 : i32
        %dma_start3A_966 = tpu.memref_slice %arg11[%add3A_961, %dma_start3A_965] : memref<80x128xi32, #tpu.memory_space<vmem>> -> memref<1x128xi32, #tpu.memory_space<vmem>>
        %dma_start3A_967 = tpu.memref_squeeze %dma_start3A_966 : memref<1x128xi32, #tpu.memory_space<vmem>> -> memref<128xi32, #tpu.memory_space<vmem>>
        %dma_start3A_968 = arith.constant 0 : i32
        %dma_start3A_969 = arith.constant 0 : i32
        %dma_start3A_970 = tpu.memref_slice %arg8[%dma_start3A_968, %dma_start3A_969] : memref<10240x16xf32, #tpu.memory_space<vmem_shared>> -> memref<10240x16xf32, #tpu.memory_space<vmem_shared>>
        tpu.enqueue_indirect_dma source(%dma_start3A_964 : memref<128x16xf32, #tpu.memory_space<vmem>>) target(%dma_start3A_970 : memref<10240x16xf32, #tpu.memory_space<vmem_shared>>) offsets(%dma_start3A_967 : memref<128xi32, #tpu.memory_space<vmem>>) semaphore(%arg22 : memref<!tpu.dma_semaphore, #tpu.memory_space<semaphore_mem>>) {add = true}
        %add3A_971 = arith.constant 5 : i32
        %add3A_972 = arith.addi %add3A_915, %add3A_971 : i32
        %dma_start3A_973 = arith.constant 640 : i32
        %dma_start3A_974 = arith.constant 0 : i32
        %dma_start3A_975 = tpu.memref_slice %arg13[%dma_start3A_973, %dma_start3A_974] : memref<1280x16xf32, #tpu.memory_space<vmem>> -> memref<128x16xf32, #tpu.memory_space<vmem>>
        %dma_start3A_976 = arith.constant 0 : i32
        %dma_start3A_977 = tpu.memref_slice %arg11[%add3A_972, %dma_start3A_976] : memref<80x128xi32, #tpu.memory_space<vmem>> -> memref<1x128xi32, #tpu.memory_space<vmem>>
        %dma_start3A_978 = tpu.memref_squeeze %dma_start3A_977 : memref<1x128xi32, #tpu.memory_space<vmem>> -> memref<128xi32, #tpu.memory_space<vmem>>
        %dma_start3A_979 = arith.constant 0 : i32
        %dma_start3A_980 = arith.constant 0 : i32
        %dma_start3A_981 = tpu.memref_slice %arg8[%dma_start3A_979, %dma_start3A_980] : memref<10240x16xf32, #tpu.memory_space<vmem_shared>> -> memref<10240x16xf32, #tpu.memory_space<vmem_shared>>
        tpu.enqueue_indirect_dma source(%dma_start3A_975 : memref<128x16xf32, #tpu.memory_space<vmem>>) target(%dma_start3A_981 : memref<10240x16xf32, #tpu.memory_space<vmem_shared>>) offsets(%dma_start3A_978 : memref<128xi32, #tpu.memory_space<vmem>>) semaphore(%arg22 : memref<!tpu.dma_semaphore, #tpu.memory_space<semaphore_mem>>) {add = true}
        %add3A_982 = arith.constant 6 : i32
        %add3A_983 = arith.addi %add3A_915, %add3A_982 : i32
        %dma_start3A_984 = arith.constant 768 : i32
        %dma_start3A_985 = arith.constant 0 : i32
        %dma_start3A_986 = tpu.memref_slice %arg13[%dma_start3A_984, %dma_start3A_985] : memref<1280x16xf32, #tpu.memory_space<vmem>> -> memref<128x16xf32, #tpu.memory_space<vmem>>
        %dma_start3A_987 = arith.constant 0 : i32
        %dma_start3A_988 = tpu.memref_slice %arg11[%add3A_983, %dma_start3A_987] : memref<80x128xi32, #tpu.memory_space<vmem>> -> memref<1x128xi32, #tpu.memory_space<vmem>>
        %dma_start3A_989 = tpu.memref_squeeze %dma_start3A_988 : memref<1x128xi32, #tpu.memory_space<vmem>> -> memref<128xi32, #tpu.memory_space<vmem>>
        %dma_start3A_990 = arith.constant 0 : i32
        %dma_start3A_991 = arith.constant 0 : i32
        %dma_start3A_992 = tpu.memref_slice %arg8[%dma_start3A_990, %dma_start3A_991] : memref<10240x16xf32, #tpu.memory_space<vmem_shared>> -> memref<10240x16xf32, #tpu.memory_space<vmem_shared>>
        tpu.enqueue_indirect_dma source(%dma_start3A_986 : memref<128x16xf32, #tpu.memory_space<vmem>>) target(%dma_start3A_992 : memref<10240x16xf32, #tpu.memory_space<vmem_shared>>) offsets(%dma_start3A_989 : memref<128xi32, #tpu.memory_space<vmem>>) semaphore(%arg22 : memref<!tpu.dma_semaphore, #tpu.memory_space<semaphore_mem>>) {add = true}
        %add3A_993 = arith.constant 7 : i32
        %add3A_994 = arith.addi %add3A_915, %add3A_993 : i32
        %dma_start3A_995 = arith.constant 896 : i32
        %dma_start3A_996 = arith.constant 0 : i32
        %dma_start3A_997 = tpu.memref_slice %arg13[%dma_start3A_995, %dma_start3A_996] : memref<1280x16xf32, #tpu.memory_space<vmem>> -> memref<128x16xf32, #tpu.memory_space<vmem>>
        %dma_start3A_998 = arith.constant 0 : i32
        %dma_start3A_999 = tpu.memref_slice %arg11[%add3A_994, %dma_start3A_998] : memref<80x128xi32, #tpu.memory_space<vmem>> -> memref<1x128xi32, #tpu.memory_space<vmem>>
        %dma_start3A_1000 = tpu.memref_squeeze %dma_start3A_999 : memref<1x128xi32, #tpu.memory_space<vmem>> -> memref<128xi32, #tpu.memory_space<vmem>>
        %dma_start3A_1001 = arith.constant 0 : i32
        %dma_start3A_1002 = arith.constant 0 : i32
        %dma_start3A_1003 = tpu.memref_slice %arg8[%dma_start3A_1001, %dma_start3A_1002] : memref<10240x16xf32, #tpu.memory_space<vmem_shared>> -> memref<10240x16xf32, #tpu.memory_space<vmem_shared>>
        tpu.enqueue_indirect_dma source(%dma_start3A_997 : memref<128x16xf32, #tpu.memory_space<vmem>>) target(%dma_start3A_1003 : memref<10240x16xf32, #tpu.memory_space<vmem_shared>>) offsets(%dma_start3A_1000 : memref<128xi32, #tpu.memory_space<vmem>>) semaphore(%arg22 : memref<!tpu.dma_semaphore, #tpu.memory_space<semaphore_mem>>) {add = true}
        %add3A_1004 = arith.constant 8 : i32
        %add3A_1005 = arith.addi %add3A_915, %add3A_1004 : i32
        %dma_start3A_1006 = arith.constant 1024 : i32
        %dma_start3A_1007 = arith.constant 0 : i32
        %dma_start3A_1008 = tpu.memref_slice %arg13[%dma_start3A_1006, %dma_start3A_1007] : memref<1280x16xf32, #tpu.memory_space<vmem>> -> memref<128x16xf32, #tpu.memory_space<vmem>>
        %dma_start3A_1009 = arith.constant 0 : i32
        %dma_start3A_1010 = tpu.memref_slice %arg11[%add3A_1005, %dma_start3A_1009] : memref<80x128xi32, #tpu.memory_space<vmem>> -> memref<1x128xi32, #tpu.memory_space<vmem>>
        %dma_start3A_1011 = tpu.memref_squeeze %dma_start3A_1010 : memref<1x128xi32, #tpu.memory_space<vmem>> -> memref<128xi32, #tpu.memory_space<vmem>>
        %dma_start3A_1012 = arith.constant 0 : i32
        %dma_start3A_1013 = arith.constant 0 : i32
        %dma_start3A_1014 = tpu.memref_slice %arg8[%dma_start3A_1012, %dma_start3A_1013] : memref<10240x16xf32, #tpu.memory_space<vmem_shared>> -> memref<10240x16xf32, #tpu.memory_space<vmem_shared>>
        tpu.enqueue_indirect_dma source(%dma_start3A_1008 : memref<128x16xf32, #tpu.memory_space<vmem>>) target(%dma_start3A_1014 : memref<10240x16xf32, #tpu.memory_space<vmem_shared>>) offsets(%dma_start3A_1011 : memref<128xi32, #tpu.memory_space<vmem>>) semaphore(%arg22 : memref<!tpu.dma_semaphore, #tpu.memory_space<semaphore_mem>>) {add = true}
        %add3A_1015 = arith.constant 9 : i32
        %add3A_1016 = arith.addi %add3A_915, %add3A_1015 : i32
        %dma_start3A_1017 = arith.constant 1152 : i32
        %dma_start3A_1018 = arith.constant 0 : i32
        %dma_start3A_1019 = tpu.memref_slice %arg13[%dma_start3A_1017, %dma_start3A_1018] : memref<1280x16xf32, #tpu.memory_space<vmem>> -> memref<128x16xf32, #tpu.memory_space<vmem>>
        %dma_start3A_1020 = arith.constant 0 : i32
        %dma_start3A_1021 = tpu.memref_slice %arg11[%add3A_1016, %dma_start3A_1020] : memref<80x128xi32, #tpu.memory_space<vmem>> -> memref<1x128xi32, #tpu.memory_space<vmem>>
        %dma_start3A_1022 = tpu.memref_squeeze %dma_start3A_1021 : memref<1x128xi32, #tpu.memory_space<vmem>> -> memref<128xi32, #tpu.memory_space<vmem>>
        %dma_start3A_1023 = arith.constant 0 : i32
        %dma_start3A_1024 = arith.constant 0 : i32
        %dma_start3A_1025 = tpu.memref_slice %arg8[%dma_start3A_1023, %dma_start3A_1024] : memref<10240x16xf32, #tpu.memory_space<vmem_shared>> -> memref<10240x16xf32, #tpu.memory_space<vmem_shared>>
        tpu.enqueue_indirect_dma source(%dma_start3A_1019 : memref<128x16xf32, #tpu.memory_space<vmem>>) target(%dma_start3A_1025 : memref<10240x16xf32, #tpu.memory_space<vmem_shared>>) offsets(%dma_start3A_1022 : memref<128xi32, #tpu.memory_space<vmem>>) semaphore(%arg22 : memref<!tpu.dma_semaphore, #tpu.memory_space<semaphore_mem>>) {add = true}
        %add3A_1026 = arith.constant 10 : i32
        %add3A_1027 = arith.addi %add3A_355, %add3A_1026 : i32
        %add3A_1028 = arith.constant 0 : i32
        %add3A_1029 = arith.addi %add3A_1027, %add3A_1028 : i32
        %dma_wait3A_1030 = arith.constant 0 : i32
        %dma_wait3A_1031 = arith.constant 0 : i32
        %dma_wait3A_1032 = tpu.memref_slice %arg13[%dma_wait3A_1030, %dma_wait3A_1031] : memref<1280x16xf32, #tpu.memory_space<vmem>> -> memref<128x16xf32, #tpu.memory_space<vmem>>
        %dma_wait3A_1033 = arith.constant 0 : i32
        %dma_wait3A_1034 = tpu.memref_slice %arg11[%add3A_1029, %dma_wait3A_1033] : memref<80x128xi32, #tpu.memory_space<vmem>> -> memref<1x128xi32, #tpu.memory_space<vmem>>
        %dma_wait3A_1035 = tpu.memref_squeeze %dma_wait3A_1034 : memref<1x128xi32, #tpu.memory_space<vmem>> -> memref<128xi32, #tpu.memory_space<vmem>>
        %dma_wait3A_1036 = arith.constant 0 : i32
        %dma_wait3A_1037 = arith.constant 0 : i32
        %dma_wait3A_1038 = tpu.memref_slice %arg8[%dma_wait3A_1036, %dma_wait3A_1037] : memref<10240x16xf32, #tpu.memory_space<vmem_shared>> -> memref<10240x16xf32, #tpu.memory_space<vmem_shared>>
        tpu.wait_indirect_dma semaphore(%arg22 : memref<!tpu.dma_semaphore, #tpu.memory_space<semaphore_mem>>) src(%dma_wait3A_1032 : memref<128x16xf32, #tpu.memory_space<vmem>>) dst(%dma_wait3A_1038 : memref<10240x16xf32, #tpu.memory_space<vmem_shared>>)
        %add3A_1039 = arith.constant 1 : i32
        %add3A_1040 = arith.addi %add3A_1027, %add3A_1039 : i32
        %dma_wait3A_1041 = arith.constant 128 : i32
        %dma_wait3A_1042 = arith.constant 0 : i32
        %dma_wait3A_1043 = tpu.memref_slice %arg13[%dma_wait3A_1041, %dma_wait3A_1042] : memref<1280x16xf32, #tpu.memory_space<vmem>> -> memref<128x16xf32, #tpu.memory_space<vmem>>
        %dma_wait3A_1044 = arith.constant 0 : i32
        %dma_wait3A_1045 = tpu.memref_slice %arg11[%add3A_1040, %dma_wait3A_1044] : memref<80x128xi32, #tpu.memory_space<vmem>> -> memref<1x128xi32, #tpu.memory_space<vmem>>
        %dma_wait3A_1046 = tpu.memref_squeeze %dma_wait3A_1045 : memref<1x128xi32, #tpu.memory_space<vmem>> -> memref<128xi32, #tpu.memory_space<vmem>>
        %dma_wait3A_1047 = arith.constant 0 : i32
        %dma_wait3A_1048 = arith.constant 0 : i32
        %dma_wait3A_1049 = tpu.memref_slice %arg8[%dma_wait3A_1047, %dma_wait3A_1048] : memref<10240x16xf32, #tpu.memory_space<vmem_shared>> -> memref<10240x16xf32, #tpu.memory_space<vmem_shared>>
        tpu.wait_indirect_dma semaphore(%arg22 : memref<!tpu.dma_semaphore, #tpu.memory_space<semaphore_mem>>) src(%dma_wait3A_1043 : memref<128x16xf32, #tpu.memory_space<vmem>>) dst(%dma_wait3A_1049 : memref<10240x16xf32, #tpu.memory_space<vmem_shared>>)
        %add3A_1050 = arith.constant 2 : i32
        %add3A_1051 = arith.addi %add3A_1027, %add3A_1050 : i32
        %dma_wait3A_1052 = arith.constant 256 : i32
        %dma_wait3A_1053 = arith.constant 0 : i32
        %dma_wait3A_1054 = tpu.memref_slice %arg13[%dma_wait3A_1052, %dma_wait3A_1053] : memref<1280x16xf32, #tpu.memory_space<vmem>> -> memref<128x16xf32, #tpu.memory_space<vmem>>
        %dma_wait3A_1055 = arith.constant 0 : i32
        %dma_wait3A_1056 = tpu.memref_slice %arg11[%add3A_1051, %dma_wait3A_1055] : memref<80x128xi32, #tpu.memory_space<vmem>> -> memref<1x128xi32, #tpu.memory_space<vmem>>
        %dma_wait3A_1057 = tpu.memref_squeeze %dma_wait3A_1056 : memref<1x128xi32, #tpu.memory_space<vmem>> -> memref<128xi32, #tpu.memory_space<vmem>>
        %dma_wait3A_1058 = arith.constant 0 : i32
        %dma_wait3A_1059 = arith.constant 0 : i32
        %dma_wait3A_1060 = tpu.memref_slice %arg8[%dma_wait3A_1058, %dma_wait3A_1059] : memref<10240x16xf32, #tpu.memory_space<vmem_shared>> -> memref<10240x16xf32, #tpu.memory_space<vmem_shared>>
        tpu.wait_indirect_dma semaphore(%arg22 : memref<!tpu.dma_semaphore, #tpu.memory_space<semaphore_mem>>) src(%dma_wait3A_1054 : memref<128x16xf32, #tpu.memory_space<vmem>>) dst(%dma_wait3A_1060 : memref<10240x16xf32, #tpu.memory_space<vmem_shared>>)
        %add3A_1061 = arith.constant 3 : i32
        %add3A_1062 = arith.addi %add3A_1027, %add3A_1061 : i32
        %dma_wait3A_1063 = arith.constant 384 : i32
        %dma_wait3A_1064 = arith.constant 0 : i32
        %dma_wait3A_1065 = tpu.memref_slice %arg13[%dma_wait3A_1063, %dma_wait3A_1064] : memref<1280x16xf32, #tpu.memory_space<vmem>> -> memref<128x16xf32, #tpu.memory_space<vmem>>
        %dma_wait3A_1066 = arith.constant 0 : i32
        %dma_wait3A_1067 = tpu.memref_slice %arg11[%add3A_1062, %dma_wait3A_1066] : memref<80x128xi32, #tpu.memory_space<vmem>> -> memref<1x128xi32, #tpu.memory_space<vmem>>
        %dma_wait3A_1068 = tpu.memref_squeeze %dma_wait3A_1067 : memref<1x128xi32, #tpu.memory_space<vmem>> -> memref<128xi32, #tpu.memory_space<vmem>>
        %dma_wait3A_1069 = arith.constant 0 : i32
        %dma_wait3A_1070 = arith.constant 0 : i32
        %dma_wait3A_1071 = tpu.memref_slice %arg8[%dma_wait3A_1069, %dma_wait3A_1070] : memref<10240x16xf32, #tpu.memory_space<vmem_shared>> -> memref<10240x16xf32, #tpu.memory_space<vmem_shared>>
        tpu.wait_indirect_dma semaphore(%arg22 : memref<!tpu.dma_semaphore, #tpu.memory_space<semaphore_mem>>) src(%dma_wait3A_1065 : memref<128x16xf32, #tpu.memory_space<vmem>>) dst(%dma_wait3A_1071 : memref<10240x16xf32, #tpu.memory_space<vmem_shared>>)
        %add3A_1072 = arith.constant 4 : i32
        %add3A_1073 = arith.addi %add3A_1027, %add3A_1072 : i32
        %dma_wait3A_1074 = arith.constant 512 : i32
        %dma_wait3A_1075 = arith.constant 0 : i32
        %dma_wait3A_1076 = tpu.memref_slice %arg13[%dma_wait3A_1074, %dma_wait3A_1075] : memref<1280x16xf32, #tpu.memory_space<vmem>> -> memref<128x16xf32, #tpu.memory_space<vmem>>
        %dma_wait3A_1077 = arith.constant 0 : i32
        %dma_wait3A_1078 = tpu.memref_slice %arg11[%add3A_1073, %dma_wait3A_1077] : memref<80x128xi32, #tpu.memory_space<vmem>> -> memref<1x128xi32, #tpu.memory_space<vmem>>
        %dma_wait3A_1079 = tpu.memref_squeeze %dma_wait3A_1078 : memref<1x128xi32, #tpu.memory_space<vmem>> -> memref<128xi32, #tpu.memory_space<vmem>>
        %dma_wait3A_1080 = arith.constant 0 : i32
        %dma_wait3A_1081 = arith.constant 0 : i32
        %dma_wait3A_1082 = tpu.memref_slice %arg8[%dma_wait3A_1080, %dma_wait3A_1081] : memref<10240x16xf32, #tpu.memory_space<vmem_shared>> -> memref<10240x16xf32, #tpu.memory_space<vmem_shared>>
        tpu.wait_indirect_dma semaphore(%arg22 : memref<!tpu.dma_semaphore, #tpu.memory_space<semaphore_mem>>) src(%dma_wait3A_1076 : memref<128x16xf32, #tpu.memory_space<vmem>>) dst(%dma_wait3A_1082 : memref<10240x16xf32, #tpu.memory_space<vmem_shared>>)
        %add3A_1083 = arith.constant 5 : i32
        %add3A_1084 = arith.addi %add3A_1027, %add3A_1083 : i32
        %dma_wait3A_1085 = arith.constant 640 : i32
        %dma_wait3A_1086 = arith.constant 0 : i32
        %dma_wait3A_1087 = tpu.memref_slice %arg13[%dma_wait3A_1085, %dma_wait3A_1086] : memref<1280x16xf32, #tpu.memory_space<vmem>> -> memref<128x16xf32, #tpu.memory_space<vmem>>
        %dma_wait3A_1088 = arith.constant 0 : i32
        %dma_wait3A_1089 = tpu.memref_slice %arg11[%add3A_1084, %dma_wait3A_1088] : memref<80x128xi32, #tpu.memory_space<vmem>> -> memref<1x128xi32, #tpu.memory_space<vmem>>
        %dma_wait3A_1090 = tpu.memref_squeeze %dma_wait3A_1089 : memref<1x128xi32, #tpu.memory_space<vmem>> -> memref<128xi32, #tpu.memory_space<vmem>>
        %dma_wait3A_1091 = arith.constant 0 : i32
        %dma_wait3A_1092 = arith.constant 0 : i32
        %dma_wait3A_1093 = tpu.memref_slice %arg8[%dma_wait3A_1091, %dma_wait3A_1092] : memref<10240x16xf32, #tpu.memory_space<vmem_shared>> -> memref<10240x16xf32, #tpu.memory_space<vmem_shared>>
        tpu.wait_indirect_dma semaphore(%arg22 : memref<!tpu.dma_semaphore, #tpu.memory_space<semaphore_mem>>) src(%dma_wait3A_1087 : memref<128x16xf32, #tpu.memory_space<vmem>>) dst(%dma_wait3A_1093 : memref<10240x16xf32, #tpu.memory_space<vmem_shared>>)
        %add3A_1094 = arith.constant 6 : i32
        %add3A_1095 = arith.addi %add3A_1027, %add3A_1094 : i32
        %dma_wait3A_1096 = arith.constant 768 : i32
        %dma_wait3A_1097 = arith.constant 0 : i32
        %dma_wait3A_1098 = tpu.memref_slice %arg13[%dma_wait3A_1096, %dma_wait3A_1097] : memref<1280x16xf32, #tpu.memory_space<vmem>> -> memref<128x16xf32, #tpu.memory_space<vmem>>
        %dma_wait3A_1099 = arith.constant 0 : i32
        %dma_wait3A_1100 = tpu.memref_slice %arg11[%add3A_1095, %dma_wait3A_1099] : memref<80x128xi32, #tpu.memory_space<vmem>> -> memref<1x128xi32, #tpu.memory_space<vmem>>
        %dma_wait3A_1101 = tpu.memref_squeeze %dma_wait3A_1100 : memref<1x128xi32, #tpu.memory_space<vmem>> -> memref<128xi32, #tpu.memory_space<vmem>>
        %dma_wait3A_1102 = arith.constant 0 : i32
        %dma_wait3A_1103 = arith.constant 0 : i32
        %dma_wait3A_1104 = tpu.memref_slice %arg8[%dma_wait3A_1102, %dma_wait3A_1103] : memref<10240x16xf32, #tpu.memory_space<vmem_shared>> -> memref<10240x16xf32, #tpu.memory_space<vmem_shared>>
        tpu.wait_indirect_dma semaphore(%arg22 : memref<!tpu.dma_semaphore, #tpu.memory_space<semaphore_mem>>) src(%dma_wait3A_1098 : memref<128x16xf32, #tpu.memory_space<vmem>>) dst(%dma_wait3A_1104 : memref<10240x16xf32, #tpu.memory_space<vmem_shared>>)
        %add3A_1105 = arith.constant 7 : i32
        %add3A_1106 = arith.addi %add3A_1027, %add3A_1105 : i32
        %dma_wait3A_1107 = arith.constant 896 : i32
        %dma_wait3A_1108 = arith.constant 0 : i32
        %dma_wait3A_1109 = tpu.memref_slice %arg13[%dma_wait3A_1107, %dma_wait3A_1108] : memref<1280x16xf32, #tpu.memory_space<vmem>> -> memref<128x16xf32, #tpu.memory_space<vmem>>
        %dma_wait3A_1110 = arith.constant 0 : i32
        %dma_wait3A_1111 = tpu.memref_slice %arg11[%add3A_1106, %dma_wait3A_1110] : memref<80x128xi32, #tpu.memory_space<vmem>> -> memref<1x128xi32, #tpu.memory_space<vmem>>
        %dma_wait3A_1112 = tpu.memref_squeeze %dma_wait3A_1111 : memref<1x128xi32, #tpu.memory_space<vmem>> -> memref<128xi32, #tpu.memory_space<vmem>>
        %dma_wait3A_1113 = arith.constant 0 : i32
        %dma_wait3A_1114 = arith.constant 0 : i32
        %dma_wait3A_1115 = tpu.memref_slice %arg8[%dma_wait3A_1113, %dma_wait3A_1114] : memref<10240x16xf32, #tpu.memory_space<vmem_shared>> -> memref<10240x16xf32, #tpu.memory_space<vmem_shared>>
        tpu.wait_indirect_dma semaphore(%arg22 : memref<!tpu.dma_semaphore, #tpu.memory_space<semaphore_mem>>) src(%dma_wait3A_1109 : memref<128x16xf32, #tpu.memory_space<vmem>>) dst(%dma_wait3A_1115 : memref<10240x16xf32, #tpu.memory_space<vmem_shared>>)
        %add3A_1116 = arith.constant 8 : i32
        %add3A_1117 = arith.addi %add3A_1027, %add3A_1116 : i32
        %dma_wait3A_1118 = arith.constant 1024 : i32
        %dma_wait3A_1119 = arith.constant 0 : i32
        %dma_wait3A_1120 = tpu.memref_slice %arg13[%dma_wait3A_1118, %dma_wait3A_1119] : memref<1280x16xf32, #tpu.memory_space<vmem>> -> memref<128x16xf32, #tpu.memory_space<vmem>>
        %dma_wait3A_1121 = arith.constant 0 : i32
        %dma_wait3A_1122 = tpu.memref_slice %arg11[%add3A_1117, %dma_wait3A_1121] : memref<80x128xi32, #tpu.memory_space<vmem>> -> memref<1x128xi32, #tpu.memory_space<vmem>>
        %dma_wait3A_1123 = tpu.memref_squeeze %dma_wait3A_1122 : memref<1x128xi32, #tpu.memory_space<vmem>> -> memref<128xi32, #tpu.memory_space<vmem>>
        %dma_wait3A_1124 = arith.constant 0 : i32
        %dma_wait3A_1125 = arith.constant 0 : i32
        %dma_wait3A_1126 = tpu.memref_slice %arg8[%dma_wait3A_1124, %dma_wait3A_1125] : memref<10240x16xf32, #tpu.memory_space<vmem_shared>> -> memref<10240x16xf32, #tpu.memory_space<vmem_shared>>
        tpu.wait_indirect_dma semaphore(%arg22 : memref<!tpu.dma_semaphore, #tpu.memory_space<semaphore_mem>>) src(%dma_wait3A_1120 : memref<128x16xf32, #tpu.memory_space<vmem>>) dst(%dma_wait3A_1126 : memref<10240x16xf32, #tpu.memory_space<vmem_shared>>)
        %add3A_1127 = arith.constant 9 : i32
        %add3A_1128 = arith.addi %add3A_1027, %add3A_1127 : i32
        %dma_wait3A_1129 = arith.constant 1152 : i32
        %dma_wait3A_1130 = arith.constant 0 : i32
        %dma_wait3A_1131 = tpu.memref_slice %arg13[%dma_wait3A_1129, %dma_wait3A_1130] : memref<1280x16xf32, #tpu.memory_space<vmem>> -> memref<128x16xf32, #tpu.memory_space<vmem>>
        %dma_wait3A_1132 = arith.constant 0 : i32
        %dma_wait3A_1133 = tpu.memref_slice %arg11[%add3A_1128, %dma_wait3A_1132] : memref<80x128xi32, #tpu.memory_space<vmem>> -> memref<1x128xi32, #tpu.memory_space<vmem>>
        %dma_wait3A_1134 = tpu.memref_squeeze %dma_wait3A_1133 : memref<1x128xi32, #tpu.memory_space<vmem>> -> memref<128xi32, #tpu.memory_space<vmem>>
        %dma_wait3A_1135 = arith.constant 0 : i32
        %dma_wait3A_1136 = arith.constant 0 : i32
        %dma_wait3A_1137 = tpu.memref_slice %arg8[%dma_wait3A_1135, %dma_wait3A_1136] : memref<10240x16xf32, #tpu.memory_space<vmem_shared>> -> memref<10240x16xf32, #tpu.memory_space<vmem_shared>>
        tpu.wait_indirect_dma semaphore(%arg22 : memref<!tpu.dma_semaphore, #tpu.memory_space<semaphore_mem>>) src(%dma_wait3A_1131 : memref<128x16xf32, #tpu.memory_space<vmem>>) dst(%dma_wait3A_1137 : memref<10240x16xf32, #tpu.memory_space<vmem_shared>>)
      }
      %scan3A_216 = arith.constant 4 : i32
      %barrier3A_217 = arith.constant 0 : index
      tpu.barrier barrier_id(%barrier3A_217)
      %dma_start3A_218 = arith.constant 320 : i32
      %dma_start3A_219 = arith.constant 0 : i32
      %dma_start3A_220 = tpu.memref_slice %arg13[%dma_start3A_218, %dma_start3A_219] : memref<1280x16xf32, #tpu.memory_space<vmem>> -> memref<320x16xf32, #tpu.memory_space<vmem>>
      %dma_start3A_221 = arith.constant 0 : i32
      %dma_start3A_222 = tpu.memref_slice %arg8[%add3A_11, %dma_start3A_221] : memref<10240x16xf32, #tpu.memory_space<vmem_shared>> -> memref<320x16xf32, #tpu.memory_space<vmem_shared>>
      %dma_start3A_223 = arith.constant 320 : i32
      %dma_start3A_224 = arith.constant 0 : i32
      %dma_start3A_225 = tpu.memref_slice %arg13[%dma_start3A_223, %dma_start3A_224] : memref<1280x16xf32, #tpu.memory_space<vmem>> -> memref<320x16xf32, #tpu.memory_space<vmem>>
      %dma_start3A_226 = arith.constant 0 : i32
      %dma_start3A_227 = tpu.memref_slice %arg8[%add3A_11, %dma_start3A_226] : memref<10240x16xf32, #tpu.memory_space<vmem_shared>> -> memref<320x16xf32, #tpu.memory_space<vmem_shared>>
      tpu.enqueue_dma source(%dma_start3A_227 : memref<320x16xf32, #tpu.memory_space<vmem_shared>>) target(%dma_start3A_225 : memref<320x16xf32, #tpu.memory_space<vmem>>) target_semaphore(%arg19 : memref<!tpu.dma_semaphore, #tpu.memory_space<semaphore_mem>>)
      %dma_start3A_228 = arith.constant 0 : i32
      %dma_start3A_229 = arith.constant 0 : i32
      %dma_start3A_230 = tpu.memref_slice %arg12[%dma_start3A_228, %dma_start3A_229] : memref<1280x16xf32, #tpu.memory_space<vmem>> -> memref<320x16xf32, #tpu.memory_space<vmem>>
      %dma_start3A_231 = arith.constant 0 : i32
      %dma_start3A_232 = tpu.memref_slice %arg8[%add3A_5, %dma_start3A_231] : memref<10240x16xf32, #tpu.memory_space<vmem_shared>> -> memref<320x16xf32, #tpu.memory_space<vmem_shared>>
      %dma_start3A_233 = arith.constant 0 : i32
      %dma_start3A_234 = arith.constant 0 : i32
      %dma_start3A_235 = tpu.memref_slice %arg12[%dma_start3A_233, %dma_start3A_234] : memref<1280x16xf32, #tpu.memory_space<vmem>> -> memref<320x16xf32, #tpu.memory_space<vmem>>
      %dma_start3A_236 = arith.constant 0 : i32
      %dma_start3A_237 = tpu.memref_slice %arg8[%add3A_5, %dma_start3A_236] : memref<10240x16xf32, #tpu.memory_space<vmem_shared>> -> memref<320x16xf32, #tpu.memory_space<vmem_shared>>
      tpu.enqueue_dma source(%dma_start3A_237 : memref<320x16xf32, #tpu.memory_space<vmem_shared>>) target(%dma_start3A_235 : memref<320x16xf32, #tpu.memory_space<vmem>>) target_semaphore(%arg20 : memref<!tpu.dma_semaphore, #tpu.memory_space<semaphore_mem>>)
      %dma_wait3A_238 = arith.constant 320 : i32
      %dma_wait3A_239 = arith.constant 0 : i32
      %dma_wait3A_240 = tpu.memref_slice %arg13[%dma_wait3A_238, %dma_wait3A_239] : memref<1280x16xf32, #tpu.memory_space<vmem>> -> memref<320x16xf32, #tpu.memory_space<vmem>>
      %dma_wait3A_241 = arith.constant 0 : i32
      %dma_wait3A_242 = tpu.memref_slice %arg8[%add3A_11, %dma_wait3A_241] : memref<10240x16xf32, #tpu.memory_space<vmem_shared>> -> memref<320x16xf32, #tpu.memory_space<vmem_shared>>
      %dma_wait3A_243 = arith.constant 320 : i32
      %dma_wait3A_244 = arith.constant 0 : i32
      %dma_wait3A_245 = tpu.memref_slice %arg13[%dma_wait3A_243, %dma_wait3A_244] : memref<1280x16xf32, #tpu.memory_space<vmem>> -> memref<320x16xf32, #tpu.memory_space<vmem>>
      %dma_wait3A_246 = arith.constant 0 : i32
      %dma_wait3A_247 = tpu.memref_slice %arg8[%add3A_11, %dma_wait3A_246] : memref<10240x16xf32, #tpu.memory_space<vmem_shared>> -> memref<320x16xf32, #tpu.memory_space<vmem_shared>>
      tpu.wait_dma2 semaphore(%arg19 : memref<!tpu.dma_semaphore, #tpu.memory_space<semaphore_mem>>) src(%dma_wait3A_247 : memref<320x16xf32, #tpu.memory_space<vmem_shared>>) dst(%dma_wait3A_245 : memref<320x16xf32, #tpu.memory_space<vmem>>)
      %dma_start3A_248 = arith.constant 320 : i32
      %dma_start3A_249 = arith.constant 0 : i32
      %dma_start3A_250 = tpu.memref_slice %arg13[%dma_start3A_248, %dma_start3A_249] : memref<1280x16xf32, #tpu.memory_space<vmem>> -> memref<320x16xf32, #tpu.memory_space<vmem>>
      %dma_start3A_251 = arith.constant 0 : i32
      %dma_start3A_252 = tpu.memref_slice %arg7[%add3A_11, %dma_start3A_251] : memref<10240x16xf32, #tpu.memory_space<hbm>> -> memref<320x16xf32, #tpu.memory_space<hbm>>
      %dma_start3A_253 = arith.constant 0 : i32
      %dma_start3A_254 = tpu.memref_slice %arg7[%add3A_11, %dma_start3A_253] : memref<10240x16xf32, #tpu.memory_space<hbm>> -> memref<320x16xf32, #tpu.memory_space<hbm>>
      %dma_start3A_255 = arith.constant 320 : i32
      %dma_start3A_256 = arith.constant 0 : i32
      %dma_start3A_257 = tpu.memref_slice %arg13[%dma_start3A_255, %dma_start3A_256] : memref<1280x16xf32, #tpu.memory_space<vmem>> -> memref<320x16xf32, #tpu.memory_space<vmem>>
      tpu.enqueue_dma source(%dma_start3A_257 : memref<320x16xf32, #tpu.memory_space<vmem>>) target(%dma_start3A_254 : memref<320x16xf32, #tpu.memory_space<hbm>>) target_semaphore(%arg19 : memref<!tpu.dma_semaphore, #tpu.memory_space<semaphore_mem>>)
      "tpu.region"() ({
        %run_scoped3A = tpu.sem_alloc : memref<!tpu.dma_semaphore, #tpu.memory_space<semaphore_mem>>
        %dma_start3A_351 = arith.constant 0 : i32
        %dma_start3A_352 = arith.constant 0 : i32
        %dma_start3A_353 = tpu.memref_slice %arg15[%dma_start3A_351, %dma_start3A_352] : memref<640x16xf32, #tpu.memory_space<vmem>> -> memref<320x16xf32, #tpu.memory_space<vmem>>
        %dma_start3A_354 = arith.constant 0 : i32
        %dma_start3A_355 = tpu.memref_slice %arg8[%add3A_11, %dma_start3A_354] : memref<10240x16xf32, #tpu.memory_space<vmem_shared>> -> memref<320x16xf32, #tpu.memory_space<vmem_shared>>
        %dma_start3A_356 = arith.constant 0 : i32
        %dma_start3A_357 = tpu.memref_slice %arg8[%add3A_11, %dma_start3A_356] : memref<10240x16xf32, #tpu.memory_space<vmem_shared>> -> memref<320x16xf32, #tpu.memory_space<vmem_shared>>
        %dma_start3A_358 = arith.constant 0 : i32
        %dma_start3A_359 = arith.constant 0 : i32
        %dma_start3A_360 = tpu.memref_slice %arg15[%dma_start3A_358, %dma_start3A_359] : memref<640x16xf32, #tpu.memory_space<vmem>> -> memref<320x16xf32, #tpu.memory_space<vmem>>
        tpu.enqueue_dma source(%dma_start3A_360 : memref<320x16xf32, #tpu.memory_space<vmem>>) target(%dma_start3A_357 : memref<320x16xf32, #tpu.memory_space<vmem_shared>>) target_semaphore(%run_scoped3A : memref<!tpu.dma_semaphore, #tpu.memory_space<semaphore_mem>>)
        %dma_wait3A_361 = arith.constant 0 : i32
        %dma_wait3A_362 = arith.constant 0 : i32
        %dma_wait3A_363 = tpu.memref_slice %arg15[%dma_wait3A_361, %dma_wait3A_362] : memref<640x16xf32, #tpu.memory_space<vmem>> -> memref<320x16xf32, #tpu.memory_space<vmem>>
        %dma_wait3A_364 = arith.constant 0 : i32
        %dma_wait3A_365 = tpu.memref_slice %arg8[%add3A_11, %dma_wait3A_364] : memref<10240x16xf32, #tpu.memory_space<vmem_shared>> -> memref<320x16xf32, #tpu.memory_space<vmem_shared>>
        %dma_wait3A_366 = arith.constant 0 : i32
        %dma_wait3A_367 = tpu.memref_slice %arg8[%add3A_11, %dma_wait3A_366] : memref<10240x16xf32, #tpu.memory_space<vmem_shared>> -> memref<320x16xf32, #tpu.memory_space<vmem_shared>>
        %dma_wait3A_368 = arith.constant 0 : i32
        %dma_wait3A_369 = arith.constant 0 : i32
        %dma_wait3A_370 = tpu.memref_slice %arg15[%dma_wait3A_368, %dma_wait3A_369] : memref<640x16xf32, #tpu.memory_space<vmem>> -> memref<320x16xf32, #tpu.memory_space<vmem>>
        tpu.wait_dma2 semaphore(%run_scoped3A : memref<!tpu.dma_semaphore, #tpu.memory_space<semaphore_mem>>) src(%dma_wait3A_370 : memref<320x16xf32, #tpu.memory_space<vmem>>) dst(%dma_wait3A_367 : memref<320x16xf32, #tpu.memory_space<vmem_shared>>)
        tpu.yield
      }) : () -> ()
      %dma_wait3A_258 = arith.constant 320 : i32
      %dma_wait3A_259 = arith.constant 0 : i32
      %dma_wait3A_260 = tpu.memref_slice %arg13[%dma_wait3A_258, %dma_wait3A_259] : memref<1280x16xf32, #tpu.memory_space<vmem>> -> memref<320x16xf32, #tpu.memory_space<vmem>>
      %dma_wait3A_261 = arith.constant 0 : i32
      %dma_wait3A_262 = tpu.memref_slice %arg7[%add3A_11, %dma_wait3A_261] : memref<10240x16xf32, #tpu.memory_space<hbm>> -> memref<320x16xf32, #tpu.memory_space<hbm>>
      %dma_wait3A_263 = arith.constant 0 : i32
      %dma_wait3A_264 = tpu.memref_slice %arg7[%add3A_11, %dma_wait3A_263] : memref<10240x16xf32, #tpu.memory_space<hbm>> -> memref<320x16xf32, #tpu.memory_space<hbm>>
      %dma_wait3A_265 = arith.constant 320 : i32
      %dma_wait3A_266 = arith.constant 0 : i32
      %dma_wait3A_267 = tpu.memref_slice %arg13[%dma_wait3A_265, %dma_wait3A_266] : memref<1280x16xf32, #tpu.memory_space<vmem>> -> memref<320x16xf32, #tpu.memory_space<vmem>>
      tpu.wait_dma2 semaphore(%arg19 : memref<!tpu.dma_semaphore, #tpu.memory_space<semaphore_mem>>) src(%dma_wait3A_267 : memref<320x16xf32, #tpu.memory_space<vmem>>) dst(%dma_wait3A_264 : memref<320x16xf32, #tpu.memory_space<hbm>>)
      %sub3A_268 = arith.constant 1 : i32
      %sub3A_269 = arith.subi %sub3A_268, %arg0 : i32
      %semaphore_signal3A_270 = arith.constant 1 : i32
      tpu.sem_signal %arg23, %semaphore_signal3A_270 core_id %sub3A_269 subcore_id %arg1 : memref<!tpu.semaphore, #tpu.memory_space<semaphore_mem>>
      %semaphore_wait3A_271 = arith.constant 1 : i32
      %semaphore_wait3A_272 = arith.constant true
      tpu.sem_wait %arg23, %semaphore_wait3A_271 : memref<!tpu.semaphore, #tpu.memory_space<semaphore_mem>>
      %dma_wait3A_273 = arith.constant 0 : i32
      %dma_wait3A_274 = arith.constant 0 : i32
      %dma_wait3A_275 = tpu.memref_slice %arg12[%dma_wait3A_273, %dma_wait3A_274] : memref<1280x16xf32, #tpu.memory_space<vmem>> -> memref<320x16xf32, #tpu.memory_space<vmem>>
      %dma_wait3A_276 = arith.constant 0 : i32
      %dma_wait3A_277 = tpu.memref_slice %arg8[%add3A_5, %dma_wait3A_276] : memref<10240x16xf32, #tpu.memory_space<vmem_shared>> -> memref<320x16xf32, #tpu.memory_space<vmem_shared>>
      %dma_wait3A_278 = arith.constant 0 : i32
      %dma_wait3A_279 = arith.constant 0 : i32
      %dma_wait3A_280 = tpu.memref_slice %arg12[%dma_wait3A_278, %dma_wait3A_279] : memref<1280x16xf32, #tpu.memory_space<vmem>> -> memref<320x16xf32, #tpu.memory_space<vmem>>
      %dma_wait3A_281 = arith.constant 0 : i32
      %dma_wait3A_282 = tpu.memref_slice %arg8[%add3A_5, %dma_wait3A_281] : memref<10240x16xf32, #tpu.memory_space<vmem_shared>> -> memref<320x16xf32, #tpu.memory_space<vmem_shared>>
      tpu.wait_dma2 semaphore(%arg20 : memref<!tpu.dma_semaphore, #tpu.memory_space<semaphore_mem>>) src(%dma_wait3A_282 : memref<320x16xf32, #tpu.memory_space<vmem_shared>>) dst(%dma_wait3A_280 : memref<320x16xf32, #tpu.memory_space<vmem>>)
      %dma_start3A_283 = arith.constant 0 : i32
      %dma_start3A_284 = arith.constant 0 : i32
      %dma_start3A_285 = tpu.memref_slice %arg15[%dma_start3A_283, %dma_start3A_284] : memref<640x16xf32, #tpu.memory_space<vmem>> -> memref<320x16xf32, #tpu.memory_space<vmem>>
      %dma_start3A_286 = arith.constant 0 : i32
      %dma_start3A_287 = tpu.memref_slice %arg8[%add3A_5, %dma_start3A_286] : memref<10240x16xf32, #tpu.memory_space<vmem_shared>> -> memref<320x16xf32, #tpu.memory_space<vmem_shared>>
      %dma_start3A_288 = arith.constant 0 : i32
      %dma_start3A_289 = tpu.memref_slice %arg8[%add3A_5, %dma_start3A_288] : memref<10240x16xf32, #tpu.memory_space<vmem_shared>> -> memref<320x16xf32, #tpu.memory_space<vmem_shared>>
      %dma_start3A_290 = arith.constant 0 : i32
      %dma_start3A_291 = arith.constant 0 : i32
      %dma_start3A_292 = tpu.memref_slice %arg15[%dma_start3A_290, %dma_start3A_291] : memref<640x16xf32, #tpu.memory_space<vmem>> -> memref<320x16xf32, #tpu.memory_space<vmem>>
      tpu.enqueue_dma source(%dma_start3A_292 : memref<320x16xf32, #tpu.memory_space<vmem>>) target(%dma_start3A_289 : memref<320x16xf32, #tpu.memory_space<vmem_shared>>) target_semaphore(%arg21 : memref<!tpu.dma_semaphore, #tpu.memory_space<semaphore_mem>>)
      "tpu.region"() ({
        %run_scoped3A = tpu.sem_alloc : memref<!tpu.dma_semaphore, #tpu.memory_space<semaphore_mem>>
        %dma_start3A_351 = arith.constant 320 : i32
        %dma_start3A_352 = arith.constant 0 : i32
        %dma_start3A_353 = tpu.memref_slice %arg12[%dma_start3A_351, %dma_start3A_352] : memref<1280x16xf32, #tpu.memory_space<vmem>> -> memref<320x16xf32, #tpu.memory_space<vmem>>
        %dma_start3A_354 = arith.constant 0 : i32
        %dma_start3A_355 = tpu.memref_slice %arg7[%add3A_5, %dma_start3A_354] : memref<10240x16xf32, #tpu.memory_space<hbm>> -> memref<320x16xf32, #tpu.memory_space<hbm>>
        %dma_start3A_356 = arith.constant 320 : i32
        %dma_start3A_357 = arith.constant 0 : i32
        %dma_start3A_358 = tpu.memref_slice %arg12[%dma_start3A_356, %dma_start3A_357] : memref<1280x16xf32, #tpu.memory_space<vmem>> -> memref<320x16xf32, #tpu.memory_space<vmem>>
        %dma_start3A_359 = arith.constant 0 : i32
        %dma_start3A_360 = tpu.memref_slice %arg7[%add3A_5, %dma_start3A_359] : memref<10240x16xf32, #tpu.memory_space<hbm>> -> memref<320x16xf32, #tpu.memory_space<hbm>>
        tpu.enqueue_dma source(%dma_start3A_360 : memref<320x16xf32, #tpu.memory_space<hbm>>) target(%dma_start3A_358 : memref<320x16xf32, #tpu.memory_space<vmem>>) target_semaphore(%run_scoped3A : memref<!tpu.dma_semaphore, #tpu.memory_space<semaphore_mem>>)
        %dma_wait3A_361 = arith.constant 320 : i32
        %dma_wait3A_362 = arith.constant 0 : i32
        %dma_wait3A_363 = tpu.memref_slice %arg12[%dma_wait3A_361, %dma_wait3A_362] : memref<1280x16xf32, #tpu.memory_space<vmem>> -> memref<320x16xf32, #tpu.memory_space<vmem>>
        %dma_wait3A_364 = arith.constant 0 : i32
        %dma_wait3A_365 = tpu.memref_slice %arg7[%add3A_5, %dma_wait3A_364] : memref<10240x16xf32, #tpu.memory_space<hbm>> -> memref<320x16xf32, #tpu.memory_space<hbm>>
        %dma_wait3A_366 = arith.constant 320 : i32
        %dma_wait3A_367 = arith.constant 0 : i32
        %dma_wait3A_368 = tpu.memref_slice %arg12[%dma_wait3A_366, %dma_wait3A_367] : memref<1280x16xf32, #tpu.memory_space<vmem>> -> memref<320x16xf32, #tpu.memory_space<vmem>>
        %dma_wait3A_369 = arith.constant 0 : i32
        %dma_wait3A_370 = tpu.memref_slice %arg7[%add3A_5, %dma_wait3A_369] : memref<10240x16xf32, #tpu.memory_space<hbm>> -> memref<320x16xf32, #tpu.memory_space<hbm>>
        tpu.wait_dma2 semaphore(%run_scoped3A : memref<!tpu.dma_semaphore, #tpu.memory_space<semaphore_mem>>) src(%dma_wait3A_370 : memref<320x16xf32, #tpu.memory_space<hbm>>) dst(%dma_wait3A_368 : memref<320x16xf32, #tpu.memory_space<vmem>>)
        tpu.yield
      }) : () -> ()
      %scan3A_293 = arith.constant 0 : i32
      %scan3A_294 = arith.constant 320 : i32
      %scan3A_295 = arith.addi %scan3A_293, %scan3A_294 : i32
      %scan3A_296 = arith.constant 1 : i32
      scf.for %scan3A_351 = %scan3A_293 to %scan3A_295 step %scan3A_296  : i32 {
        %mul3A_352 = arith.constant 1 : i32
        %mul3A_353 = arith.muli %scan3A_351, %mul3A_352 : i32
        %add3A_354 = arith.constant 0 : i32
        %add3A_355 = arith.addi %add3A_354, %mul3A_353 : i32
        %get3A = arith.constant 0 : i32
        %get3A_356 = arith.constant 0 : i32
        %get3A_357 = tpu.memref_slice %arg12[%get3A, %get3A_356] : memref<1280x16xf32, #tpu.memory_space<vmem>> -> memref<320x16xf32, #tpu.memory_space<vmem>>
        %get3A_358 = arith.index_cast %add3A_355 : i32 to index
        %get3A_359 = arith.constant 0 : index
        %get3A_360 = tpu.vector_load %get3A_357[%get3A_358, %get3A_359] {strides = array<i32>} : memref<320x16xf32, #tpu.memory_space<vmem>>, vector<16xf32>,
        %get3A_361 = arith.constant 320 : i32
        %get3A_362 = arith.constant 0 : i32
        %get3A_363 = tpu.memref_slice %arg12[%get3A_361, %get3A_362] : memref<1280x16xf32, #tpu.memory_space<vmem>> -> memref<320x16xf32, #tpu.memory_space<vmem>>
        %get3A_364 = arith.index_cast %add3A_355 : i32 to index
        %get3A_365 = arith.constant 0 : index
        %get3A_366 = tpu.vector_load %get3A_363[%get3A_364, %get3A_365] {strides = array<i32>} : memref<320x16xf32, #tpu.memory_space<vmem>>, vector<16xf32>,
        %add3A_367 = arith.addf %get3A_360, %get3A_366 : vector<16xf32>
        %get3A_368 = arith.index_cast %add3A_355 : i32 to index
        %get3A_369 = arith.constant 0 : index
        %get3A_370 = tpu.vector_load %arg18[%get3A_368, %get3A_369] {strides = array<i32>} : memref<320x16xf32, #tpu.memory_space<vmem>>, vector<16xf32>,
        %add3A_371 = arith.addf %add3A_367, %get3A_370 : vector<16xf32>
        %get3A_372 = arith.index_cast %add3A_355 : i32 to index
        %get3A_373 = arith.constant 0 : index
        %get3A_374 = tpu.vector_load %arg16[%get3A_372, %get3A_373] {strides = array<i32>} : memref<320x16xf32, #tpu.memory_space<vmem>>, vector<16xf32>,
        %mul3A_375 = arith.constant 0.899999976 : f32
        %mul3A_376 = vector.broadcast %mul3A_375 : f32 to vector<16xf32>
        %mul3A_377 = arith.mulf %mul3A_376, %get3A_374 : vector<16xf32>
        %mul3A_378 = arith.mulf %mul3A_377, %add3A_371 : vector<16xf32>
        %get3A_379 = arith.index_cast %add3A_355 : i32 to index
        %get3A_380 = arith.constant 0 : index
        %get3A_381 = tpu.vector_load %arg17[%get3A_379, %get3A_380] {strides = array<i32>} : memref<320x16xf32, #tpu.memory_space<vmem>>, vector<16xf32>,
        %add3A_382 = arith.addf %mul3A_378, %get3A_381 : vector<16xf32>
        %swap3A = arith.constant 0 : i32
        %swap3A_383 = arith.constant 0 : i32
        %swap3A_384 = tpu.memref_slice %arg13[%swap3A, %swap3A_383] : memref<1280x16xf32, #tpu.memory_space<vmem>> -> memref<320x16xf32, #tpu.memory_space<vmem>>
        %swap3A_385 = arith.index_cast %add3A_355 : i32 to index
        %swap3A_386 = arith.constant 0 : index
        %swap3A_387 = tpu.vector_load %swap3A_384[%swap3A_385, %swap3A_386] {strides = array<i32>} : memref<320x16xf32, #tpu.memory_space<vmem>>, vector<16xf32>,
        tpu.vector_store %swap3A_384[%swap3A_385, %swap3A_386], %add3A_382 {strides = array<i32>} : memref<320x16xf32, #tpu.memory_space<vmem>>, vector<16xf32>,
        %mul3A_388 = arith.mulf %get3A_374, %add3A_382 : vector<16xf32>
        %swap3A_389 = arith.index_cast %add3A_355 : i32 to index
        %swap3A_390 = arith.constant 0 : index
        %swap3A_391 = tpu.vector_load %arg18[%swap3A_389, %swap3A_390] {strides = array<i32>} : memref<320x16xf32, #tpu.memory_space<vmem>>, vector<16xf32>,
        tpu.vector_store %arg18[%swap3A_389, %swap3A_390], %mul3A_388 {strides = array<i32>} : memref<320x16xf32, #tpu.memory_space<vmem>>, vector<16xf32>,
      }
      %scan3A_297 = arith.constant 320 : i32
      %dma_start3A_298 = arith.constant 0 : i32
      %dma_start3A_299 = arith.constant 0 : i32
      %dma_start3A_300 = tpu.memref_slice %arg13[%dma_start3A_298, %dma_start3A_299] : memref<1280x16xf32, #tpu.memory_space<vmem>> -> memref<320x16xf32, #tpu.memory_space<vmem>>
      %dma_start3A_301 = arith.constant 0 : i32
      %dma_start3A_302 = tpu.memref_slice %arg5[%add3A_5, %dma_start3A_301] : memref<10240x16xf32, #tpu.memory_space<hbm>> -> memref<320x16xf32, #tpu.memory_space<hbm>>
      %dma_start3A_303 = arith.constant 0 : i32
      %dma_start3A_304 = tpu.memref_slice %arg5[%add3A_5, %dma_start3A_303] : memref<10240x16xf32, #tpu.memory_space<hbm>> -> memref<320x16xf32, #tpu.memory_space<hbm>>
      %dma_start3A_305 = arith.constant 0 : i32
      %dma_start3A_306 = arith.constant 0 : i32
      %dma_start3A_307 = tpu.memref_slice %arg13[%dma_start3A_305, %dma_start3A_306] : memref<1280x16xf32, #tpu.memory_space<vmem>> -> memref<320x16xf32, #tpu.memory_space<vmem>>
      tpu.enqueue_dma source(%dma_start3A_307 : memref<320x16xf32, #tpu.memory_space<vmem>>) target(%dma_start3A_304 : memref<320x16xf32, #tpu.memory_space<hbm>>) target_semaphore(%arg19 : memref<!tpu.dma_semaphore, #tpu.memory_space<semaphore_mem>>)
      %dma_start3A_308 = arith.constant 0 : i32
      %dma_start3A_309 = tpu.memref_slice %arg6[%add3A_5, %dma_start3A_308] : memref<10240x16xf32, #tpu.memory_space<hbm>> -> memref<320x16xf32, #tpu.memory_space<hbm>>
      %dma_start3A_310 = arith.constant 0 : i32
      %dma_start3A_311 = tpu.memref_slice %arg6[%add3A_5, %dma_start3A_310] : memref<10240x16xf32, #tpu.memory_space<hbm>> -> memref<320x16xf32, #tpu.memory_space<hbm>>
      tpu.enqueue_dma source(%arg18 : memref<320x16xf32, #tpu.memory_space<vmem>>) target(%dma_start3A_311 : memref<320x16xf32, #tpu.memory_space<hbm>>) target_semaphore(%arg20 : memref<!tpu.dma_semaphore, #tpu.memory_space<semaphore_mem>>)
      %dma_start3A_312 = arith.constant 0 : i32
      %dma_start3A_313 = tpu.memref_slice %arg9[%add3A_5, %dma_start3A_312] : memref<10240x16xf32, #tpu.memory_space<vmem_shared>> -> memref<320x16xf32, #tpu.memory_space<vmem_shared>>
      %dma_start3A_314 = arith.constant 0 : i32
      %dma_start3A_315 = tpu.memref_slice %arg9[%add3A_5, %dma_start3A_314] : memref<10240x16xf32, #tpu.memory_space<vmem_shared>> -> memref<320x16xf32, #tpu.memory_space<vmem_shared>>
      tpu.enqueue_dma source(%arg18 : memref<320x16xf32, #tpu.memory_space<vmem>>) target(%dma_start3A_315 : memref<320x16xf32, #tpu.memory_space<vmem_shared>>) target_semaphore(%arg22 : memref<!tpu.dma_semaphore, #tpu.memory_space<semaphore_mem>>)
      %dma_wait3A_316 = arith.constant 0 : i32
      %dma_wait3A_317 = arith.constant 0 : i32
      %dma_wait3A_318 = tpu.memref_slice %arg15[%dma_wait3A_316, %dma_wait3A_317] : memref<640x16xf32, #tpu.memory_space<vmem>> -> memref<320x16xf32, #tpu.memory_space<vmem>>
      %dma_wait3A_319 = arith.constant 0 : i32
      %dma_wait3A_320 = tpu.memref_slice %arg8[%add3A_5, %dma_wait3A_319] : memref<10240x16xf32, #tpu.memory_space<vmem_shared>> -> memref<320x16xf32, #tpu.memory_space<vmem_shared>>
      %dma_wait3A_321 = arith.constant 0 : i32
      %dma_wait3A_322 = tpu.memref_slice %arg8[%add3A_5, %dma_wait3A_321] : memref<10240x16xf32, #tpu.memory_space<vmem_shared>> -> memref<320x16xf32, #tpu.memory_space<vmem_shared>>
      %dma_wait3A_323 = arith.constant 0 : i32
      %dma_wait3A_324 = arith.constant 0 : i32
      %dma_wait3A_325 = tpu.memref_slice %arg15[%dma_wait3A_323, %dma_wait3A_324] : memref<640x16xf32, #tpu.memory_space<vmem>> -> memref<320x16xf32, #tpu.memory_space<vmem>>
      tpu.wait_dma2 semaphore(%arg21 : memref<!tpu.dma_semaphore, #tpu.memory_space<semaphore_mem>>) src(%dma_wait3A_325 : memref<320x16xf32, #tpu.memory_space<vmem>>) dst(%dma_wait3A_322 : memref<320x16xf32, #tpu.memory_space<vmem_shared>>)
      %dma_wait3A_326 = arith.constant 0 : i32
      %dma_wait3A_327 = arith.constant 0 : i32
      %dma_wait3A_328 = tpu.memref_slice %arg13[%dma_wait3A_326, %dma_wait3A_327] : memref<1280x16xf32, #tpu.memory_space<vmem>> -> memref<320x16xf32, #tpu.memory_space<vmem>>
      %dma_wait3A_329 = arith.constant 0 : i32
      %dma_wait3A_330 = tpu.memref_slice %arg5[%add3A_5, %dma_wait3A_329] : memref<10240x16xf32, #tpu.memory_space<hbm>> -> memref<320x16xf32, #tpu.memory_space<hbm>>
      %dma_wait3A_331 = arith.constant 0 : i32
      %dma_wait3A_332 = tpu.memref_slice %arg5[%add3A_5, %dma_wait3A_331] : memref<10240x16xf32, #tpu.memory_space<hbm>> -> memref<320x16xf32, #tpu.memory_space<hbm>>
      %dma_wait3A_333 = arith.constant 0 : i32
      %dma_wait3A_334 = arith.constant 0 : i32
      %dma_wait3A_335 = tpu.memref_slice %arg13[%dma_wait3A_333, %dma_wait3A_334] : memref<1280x16xf32, #tpu.memory_space<vmem>> -> memref<320x16xf32, #tpu.memory_space<vmem>>
      tpu.wait_dma2 semaphore(%arg19 : memref<!tpu.dma_semaphore, #tpu.memory_space<semaphore_mem>>) src(%dma_wait3A_335 : memref<320x16xf32, #tpu.memory_space<vmem>>) dst(%dma_wait3A_332 : memref<320x16xf32, #tpu.memory_space<hbm>>)
      %dma_wait3A_336 = arith.constant 0 : i32
      %dma_wait3A_337 = tpu.memref_slice %arg6[%add3A_5, %dma_wait3A_336] : memref<10240x16xf32, #tpu.memory_space<hbm>> -> memref<320x16xf32, #tpu.memory_space<hbm>>
      %dma_wait3A_338 = arith.constant 0 : i32
      %dma_wait3A_339 = tpu.memref_slice %arg6[%add3A_5, %dma_wait3A_338] : memref<10240x16xf32, #tpu.memory_space<hbm>> -> memref<320x16xf32, #tpu.memory_space<hbm>>
      tpu.wait_dma2 semaphore(%arg20 : memref<!tpu.dma_semaphore, #tpu.memory_space<semaphore_mem>>) src(%arg18 : memref<320x16xf32, #tpu.memory_space<vmem>>) dst(%dma_wait3A_339 : memref<320x16xf32, #tpu.memory_space<hbm>>)
      %dma_wait3A_340 = arith.constant 0 : i32
      %dma_wait3A_341 = tpu.memref_slice %arg9[%add3A_5, %dma_wait3A_340] : memref<10240x16xf32, #tpu.memory_space<vmem_shared>> -> memref<320x16xf32, #tpu.memory_space<vmem_shared>>
      %dma_wait3A_342 = arith.constant 0 : i32
      %dma_wait3A_343 = tpu.memref_slice %arg9[%add3A_5, %dma_wait3A_342] : memref<10240x16xf32, #tpu.memory_space<vmem_shared>> -> memref<320x16xf32, #tpu.memory_space<vmem_shared>>
      tpu.wait_dma2 semaphore(%arg22 : memref<!tpu.dma_semaphore, #tpu.memory_space<semaphore_mem>>) src(%arg18 : memref<320x16xf32, #tpu.memory_space<vmem>>) dst(%dma_wait3A_343 : memref<320x16xf32, #tpu.memory_space<vmem_shared>>)
      %barrier3A_344 = arith.constant 0 : index
      tpu.barrier barrier_id(%barrier3A_344)
      %sub3A_345 = arith.constant 1 : i32
      %sub3A_346 = arith.subi %sub3A_345, %arg0 : i32
      %semaphore_signal3A_347 = arith.constant 1 : i32
      tpu.sem_signal %arg23, %semaphore_signal3A_347 core_id %sub3A_346 subcore_id %arg1 : memref<!tpu.semaphore, #tpu.memory_space<semaphore_mem>>
      %semaphore_wait3A_348 = arith.constant 1 : i32
      %semaphore_wait3A_349 = arith.constant true
      tpu.sem_wait %arg23, %semaphore_wait3A_348 : memref<!tpu.semaphore, #tpu.memory_space<semaphore_mem>>
      "tpu.region"() ({
        %run_scoped3A = tpu.sem_alloc : memref<!tpu.dma_semaphore, #tpu.memory_space<semaphore_mem>>
        %dma_start3A_351 = arith.constant 320 : i32
        %dma_start3A_352 = arith.constant 0 : i32
        %dma_start3A_353 = tpu.memref_slice %arg12[%dma_start3A_351, %dma_start3A_352] : memref<1280x16xf32, #tpu.memory_space<vmem>> -> memref<320x16xf32, #tpu.memory_space<vmem>>
        %dma_start3A_354 = arith.constant 0 : i32
        %dma_start3A_355 = tpu.memref_slice %arg6[%add3A_11, %dma_start3A_354] : memref<10240x16xf32, #tpu.memory_space<hbm>> -> memref<320x16xf32, #tpu.memory_space<hbm>>
        %dma_start3A_356 = arith.constant 320 : i32
        %dma_start3A_357 = arith.constant 0 : i32
        %dma_start3A_358 = tpu.memref_slice %arg12[%dma_start3A_356, %dma_start3A_357] : memref<1280x16xf32, #tpu.memory_space<vmem>> -> memref<320x16xf32, #tpu.memory_space<vmem>>
        %dma_start3A_359 = arith.constant 0 : i32
        %dma_start3A_360 = tpu.memref_slice %arg6[%add3A_11, %dma_start3A_359] : memref<10240x16xf32, #tpu.memory_space<hbm>> -> memref<320x16xf32, #tpu.memory_space<hbm>>
        tpu.enqueue_dma source(%dma_start3A_360 : memref<320x16xf32, #tpu.memory_space<hbm>>) target(%dma_start3A_358 : memref<320x16xf32, #tpu.memory_space<vmem>>) target_semaphore(%run_scoped3A : memref<!tpu.dma_semaphore, #tpu.memory_space<semaphore_mem>>)
        %dma_wait3A_361 = arith.constant 320 : i32
        %dma_wait3A_362 = arith.constant 0 : i32
        %dma_wait3A_363 = tpu.memref_slice %arg12[%dma_wait3A_361, %dma_wait3A_362] : memref<1280x16xf32, #tpu.memory_space<vmem>> -> memref<320x16xf32, #tpu.memory_space<vmem>>
        %dma_wait3A_364 = arith.constant 0 : i32
        %dma_wait3A_365 = tpu.memref_slice %arg6[%add3A_11, %dma_wait3A_364] : memref<10240x16xf32, #tpu.memory_space<hbm>> -> memref<320x16xf32, #tpu.memory_space<hbm>>
        %dma_wait3A_366 = arith.constant 320 : i32
        %dma_wait3A_367 = arith.constant 0 : i32
        %dma_wait3A_368 = tpu.memref_slice %arg12[%dma_wait3A_366, %dma_wait3A_367] : memref<1280x16xf32, #tpu.memory_space<vmem>> -> memref<320x16xf32, #tpu.memory_space<vmem>>
        %dma_wait3A_369 = arith.constant 0 : i32
        %dma_wait3A_370 = tpu.memref_slice %arg6[%add3A_11, %dma_wait3A_369] : memref<10240x16xf32, #tpu.memory_space<hbm>> -> memref<320x16xf32, #tpu.memory_space<hbm>>
        tpu.wait_dma2 semaphore(%run_scoped3A : memref<!tpu.dma_semaphore, #tpu.memory_space<semaphore_mem>>) src(%dma_wait3A_370 : memref<320x16xf32, #tpu.memory_space<hbm>>) dst(%dma_wait3A_368 : memref<320x16xf32, #tpu.memory_space<vmem>>)
        tpu.yield
      }) : () -> ()
      "tpu.region"() ({
        %run_scoped3A = tpu.sem_alloc : memref<!tpu.dma_semaphore, #tpu.memory_space<semaphore_mem>>
        %dma_start3A_351 = arith.constant 320 : i32
        %dma_start3A_352 = arith.constant 0 : i32
        %dma_start3A_353 = tpu.memref_slice %arg12[%dma_start3A_351, %dma_start3A_352] : memref<1280x16xf32, #tpu.memory_space<vmem>> -> memref<320x16xf32, #tpu.memory_space<vmem>>
        %dma_start3A_354 = arith.constant 0 : i32
        %dma_start3A_355 = tpu.memref_slice %arg9[%add3A_11, %dma_start3A_354] : memref<10240x16xf32, #tpu.memory_space<vmem_shared>> -> memref<320x16xf32, #tpu.memory_space<vmem_shared>>
        %dma_start3A_356 = arith.constant 0 : i32
        %dma_start3A_357 = tpu.memref_slice %arg9[%add3A_11, %dma_start3A_356] : memref<10240x16xf32, #tpu.memory_space<vmem_shared>> -> memref<320x16xf32, #tpu.memory_space<vmem_shared>>
        %dma_start3A_358 = arith.constant 320 : i32
        %dma_start3A_359 = arith.constant 0 : i32
        %dma_start3A_360 = tpu.memref_slice %arg12[%dma_start3A_358, %dma_start3A_359] : memref<1280x16xf32, #tpu.memory_space<vmem>> -> memref<320x16xf32, #tpu.memory_space<vmem>>
        tpu.enqueue_dma source(%dma_start3A_360 : memref<320x16xf32, #tpu.memory_space<vmem>>) target(%dma_start3A_357 : memref<320x16xf32, #tpu.memory_space<vmem_shared>>) target_semaphore(%run_scoped3A : memref<!tpu.dma_semaphore, #tpu.memory_space<semaphore_mem>>)
        %dma_wait3A_361 = arith.constant 320 : i32
        %dma_wait3A_362 = arith.constant 0 : i32
        %dma_wait3A_363 = tpu.memref_slice %arg12[%dma_wait3A_361, %dma_wait3A_362] : memref<1280x16xf32, #tpu.memory_space<vmem>> -> memref<320x16xf32, #tpu.memory_space<vmem>>
        %dma_wait3A_364 = arith.constant 0 : i32
        %dma_wait3A_365 = tpu.memref_slice %arg9[%add3A_11, %dma_wait3A_364] : memref<10240x16xf32, #tpu.memory_space<vmem_shared>> -> memref<320x16xf32, #tpu.memory_space<vmem_shared>>
        %dma_wait3A_366 = arith.constant 0 : i32
        %dma_wait3A_367 = tpu.memref_slice %arg9[%add3A_11, %dma_wait3A_366] : memref<10240x16xf32, #tpu.memory_space<vmem_shared>> -> memref<320x16xf32, #tpu.memory_space<vmem_shared>>
        %dma_wait3A_368 = arith.constant 320 : i32
        %dma_wait3A_369 = arith.constant 0 : i32
        %dma_wait3A_370 = tpu.memref_slice %arg12[%dma_wait3A_368, %dma_wait3A_369] : memref<1280x16xf32, #tpu.memory_space<vmem>> -> memref<320x16xf32, #tpu.memory_space<vmem>>
        tpu.wait_dma2 semaphore(%run_scoped3A : memref<!tpu.dma_semaphore, #tpu.memory_space<semaphore_mem>>) src(%dma_wait3A_370 : memref<320x16xf32, #tpu.memory_space<vmem>>) dst(%dma_wait3A_367 : memref<320x16xf32, #tpu.memory_space<vmem_shared>>)
        tpu.yield
      }) : () -> ()
      %barrier3A_350 = arith.constant 0 : index
      tpu.barrier barrier_id(%barrier3A_350)
    }
    %scan3A_106 = arith.constant 10 : i32
    return
  }
}

module attributes {stable_mosaic.version = 14 : i64} {
  func.func @_mlp_body(%arg0: memref<10240x128xf32, #tpu.memory_space<vmem>>, %arg1: memref<128x64xf32, #tpu.memory_space<vmem>>, %arg2: memref<64x16xf32, #tpu.memory_space<vmem>>, %arg3: memref<10240x16xf32, #tpu.memory_space<vmem>>) attributes {dimension_semantics = [], scalar_prefetch = 0 : i64, scratch_operands = 0 : i64, tpu.core_type = #tpu.core_type<tc>} {
    %get3A = arith.constant 0 : index
    %get3A_0 = arith.constant 0 : index
    %get3A_1 = vector.load %arg0[%get3A, %get3A_0] : memref<10240x128xf32, #tpu.memory_space<vmem>>, vector<10240x128xf32>
    %get3A_2 = arith.constant 0 : index
    %get3A_3 = arith.constant 0 : index
    %get3A_4 = vector.load %arg1[%get3A_2, %get3A_3] : memref<128x64xf32, #tpu.memory_space<vmem>>, vector<128x64xf32>
    %dot_general3A = arith.constant dense<0.000000e+00> : vector<10240x64xf32>
    %dot_general3A_5 = tpu.matmul %get3A_1, %get3A_4, %dot_general3A {dimension_numbers = #tpu.dot_dimension_numbers<[1], [0], [0], [1], [0, 0, 1, 1], [], []>, transpose_lhs_hint = false} : vector<10240x128xf32>, vector<128x64xf32>, vector<10240x64xf32> -> vector<10240x64xf32>
    %tanh3A = math.tanh %dot_general3A_5 : vector<10240x64xf32>
    %get3A_6 = arith.constant 0 : index
    %get3A_7 = arith.constant 0 : index
    %get3A_8 = vector.load %arg2[%get3A_6, %get3A_7] : memref<64x16xf32, #tpu.memory_space<vmem>>, vector<64x16xf32>
    %dot_general3A_9 = arith.constant dense<0.000000e+00> : vector<10240x16xf32>
    %dot_general3A_10 = tpu.matmul %tanh3A, %get3A_8, %dot_general3A_9 {dimension_numbers = #tpu.dot_dimension_numbers<[1], [0], [0], [1], [0, 0, 1, 1], [], []>, transpose_lhs_hint = false} : vector<10240x64xf32>, vector<64x16xf32>, vector<10240x16xf32> -> vector<10240x16xf32>
    %swap3A = arith.constant 0 : index
    %swap3A_11 = arith.constant 0 : index
    %swap3A_12 = vector.load %arg3[%swap3A, %swap3A_11] : memref<10240x16xf32, #tpu.memory_space<vmem>>, vector<10240x16xf32>
    tpu.vector_store %arg3[%swap3A, %swap3A_11], %dot_general3A_10 {strides = array<i32>} : memref<10240x16xf32, #tpu.memory_space<vmem>>, vector<10240x16xf32>,
    return
  }
}

</mosaic_0001>

<sc_bundles>
// kernel: kernel.4.cloned.1.call-start
scs
__scs_entry_jumppad:
0x0: {  	(pc) =	sbr.rel $0x88, $3  }
0x1: {  	(tag) =	ssettag $0x0;
	lr =	simm.s32 $0x1  }
0x2: {  	[smem:$0x3F9C] =	sst lr;
	_ =	strace $0xD0000000  }
0x3: {  	_ = 	snop  }
0x4: {  	_ = 	snop  }
0x5: {  	_ = 	snop  }
0x6: {  	_ = 	snop  }
0x7: {  	_ = 	snop  }
__scs_overlays_trampoline_lowered:
0x8: {  	[smem:$0x3FAB] =	sst s0  }
0x9: {  	[smem:$0x3FAC] =	sst s1  }
0xa: {  	[smem:$0x3FAD] =	sst s2  }
0xb: {  	[smem:$0x3FAE] =	sst s3  }
0xc: {  	[smem:$0x3FAF] =	sst s4  }
0xd: {  	[smem:$0x3FB0] =	sst s5  }
0xe: {  	[smem:$0x3FB1] =	sst s6  }
0xf: {  	[smem:$0x3FB2] =	sst s7  }
0x10: {  	[smem:$0x3FB3] =	sst s8  }
0x11: {  	[smem:$0x3FB4] =	sst s9;
	s0 =	simm.s32 @!p0 $0x0  }
0x12: {  	s1 =	sld [smem:$0x3F9A];
	s0 =	simm.s32 @p0 $0x1  }
0x13: {  	[smem:$0x3FB5] =	sst s0;
	s0 =	simm.s32 @!p1 $0x0  }
0x14: {  	s2 =	sld [smem:$0x3F99];
	s0 =	simm.s32 @p1 $0x1  }
0x15: {  	[smem:$0x3FB6] =	sst s0;
	s0 =	simm.s32 @!p2 $0x0  }
0x16: {  	s3 =	sld [smem:$0x3FDB];
	s0 =	simm.s32 @p2 $0x1  }
0x17: {  	s4 =	simm.s32 $0x1BF5;
	[smem:$0x3FB8] =	sst s0  }
0x18: {  	s0 =	sld [smem:$0x3F9B];
	_ =	swait.ge [sflag:s4], $0x0  }
0x19: {  	s7 =	sld [smem:$0x3F9C]  }
0x1a: {  	s8 =	sadd.s32 $0xFFFFE003, lr  }
0x1b: {  	s9 =	sadd.s32 $0xFFFFFEF7, lr;
	s5 =	simm.s32 $0xFFFFFFFF;
	p2 =	slt.u32 s8, $0xFFFFF086  }
0x1c: {  	p1 =	slt.u32 s9, $0xF7A;
	s5 =	simm.s32 @!p2 $0x0  }
0x1d: {  	s5 =	simm.s32 @p1 $0x1;
	p0 =	seq.s32 s7, s2  }
0x1e: {  	s7 =	smul.u32 @!p0 $0xF7A, s2;
	p2 =	seq.s32 @!p0 s5, $0x0  }
0x1f: {  	s9 =	smul.u32 $0xF7A, s1;
	s8 =	simm.s32 @!p0 $0x1BF5;
	p2 =	por !p2, p0  }
0x20: {  	[sflag:s8] =	ssyncset.s32 @!p0 $0xFFFFF086;
	s6 =	sadd.s32 @!p0 s3, s7;
	s7 =	simm.s32 @!p0 $0x108  }
0x21: {  	s3 =	sadd.s32 s3, s9;
	s6 =	sadd.s32 @!p0 $0x88, s6;
	s7 =	simm.s32 @p2 $0x1082  }
0x22: {  	[simem:s7], [sflag:s8] =	dma.local @!p0 [hbm:s6], $0xF7A  }
0x23: {  	s9 =	sor.u32 $0xD0000000, s2;
	s6 =	simm.s32 $0x108;
	_ =	swait.ge @!p0 [sflag:s8], $0x0  }
0x24: {  	s3 =	sadd.s32 $0x88, s3;
	s6 =	simm.s32 @!p1 $0x1082;
	[sflag:s4] =	ssyncset.s32 $0xFFFFF086  }
0x25: {  	[simem:s6], [sflag:s4] =	dma.local [hbm:s3], $0xF7A  }
0x26: {  	[smem:$0x3F9C] =	sst s1;
	(tag) =	ssettag s2;
	_ =	strace s9  }
0x27: {  	s1 =	sld [smem:$0x3FAC]  }
0x28: {  	s2 =	sld [smem:$0x3FAD]  }
0x29: {  	s4 =	sld [smem:$0x3FAF]  }
0x2a: {  	p0 =	seq.s32 s5, $0x0;
	s5 =	sld [smem:$0x3FB0]  }
0x2b: {  	s6 =	sld [smem:$0x3FB1]  }
0x2c: {  	s7 =	sld [smem:$0x3FB2]  }
0x2d: {  	s3 =	simm.s32 $0x108;
	s8 =	sld [smem:$0x3FB3]  }
0x2e: {  	s3 =	simm.s32 @!p0 $0x1082;
	s9 =	sld [smem:$0x3FB4]  }
0x2f: {  	lr =	sadd.s32 s0, s3;
	s0 =	sld [smem:$0x3FAB]  }
0x30: {  	s3 =	sld [smem:$0x3FAE]  }
0x31: {  	[smem:$0x3FB7] =	sst s10  }
0x32: {  	s10 =	sld [smem:$0x3FB5];
	_ =	sdelay $0x3  }
0x33: {  	p0 =	seq.s32 s10, $0x1;
	s10 =	sld [smem:$0x3FB7];
	_ =	sdelay $0x3  }
0x34: {  	[smem:$0x3FB7] =	sst s10  }
0x35: {  	s10 =	sld [smem:$0x3FB6];
	_ =	sdelay $0x3  }
0x36: {  	p1 =	seq.s32 s10, $0x1;
	s10 =	sld [smem:$0x3FB7];
	_ =	sdelay $0x3  }
0x37: {  	[smem:$0x3FB7] =	sst s10  }
0x38: {  	s10 =	sld [smem:$0x3FB8]  }
0x39: {  	_ = 	snop;
	(pc) =	sbr.ind lr, $3  }
0x3a: {  	_ = 	snop  }
0x3b: {  	_ = 	snop  }
0x3c: {  	p2 =	seq.s32 s10, $0x1;
	s10 =	sld [smem:$0x3FB7]  }
0x3d: {  	_ =	shalt  }
0x3e: {  	_ =	shalt  }
0x3f: {  	_ =	shalt  }
0x40: {  	_ =	shalt  }
0x41: {  	_ =	shalt  }
0x42: {  	_ =	shalt  }
0x43: {  	_ =	shalt  }
0x44: {  	_ =	shalt  }
0x45: {  	_ =	shalt  }
0x46: {  	_ =	shalt  }
0x47: {  	_ =	shalt  }
0x48: {  	_ =	shalt  }
0x49: {  	_ =	shalt  }
0x4a: {  	_ =	shalt  }
0x4b: {  	_ =	shalt  }
0x4c: {  	_ =	shalt  }
0x4d: {  	_ =	shalt  }
0x4e: {  	_ =	shalt  }
0x4f: {  	_ =	shalt  }
0x50: {  	_ =	shalt  }
0x51: {  	_ =	shalt  }
0x52: {  	_ =	shalt  }
0x53: {  	_ =	shalt  }
0x54: {  	_ =	shalt  }
0x55: {  	_ =	shalt  }
0x56: {  	_ =	shalt  }
0x57: {  	_ =	shalt  }
0x58: {  	_ =	shalt  }
0x59: {  	_ =	shalt  }
0x5a: {  	_ =	shalt  }
0x5b: {  	_ =	shalt  }
0x5c: {  	_ =	shalt  }
0x5d: {  	_ =	shalt  }
0x5e: {  	_ =	shalt  }
0x5f: {  	_ =	shalt  }
0x60: {  	_ =	shalt  }
0x61: {  	_ =	shalt  }
0x62: {  	_ =	shalt  }
0x63: {  	_ =	shalt  }
0x64: {  	_ =	shalt  }
0x65: {  	_ =	shalt  }
0x66: {  	_ =	shalt  }
0x67: {  	_ =	shalt  }
0x68: {  	_ =	shalt  }
0x69: {  	_ =	shalt  }
0x6a: {  	_ =	shalt  }
0x6b: {  	_ =	shalt  }
0x6c: {  	_ =	shalt  }
0x6d: {  	_ =	shalt  }
0x6e: {  	_ =	shalt  }
0x6f: {  	_ =	shalt  }
0x70: {  	_ =	shalt  }
0x71: {  	_ =	shalt  }
0x72: {  	_ =	shalt  }
0x73: {  	_ =	shalt  }
0x74: {  	_ =	shalt  }
0x75: {  	_ =	shalt  }
0x76: {  	_ =	shalt  }
0x77: {  	_ =	shalt  }
0x78: {  	_ =	shalt  }
0x79: {  	_ =	shalt  }
0x7a: {  	_ =	shalt  }
0x7b: {  	_ =	shalt  }
0x7c: {  	_ =	shalt  }
0x7d: {  	_ =	shalt  }
0x7e: {  	_ =	shalt  }
0x7f: {  	_ =	shalt  }
0x80: {  	_ =	shalt  }
0x81: {  	_ =	shalt  }
0x82: {  	_ =	shalt  }
0x83: {  	_ =	shalt  }
0x84: {  	_ =	shalt  }
0x85: {  	_ =	shalt  }
0x86: {  	_ =	shalt  }
0x87: {  	_ =	shalt  }
.Lfunc_end0:
.L_simem_size_0:
called_computation_lowered:
.L_overlay_start_0:
0x88: {  	s2 =	sld [smem:$0x3FD9]  }
0x89: {  	s3 =	sld [smem:$0x3FFE];
	_ =	sdelay $0x1  }
0x8a: {  	s1 =	srdreg.scid  }
0x8b: {  	s0 =	sand.u32 $0x1, s1  }
0x8c: {  	s16 =	sshll.u32 s0, $0xA;
	s2 =	sadd.s32 s3, s2  }
0x8d: {  	s2 =	sadd.s32 s2, s16  }
0x8e: {  	[smem:$0x3FC3] =	sst s2  }
0x8f: {  	_ = 	snop  }
0x90: {  	(tm) =	ssettm $0x1  }
0x91: {  	s17 =	sld [smem:$0x3FFB];
	_ =	sdelay $0x3  }
0x92: {  	_ =	strace s17  }
0x93: {  	s2 =	sld [smem:$0x3FFC];
	_ =	sdelay $0x3  }
0x94: {  	_ =	strace s2  }
0x95: {  	s2 =	sld [smem:$0x3FFD];
	_ =	sdelay $0x3  }
0x96: {  	_ =	strace s2  }
0x97: {  	_ =	strace $0x8FFFFFFF  }
0x98: {  	s18 =	sld [smem:$0x3FDB];
	_ =	sdelay $0x1  }
0x99: {  	s19 =	simm.s32 $_scs_section_size  }
0x9a: {  	s4 =	simm.s32 $_size__tile_overlayer_lowered;
	s5 =	simm.s32 $_tile_overlayer_lowered  }
0x9b: {  	s22 =	simm.s32 $0x1BFF;
	s21 =	sshll.u32 s5, $0x1;
	s2 =	sadd.s32 s19, s18  }
0x9c: {  	s6 =	simm.s32 $0x0;
	s20 =	sshll.u32 s4, $0x1;
	s4 =	sadd.s32 s21, s2  }
0x9d: {  	[timem:s6], [sflag:s22] =	dma.local [hbm:s4], s20  }
0x9e: {  	_ =	swait.ge [sflag:s22], s20  }
0x9f: {  	s3 =	ssub.s32 $0x0, s20;
	[sflag:s22] =	ssyncset.done $0x0  }
0xa0: {  	[sflag:s22] =	ssyncadd.s32 s3;
	_ =	sdelay $0x1  }
0xa1: {  	s23 =	simm.s32 $0x1B8B  }
0xa2: {  	_ =	swait.ge [sflag:s23], $0x1  }
0xa3: {  	[sflag:s23] =	ssyncset.done $0x0  }
0xa4: {  	s25 =	simm.s32 $0x1B8E;
	s24 =	sld [smem:$0x3FFE];
	[sflag:s23] =	ssyncadd.s32 $0xFFFFFFFF  }
0xa5: {  	s26 =	simm.s32 $execute0_lowered;
	[smem:$0x3FD2] =	sst s25  }
0xa6: {  	s4 =	sshll.u32 s26, $0x1;
	_ =	strace $0x80000046;
	[dreg:$0x1] =	wrdreg $0xFFFFFFFF  }
0xa7: {  	s28 =	simm.s32 $_size_execute0_lowered;
	s2 =	sadd.s32 s2, s4;
	[dreg:$0x0] =	wrdreg $0x0  }
0xa8: {  	s4 =	sshll.u32 s28, $0x1;
	[dreg:$0x2] =	wrdreg s2  }
0xa9: {  	[dreg:$0x3] =	wrdreg s4  }
0xaa: {  	[dreg:$0x4] =	wrdreg $0xC0  }
0xab: {  	_ =	task [dreg:s6], $0x5FFFF  }
0xac: {  	[dreg:$0x1] =	wrdreg $0xFFFFFFFF  }
0xad: {  	[dreg:$0x0] =	wrdreg $0x60  }
0xae: {  	[dreg:$0x2] =	wrdreg s24  }
0xaf: {  	[dreg:$0x3] =	wrdreg $0x0  }
0xb0: {  	[dreg:$0x4] =	wrdreg $0x28000  }
0xb1: {  	[dreg:$0x5] =	wrdreg $0x9  }
0xb2: {  	_ =	task.clear_ibuf [dreg:s6], $0x6FFFF;
	_ =	strace $0x90000046  }
0xb3: {  	s29 =	simm.s32 $0x9;
	_ =	strace $0x80000048  }
0xb4: {  	_ =	swait.ge [sflag:s29], $0x1  }
0xb5: {  	[sflag:s29] =	ssyncadd.s32 $0xFFFFFFFF  }
0xb6: {  	_ =	strace $0x90000048  }
0xb7: {  	_ =	sfence  }
0xb8: {  	s30 =	sld [smem:$0x0];
	_ =	sdelay $0x2  }
0xb9: {  	s31 =	sshll.u32 s1, $0xD;
	s1 =	sshrl.u32 s1, $0x2  }
0xba: {  	s3 =	sand.u32 $0x4000, s31;
	s1 =	sadd.s32 s1, s30  }
0xbb: {  	s0 =	sor.u32 s3, s0;
	s1 =	sshll.u32 s1, $0x11  }
0xbc: {  	s0 =	sor.u32 s1, s0  }
0xbd: {  	s0 =	sadd.s32 $0x8F2B, s0  }
0xbe: {  	[sflag:s0] =	ssyncadd.remote.s32 $0x1  }
0xbf: {  	_ =	sfence.sel $0xFFFF  }
0xc0: {  	[dreg:$0x0] =	wrdreg $0xFFFFFFFF;
	(pc) =	sbr.abs _section_cstart, $3  }
0xc1: {  	[dreg:$0x1] =	wrdreg $0xFFFFFFFF  }
0xc2: {  	_ =	task.clear_ibuf [dreg:s6], $0x2FFFF;
	_ =	strace $0x9FFFFFFF  }
0xc3: {  	(tm) =	ssettm $0x7FFFFFFF  }
tec
execute0_lowered:
.L_overlay_start_1:
0x0: {  	(tag) =	ssettag $0x1  }
0x1: {  	s0 =	srdreg.scid;
	s4 =	rddreg [dreg:$0x0]  }
0x2: {  	s13 =	stileid.u32;
	s2 =	rddreg [dreg:$0x1]  }
0x3: {  	s7 =	simm.s32 $0x0;
	s28 =	simm.s32 $0x3;
	s29 =	simm.s32 $0x4  }
0x4: {  	s31 =	simm.s32 $0xA000;
	s30 =	simm.s32 $0x10000;
	s1 =	sand.u32 $0x1, s0  }
0x5: {  	[smem:$0x7FF] =	sst s7;
	s22 =	smul.u32 $0x140, s13;
	s14 =	sadd.s32 $0x19C00, s4  }
0x6: {  	s20 =	sshrl.u32 s0, $0x2;
	s3 =	sshll.u32 s1, $0x4;
	s6 =	smul.u32 $0x1400, s1  }
0x7: {  	s8 =	sxor.u32 $0x1, s1;
	s1 =	ssub.s32 $0x2, s1;
	s5 =	sor.u32 s13, s3  }
0x8: {  	s3 =	rddreg [dreg:$0x2];
	_ =	strace $0x80000047;
	s10 =	smul.u32 $0x1400, s8  }
0x9: {  	s12 =	sshrl.u32 s1, $0x1;
	s13 =	smul.u32 $0xA000, s13;
	[dreg:$0xa] =	wrdreg s20  }
0xa: {  	s5 =	smul.u32 $0x500, s5;
	s6 =	sadd.s32 s22, s6;
	s1 =	ssub.s32 s1, s12  }
0xb: {  	s9 =	sshll.u32 s6, $0x1;
	s7 =	sadd.s32 s22, s10;
	s24 =	sshrl.u32 s13, $0x2  }
0xc: {  	s6 =	sshll.u32 s6, $0x4;
	s13 =	sand.u32 $0x2, s0;
	s5 =	sadd.s32 s5, s4  }
0xd: {  	s11 =	sadd.s32 s9, s4;
	s4 =	sadd.s32 $0x1EC00, s4;
	s25 =	sadd.s32 s24, s2  }
0xe: {  	s26 =	sshll.u32 s7, $0x4;
	s15 =	sadd.s32 s6, s2;
	[dreg:$0x6] =	wrdreg s25  }
0xf: {  	s7 =	sshll.u32 s7, $0x1;
	s21 =	sadd.s32 s14, s9;
	[dreg:$0x8] =	wrdreg s15  }
0x10: {  	s8 =	sor.u32 s8, s13;
	s22 =	sadd.s32 s6, s3;
	[dreg:$0xe] =	wrdreg s21  }
0x11: {  	s13 =	simm.s32 $0x14800;
	s23 =	sadd.s32 $0xFC00, s5;
	[dreg:$0xf] =	wrdreg s22  }
0x12: {  	s6 =	simm.s32 $0x12000;
	s5 =	sadd.s32 $0x5C00, s5;
	[dreg:$0x4] =	wrdreg s23  }
0x13: {  	s12 =	sadd.s32 s26, s2;
	s16 =	sadd.s32 s4, s7;
	[dreg:$0x5] =	wrdreg s5  }
0x14: {  	s17 =	sor.u32 $0x4, s8;
	s18 =	sadd.s32 s4, s9;
	[dreg:$0x7] =	wrdreg s12  }
0x15: {  	s19 =	sadd.s32 $0xC00, s11;
	s24 =	sadd.s32 s26, s3;
	[dreg:$0x9] =	wrdreg s16  }
0x16: {  	s25 =	sadd.s32 $0x23C00, s11;
	s26 =	smax.u32 s1, $0x1;
	[dreg:$0xb] =	wrdreg s17  }
0x17: {  	s21 =	simm.s32 $0x6;
	s22 =	simm.s32 $0x14000;
	[dreg:$0xc] =	wrdreg s18  }
0x18: {  	s1 =	simm.s32 $0x1;
	s8 =	simm.s32 $0x12800;
	[dreg:$0xd] =	wrdreg s19  }
0x19: {  	s9 =	simm.s32 $0x13000;
	s11 =	simm.s32 $0x13800;
	[dreg:$0x11] =	wrdreg s24  }
0x1a: {  	s4 =	simm.s32 $0x0;
	s23 =	sadd.s32 s14, s7;
	[dreg:$0x12] =	wrdreg s25  }
0x1b: {  	[dreg:$0x13] =	wrdreg s26;
	s25 =	simm.s32 $0x80;
	s26 =	simm.s32 $0x100000  }
0x1c: {  	s5 =	simm.s32 $0x2;
	s7 =	simm.s32 $0x11000;
	s24 =	simm.s32 $0x11800  }
0x1d: {  	v0 =	vimm.f32 $1.000000000e+00;
	v1 =	vimm.f32 $0.0e+00;
	s17 =	simm.s32 $0x13800;
	[dreg:$0x10] =	wrdreg s23;
	s23 =	simm.s32 $0x10800  }
.LBB2_1:
0x1e: {  	[dreg:$0x14] =	wrdreg s4  }
0x1f: {  	s0 =	simm.s32 $0x0;
	s16 =	rddreg [dreg:$0x4];
	s10 =	simm.s32 $0x5000  }
0x20: {  	[tilespmem:s10], [sflag:$0x6] =	stream.linear.gather [hbm4b:s16+s0], $0x2800, $0x38;
	[tilespmem:$0x1AC00] =	vst v63  }
0x21: {  	_ =	swait.ge [sflag:s21], $0x2800  }
0x22: {  	[sflag:s21] =	ssyncset.done $0x0  }
0x23: {  	s19 =	simm.s32 $0x7800;
	s18 =	rddreg [dreg:$0x5];
	[sflag:s21] =	ssyncadd.s32 $0xFFFFD800  }
0x24: {  	[tilespmem:s19], [sflag:$0x6] =	stream.linear.gather [hbm4b:s18+s0], $0x2800, $0x38;
	[tilespmem:$0x1AC00] =	vst v63  }
0x25: {  	_ =	swait.ge [sflag:s21], $0x2800  }
0x26: {  	[sflag:s21] =	ssyncset.done $0x0  }
0x27: {  	s0 =	simm.s32 $0x0;
	[sflag:s21] =	ssyncadd.s32 $0xFFFFD800  }
.LBB2_2:
0x28: {  	p0 =	sne.s32 s0, $0x1FC0  }
.Ltmp0:
0x29: {  	_ = 	snop;
	(pc) =	sbr.rel @p0 .LBB2_2-.Ltmp0, $3  }
0x2a: {  	_ =	sdelay $0x1  }
0x2b: {  	s4 =	sshra.s32 s0, $0x2  }
0x2c: {  	s0 =	sadd.s32 $0x40, s0;
	[tilespmem:s4+$0x14000] =	vst v0  }
0x2d: {  	s0 =	simm.s32 $0x40;
	s4 =	simm.s32 $0x0  }
.LBB2_4:
0x2e: {  	p0 =	sne.s32 s0, $0x9FC0;
	[tilespmem:s4+$0x14800] =	vst v1;
	s4 =	smov.u32 s0;
	s0 =	sadd.s32 $0x40, s0  }
.Ltmp1:
0x2f: {  	(pc) =	sbr.rel @p0 .LBB2_4-.Ltmp1, $2  }
0x30: {  	_ =	sdelay $0x2  }
0x31: {  	s4 =	sshra.s32 s4, $0x2  }
0x32: {  	[tilespmem:s4+$0x14800] =	vst v1;
	s0 =	rddreg [dreg:$0x6]  }
0x33: {  	[spmem:s0] =	stream.linear.scatter [tilespmem:s13], [sflag:$0x6], $0x2800, $0x38;
	[tilespmem:$0x1AC00] =	vst v63  }
0x34: {  	_ =	swait.ge [sflag:s21], $0x2800  }
0x35: {  	[sflag:s21] =	ssyncset.done $0x0  }
0x36: {  	[sflag:s21] =	ssyncadd.s32 $0xFFFFD800  }
0x37: {  	s18 =	simm.s32 $0x7800;
	[bflag:$0x0] =	sbarrier.arrive $0xFFFF  }
0x38: {  	[spmem:s2] =	stream.indirect.scatter.add.f32 [tilespmem:s22], [sflag:$0x3], $0x10, s18, s25, $0xb8;
	[tilespmem:$0x1AC00] =	vst v63  }
0x39: {  	s19 =	simm.s32 $0x7880  }
0x3a: {  	[spmem:s2] =	stream.indirect.scatter.add.f32 [tilespmem:s22], [sflag:$0x3], $0x10, s19, s25, $0xb8;
	[tilespmem:$0x1AC00] =	vst v63  }
0x3b: {  	s4 =	simm.s32 $0x7900  }
0x3c: {  	[spmem:s2] =	stream.indirect.scatter.add.f32 [tilespmem:s22], [sflag:$0x3], $0x10, s4, s25, $0xb8;
	[tilespmem:$0x1AC00] =	vst v63  }
0x3d: {  	s10 =	simm.s32 $0x7980  }
0x3e: {  	[spmem:s2] =	stream.indirect.scatter.add.f32 [tilespmem:s22], [sflag:$0x3], $0x10, s10, s25, $0xb8;
	[tilespmem:$0x1AC00] =	vst v63  }
0x3f: {  	s12 =	simm.s32 $0x7A00  }
0x40: {  	[spmem:s2] =	stream.indirect.scatter.add.f32 [tilespmem:s22], [sflag:$0x3], $0x10, s12, s25, $0xb8;
	[tilespmem:$0x1AC00] =	vst v63  }
0x41: {  	s13 =	simm.s32 $0x7A80  }
0x42: {  	[spmem:s2] =	stream.indirect.scatter.add.f32 [tilespmem:s22], [sflag:$0x3], $0x10, s13, s25, $0xb8;
	[tilespmem:$0x1AC00] =	vst v63  }
0x43: {  	s14 =	simm.s32 $0x7B00  }
0x44: {  	[spmem:s2] =	stream.indirect.scatter.add.f32 [tilespmem:s22], [sflag:$0x3], $0x10, s14, s25, $0xb8;
	[tilespmem:$0x1AC00] =	vst v63  }
0x45: {  	s15 =	simm.s32 $0x7B80  }
0x46: {  	[spmem:s2] =	stream.indirect.scatter.add.f32 [tilespmem:s22], [sflag:$0x3], $0x10, s15, s25, $0xb8;
	[tilespmem:$0x1AC00] =	vst v63  }
0x47: {  	s16 =	simm.s32 $0x7C00  }
0x48: {  	[spmem:s2] =	stream.indirect.scatter.add.f32 [tilespmem:s22], [sflag:$0x3], $0x10, s16, s25, $0xb8;
	[tilespmem:$0x1AC00] =	vst v63  }
0x49: {  	s18 =	simm.s32 $0x7C80  }
0x4a: {  	[spmem:s2] =	stream.indirect.scatter.add.f32 [tilespmem:s22], [sflag:$0x3], $0x10, s18, s25, $0xb8;
	[tilespmem:$0x1AC00] =	vst v63  }
0x4b: {  	s19 =	simm.s32 $0x7D00  }
0x4c: {  	[spmem:s2] =	stream.indirect.scatter.add.f32 [tilespmem:s22], [sflag:$0x4], $0x10, s19, s25, $0xb8;
	[tilespmem:$0x1AC00] =	vst v63  }
0x4d: {  	s4 =	simm.s32 $0x7D80  }
0x4e: {  	[spmem:s2] =	stream.indirect.scatter.add.f32 [tilespmem:s22], [sflag:$0x4], $0x10, s4, s25, $0xb8;
	[tilespmem:$0x1AC00] =	vst v63  }
0x4f: {  	s10 =	simm.s32 $0x7E00  }
0x50: {  	[spmem:s2] =	stream.indirect.scatter.add.f32 [tilespmem:s22], [sflag:$0x4], $0x10, s10, s25, $0xb8;
	[tilespmem:$0x1AC00] =	vst v63  }
0x51: {  	s12 =	simm.s32 $0x7E80  }
0x52: {  	[spmem:s2] =	stream.indirect.scatter.add.f32 [tilespmem:s22], [sflag:$0x4], $0x10, s12, s25, $0xb8;
	[tilespmem:$0x1AC00] =	vst v63  }
0x53: {  	s13 =	simm.s32 $0x7F00  }
0x54: {  	[spmem:s2] =	stream.indirect.scatter.add.f32 [tilespmem:s22], [sflag:$0x4], $0x10, s13, s25, $0xb8;
	[tilespmem:$0x1AC00] =	vst v63  }
0x55: {  	s14 =	simm.s32 $0x7F80  }
0x56: {  	[spmem:s2] =	stream.indirect.scatter.add.f32 [tilespmem:s22], [sflag:$0x4], $0x10, s14, s25, $0xb8;
	[tilespmem:$0x1AC00] =	vst v63  }
0x57: {  	s15 =	simm.s32 $0x8000  }
0x58: {  	[spmem:s2] =	stream.indirect.scatter.add.f32 [tilespmem:s22], [sflag:$0x4], $0x10, s15, s25, $0xb8;
	[tilespmem:$0x1AC00] =	vst v63  }
0x59: {  	s16 =	simm.s32 $0x8080  }
0x5a: {  	[spmem:s2] =	stream.indirect.scatter.add.f32 [tilespmem:s22], [sflag:$0x4], $0x10, s16, s25, $0xb8;
	[tilespmem:$0x1AC00] =	vst v63  }
0x5b: {  	s18 =	simm.s32 $0x8100  }
0x5c: {  	[spmem:s2] =	stream.indirect.scatter.add.f32 [tilespmem:s22], [sflag:$0x4], $0x10, s18, s25, $0xb8;
	[tilespmem:$0x1AC00] =	vst v63  }
0x5d: {  	s19 =	simm.s32 $0x8180  }
0x5e: {  	[spmem:s2] =	stream.indirect.scatter.add.f32 [tilespmem:s22], [sflag:$0x4], $0x10, s19, s25, $0xb8;
	[tilespmem:$0x1AC00] =	vst v63  }
0x5f: {  	_ =	swait.ge [sflag:s28], $0x800  }
0x60: {  	[sflag:s28] =	ssyncset.done $0x0  }
0x61: {  	[sflag:s28] =	ssyncadd.s32 $0xFFFFF800  }
0x62: {  	_ =	swait.ge [sflag:s28], $0x800  }
0x63: {  	[sflag:s28] =	ssyncset.done $0x0  }
0x64: {  	[sflag:s28] =	ssyncadd.s32 $0xFFFFF800  }
0x65: {  	_ =	swait.ge [sflag:s28], $0x800  }
0x66: {  	[sflag:s28] =	ssyncset.done $0x0  }
0x67: {  	[sflag:s28] =	ssyncadd.s32 $0xFFFFF800  }
0x68: {  	_ =	swait.ge [sflag:s28], $0x800  }
0x69: {  	[sflag:s28] =	ssyncset.done $0x0  }
0x6a: {  	[sflag:s28] =	ssyncadd.s32 $0xFFFFF800  }
0x6b: {  	_ =	swait.ge [sflag:s28], $0x800  }
0x6c: {  	[sflag:s28] =	ssyncset.done $0x0  }
0x6d: {  	[sflag:s28] =	ssyncadd.s32 $0xFFFFF800  }
0x6e: {  	_ =	swait.ge [sflag:s28], $0x800  }
0x6f: {  	[sflag:s28] =	ssyncset.done $0x0  }
0x70: {  	[sflag:s28] =	ssyncadd.s32 $0xFFFFF800  }
0x71: {  	_ =	swait.ge [sflag:s28], $0x800  }
0x72: {  	[sflag:s28] =	ssyncset.done $0x0  }
0x73: {  	[sflag:s28] =	ssyncadd.s32 $0xFFFFF800  }
0x74: {  	_ =	swait.ge [sflag:s28], $0x800  }
0x75: {  	[sflag:s28] =	ssyncset.done $0x0  }
0x76: {  	[sflag:s28] =	ssyncadd.s32 $0xFFFFF800  }
0x77: {  	_ =	swait.ge [sflag:s28], $0x800  }
0x78: {  	[sflag:s28] =	ssyncset.done $0x0  }
0x79: {  	[sflag:s28] =	ssyncadd.s32 $0xFFFFF800  }
0x7a: {  	_ =	swait.ge [sflag:s28], $0x800  }
0x7b: {  	[sflag:s28] =	ssyncset.done $0x0  }
0x7c: {  	[sflag:s28] =	ssyncadd.s32 $0xFFFFF800  }
0x7d: {  	_ =	swait.ge [sflag:s29], $0x800  }
0x7e: {  	[sflag:s29] =	ssyncset.done $0x0  }
0x7f: {  	[sflag:s29] =	ssyncadd.s32 $0xFFFFF800  }
0x80: {  	_ =	swait.ge [sflag:s29], $0x800  }
0x81: {  	[sflag:s29] =	ssyncset.done $0x0  }
0x82: {  	[sflag:s29] =	ssyncadd.s32 $0xFFFFF800  }
0x83: {  	_ =	swait.ge [sflag:s29], $0x800  }
0x84: {  	[sflag:s29] =	ssyncset.done $0x0  }
0x85: {  	[sflag:s29] =	ssyncadd.s32 $0xFFFFF800  }
0x86: {  	_ =	swait.ge [sflag:s29], $0x800  }
0x87: {  	[sflag:s29] =	ssyncset.done $0x0  }
0x88: {  	[sflag:s29] =	ssyncadd.s32 $0xFFFFF800  }
0x89: {  	_ =	swait.ge [sflag:s29], $0x800  }
0x8a: {  	[sflag:s29] =	ssyncset.done $0x0  }
0x8b: {  	[sflag:s29] =	ssyncadd.s32 $0xFFFFF800  }
0x8c: {  	_ =	swait.ge [sflag:s29], $0x800  }
0x8d: {  	[sflag:s29] =	ssyncset.done $0x0  }
0x8e: {  	[sflag:s29] =	ssyncadd.s32 $0xFFFFF800  }
0x8f: {  	_ =	swait.ge [sflag:s29], $0x800  }
0x90: {  	[sflag:s29] =	ssyncset.done $0x0  }
0x91: {  	[sflag:s29] =	ssyncadd.s32 $0xFFFFF800  }
0x92: {  	_ =	swait.ge [sflag:s29], $0x800  }
0x93: {  	[sflag:s29] =	ssyncset.done $0x0  }
0x94: {  	[sflag:s29] =	ssyncadd.s32 $0xFFFFF800  }
0x95: {  	_ =	swait.ge [sflag:s29], $0x800  }
0x96: {  	[sflag:s29] =	ssyncset.done $0x0  }
0x97: {  	[sflag:s29] =	ssyncadd.s32 $0xFFFFF800  }
0x98: {  	_ =	swait.ge [sflag:s29], $0x800  }
0x99: {  	s12 =	simm.s32 $0x5000;
	s14 =	simm.s32 $0xA00;
	[sflag:s29] =	ssyncset.done $0x0  }
.LBB2_6:
0x9a: {  	s19 =	sadd.s32 $0x7800, s14  }
0x9b: {  	[sflag:s29] =	ssyncadd.s32 $0xFFFFF800;
	s4 =	smov.u32 s12;
	s0 =	sadd.s32 $0x2800, s12  }
0x9c: {  	[spmem:s2] =	stream.indirect.scatter.add.f32 [tilespmem:s22], [sflag:$0x3], $0x10, s19, s25, $0xb8;
	[tilespmem:$0x1AC00] =	vst v63  }
0x9d: {  	p0 =	sne.s32 s12, $0x7800;
	s12 =	sadd.s32 $0x7880, s14  }
0x9e: {  	[spmem:s2] =	stream.indirect.scatter.add.f32 [tilespmem:s22], [sflag:$0x3], $0x10, s12, s25, $0xb8;
	[tilespmem:$0x1AC00] =	vst v63  }
0x9f: {  	s12 =	sadd.s32 $0x7900, s14  }
0xa0: {  	[spmem:s2] =	stream.indirect.scatter.add.f32 [tilespmem:s22], [sflag:$0x3], $0x10, s12, s25, $0xb8;
	[tilespmem:$0x1AC00] =	vst v63  }
0xa1: {  	s12 =	sadd.s32 $0x7980, s14  }
0xa2: {  	[spmem:s2] =	stream.indirect.scatter.add.f32 [tilespmem:s22], [sflag:$0x3], $0x10, s12, s25, $0xb8;
	[tilespmem:$0x1AC00] =	vst v63  }
0xa3: {  	s12 =	sadd.s32 $0x7A00, s14  }
0xa4: {  	[spmem:s2] =	stream.indirect.scatter.add.f32 [tilespmem:s22], [sflag:$0x3], $0x10, s12, s25, $0xb8;
	[tilespmem:$0x1AC00] =	vst v63  }
0xa5: {  	s12 =	sadd.s32 $0x7A80, s14  }
0xa6: {  	[spmem:s2] =	stream.indirect.scatter.add.f32 [tilespmem:s22], [sflag:$0x3], $0x10, s12, s25, $0xb8;
	[tilespmem:$0x1AC00] =	vst v63  }
0xa7: {  	s12 =	sadd.s32 $0x7B00, s14  }
0xa8: {  	[spmem:s2] =	stream.indirect.scatter.add.f32 [tilespmem:s22], [sflag:$0x3], $0x10, s12, s25, $0xb8;
	[tilespmem:$0x1AC00] =	vst v63  }
0xa9: {  	s12 =	sadd.s32 $0x7B80, s14  }
0xaa: {  	[spmem:s2] =	stream.indirect.scatter.add.f32 [tilespmem:s22], [sflag:$0x3], $0x10, s12, s25, $0xb8;
	[tilespmem:$0x1AC00] =	vst v63  }
0xab: {  	s12 =	sadd.s32 $0x7C00, s14  }
0xac: {  	[spmem:s2] =	stream.indirect.scatter.add.f32 [tilespmem:s22], [sflag:$0x3], $0x10, s12, s25, $0xb8;
	[tilespmem:$0x1AC00] =	vst v63  }
0xad: {  	s12 =	sadd.s32 $0x7C80, s14  }
0xae: {  	[spmem:s2] =	stream.indirect.scatter.add.f32 [tilespmem:s22], [sflag:$0x3], $0x10, s12, s25, $0xb8;
	[tilespmem:$0x1AC00] =	vst v63  }
0xaf: {  	s12 =	sadd.s32 $0x7D00, s14  }
0xb0: {  	[spmem:s2] =	stream.indirect.scatter.add.f32 [tilespmem:s22], [sflag:$0x4], $0x10, s12, s25, $0xb8;
	[tilespmem:$0x1AC00] =	vst v63  }
0xb1: {  	s12 =	sadd.s32 $0x7D80, s14  }
0xb2: {  	[spmem:s2] =	stream.indirect.scatter.add.f32 [tilespmem:s22], [sflag:$0x4], $0x10, s12, s25, $0xb8;
	[tilespmem:$0x1AC00] =	vst v63  }
0xb3: {  	s12 =	sadd.s32 $0x7E00, s14  }
0xb4: {  	[spmem:s2] =	stream.indirect.scatter.add.f32 [tilespmem:s22], [sflag:$0x4], $0x10, s12, s25, $0xb8;
	[tilespmem:$0x1AC00] =	vst v63  }
0xb5: {  	s12 =	sadd.s32 $0x7E80, s14  }
0xb6: {  	[spmem:s2] =	stream.indirect.scatter.add.f32 [tilespmem:s22], [sflag:$0x4], $0x10, s12, s25, $0xb8;
	[tilespmem:$0x1AC00] =	vst v63  }
0xb7: {  	s12 =	sadd.s32 $0x7F00, s14  }
0xb8: {  	[spmem:s2] =	stream.indirect.scatter.add.f32 [tilespmem:s22], [sflag:$0x4], $0x10, s12, s25, $0xb8;
	[tilespmem:$0x1AC00] =	vst v63  }
0xb9: {  	s12 =	sadd.s32 $0x7F80, s14  }
0xba: {  	[spmem:s2] =	stream.indirect.scatter.add.f32 [tilespmem:s22], [sflag:$0x4], $0x10, s12, s25, $0xb8;
	[tilespmem:$0x1AC00] =	vst v63  }
0xbb: {  	s12 =	sadd.s32 $0x8000, s14  }
0xbc: {  	[spmem:s2] =	stream.indirect.scatter.add.f32 [tilespmem:s22], [sflag:$0x4], $0x10, s12, s25, $0xb8;
	[tilespmem:$0x1AC00] =	vst v63  }
0xbd: {  	s12 =	sadd.s32 $0x8080, s14  }
0xbe: {  	[spmem:s2] =	stream.indirect.scatter.add.f32 [tilespmem:s22], [sflag:$0x4], $0x10, s12, s25, $0xb8;
	[tilespmem:$0x1AC00] =	vst v63  }
0xbf: {  	s12 =	sadd.s32 $0x8100, s14  }
0xc0: {  	[spmem:s2] =	stream.indirect.scatter.add.f32 [tilespmem:s22], [sflag:$0x4], $0x10, s12, s25, $0xb8;
	[tilespmem:$0x1AC00] =	vst v63  }
0xc1: {  	s12 =	sadd.s32 $0x8180, s14  }
0xc2: {  	[spmem:s2] =	stream.indirect.scatter.add.f32 [tilespmem:s22], [sflag:$0x4], $0x10, s12, s25, $0xb8;
	[tilespmem:$0x1AC00] =	vst v63  }
0xc3: {  	_ =	swait.ge [sflag:s28], $0x800  }
0xc4: {  	[sflag:s28] =	ssyncset.done $0x0  }
0xc5: {  	[sflag:s28] =	ssyncadd.s32 $0xFFFFF800  }
0xc6: {  	_ =	swait.ge [sflag:s28], $0x800  }
0xc7: {  	[sflag:s28] =	ssyncset.done $0x0  }
0xc8: {  	[sflag:s28] =	ssyncadd.s32 $0xFFFFF800  }
0xc9: {  	_ =	swait.ge [sflag:s28], $0x800  }
0xca: {  	[sflag:s28] =	ssyncset.done $0x0  }
0xcb: {  	[sflag:s28] =	ssyncadd.s32 $0xFFFFF800  }
0xcc: {  	_ =	swait.ge [sflag:s28], $0x800  }
0xcd: {  	[sflag:s28] =	ssyncset.done $0x0  }
0xce: {  	[sflag:s28] =	ssyncadd.s32 $0xFFFFF800  }
0xcf: {  	_ =	swait.ge [sflag:s28], $0x800  }
0xd0: {  	[sflag:s28] =	ssyncset.done $0x0  }
0xd1: {  	[sflag:s28] =	ssyncadd.s32 $0xFFFFF800  }
0xd2: {  	_ =	swait.ge [sflag:s28], $0x800  }
0xd3: {  	[sflag:s28] =	ssyncset.done $0x0  }
0xd4: {  	[sflag:s28] =	ssyncadd.s32 $0xFFFFF800  }
0xd5: {  	_ =	swait.ge [sflag:s28], $0x800  }
0xd6: {  	[sflag:s28] =	ssyncset.done $0x0  }
0xd7: {  	[sflag:s28] =	ssyncadd.s32 $0xFFFFF800  }
0xd8: {  	_ =	swait.ge [sflag:s28], $0x800  }
0xd9: {  	[sflag:s28] =	ssyncset.done $0x0  }
0xda: {  	[sflag:s28] =	ssyncadd.s32 $0xFFFFF800  }
0xdb: {  	_ =	swait.ge [sflag:s28], $0x800  }
0xdc: {  	[sflag:s28] =	ssyncset.done $0x0  }
0xdd: {  	[sflag:s28] =	ssyncadd.s32 $0xFFFFF800  }
0xde: {  	_ =	swait.ge [sflag:s28], $0x800  }
0xdf: {  	[sflag:s28] =	ssyncset.done $0x0  }
0xe0: {  	[sflag:s28] =	ssyncadd.s32 $0xFFFFF800  }
0xe1: {  	_ =	swait.ge [sflag:s29], $0x800  }
0xe2: {  	[sflag:s29] =	ssyncset.done $0x0  }
0xe3: {  	[sflag:s29] =	ssyncadd.s32 $0xFFFFF800  }
0xe4: {  	_ =	swait.ge [sflag:s29], $0x800  }
0xe5: {  	[sflag:s29] =	ssyncset.done $0x0  }
0xe6: {  	[sflag:s29] =	ssyncadd.s32 $0xFFFFF800  }
0xe7: {  	_ =	swait.ge [sflag:s29], $0x800  }
0xe8: {  	[sflag:s29] =	ssyncset.done $0x0  }
0xe9: {  	[sflag:s29] =	ssyncadd.s32 $0xFFFFF800  }
0xea: {  	_ =	swait.ge [sflag:s29], $0x800  }
0xeb: {  	[sflag:s29] =	ssyncset.done $0x0  }
0xec: {  	[sflag:s29] =	ssyncadd.s32 $0xFFFFF800  }
0xed: {  	_ =	swait.ge [sflag:s29], $0x800  }
0xee: {  	[sflag:s29] =	ssyncset.done $0x0  }
0xef: {  	[sflag:s29] =	ssyncadd.s32 $0xFFFFF800  }
0xf0: {  	_ =	swait.ge [sflag:s29], $0x800  }
0xf1: {  	[sflag:s29] =	ssyncset.done $0x0  }
0xf2: {  	[sflag:s29] =	ssyncadd.s32 $0xFFFFF800  }
0xf3: {  	_ =	swait.ge [sflag:s29], $0x800  }
0xf4: {  	[sflag:s29] =	ssyncset.done $0x0  }
0xf5: {  	[sflag:s29] =	ssyncadd.s32 $0xFFFFF800  }
0xf6: {  	_ =	swait.ge [sflag:s29], $0x800  }
0xf7: {  	[sflag:s29] =	ssyncset.done $0x0  }
0xf8: {  	[sflag:s29] =	ssyncadd.s32 $0xFFFFF800  }
.Ltmp2:
0xf9: {  	_ =	swait.ge [sflag:s29], $0x800;
	(pc) =	sbr.rel @p0 .LBB2_6-.Ltmp2, $4  }
0xfa: {  	[sflag:s29] =	ssyncset.done $0x0  }
0xfb: {  	[sflag:s29] =	ssyncadd.s32 $0xFFFFF800  }
0xfc: {  	_ =	swait.ge [sflag:s29], $0x800  }
0xfd: {  	s14 =	sshra.s32 s4, $0x2;
	s12 =	smov.u32 s0;
	[sflag:s29] =	ssyncset.done $0x0  }
0xfe: {  	s0 =	sadd.s32 $0x7800, s14;
	[sflag:s29] =	ssyncadd.s32 $0xFFFFF800  }
0xff: {  	[spmem:s2] =	stream.indirect.scatter.add.f32 [tilespmem:s22], [sflag:$0x3], $0x10, s0, s25, $0xb8;
	[tilespmem:$0x1AC00] =	vst v63  }
0x100: {  	s16 =	sadd.s32 $0x7880, s14  }
0x101: {  	[spmem:s2] =	stream.indirect.scatter.add.f32 [tilespmem:s22], [sflag:$0x3], $0x10, s16, s25, $0xb8;
	[tilespmem:$0x1AC00] =	vst v63  }
0x102: {  	s18 =	sadd.s32 $0x7900, s14  }
0x103: {  	[spmem:s2] =	stream.indirect.scatter.add.f32 [tilespmem:s22], [sflag:$0x3], $0x10, s18, s25, $0xb8;
	[tilespmem:$0x1AC00] =	vst v63  }
0x104: {  	s19 =	sadd.s32 $0x7980, s14  }
0x105: {  	[spmem:s2] =	stream.indirect.scatter.add.f32 [tilespmem:s22], [sflag:$0x3], $0x10, s19, s25, $0xb8;
	[tilespmem:$0x1AC00] =	vst v63  }
0x106: {  	s4 =	sadd.s32 $0x7A00, s14  }
0x107: {  	[spmem:s2] =	stream.indirect.scatter.add.f32 [tilespmem:s22], [sflag:$0x3], $0x10, s4, s25, $0xb8;
	[tilespmem:$0x1AC00] =	vst v63  }
0x108: {  	s10 =	sadd.s32 $0x7A80, s14  }
0x109: {  	[spmem:s2] =	stream.indirect.scatter.add.f32 [tilespmem:s22], [sflag:$0x3], $0x10, s10, s25, $0xb8;
	[tilespmem:$0x1AC00] =	vst v63  }
0x10a: {  	s12 =	sadd.s32 $0x7B00, s14  }
0x10b: {  	[spmem:s2] =	stream.indirect.scatter.add.f32 [tilespmem:s22], [sflag:$0x3], $0x10, s12, s25, $0xb8;
	[tilespmem:$0x1AC00] =	vst v63  }
0x10c: {  	s13 =	sadd.s32 $0x7B80, s14  }
0x10d: {  	[spmem:s2] =	stream.indirect.scatter.add.f32 [tilespmem:s22], [sflag:$0x3], $0x10, s13, s25, $0xb8;
	[tilespmem:$0x1AC00] =	vst v63  }
0x10e: {  	s15 =	sadd.s32 $0x7C00, s14  }
0x10f: {  	[spmem:s2] =	stream.indirect.scatter.add.f32 [tilespmem:s22], [sflag:$0x3], $0x10, s15, s25, $0xb8;
	[tilespmem:$0x1AC00] =	vst v63  }
0x110: {  	s16 =	sadd.s32 $0x7C80, s14  }
0x111: {  	[spmem:s2] =	stream.indirect.scatter.add.f32 [tilespmem:s22], [sflag:$0x3], $0x10, s16, s25, $0xb8;
	[tilespmem:$0x1AC00] =	vst v63  }
0x112: {  	s18 =	sadd.s32 $0x7D00, s14  }
0x113: {  	[spmem:s2] =	stream.indirect.scatter.add.f32 [tilespmem:s22], [sflag:$0x4], $0x10, s18, s25, $0xb8;
	[tilespmem:$0x1AC00] =	vst v63  }
0x114: {  	s19 =	sadd.s32 $0x7D80, s14  }
0x115: {  	[spmem:s2] =	stream.indirect.scatter.add.f32 [tilespmem:s22], [sflag:$0x4], $0x10, s19, s25, $0xb8;
	[tilespmem:$0x1AC00] =	vst v63  }
0x116: {  	s4 =	sadd.s32 $0x7E00, s14  }
0x117: {  	[spmem:s2] =	stream.indirect.scatter.add.f32 [tilespmem:s22], [sflag:$0x4], $0x10, s4, s25, $0xb8;
	[tilespmem:$0x1AC00] =	vst v63  }
0x118: {  	s10 =	sadd.s32 $0x7E80, s14  }
0x119: {  	[spmem:s2] =	stream.indirect.scatter.add.f32 [tilespmem:s22], [sflag:$0x4], $0x10, s10, s25, $0xb8;
	[tilespmem:$0x1AC00] =	vst v63  }
0x11a: {  	s12 =	sadd.s32 $0x7F00, s14  }
0x11b: {  	[spmem:s2] =	stream.indirect.scatter.add.f32 [tilespmem:s22], [sflag:$0x4], $0x10, s12, s25, $0xb8;
	[tilespmem:$0x1AC00] =	vst v63  }
0x11c: {  	s13 =	sadd.s32 $0x7F80, s14  }
0x11d: {  	[spmem:s2] =	stream.indirect.scatter.add.f32 [tilespmem:s22], [sflag:$0x4], $0x10, s13, s25, $0xb8;
	[tilespmem:$0x1AC00] =	vst v63  }
0x11e: {  	s15 =	sadd.s32 $0x8000, s14  }
0x11f: {  	[spmem:s2] =	stream.indirect.scatter.add.f32 [tilespmem:s22], [sflag:$0x4], $0x10, s15, s25, $0xb8;
	[tilespmem:$0x1AC00] =	vst v63  }
0x120: {  	s16 =	sadd.s32 $0x8080, s14  }
0x121: {  	[spmem:s2] =	stream.indirect.scatter.add.f32 [tilespmem:s22], [sflag:$0x4], $0x10, s16, s25, $0xb8;
	[tilespmem:$0x1AC00] =	vst v63  }
0x122: {  	s18 =	sadd.s32 $0x8100, s14  }
0x123: {  	[spmem:s2] =	stream.indirect.scatter.add.f32 [tilespmem:s22], [sflag:$0x4], $0x10, s18, s25, $0xb8;
	[tilespmem:$0x1AC00] =	vst v63  }
0x124: {  	s19 =	sadd.s32 $0x8180, s14  }
0x125: {  	[spmem:s2] =	stream.indirect.scatter.add.f32 [tilespmem:s22], [sflag:$0x4], $0x10, s19, s25, $0xb8;
	[tilespmem:$0x1AC00] =	vst v63  }
0x126: {  	_ =	swait.ge [sflag:s28], $0x800  }
0x127: {  	[sflag:s28] =	ssyncset.done $0x0  }
0x128: {  	[sflag:s28] =	ssyncadd.s32 $0xFFFFF800  }
0x129: {  	_ =	swait.ge [sflag:s28], $0x800  }
0x12a: {  	[sflag:s28] =	ssyncset.done $0x0  }
0x12b: {  	[sflag:s28] =	ssyncadd.s32 $0xFFFFF800  }
0x12c: {  	_ =	swait.ge [sflag:s28], $0x800  }
0x12d: {  	[sflag:s28] =	ssyncset.done $0x0  }
0x12e: {  	[sflag:s28] =	ssyncadd.s32 $0xFFFFF800  }
0x12f: {  	_ =	swait.ge [sflag:s28], $0x800  }
0x130: {  	[sflag:s28] =	ssyncset.done $0x0  }
0x131: {  	[sflag:s28] =	ssyncadd.s32 $0xFFFFF800  }
0x132: {  	_ =	swait.ge [sflag:s28], $0x800  }
0x133: {  	[sflag:s28] =	ssyncset.done $0x0  }
0x134: {  	[sflag:s28] =	ssyncadd.s32 $0xFFFFF800  }
0x135: {  	_ =	swait.ge [sflag:s28], $0x800  }
0x136: {  	[sflag:s28] =	ssyncset.done $0x0  }
0x137: {  	[sflag:s28] =	ssyncadd.s32 $0xFFFFF800  }
0x138: {  	_ =	swait.ge [sflag:s28], $0x800  }
0x139: {  	[sflag:s28] =	ssyncset.done $0x0  }
0x13a: {  	[sflag:s28] =	ssyncadd.s32 $0xFFFFF800  }
0x13b: {  	_ =	swait.ge [sflag:s28], $0x800  }
0x13c: {  	[sflag:s28] =	ssyncset.done $0x0  }
0x13d: {  	[sflag:s28] =	ssyncadd.s32 $0xFFFFF800  }
0x13e: {  	_ =	swait.ge [sflag:s28], $0x800  }
0x13f: {  	[sflag:s28] =	ssyncset.done $0x0  }
0x140: {  	[sflag:s28] =	ssyncadd.s32 $0xFFFFF800  }
0x141: {  	_ =	swait.ge [sflag:s28], $0x800  }
0x142: {  	[sflag:s28] =	ssyncset.done $0x0  }
0x143: {  	[sflag:s28] =	ssyncadd.s32 $0xFFFFF800  }
0x144: {  	_ =	swait.ge [sflag:s29], $0x800  }
0x145: {  	[sflag:s29] =	ssyncset.done $0x0  }
0x146: {  	[sflag:s29] =	ssyncadd.s32 $0xFFFFF800  }
0x147: {  	_ =	swait.ge [sflag:s29], $0x800  }
0x148: {  	[sflag:s29] =	ssyncset.done $0x0  }
0x149: {  	[sflag:s29] =	ssyncadd.s32 $0xFFFFF800  }
0x14a: {  	_ =	swait.ge [sflag:s29], $0x800  }
0x14b: {  	[sflag:s29] =	ssyncset.done $0x0  }
0x14c: {  	[sflag:s29] =	ssyncadd.s32 $0xFFFFF800  }
0x14d: {  	_ =	swait.ge [sflag:s29], $0x800  }
0x14e: {  	[sflag:s29] =	ssyncset.done $0x0  }
0x14f: {  	[sflag:s29] =	ssyncadd.s32 $0xFFFFF800  }
0x150: {  	_ =	swait.ge [sflag:s29], $0x800  }
0x151: {  	[sflag:s29] =	ssyncset.done $0x0  }
0x152: {  	[sflag:s29] =	ssyncadd.s32 $0xFFFFF800  }
0x153: {  	_ =	swait.ge [sflag:s29], $0x800  }
0x154: {  	[sflag:s29] =	ssyncset.done $0x0  }
0x155: {  	[sflag:s29] =	ssyncadd.s32 $0xFFFFF800  }
0x156: {  	_ =	swait.ge [sflag:s29], $0x800  }
0x157: {  	[sflag:s29] =	ssyncset.done $0x0  }
0x158: {  	[sflag:s29] =	ssyncadd.s32 $0xFFFFF800  }
0x159: {  	_ =	swait.ge [sflag:s29], $0x800  }
0x15a: {  	[sflag:s29] =	ssyncset.done $0x0  }
0x15b: {  	[sflag:s29] =	ssyncadd.s32 $0xFFFFF800  }
0x15c: {  	_ =	swait.ge [sflag:s29], $0x800  }
0x15d: {  	[sflag:s29] =	ssyncset.done $0x0  }
0x15e: {  	[sflag:s29] =	ssyncadd.s32 $0xFFFFF800  }
0x15f: {  	_ =	swait.ge [sflag:s29], $0x800  }
0x160: {  	[sflag:s29] =	ssyncset.done $0x0  }
0x161: {  	[sflag:s29] =	ssyncadd.s32 $0xFFFFF800  }
0x162: {  	[bflag:$0x0] =	sbarrier.arrive $0xFFFF  }
0x163: {  	s12 =	simm.s32 $0x10400;
	s4 =	rddreg [dreg:$0x7]  }
0x164: {  	[tilespmem:s12], [sflag:$0x1] =	stream.linear.gather [spmem:s4], $0x1400, $0x38;
	[tilespmem:$0x1AC00] =	vst v63  }
0x165: {  	s13 =	rddreg [dreg:$0x8]  }
0x166: {  	[tilespmem:s31], [sflag:$0x2] =	stream.linear.gather [spmem:s13], $0x1400, $0x38;
	[tilespmem:$0x1AC00] =	vst v63  }
0x167: {  	_ =	swait.ge [sflag:s1], $0x1400  }
0x168: {  	[sflag:s1] =	ssyncset.done $0x0  }
0x169: {  	s0 =	simm.s32 $0x0;
	s10 =	rddreg [dreg:$0x9];
	[sflag:s1] =	ssyncadd.s32 $0xFFFFEC00  }
0x16a: {  	[hbm4b:s10+s0] =	stream.linear.scatter [tilespmem:s12], [sflag:$0x1], $0x1400, $0x38;
	[tilespmem:$0x1AC00] =	vst v63  }
0x16b: {  	s19 =	simm.s32 $0x14800  }
0x16c: {  	[spmem:s4] =	stream.linear.scatter [tilespmem:s19], [sflag:$0x6], $0x1400, $0x38;
	[tilespmem:$0x1AC00] =	vst v63  }
0x16d: {  	_ =	swait.ge [sflag:s21], $0x1400  }
0x16e: {  	[sflag:s21] =	ssyncset.done $0x0  }
0x16f: {  	[sflag:s21] =	ssyncadd.s32 $0xFFFFEC00  }
0x170: {  	_ =	swait.ge [sflag:s1], $0x1400  }
0x171: {  	[sflag:s1] =	ssyncset.done $0x0  }
0x172: {  	[sflag:s1] =	ssyncadd.s32 $0xFFFFEC00  }
0x173: {  	[smem:s26], [sflag:$0x0] =	smem.add.s32 $0x0  }
0x174: {  	_ =	swait.done [sflag:s0]  }
0x175: {  	s26 =	ssyncread [sflag:$0x0]  }
0x176: {  	s12 =	stileid.u32  }
0x177: {  	s14 =	sshll.u32 s12, $0x6;
	s15 =	rddreg [dreg:$0xb]  }
0x178: {  	s12 =	sor.u32 $0x1C05, s14;
	s16 =	sshll.u32 s15, $0xE;
	s4 =	sadd.s32 s20, s26  }
0x179: {  	[sflag:s0] =	ssyncset.s32 $0x0;
	s15 =	sor.u32 s16, s12;
	s4 =	sshll.u32 s4, $0x11  }
0x17a: {  	[sflag:s0] =	ssyncset.done $0x0;
	s4 =	sor.u32 s4, s15  }
0x17b: {  	s18 =	simm.s32 $0x5;
	[sflag:s4] =	ssyncadd.remote.s32 $0x1  }
0x17c: {  	_ =	swait.ge [sflag:s18], $0x1  }
0x17d: {  	[sflag:s18] =	ssyncset.done $0x0  }
0x17e: {  	[sflag:s18] =	ssyncadd.s32 $0xFFFFFFFF  }
0x17f: {  	_ =	swait.ge [sflag:s5], $0x1400  }
0x180: {  	[sflag:s5] =	ssyncset.done $0x0  }
0x181: {  	[sflag:s5] =	ssyncadd.s32 $0xFFFFEC00  }
0x182: {  	[spmem:s13] =	stream.linear.scatter [tilespmem:s19], [sflag:$0x6], $0x1400, $0x38;
	[tilespmem:$0x1AC00] =	vst v63  }
0x183: {  	_ =	swait.ge [sflag:s21], $0x1400  }
0x184: {  	[sflag:s21] =	ssyncset.done $0x0  }
0x185: {  	s20 =	simm.s32 $0xB400;
	s19 =	rddreg [dreg:$0xc];
	[sflag:s21] =	ssyncadd.s32 $0xFFFFEC00  }
0x186: {  	[tilespmem:s20], [sflag:$0x6] =	stream.linear.gather [hbm4b:s19+s0], $0x1400, $0x38;
	[tilespmem:$0x1AC00] =	vst v63  }
0x187: {  	_ =	swait.ge [sflag:s21], $0x1400  }
0x188: {  	[sflag:s21] =	ssyncset.done $0x0  }
0x189: {  	s26 =	simm.s32 $0x18400;
	s22 =	rddreg [dreg:$0xd];
	[sflag:s21] =	ssyncadd.s32 $0xFFFFEC00  }
0x18a: {  	[tilespmem:s26], [sflag:$0x6] =	stream.linear.gather [hbm4b:s22+s0], $0x1400, $0x38;
	[tilespmem:$0x1AC00] =	vst v63  }
0x18b: {  	_ =	swait.ge [sflag:s21], $0x1400  }
0x18c: {  	[sflag:s21] =	ssyncset.done $0x0  }
0x18d: {  	s31 =	simm.s32 $0x0;
	[sflag:s21] =	ssyncadd.s32 $0xFFFFEC00  }
0x18e: {  	v6 =	vld [tilespmem:s31+$0x18400];
	_ =	sdelay $0x1  }
0x18f: {  	v2 =	vld [tilespmem:s31+$0xA000]  }
0x190: {  	v3 =	vld [tilespmem:s31+$0xB400];
	_ =	sdelay $0x1  }
0x191: {  	v4 =	vmul.f32 $1.000000010e-01, v6;
	_ =	sdelay $0x1  }
0x192: {  	s26 =	simm.s32 $0x10;
	[tilespmem:s31+$0x18400] =	vst v4  }
0x193: {  	v2 =	vadd.f32 v3, v2;
	v4 =	vld [tilespmem:s26+$0x18400];
	_ =	sdelay $0x1  }
0x194: {  	v2 =	vadd.f32 $1.000000000e+00, v2;
	v3 =	vld [tilespmem:s26+$0xA000]  }
0x195: {  	v5 =	vld [tilespmem:s26+$0xB400]  }
0x196: {  	v7 =	vshra.s32 v2, $0x1;
	v2 =	vmul.f32 $5.000000000e-01, v2  }
0x197: {  	v8 =	vsub.s32 $0x5F3759DF, v7;
	v7 =	vmul.f32 $1.000000010e-01, v4  }
0x198: {  	v9 =	vmul.f32 v8, v2  }
0x199: {  	s4 =	simm.s32 $0x20;
	[tilespmem:s26+$0x18400] =	vst v7  }
0x19a: {  	v5 =	vadd.f32 v5, v3;
	v7 =	vmul.f32 v8, v9;
	v3 =	vld [tilespmem:s4+$0x18400]  }
0x19b: {  	v9 =	vld [tilespmem:s4+$0xA000]  }
0x19c: {  	v5 =	vadd.f32 $1.000000000e+00, v5;
	v11 =	vld [tilespmem:s4+$0xB400];
	v10 =	vsub.f32 $1.500000000e+00, v7;
	_ =	sdelay $0x1  }
0x19d: {  	v12 =	vshra.s32 v5, $0x1;
	v7 =	vmul.f32 $5.000000000e-01, v5;
	v10 =	vmul.f32 v8, v10  }
0x19e: {  	v12 =	vsub.s32 $0x5F3759DF, v12;
	v5 =	vmul.f32 $1.000000010e-01, v3  }
0x19f: {  	v8 =	vmul.f32 v12, v7;
	v13 =	vmul.f32 v10, v2  }
0x1a0: {  	s22 =	simm.s32 $0x30;
	v9 =	vadd.f32 v11, v9;
	[tilespmem:s4+$0x18400] =	vst v5  }
0x1a1: {  	v8 =	vmul.f32 v12, v8;
	v11 =	vmul.f32 v13, v10;
	v5 =	vld [tilespmem:s22+$0x18400]  }
0x1a2: {  	v9 =	vadd.f32 $1.000000000e+00, v9;
	v13 =	vld [tilespmem:s22+$0xA000]  }
0x1a3: {  	v14 =	vsub.f32 $1.500000000e+00, v8;
	v15 =	vld [tilespmem:s22+$0xB400];
	v16 =	vsub.f32 $1.500000000e+00, v11  }
0x1a4: {  	v17 =	vshra.s32 v9, $0x1;
	v8 =	vmul.f32 $5.000000000e-01, v9  }
0x1a5: {  	v11 =	vmul.f32 v12, v14;
	v12 =	vsub.s32 $0x5F3759DF, v17;
	v10 =	vmul.f32 v16, v10  }
0x1a6: {  	v14 =	vmul.f32 v12, v8;
	v9 =	vmul.f32 $1.000000010e-01, v5  }
0x1a7: {  	v16 =	vmul.f32 v11, v7;
	v17 =	vmul.f32 v10, v2  }
0x1a8: {  	s0 =	simm.s32 $0x40;
	v15 =	vadd.f32 v15, v13;
	v18 =	vmul.f32 v12, v14;
	[tilespmem:s22+$0x18400] =	vst v9  }
0x1a9: {  	s14 =	simm.s32 $0x200;
	s12 =	simm.s32 $0x1C0;
	v13 =	vmul.f32 v16, v11;
	v14 =	vmul.f32 v17, v10;
	v2 =	vld [tilespmem:s0+$0x18400]  }
0x1aa: {  	s20 =	simm.s32 $0x180;
	s19 =	simm.s32 $0x240;
	s21 =	simm.s32 $0x140;
	v15 =	vadd.f32 $1.000000000e+00, v15;
	v16 =	vsub.f32 $1.500000000e+00, v18;
	v9 =	vld [tilespmem:s0+$0xA000]  }
.LBB2_8:
0x1ab: {  	p0 =	sne.s32 s19, $0x4FC0;
	v17 =	vld [tilespmem:s0+$0xB400];
	v13 =	vsub.f32 $1.500000000e+00, v13;
	v14 =	vsub.f32 $1.500000000e+00, v14;
	s10 =	smov.u32 s4;
	s4 =	smov.u32 s22  }
0x1ac: {  	s22 =	smov.u32 s0;
	v18 =	vshra.s32 v15, $0x1;
	v15 =	vmul.f32 $5.000000000e-01, v15;
	v16 =	vmul.f32 v12, v16  }
0x1ad: {  	v12 =	vsub.s32 $0x5F3759DF, v18;
	v14 =	vmul.f32 v14, v10;
	v10 =	vmul.f32 v13, v11  }
.Ltmp3:
0x1ae: {  	v13 =	vmul.f32 $1.000000010e-01, v2;
	v18 =	vmul.f32 v12, v15;
	v11 =	vmovc v16;
	v19 =	vmov v2;
	(pc) =	sbr.rel @p0 .LBB2_8-.Ltmp3, $4  }
0x1af: {  	v16 =	vmul.f32 v11, v8;
	v20 =	vmul.f32 v10, v7;
	[tilespmem:s31+$0x17000] =	vst v14;
	v7 =	vmovc v8;
	v8 =	vmov v15  }
0x1b0: {  	s0 =	sshra.s32 s21, $0x2;
	s21 =	smov.u32 s20;
	s20 =	smov.u32 s12;
	v15 =	vadd.f32 v17, v9;
	[tilespmem:s22+$0x18400] =	vst v13;
	v17 =	vmul.f32 v12, v18;
	v18 =	vmul.f32 v14, v6  }
0x1b1: {  	s12 =	smov.u32 s14;
	s14 =	smov.u32 s19;
	v6 =	vmovc v4;
	v4 =	vmovc v3;
	v3 =	vmov v5;
	v2 =	vld [tilespmem:s0+$0x18400];
	v13 =	vmul.f32 v16, v11;
	v14 =	vmul.f32 v20, v10  }
0x1b2: {  	s19 =	sadd.s32 $0x40, s19;
	v5 =	vmov v19;
	v9 =	vld [tilespmem:s0+$0xA000];
	v15 =	vadd.f32 $1.000000000e+00, v15;
	v16 =	vsub.f32 $1.500000000e+00, v17;
	[tilespmem:s31+$0x19800] =	vst v18;
	s31 =	smov.u32 s26;
	s26 =	smov.u32 s10  }
0x1b3: {  	v13 =	vsub.f32 $1.500000000e+00, v13;
	v14 =	vsub.f32 $1.500000000e+00, v14  }
0x1b4: {  	v17 =	vshra.s32 v15, $0x1;
	v48 =	vmul.f32 $5.000000000e-01, v15;
	v12 =	vmul.f32 v12, v16  }
0x1b5: {  	v49 =	vsub.s32 $0x5F3759DF, v17;
	v11 =	vmul.f32 v13, v11;
	v10 =	vmul.f32 v14, v10  }
0x1b6: {  	v51 =	vmul.f32 $1.000000010e-01, v2;
	v17 =	vmul.f32 v49, v48  }
0x1b7: {  	v50 =	vld [tilespmem:s0+$0xB400];
	v18 =	vmul.f32 v12, v8;
	v19 =	vmul.f32 v11, v7;
	[tilespmem:s31+$0x17000] =	vst v10  }
0x1b8: {  	s10 =	sshra.s32 s21, $0x2;
	[tilespmem:s0+$0x18400] =	vst v51;
	v52 =	vmul.f32 v49, v17  }
0x1b9: {  	v53 =	vmul.f32 v18, v12;
	v7 =	vld [tilespmem:s10+$0x18400];
	v54 =	vmul.f32 v19, v11  }
0x1ba: {  	v14 =	vsub.f32 $1.500000000e+00, v52  }
0x1bb: {  	v55 =	vsub.f32 $1.500000000e+00, v53;
	v56 =	vsub.f32 $1.500000000e+00, v54  }
0x1bc: {  	v6 =	vmul.f32 v10, v6;
	v14 =	vmul.f32 v49, v14  }
0x1bd: {  	v58 =	vmul.f32 v55, v12;
	v59 =	vmul.f32 v56, v11  }
0x1be: {  	v57 =	vld [tilespmem:s10+$0xA000];
	[tilespmem:s31+$0x19800] =	vst v6;
	v61 =	vmul.f32 $1.000000010e-01, v7  }
0x1bf: {  	v60 =	vld [tilespmem:s10+$0xB400];
	v16 =	vmul.f32 v14, v48;
	v62 =	vmul.f32 v58, v8;
	[tilespmem:s26+$0x17000] =	vst v59  }
0x1c0: {  	s31 =	sshra.s32 s20, $0x2;
	[tilespmem:s10+$0x18400] =	vst v61  }
0x1c1: {  	v16 =	vmul.f32 v16, v14;
	v8 =	vmul.f32 v62, v58;
	v12 =	vld [tilespmem:s31+$0x18400];
	_ =	sdelay $0x1  }
0x1c2: {  	v63 =	vsub.f32 $1.500000000e+00, v16;
	v8 =	vsub.f32 $1.500000000e+00, v8  }
0x1c3: {  	v4 =	vmul.f32 v59, v4  }
0x1c4: {  	v21 =	vmul.f32 v63, v14;
	v6 =	vmul.f32 v8, v58  }
0x1c5: {  	v20 =	vld [tilespmem:s31+$0xA000];
	[tilespmem:s26+$0x19800] =	vst v4;
	v23 =	vmul.f32 $1.000000010e-01, v12  }
0x1c6: {  	v22 =	vld [tilespmem:s31+$0xB400];
	v14 =	vmul.f32 v21, v48;
	[tilespmem:s4+$0x17000] =	vst v6  }
0x1c7: {  	v9 =	vadd.f32 v50, v9;
	s20 =	sshra.s32 s12, $0x2;
	[tilespmem:s31+$0x18400] =	vst v23  }
0x1c8: {  	v24 =	vmul.f32 v14, v21;
	v10 =	vld [tilespmem:s20+$0x18400]  }
0x1c9: {  	v9 =	vadd.f32 $1.000000000e+00, v9  }
0x1ca: {  	v3 =	vmul.f32 v6, v3;
	v25 =	vsub.f32 $1.500000000e+00, v24  }
0x1cb: {  	v27 =	vshra.s32 v9, $0x1;
	v9 =	vmul.f32 $5.000000000e-01, v9  }
0x1cc: {  	v28 =	vsub.s32 $0x5F3759DF, v27;
	v26 =	vld [tilespmem:s20+$0xA000];
	[tilespmem:s4+$0x19800] =	vst v3;
	v3 =	vmul.f32 v25, v21  }
0x1cd: {  	v31 =	vmul.f32 v28, v9;
	v30 =	vmul.f32 $1.000000010e-01, v10  }
0x1ce: {  	v29 =	vld [tilespmem:s20+$0xB400];
	[tilespmem:s22+$0x17000] =	vst v3  }
0x1cf: {  	s21 =	sshra.s32 s14, $0x2;
	v32 =	vmul.f32 v28, v31;
	v3 =	vmul.f32 v3, v5;
	[tilespmem:s20+$0x18400] =	vst v30  }
0x1d0: {  	v8 =	vadd.f32 v22, v20;
	v33 =	vld [tilespmem:s21+$0x18400]  }
0x1d1: {  	v11 =	vadd.f32 v60, v57;
	v14 =	vsub.f32 $1.500000000e+00, v32;
	v34 =	vld [tilespmem:s21+$0xA000];
	[tilespmem:s22+$0x19800] =	vst v3  }
0x1d2: {  	v8 =	vadd.f32 $1.000000000e+00, v8;
	v35 =	vld [tilespmem:s21+$0xB400]  }
0x1d3: {  	v11 =	vadd.f32 $1.000000000e+00, v11;
	v4 =	vmul.f32 v28, v14  }
0x1d4: {  	v39 =	vshra.s32 v8, $0x1;
	v8 =	vmul.f32 $5.000000000e-01, v8;
	v6 =	vadd.f32 v29, v26  }
0x1d5: {  	v37 =	vmul.f32 v4, v9;
	v3 =	vshra.s32 v11, $0x1;
	v11 =	vmul.f32 $5.000000000e-01, v11  }
0x1d6: {  	v14 =	vsub.s32 $0x5F3759DF, v39;
	v6 =	vadd.f32 $1.000000000e+00, v6;
	v3 =	vsub.s32 $0x5F3759DF, v3  }
0x1d7: {  	v41 =	vmul.f32 v14, v8;
	v36 =	vmul.f32 v3, v11;
	v15 =	vadd.f32 v35, v34  }
0x1d8: {  	v40 =	vmul.f32 v37, v4;
	v42 =	vshra.s32 v6, $0x1;
	v6 =	vmul.f32 $5.000000000e-01, v6  }
0x1d9: {  	v18 =	vsub.s32 $0x5F3759DF, v42;
	v38 =	vmul.f32 v3, v36;
	v15 =	vadd.f32 $1.000000000e+00, v15  }
0x1da: {  	v17 =	vmul.f32 v14, v41;
	v16 =	vsub.f32 $1.500000000e+00, v40;
	v43 =	vmul.f32 v18, v6  }
0x1db: {  	v13 =	vsub.f32 $1.500000000e+00, v38;
	v20 =	vshra.s32 v15, $0x1;
	v15 =	vmul.f32 $5.000000000e-01, v15  }
0x1dc: {  	v44 =	vsub.f32 $1.500000000e+00, v17;
	v19 =	vmul.f32 v18, v43;
	v45 =	vsub.s32 $0x5F3759DF, v20  }
0x1dd: {  	v3 =	vmul.f32 v3, v13;
	v20 =	vmul.f32 v45, v15  }
0x1de: {  	v4 =	vmul.f32 v16, v4;
	v13 =	vmul.f32 v14, v44;
	v47 =	vsub.f32 $1.500000000e+00, v19  }
0x1df: {  	v46 =	vmul.f32 v3, v11;
	v48 =	vmul.f32 v45, v20  }
0x1e0: {  	v49 =	vmul.f32 v13, v8;
	v16 =	vmul.f32 v18, v47  }
0x1e1: {  	v9 =	vmul.f32 v4, v9;
	v14 =	vmul.f32 v46, v3;
	v50 =	vsub.f32 $1.500000000e+00, v48  }
0x1e2: {  	v51 =	vmul.f32 v49, v13;
	v52 =	vmul.f32 v16, v6  }
0x1e3: {  	v14 =	vsub.f32 $1.500000000e+00, v14;
	v17 =	vmul.f32 v45, v50  }
0x1e4: {  	v9 =	vmul.f32 v9, v4;
	v53 =	vsub.f32 $1.500000000e+00, v51;
	v18 =	vmul.f32 v52, v16  }
0x1e5: {  	v3 =	vmul.f32 v14, v3;
	v54 =	vmul.f32 v17, v15  }
0x1e6: {  	v13 =	vmul.f32 v53, v13;
	v55 =	vsub.f32 $1.500000000e+00, v18  }
0x1e7: {  	v9 =	vsub.f32 $1.500000000e+00, v9;
	v11 =	vmul.f32 v3, v11;
	v56 =	vmul.f32 v54, v17  }
0x1e8: {  	v8 =	vmul.f32 v13, v8;
	v57 =	vmul.f32 v55, v16  }
0x1e9: {  	v4 =	vmul.f32 v9, v4;
	v11 =	vmul.f32 v11, v3;
	v58 =	vsub.f32 $1.500000000e+00, v56  }
0x1ea: {  	v8 =	vmul.f32 v8, v13;
	v6 =	vmul.f32 v57, v6  }
0x1eb: {  	v59 =	vmul.f32 $1.000000010e-01, v33;
	v11 =	vsub.f32 $1.500000000e+00, v11;
	v14 =	vmul.f32 v58, v17  }
0x1ec: {  	v2 =	vmul.f32 v4, v2;
	[tilespmem:s0+$0x17000] =	vst v4;
	v60 =	vsub.f32 $1.500000000e+00, v8;
	v6 =	vmul.f32 v6, v57  }
0x1ed: {  	[tilespmem:s21+$0x18400] =	vst v59;
	v3 =	vmul.f32 v11, v3;
	v61 =	vmul.f32 v14, v15  }
0x1ee: {  	[tilespmem:s0+$0x19800] =	vst v2;
	v2 =	vmul.f32 v60, v13  }
0x1ef: {  	v62 =	vsub.f32 $1.500000000e+00, v6;
	v7 =	vmul.f32 v3, v7;
	v63 =	vmul.f32 v61, v14  }
0x1f0: {  	[tilespmem:s10+$0x17000] =	vst v3  }
0x1f1: {  	v3 =	vmul.f32 v2, v12;
	v4 =	vmul.f32 v62, v57;
	[tilespmem:s10+$0x19800] =	vst v7;
	v6 =	vsub.f32 $1.500000000e+00, v63  }
0x1f2: {  	[tilespmem:s31+$0x17000] =	vst v2  }
0x1f3: {  	[tilespmem:s31+$0x19800] =	vst v3;
	v2 =	vmul.f32 v4, v10;
	v3 =	vmul.f32 v6, v14  }
0x1f4: {  	[tilespmem:s20+$0x17000] =	vst v4  }
0x1f5: {  	[tilespmem:s20+$0x19800] =	vst v2;
	v2 =	vmul.f32 v3, v33  }
0x1f6: {  	s16 =	simm.s32 $0x0;
	[tilespmem:s21+$0x17000] =	vst v3  }
0x1f7: {  	s26 =	simm.s32 $0x19800;
	s22 =	rddreg [dreg:$0xe];
	s10 =	simm.s32 $0x6;
	[tilespmem:s21+$0x19800] =	vst v2  }
0x1f8: {  	[hbm4b:s22+s16] =	stream.linear.scatter [tilespmem:s26], [sflag:$0x6], $0x1400, $0x38;
	[tilespmem:$0x1AC00] =	vst v63  }
0x1f9: {  	_ =	swait.ge [sflag:s10], $0x1400  }
0x1fa: {  	[sflag:s10] =	ssyncset.done $0x0  }
0x1fb: {  	[sflag:s10] =	ssyncadd.s32 $0xFFFFEC00  }
0x1fc: {  	s13 =	simm.s32 $0x100000;
	[bflag:$0x0] =	sbarrier.arrive $0xFFFF  }
0x1fd: {  	[smem:s13], [sflag:$0x0] =	smem.add.s32 $0x0  }
0x1fe: {  	_ =	swait.done [sflag:s16]  }
0x1ff: {  	s14 =	ssyncread [sflag:$0x0];
	_ =	sdelay $0x1  }
0x200: {  	s18 =	rddreg [dreg:$0xa]  }
0x201: {  	s0 =	sadd.s32 s18, s14  }
0x202: {  	[sflag:s16] =	ssyncset.s32 $0x0;
	s0 =	sshll.u32 s0, $0x11  }
0x203: {  	[sflag:s16] =	ssyncset.done $0x0;
	s0 =	sor.u32 s0, s15  }
0x204: {  	s19 =	simm.s32 $0x5;
	[sflag:s0] =	ssyncadd.remote.s32 $0x1  }
0x205: {  	_ =	swait.ge [sflag:s19], $0x1  }
0x206: {  	[sflag:s19] =	ssyncset.done $0x0  }
0x207: {  	s20 =	rddreg [dreg:$0xf];
	[sflag:s19] =	ssyncadd.s32 $0xFFFFFFFF  }
0x208: {  	[spmem:s20] =	stream.linear.scatter [tilespmem:s26], [sflag:$0x6], $0x1400, $0x38;
	[tilespmem:$0x1AC00] =	vst v63  }
0x209: {  	_ =	swait.ge [sflag:s10], $0x1400  }
0x20a: {  	[sflag:s10] =	ssyncset.done $0x0  }
0x20b: {  	s22 =	simm.s32 $0xB400;
	s21 =	rddreg [dreg:$0x10];
	[sflag:s10] =	ssyncadd.s32 $0xFFFFEC00  }
0x20c: {  	[tilespmem:s22], [sflag:$0x6] =	stream.linear.gather [hbm4b:s21+s16], $0x1400, $0x38;
	[tilespmem:$0x1AC00] =	vst v63  }
0x20d: {  	_ =	swait.ge [sflag:s10], $0x1400  }
0x20e: {  	[sflag:s10] =	ssyncset.done $0x0  }
0x20f: {  	s26 =	rddreg [dreg:$0x11];
	[sflag:s10] =	ssyncadd.s32 $0xFFFFEC00  }
0x210: {  	[spmem:s26] =	stream.linear.scatter [tilespmem:s22], [sflag:$0x6], $0x1400, $0x38;
	[tilespmem:$0x1AC00] =	vst v63  }
0x211: {  	_ =	swait.ge [sflag:s10], $0x1400  }
0x212: {  	[sflag:s10] =	ssyncset.done $0x0  }
0x213: {  	s31 =	simm.s32 $0xA000;
	[sflag:s10] =	ssyncadd.s32 $0xFFFFEC00  }
0x214: {  	s14 =	simm.s32 $0xA800;
	s18 =	simm.s32 $0xF000;
	[bflag:$0x0] =	sbarrier.arrive $0xFFFF  }
0x215: {  	s19 =	simm.s32 $0xB000;
	s22 =	simm.s32 $0xF800;
	[dreg:$0x15] =	wrdreg s15  }
.LBB2_10:
0x216: {  	s0 =	simm.s32 $0x5000  }
0x217: {  	[tilespmem:s31], [sflag:$0x1] =	stream.indirect.gather [spmem:s3], $0x10, s0, s25, $0xb8;
	[tilespmem:$0x1AC00] =	vst v63  }
0x218: {  	s15 =	simm.s32 $0x5080  }
0x219: {  	[tilespmem:s14], [sflag:$0x1] =	stream.indirect.gather [spmem:s3], $0x10, s15, s25, $0xb8;
	[tilespmem:$0x1AC00] =	vst v63  }
0x21a: {  	[dreg:$0x16] =	wrdreg s16;
	s16 =	simm.s32 $0x5100  }
0x21b: {  	[tilespmem:s19], [sflag:$0x1] =	stream.indirect.gather [spmem:s3], $0x10, s16, s25, $0xb8;
	[tilespmem:$0x1AC00] =	vst v63  }
0x21c: {  	s20 =	simm.s32 $0x5180;
	s13 =	simm.s32 $0xB800  }
0x21d: {  	[tilespmem:s13], [sflag:$0x1] =	stream.indirect.gather [spmem:s3], $0x10, s20, s25, $0xb8;
	[tilespmem:$0x1AC00] =	vst v63  }
0x21e: {  	s21 =	simm.s32 $0x5200;
	s20 =	simm.s32 $0xC000  }
0x21f: {  	[tilespmem:s20], [sflag:$0x1] =	stream.indirect.gather [spmem:s3], $0x10, s21, s25, $0xb8;
	[tilespmem:$0x1AC00] =	vst v63  }
0x220: {  	s26 =	simm.s32 $0x5280;
	s21 =	simm.s32 $0xC800  }
0x221: {  	[tilespmem:s21], [sflag:$0x1] =	stream.indirect.gather [spmem:s3], $0x10, s26, s25, $0xb8;
	[tilespmem:$0x1AC00] =	vst v63  }
0x222: {  	s4 =	simm.s32 $0x5300;
	s12 =	simm.s32 $0xD000  }
0x223: {  	[tilespmem:s12], [sflag:$0x1] =	stream.indirect.gather [spmem:s3], $0x10, s4, s25, $0xb8;
	[tilespmem:$0x1AC00] =	vst v63  }
0x224: {  	s10 =	simm.s32 $0x5380;
	s15 =	simm.s32 $0xD800  }
0x225: {  	[tilespmem:s15], [sflag:$0x1] =	stream.indirect.gather [spmem:s3], $0x10, s10, s25, $0xb8;
	[tilespmem:$0x1AC00] =	vst v63  }
0x226: {  	s16 =	simm.s32 $0x5400;
	s10 =	simm.s32 $0xE000  }
0x227: {  	[tilespmem:s10], [sflag:$0x1] =	stream.indirect.gather [spmem:s3], $0x10, s16, s25, $0xb8;
	[tilespmem:$0x1AC00] =	vst v63  }
0x228: {  	s26 =	simm.s32 $0x5480;
	s4 =	simm.s32 $0xE800  }
0x229: {  	[tilespmem:s4], [sflag:$0x1] =	stream.indirect.gather [spmem:s3], $0x10, s26, s25, $0xb8;
	[tilespmem:$0x1AC00] =	vst v63  }
0x22a: {  	s16 =	simm.s32 $0x5500  }
0x22b: {  	[tilespmem:s18], [sflag:$0x2] =	stream.indirect.gather [spmem:s3], $0x10, s16, s25, $0xb8;
	[tilespmem:$0x1AC00] =	vst v63  }
0x22c: {  	s26 =	simm.s32 $0x5580  }
0x22d: {  	[tilespmem:s22], [sflag:$0x2] =	stream.indirect.gather [spmem:s3], $0x10, s26, s25, $0xb8;
	[tilespmem:$0x1AC00] =	vst v63  }
0x22e: {  	s16 =	simm.s32 $0x5600  }
0x22f: {  	[tilespmem:s30], [sflag:$0x2] =	stream.indirect.gather [spmem:s3], $0x10, s16, s25, $0xb8;
	[tilespmem:$0x1AC00] =	vst v63  }
0x230: {  	s26 =	simm.s32 $0x5680  }
0x231: {  	[tilespmem:s23], [sflag:$0x2] =	stream.indirect.gather [spmem:s3], $0x10, s26, s25, $0xb8;
	[tilespmem:$0x1AC00] =	vst v63  }
0x232: {  	s16 =	simm.s32 $0x5700  }
0x233: {  	[tilespmem:s7], [sflag:$0x2] =	stream.indirect.gather [spmem:s3], $0x10, s16, s25, $0xb8;
	[tilespmem:$0x1AC00] =	vst v63  }
0x234: {  	s26 =	simm.s32 $0x5780  }
0x235: {  	[tilespmem:s24], [sflag:$0x2] =	stream.indirect.gather [spmem:s3], $0x10, s26, s25, $0xb8;
	[tilespmem:$0x1AC00] =	vst v63  }
0x236: {  	s16 =	simm.s32 $0x5800  }
0x237: {  	[tilespmem:s6], [sflag:$0x2] =	stream.indirect.gather [spmem:s3], $0x10, s16, s25, $0xb8;
	[tilespmem:$0x1AC00] =	vst v63  }
0x238: {  	s26 =	simm.s32 $0x5880  }
0x239: {  	[tilespmem:s8], [sflag:$0x2] =	stream.indirect.gather [spmem:s3], $0x10, s26, s25, $0xb8;
	[tilespmem:$0x1AC00] =	vst v63  }
0x23a: {  	s16 =	simm.s32 $0x5900  }
0x23b: {  	[tilespmem:s9], [sflag:$0x2] =	stream.indirect.gather [spmem:s3], $0x10, s16, s25, $0xb8;
	[tilespmem:$0x1AC00] =	vst v63  }
0x23c: {  	s26 =	simm.s32 $0x5980  }
0x23d: {  	[tilespmem:s11], [sflag:$0x2] =	stream.indirect.gather [spmem:s3], $0x10, s26, s25, $0xb8;
	[tilespmem:$0x1AC00] =	vst v63  }
0x23e: {  	_ =	swait.ge [sflag:s1], $0x800  }
0x23f: {  	[sflag:s1] =	ssyncset.done $0x0  }
0x240: {  	[sflag:s1] =	ssyncadd.s32 $0xFFFFF800  }
0x241: {  	_ =	swait.ge [sflag:s1], $0x800  }
0x242: {  	[sflag:s1] =	ssyncset.done $0x0  }
0x243: {  	[sflag:s1] =	ssyncadd.s32 $0xFFFFF800  }
0x244: {  	_ =	swait.ge [sflag:s1], $0x800  }
0x245: {  	[sflag:s1] =	ssyncset.done $0x0  }
0x246: {  	[sflag:s1] =	ssyncadd.s32 $0xFFFFF800  }
0x247: {  	_ =	swait.ge [sflag:s1], $0x800  }
0x248: {  	[sflag:s1] =	ssyncset.done $0x0  }
0x249: {  	[sflag:s1] =	ssyncadd.s32 $0xFFFFF800  }
0x24a: {  	_ =	swait.ge [sflag:s1], $0x800  }
0x24b: {  	[sflag:s1] =	ssyncset.done $0x0  }
0x24c: {  	[sflag:s1] =	ssyncadd.s32 $0xFFFFF800  }
0x24d: {  	_ =	swait.ge [sflag:s1], $0x800  }
0x24e: {  	[sflag:s1] =	ssyncset.done $0x0  }
0x24f: {  	[sflag:s1] =	ssyncadd.s32 $0xFFFFF800  }
0x250: {  	_ =	swait.ge [sflag:s1], $0x800  }
0x251: {  	[sflag:s1] =	ssyncset.done $0x0  }
0x252: {  	[sflag:s1] =	ssyncadd.s32 $0xFFFFF800  }
0x253: {  	_ =	swait.ge [sflag:s1], $0x800  }
0x254: {  	[sflag:s1] =	ssyncset.done $0x0  }
0x255: {  	[sflag:s1] =	ssyncadd.s32 $0xFFFFF800  }
0x256: {  	_ =	swait.ge [sflag:s1], $0x800  }
0x257: {  	[sflag:s1] =	ssyncset.done $0x0  }
0x258: {  	[sflag:s1] =	ssyncadd.s32 $0xFFFFF800  }
0x259: {  	_ =	swait.ge [sflag:s1], $0x800  }
0x25a: {  	[sflag:s1] =	ssyncset.done $0x0  }
0x25b: {  	s16 =	simm.s32 $0x7800;
	[sflag:s1] =	ssyncadd.s32 $0xFFFFF800  }
0x25c: {  	[spmem:s2] =	stream.indirect.scatter.add.f32 [tilespmem:s31], [sflag:$0x3], $0x10, s16, s25, $0xb8;
	[tilespmem:$0x1AC00] =	vst v63  }
0x25d: {  	s26 =	simm.s32 $0x7880  }
0x25e: {  	[spmem:s2] =	stream.indirect.scatter.add.f32 [tilespmem:s14], [sflag:$0x3], $0x10, s26, s25, $0xb8;
	[tilespmem:$0x1AC00] =	vst v63  }
0x25f: {  	s16 =	simm.s32 $0x7900  }
0x260: {  	[spmem:s2] =	stream.indirect.scatter.add.f32 [tilespmem:s19], [sflag:$0x3], $0x10, s16, s25, $0xb8;
	[tilespmem:$0x1AC00] =	vst v63  }
0x261: {  	s26 =	simm.s32 $0x7980  }
0x262: {  	[spmem:s2] =	stream.indirect.scatter.add.f32 [tilespmem:s13], [sflag:$0x3], $0x10, s26, s25, $0xb8;
	[tilespmem:$0x1AC00] =	vst v63  }
0x263: {  	s16 =	simm.s32 $0x7A00  }
0x264: {  	[spmem:s2] =	stream.indirect.scatter.add.f32 [tilespmem:s20], [sflag:$0x3], $0x10, s16, s25, $0xb8;
	[tilespmem:$0x1AC00] =	vst v63  }
0x265: {  	s26 =	simm.s32 $0x7A80  }
0x266: {  	[spmem:s2] =	stream.indirect.scatter.add.f32 [tilespmem:s21], [sflag:$0x3], $0x10, s26, s25, $0xb8;
	[tilespmem:$0x1AC00] =	vst v63  }
0x267: {  	s16 =	simm.s32 $0x7B00  }
0x268: {  	[spmem:s2] =	stream.indirect.scatter.add.f32 [tilespmem:s12], [sflag:$0x3], $0x10, s16, s25, $0xb8;
	[tilespmem:$0x1AC00] =	vst v63  }
0x269: {  	s26 =	simm.s32 $0x7B80  }
0x26a: {  	[spmem:s2] =	stream.indirect.scatter.add.f32 [tilespmem:s15], [sflag:$0x3], $0x10, s26, s25, $0xb8;
	[tilespmem:$0x1AC00] =	vst v63  }
0x26b: {  	s16 =	simm.s32 $0x7C00  }
0x26c: {  	[spmem:s2] =	stream.indirect.scatter.add.f32 [tilespmem:s10], [sflag:$0x3], $0x10, s16, s25, $0xb8;
	[tilespmem:$0x1AC00] =	vst v63  }
0x26d: {  	s26 =	simm.s32 $0x7C80  }
0x26e: {  	[spmem:s2] =	stream.indirect.scatter.add.f32 [tilespmem:s4], [sflag:$0x3], $0x10, s26, s25, $0xb8;
	[tilespmem:$0x1AC00] =	vst v63  }
0x26f: {  	_ =	swait.ge [sflag:s28], $0x800  }
0x270: {  	[sflag:s28] =	ssyncset.done $0x0  }
0x271: {  	[sflag:s28] =	ssyncadd.s32 $0xFFFFF800  }
0x272: {  	_ =	swait.ge [sflag:s28], $0x800  }
0x273: {  	[sflag:s28] =	ssyncset.done $0x0  }
0x274: {  	[sflag:s28] =	ssyncadd.s32 $0xFFFFF800  }
0x275: {  	_ =	swait.ge [sflag:s28], $0x800  }
0x276: {  	[sflag:s28] =	ssyncset.done $0x0  }
0x277: {  	[sflag:s28] =	ssyncadd.s32 $0xFFFFF800  }
0x278: {  	_ =	swait.ge [sflag:s28], $0x800  }
0x279: {  	[sflag:s28] =	ssyncset.done $0x0  }
0x27a: {  	[sflag:s28] =	ssyncadd.s32 $0xFFFFF800  }
0x27b: {  	_ =	swait.ge [sflag:s28], $0x800  }
0x27c: {  	[sflag:s28] =	ssyncset.done $0x0  }
0x27d: {  	[sflag:s28] =	ssyncadd.s32 $0xFFFFF800  }
0x27e: {  	_ =	swait.ge [sflag:s28], $0x800  }
0x27f: {  	[sflag:s28] =	ssyncset.done $0x0  }
0x280: {  	[sflag:s28] =	ssyncadd.s32 $0xFFFFF800  }
0x281: {  	_ =	swait.ge [sflag:s28], $0x800  }
0x282: {  	[sflag:s28] =	ssyncset.done $0x0  }
0x283: {  	[sflag:s28] =	ssyncadd.s32 $0xFFFFF800  }
0x284: {  	_ =	swait.ge [sflag:s28], $0x800  }
0x285: {  	[sflag:s28] =	ssyncset.done $0x0  }
0x286: {  	[sflag:s28] =	ssyncadd.s32 $0xFFFFF800  }
0x287: {  	_ =	swait.ge [sflag:s28], $0x800  }
0x288: {  	[sflag:s28] =	ssyncset.done $0x0  }
0x289: {  	[sflag:s28] =	ssyncadd.s32 $0xFFFFF800  }
0x28a: {  	p0 =	por $0x0, $0x0;
	_ =	swait.ge [sflag:s28], $0x800  }
0x28b: {  	s0 =	simm.s32 @!p0 $0xA000;
	[sflag:s28] =	ssyncset.done $0x0  }
0x28c: {  	s10 =	simm.s32 @!p0 $0x80;
	s4 =	simm.s32 @!p0 $0x5A00;
	[sflag:s28] =	ssyncadd.s32 $0xFFFFF800  }
0x28d: {  	[tilespmem:s0], [sflag:$0x1] =	stream.indirect.gather @!p0 [spmem:s3], $0x10, s4, s10, $0xb8;
	[tilespmem:$0x1AC00] =	vst v63  }
0x28e: {  	s0 =	simm.s32 @!p0 $0x5A80;
	s4 =	simm.s32 @!p0 $0xA800  }
0x28f: {  	[tilespmem:s4], [sflag:$0x1] =	stream.indirect.gather @!p0 [spmem:s3], $0x10, s0, s10, $0xb8;
	[tilespmem:$0x1AC00] =	vst v63  }
0x290: {  	s0 =	simm.s32 @!p0 $0x5B00;
	s4 =	simm.s32 @!p0 $0xB000  }
0x291: {  	[tilespmem:s4], [sflag:$0x1] =	stream.indirect.gather @!p0 [spmem:s3], $0x10, s0, s10, $0xb8;
	[tilespmem:$0x1AC00] =	vst v63  }
0x292: {  	s0 =	simm.s32 @!p0 $0x5B80;
	s4 =	simm.s32 @!p0 $0xB800  }
0x293: {  	[tilespmem:s4], [sflag:$0x1] =	stream.indirect.gather @!p0 [spmem:s3], $0x10, s0, s10, $0xb8;
	[tilespmem:$0x1AC00] =	vst v63  }
0x294: {  	s0 =	simm.s32 @!p0 $0x5C00;
	s4 =	simm.s32 @!p0 $0xC000  }
0x295: {  	[tilespmem:s4], [sflag:$0x1] =	stream.indirect.gather @!p0 [spmem:s3], $0x10, s0, s10, $0xb8;
	[tilespmem:$0x1AC00] =	vst v63  }
0x296: {  	s0 =	simm.s32 @!p0 $0x5C80;
	s4 =	simm.s32 @!p0 $0xC800  }
0x297: {  	[tilespmem:s4], [sflag:$0x1] =	stream.indirect.gather @!p0 [spmem:s3], $0x10, s0, s10, $0xb8;
	[tilespmem:$0x1AC00] =	vst v63  }
0x298: {  	s0 =	simm.s32 @!p0 $0x5D00;
	s4 =	simm.s32 @!p0 $0xD000  }
0x299: {  	[tilespmem:s4], [sflag:$0x1] =	stream.indirect.gather @!p0 [spmem:s3], $0x10, s0, s10, $0xb8;
	[tilespmem:$0x1AC00] =	vst v63  }
0x29a: {  	s0 =	simm.s32 @!p0 $0x5D80;
	s4 =	simm.s32 @!p0 $0xD800  }
0x29b: {  	[tilespmem:s4], [sflag:$0x1] =	stream.indirect.gather @!p0 [spmem:s3], $0x10, s0, s10, $0xb8;
	[tilespmem:$0x1AC00] =	vst v63  }
0x29c: {  	s0 =	simm.s32 @!p0 $0x5E00;
	s4 =	simm.s32 @!p0 $0xE000  }
0x29d: {  	[tilespmem:s4], [sflag:$0x1] =	stream.indirect.gather @!p0 [spmem:s3], $0x10, s0, s10, $0xb8;
	[tilespmem:$0x1AC00] =	vst v63  }
0x29e: {  	s0 =	simm.s32 @!p0 $0x5E80;
	s4 =	simm.s32 @!p0 $0xE800  }
0x29f: {  	[tilespmem:s4], [sflag:$0x1] =	stream.indirect.gather @!p0 [spmem:s3], $0x10, s0, s10, $0xb8;
	[tilespmem:$0x1AC00] =	vst v63  }
0x2a0: {  	_ =	swait.ge [sflag:s5], $0x800  }
0x2a1: {  	[sflag:s5] =	ssyncset.done $0x0  }
0x2a2: {  	[sflag:s5] =	ssyncadd.s32 $0xFFFFF800  }
0x2a3: {  	_ =	swait.ge [sflag:s5], $0x800  }
0x2a4: {  	[sflag:s5] =	ssyncset.done $0x0  }
0x2a5: {  	[sflag:s5] =	ssyncadd.s32 $0xFFFFF800  }
0x2a6: {  	_ =	swait.ge [sflag:s5], $0x800  }
0x2a7: {  	[sflag:s5] =	ssyncset.done $0x0  }
0x2a8: {  	[sflag:s5] =	ssyncadd.s32 $0xFFFFF800  }
0x2a9: {  	_ =	swait.ge [sflag:s5], $0x800  }
0x2aa: {  	[sflag:s5] =	ssyncset.done $0x0  }
0x2ab: {  	[sflag:s5] =	ssyncadd.s32 $0xFFFFF800  }
0x2ac: {  	_ =	swait.ge [sflag:s5], $0x800  }
0x2ad: {  	[sflag:s5] =	ssyncset.done $0x0  }
0x2ae: {  	[sflag:s5] =	ssyncadd.s32 $0xFFFFF800  }
0x2af: {  	_ =	swait.ge [sflag:s5], $0x800  }
0x2b0: {  	[sflag:s5] =	ssyncset.done $0x0  }
0x2b1: {  	[sflag:s5] =	ssyncadd.s32 $0xFFFFF800  }
0x2b2: {  	_ =	swait.ge [sflag:s5], $0x800  }
0x2b3: {  	[sflag:s5] =	ssyncset.done $0x0  }
0x2b4: {  	[sflag:s5] =	ssyncadd.s32 $0xFFFFF800  }
0x2b5: {  	_ =	swait.ge [sflag:s5], $0x800  }
0x2b6: {  	[sflag:s5] =	ssyncset.done $0x0  }
0x2b7: {  	[sflag:s5] =	ssyncadd.s32 $0xFFFFF800  }
0x2b8: {  	_ =	swait.ge [sflag:s5], $0x800  }
0x2b9: {  	[sflag:s5] =	ssyncset.done $0x0  }
0x2ba: {  	[sflag:s5] =	ssyncadd.s32 $0xFFFFF800  }
0x2bb: {  	_ =	swait.ge [sflag:s5], $0x800  }
0x2bc: {  	[sflag:s5] =	ssyncset.done $0x0  }
0x2bd: {  	s10 =	simm.s32 $0x7D00;
	[sflag:s5] =	ssyncadd.s32 $0xFFFFF800  }
0x2be: {  	[spmem:s2] =	stream.indirect.scatter.add.f32 [tilespmem:s18], [sflag:$0x4], $0x10, s10, s25, $0xb8;
	[tilespmem:$0x1AC00] =	vst v63  }
0x2bf: {  	s18 =	simm.s32 $0x7D80  }
0x2c0: {  	[spmem:s2] =	stream.indirect.scatter.add.f32 [tilespmem:s22], [sflag:$0x4], $0x10, s18, s25, $0xb8;
	[tilespmem:$0x1AC00] =	vst v63  }
0x2c1: {  	s26 =	simm.s32 $0x7E00  }
0x2c2: {  	[spmem:s2] =	stream.indirect.scatter.add.f32 [tilespmem:s30], [sflag:$0x4], $0x10, s26, s25, $0xb8;
	[tilespmem:$0x1AC00] =	vst v63  }
0x2c3: {  	s4 =	simm.s32 $0x7E80  }
0x2c4: {  	[spmem:s2] =	stream.indirect.scatter.add.f32 [tilespmem:s23], [sflag:$0x4], $0x10, s4, s25, $0xb8;
	[tilespmem:$0x1AC00] =	vst v63  }
0x2c5: {  	s10 =	simm.s32 $0x7F00  }
0x2c6: {  	[spmem:s2] =	stream.indirect.scatter.add.f32 [tilespmem:s7], [sflag:$0x4], $0x10, s10, s25, $0xb8;
	[tilespmem:$0x1AC00] =	vst v63  }
0x2c7: {  	s18 =	simm.s32 $0x7F80  }
0x2c8: {  	[spmem:s2] =	stream.indirect.scatter.add.f32 [tilespmem:s24], [sflag:$0x4], $0x10, s18, s25, $0xb8;
	[tilespmem:$0x1AC00] =	vst v63  }
0x2c9: {  	s22 =	simm.s32 $0x8000  }
0x2ca: {  	[spmem:s2] =	stream.indirect.scatter.add.f32 [tilespmem:s6], [sflag:$0x4], $0x10, s22, s25, $0xb8;
	[tilespmem:$0x1AC00] =	vst v63  }
0x2cb: {  	s23 =	simm.s32 $0x8080  }
0x2cc: {  	[spmem:s2] =	stream.indirect.scatter.add.f32 [tilespmem:s8], [sflag:$0x4], $0x10, s23, s25, $0xb8;
	[tilespmem:$0x1AC00] =	vst v63  }
0x2cd: {  	s24 =	simm.s32 $0x8100  }
0x2ce: {  	[spmem:s2] =	stream.indirect.scatter.add.f32 [tilespmem:s9], [sflag:$0x4], $0x10, s24, s25, $0xb8;
	[tilespmem:$0x1AC00] =	vst v63  }
0x2cf: {  	s26 =	simm.s32 $0x8180  }
0x2d0: {  	[spmem:s2] =	stream.indirect.scatter.add.f32 [tilespmem:s11], [sflag:$0x4], $0x10, s26, s25, $0xb8;
	[tilespmem:$0x1AC00] =	vst v63  }
0x2d1: {  	_ =	swait.ge [sflag:s29], $0x800  }
0x2d2: {  	[sflag:s29] =	ssyncset.done $0x0  }
0x2d3: {  	[sflag:s29] =	ssyncadd.s32 $0xFFFFF800  }
0x2d4: {  	_ =	swait.ge [sflag:s29], $0x800  }
0x2d5: {  	[sflag:s29] =	ssyncset.done $0x0  }
0x2d6: {  	[sflag:s29] =	ssyncadd.s32 $0xFFFFF800  }
0x2d7: {  	_ =	swait.ge [sflag:s29], $0x800  }
0x2d8: {  	[sflag:s29] =	ssyncset.done $0x0  }
0x2d9: {  	[sflag:s29] =	ssyncadd.s32 $0xFFFFF800  }
0x2da: {  	_ =	swait.ge [sflag:s29], $0x800  }
0x2db: {  	[sflag:s29] =	ssyncset.done $0x0  }
0x2dc: {  	[sflag:s29] =	ssyncadd.s32 $0xFFFFF800  }
0x2dd: {  	_ =	swait.ge [sflag:s29], $0x800  }
0x2de: {  	[sflag:s29] =	ssyncset.done $0x0  }
0x2df: {  	[sflag:s29] =	ssyncadd.s32 $0xFFFFF800  }
0x2e0: {  	_ =	swait.ge [sflag:s29], $0x800  }
0x2e1: {  	[sflag:s29] =	ssyncset.done $0x0  }
0x2e2: {  	[sflag:s29] =	ssyncadd.s32 $0xFFFFF800  }
0x2e3: {  	_ =	swait.ge [sflag:s29], $0x800  }
0x2e4: {  	[sflag:s29] =	ssyncset.done $0x0  }
0x2e5: {  	[sflag:s29] =	ssyncadd.s32 $0xFFFFF800  }
0x2e6: {  	_ =	swait.ge [sflag:s29], $0x800  }
0x2e7: {  	s15 =	simm.s32 $0xE000;
	s16 =	simm.s32 $0xE800;
	[sflag:s29] =	ssyncset.done $0x0  }
0x2e8: {  	s0 =	simm.s32 $0xA00;
	s30 =	simm.s32 $0xF800;
	[sflag:s29] =	ssyncadd.s32 $0xFFFFF800  }
0x2e9: {  	s4 =	simm.s32 $0x5000;
	s7 =	simm.s32 $0x10800;
	_ =	swait.ge [sflag:s29], $0x800  }
0x2ea: {  	s18 =	simm.s32 $0xF000;
	s6 =	simm.s32 $0x11800;
	[sflag:s29] =	ssyncset.done $0x0  }
0x2eb: {  	s22 =	simm.s32 $0x2800;
	s8 =	simm.s32 $0x12000;
	[sflag:s29] =	ssyncadd.s32 $0xFFFFF800  }
0x2ec: {  	s23 =	simm.s32 $0x10000;
	s9 =	simm.s32 $0x12800;
	_ =	swait.ge [sflag:s29], $0x800  }
0x2ed: {  	s24 =	simm.s32 $0x11000;
	s11 =	simm.s32 $0x13000;
	[sflag:s29] =	ssyncset.done $0x0  }
.LBB2_11:
0x2ee: {  	s10 =	sadd.s32 $0x5500, s0  }
0x2ef: {  	[sflag:s29] =	ssyncadd.s32 $0xFFFFF800;
	s26 =	smov.u32 s4;
	s4 =	sadd.s32 $0x2800, s4  }
0x2f0: {  	[tilespmem:s18], [sflag:$0x2] =	stream.indirect.gather [spmem:s3], $0x10, s10, s25, $0xb8;
	[tilespmem:$0x1AC00] =	vst v63  }
0x2f1: {  	p0 =	sne.s32 s4, $0xA000;
	s10 =	sadd.s32 $0x5580, s0  }
0x2f2: {  	[tilespmem:s30], [sflag:$0x2] =	stream.indirect.gather [spmem:s3], $0x10, s10, s25, $0xb8;
	[tilespmem:$0x1AC00] =	vst v63  }
0x2f3: {  	s10 =	sadd.s32 $0x5600, s0  }
0x2f4: {  	[tilespmem:s23], [sflag:$0x2] =	stream.indirect.gather [spmem:s3], $0x10, s10, s25, $0xb8;
	[tilespmem:$0x1AC00] =	vst v63  }
0x2f5: {  	s10 =	sadd.s32 $0x5680, s0  }
0x2f6: {  	[tilespmem:s7], [sflag:$0x2] =	stream.indirect.gather [spmem:s3], $0x10, s10, s25, $0xb8;
	[tilespmem:$0x1AC00] =	vst v63  }
0x2f7: {  	s10 =	sadd.s32 $0x5700, s0  }
0x2f8: {  	[tilespmem:s24], [sflag:$0x2] =	stream.indirect.gather [spmem:s3], $0x10, s10, s25, $0xb8;
	[tilespmem:$0x1AC00] =	vst v63  }
0x2f9: {  	s10 =	sadd.s32 $0x5780, s0  }
0x2fa: {  	[tilespmem:s6], [sflag:$0x2] =	stream.indirect.gather [spmem:s3], $0x10, s10, s25, $0xb8;
	[tilespmem:$0x1AC00] =	vst v63  }
0x2fb: {  	s10 =	sadd.s32 $0x5800, s0  }
0x2fc: {  	[tilespmem:s8], [sflag:$0x2] =	stream.indirect.gather [spmem:s3], $0x10, s10, s25, $0xb8;
	[tilespmem:$0x1AC00] =	vst v63  }
0x2fd: {  	s10 =	sadd.s32 $0x5880, s0  }
0x2fe: {  	[tilespmem:s9], [sflag:$0x2] =	stream.indirect.gather [spmem:s3], $0x10, s10, s25, $0xb8;
	[tilespmem:$0x1AC00] =	vst v63  }
0x2ff: {  	s10 =	sadd.s32 $0x5900, s0  }
0x300: {  	[tilespmem:s11], [sflag:$0x2] =	stream.indirect.gather [spmem:s3], $0x10, s10, s25, $0xb8;
	[tilespmem:$0x1AC00] =	vst v63  }
0x301: {  	s10 =	sadd.s32 $0x5980, s0  }
0x302: {  	[tilespmem:s17], [sflag:$0x2] =	stream.indirect.gather [spmem:s3], $0x10, s10, s25, $0xb8;
	[tilespmem:$0x1AC00] =	vst v63  }
0x303: {  	_ =	swait.ge [sflag:s1], $0x800  }
0x304: {  	[sflag:s1] =	ssyncset.done $0x0  }
0x305: {  	[sflag:s1] =	ssyncadd.s32 $0xFFFFF800  }
0x306: {  	_ =	swait.ge [sflag:s1], $0x800  }
0x307: {  	[sflag:s1] =	ssyncset.done $0x0  }
0x308: {  	[sflag:s1] =	ssyncadd.s32 $0xFFFFF800  }
0x309: {  	_ =	swait.ge [sflag:s1], $0x800  }
0x30a: {  	[sflag:s1] =	ssyncset.done $0x0  }
0x30b: {  	[sflag:s1] =	ssyncadd.s32 $0xFFFFF800  }
0x30c: {  	_ =	swait.ge [sflag:s1], $0x800  }
0x30d: {  	[sflag:s1] =	ssyncset.done $0x0  }
0x30e: {  	[sflag:s1] =	ssyncadd.s32 $0xFFFFF800  }
0x30f: {  	_ =	swait.ge [sflag:s1], $0x800  }
0x310: {  	[sflag:s1] =	ssyncset.done $0x0  }
0x311: {  	[sflag:s1] =	ssyncadd.s32 $0xFFFFF800  }
0x312: {  	_ =	swait.ge [sflag:s1], $0x800  }
0x313: {  	[sflag:s1] =	ssyncset.done $0x0  }
0x314: {  	[sflag:s1] =	ssyncadd.s32 $0xFFFFF800  }
0x315: {  	_ =	swait.ge [sflag:s1], $0x800  }
0x316: {  	[sflag:s1] =	ssyncset.done $0x0  }
0x317: {  	[sflag:s1] =	ssyncadd.s32 $0xFFFFF800  }
0x318: {  	_ =	swait.ge [sflag:s1], $0x800  }
0x319: {  	[sflag:s1] =	ssyncset.done $0x0  }
0x31a: {  	[sflag:s1] =	ssyncadd.s32 $0xFFFFF800  }
0x31b: {  	_ =	swait.ge [sflag:s1], $0x800  }
0x31c: {  	[sflag:s1] =	ssyncset.done $0x0  }
0x31d: {  	[sflag:s1] =	ssyncadd.s32 $0xFFFFF800  }
0x31e: {  	_ =	swait.ge [sflag:s1], $0x800  }
0x31f: {  	[sflag:s1] =	ssyncset.done $0x0  }
0x320: {  	s10 =	sadd.s32 $0x7800, s0;
	[sflag:s1] =	ssyncadd.s32 $0xFFFFF800  }
0x321: {  	[spmem:s2] =	stream.indirect.scatter.add.f32 [tilespmem:s31], [sflag:$0x3], $0x10, s10, s25, $0xb8;
	[tilespmem:$0x1AC00] =	vst v63  }
0x322: {  	s10 =	sadd.s32 $0x7880, s0  }
0x323: {  	[spmem:s2] =	stream.indirect.scatter.add.f32 [tilespmem:s14], [sflag:$0x3], $0x10, s10, s25, $0xb8;
	[tilespmem:$0x1AC00] =	vst v63  }
0x324: {  	s10 =	sadd.s32 $0x7900, s0  }
0x325: {  	[spmem:s2] =	stream.indirect.scatter.add.f32 [tilespmem:s19], [sflag:$0x3], $0x10, s10, s25, $0xb8;
	[tilespmem:$0x1AC00] =	vst v63  }
0x326: {  	s10 =	sadd.s32 $0x7980, s0  }
0x327: {  	[spmem:s2] =	stream.indirect.scatter.add.f32 [tilespmem:s13], [sflag:$0x3], $0x10, s10, s25, $0xb8;
	[tilespmem:$0x1AC00] =	vst v63  }
0x328: {  	s10 =	sadd.s32 $0x7A00, s0  }
0x329: {  	[spmem:s2] =	stream.indirect.scatter.add.f32 [tilespmem:s20], [sflag:$0x3], $0x10, s10, s25, $0xb8;
	[tilespmem:$0x1AC00] =	vst v63  }
0x32a: {  	s10 =	sadd.s32 $0x7A80, s0  }
0x32b: {  	[spmem:s2] =	stream.indirect.scatter.add.f32 [tilespmem:s21], [sflag:$0x3], $0x10, s10, s25, $0xb8;
	[tilespmem:$0x1AC00] =	vst v63  }
0x32c: {  	s10 =	sadd.s32 $0x7B00, s0  }
0x32d: {  	[spmem:s2] =	stream.indirect.scatter.add.f32 [tilespmem:s12], [sflag:$0x3], $0x10, s10, s25, $0xb8;
	[tilespmem:$0x1AC00] =	vst v63  }
0x32e: {  	s10 =	sadd.s32 $0x7B80, s0;
	s12 =	simm.s32 $0xD800  }
0x32f: {  	[spmem:s2] =	stream.indirect.scatter.add.f32 [tilespmem:s12], [sflag:$0x3], $0x10, s10, s25, $0xb8;
	[tilespmem:$0x1AC00] =	vst v63  }
0x330: {  	s10 =	sadd.s32 $0x7C00, s0  }
0x331: {  	[spmem:s2] =	stream.indirect.scatter.add.f32 [tilespmem:s15], [sflag:$0x3], $0x10, s10, s25, $0xb8;
	[tilespmem:$0x1AC00] =	vst v63  }
0x332: {  	s10 =	sadd.s32 $0x7C80, s0  }
0x333: {  	[spmem:s2] =	stream.indirect.scatter.add.f32 [tilespmem:s16], [sflag:$0x3], $0x10, s10, s25, $0xb8;
	[tilespmem:$0x1AC00] =	vst v63  }
0x334: {  	_ =	swait.ge [sflag:s28], $0x800  }
0x335: {  	[sflag:s28] =	ssyncset.done $0x0  }
0x336: {  	[sflag:s28] =	ssyncadd.s32 $0xFFFFF800  }
0x337: {  	_ =	swait.ge [sflag:s28], $0x800  }
0x338: {  	[sflag:s28] =	ssyncset.done $0x0  }
0x339: {  	[sflag:s28] =	ssyncadd.s32 $0xFFFFF800  }
0x33a: {  	_ =	swait.ge [sflag:s28], $0x800  }
0x33b: {  	[sflag:s28] =	ssyncset.done $0x0  }
0x33c: {  	[sflag:s28] =	ssyncadd.s32 $0xFFFFF800  }
0x33d: {  	_ =	swait.ge [sflag:s28], $0x800  }
0x33e: {  	[sflag:s28] =	ssyncset.done $0x0  }
0x33f: {  	[sflag:s28] =	ssyncadd.s32 $0xFFFFF800  }
0x340: {  	_ =	swait.ge [sflag:s28], $0x800  }
0x341: {  	[sflag:s28] =	ssyncset.done $0x0  }
0x342: {  	[sflag:s28] =	ssyncadd.s32 $0xFFFFF800  }
0x343: {  	_ =	swait.ge [sflag:s28], $0x800  }
0x344: {  	[sflag:s28] =	ssyncset.done $0x0  }
0x345: {  	[sflag:s28] =	ssyncadd.s32 $0xFFFFF800  }
0x346: {  	_ =	swait.ge [sflag:s28], $0x800  }
0x347: {  	[sflag:s28] =	ssyncset.done $0x0  }
0x348: {  	[sflag:s28] =	ssyncadd.s32 $0xFFFFF800  }
0x349: {  	_ =	swait.ge [sflag:s28], $0x800  }
0x34a: {  	[sflag:s28] =	ssyncset.done $0x0  }
0x34b: {  	[sflag:s28] =	ssyncadd.s32 $0xFFFFF800  }
0x34c: {  	_ =	swait.ge [sflag:s28], $0x800  }
0x34d: {  	[sflag:s28] =	ssyncset.done $0x0  }
0x34e: {  	[sflag:s28] =	ssyncadd.s32 $0xFFFFF800  }
0x34f: {  	p1 =	seq.s32 s22, $0x7800;
	_ =	swait.ge [sflag:s28], $0x800  }
0x350: {  	s12 =	simm.s32 @!p1 $0xA000;
	s10 =	sshra.s32 @!p1 s22, $0x2;
	[sflag:s28] =	ssyncset.done $0x0  }
0x351: {  	s19 =	simm.s32 @!p1 $0x80;
	s14 =	sadd.s32 @!p1 $0x5A00, s10;
	[sflag:s28] =	ssyncadd.s32 $0xFFFFF800  }
0x352: {  	[tilespmem:s12], [sflag:$0x1] =	stream.indirect.gather @!p1 [spmem:s3], $0x10, s14, s19, $0xb8;
	[tilespmem:$0x1AC00] =	vst v63  }
0x353: {  	s20 =	sadd.s32 @!p1 $0x5B00, s10;
	s12 =	sadd.s32 @!p1 $0x5A80, s10;
	s14 =	simm.s32 @!p1 $0xA800  }
0x354: {  	[tilespmem:s14], [sflag:$0x1] =	stream.indirect.gather @!p1 [spmem:s3], $0x10, s12, s19, $0xb8;
	[tilespmem:$0x1AC00] =	vst v63  }
0x355: {  	s21 =	sadd.s32 @!p1 $0x5C00, s10;
	s12 =	simm.s32 @!p1 $0xB000;
	s14 =	sadd.s32 @!p1 $0x5B80, s10  }
0x356: {  	[tilespmem:s12], [sflag:$0x1] =	stream.indirect.gather @!p1 [spmem:s3], $0x10, s20, s19, $0xb8;
	[tilespmem:$0x1AC00] =	vst v63  }
0x357: {  	s31 =	sadd.s32 @!p1 $0x5D00, s10;
	s12 =	simm.s32 @!p1 $0xB800;
	s20 =	sadd.s32 @!p1 $0x5C80, s10  }
0x358: {  	[tilespmem:s12], [sflag:$0x1] =	stream.indirect.gather @!p1 [spmem:s3], $0x10, s14, s19, $0xb8;
	[tilespmem:$0x1AC00] =	vst v63  }
0x359: {  	s13 =	sadd.s32 @!p1 $0x5E00, s10;
	s12 =	simm.s32 @!p1 $0xC000;
	s14 =	sadd.s32 @!p1 $0x5D80, s10  }
0x35a: {  	[tilespmem:s12], [sflag:$0x1] =	stream.indirect.gather @!p1 [spmem:s3], $0x10, s21, s19, $0xb8;
	[tilespmem:$0x1AC00] =	vst v63  }
0x35b: {  	s21 =	simm.s32 $0xC800  }
0x35c: {  	s22 =	smov.u32 s26;
	s10 =	sadd.s32 @!p1 $0x5E80, s10;
	s12 =	simm.s32 @!p1 $0xC800  }
0x35d: {  	[tilespmem:s12], [sflag:$0x1] =	stream.indirect.gather @!p1 [spmem:s3], $0x10, s20, s19, $0xb8;
	[tilespmem:$0x1AC00] =	vst v63  }
0x35e: {  	s20 =	simm.s32 $0xC000  }
0x35f: {  	s12 =	simm.s32 @!p1 $0xD000  }
0x360: {  	[tilespmem:s12], [sflag:$0x1] =	stream.indirect.gather @!p1 [spmem:s3], $0x10, s31, s19, $0xb8;
	[tilespmem:$0x1AC00] =	vst v63  }
0x361: {  	s31 =	simm.s32 $0xA000  }
0x362: {  	s12 =	simm.s32 @!p1 $0xD800  }
0x363: {  	[tilespmem:s12], [sflag:$0x1] =	stream.indirect.gather @!p1 [spmem:s3], $0x10, s14, s19, $0xb8;
	[tilespmem:$0x1AC00] =	vst v63  }
0x364: {  	s14 =	simm.s32 $0xA800  }
0x365: {  	s12 =	simm.s32 @!p1 $0xE000  }
0x366: {  	[tilespmem:s12], [sflag:$0x1] =	stream.indirect.gather @!p1 [spmem:s3], $0x10, s13, s19, $0xb8;
	[tilespmem:$0x1AC00] =	vst v63  }
0x367: {  	s13 =	simm.s32 $0xB800  }
0x368: {  	s12 =	simm.s32 @!p1 $0xE800  }
0x369: {  	[tilespmem:s12], [sflag:$0x1] =	stream.indirect.gather @!p1 [spmem:s3], $0x10, s10, s19, $0xb8;
	[tilespmem:$0x1AC00] =	vst v63  }
0x36a: {  	s12 =	simm.s32 $0xD000;
	s19 =	simm.s32 $0xB000  }
0x36b: {  	_ =	swait.ge [sflag:s5], $0x800  }
0x36c: {  	[sflag:s5] =	ssyncset.done $0x0  }
0x36d: {  	[sflag:s5] =	ssyncadd.s32 $0xFFFFF800  }
0x36e: {  	_ =	swait.ge [sflag:s5], $0x800  }
0x36f: {  	[sflag:s5] =	ssyncset.done $0x0  }
0x370: {  	[sflag:s5] =	ssyncadd.s32 $0xFFFFF800  }
0x371: {  	_ =	swait.ge [sflag:s5], $0x800  }
0x372: {  	[sflag:s5] =	ssyncset.done $0x0  }
0x373: {  	[sflag:s5] =	ssyncadd.s32 $0xFFFFF800  }
0x374: {  	_ =	swait.ge [sflag:s5], $0x800  }
0x375: {  	[sflag:s5] =	ssyncset.done $0x0  }
0x376: {  	[sflag:s5] =	ssyncadd.s32 $0xFFFFF800  }
0x377: {  	_ =	swait.ge [sflag:s5], $0x800  }
0x378: {  	[sflag:s5] =	ssyncset.done $0x0  }
0x379: {  	[sflag:s5] =	ssyncadd.s32 $0xFFFFF800  }
0x37a: {  	_ =	swait.ge [sflag:s5], $0x800  }
0x37b: {  	[sflag:s5] =	ssyncset.done $0x0  }
0x37c: {  	[sflag:s5] =	ssyncadd.s32 $0xFFFFF800  }
0x37d: {  	_ =	swait.ge [sflag:s5], $0x800  }
0x37e: {  	[sflag:s5] =	ssyncset.done $0x0  }
0x37f: {  	[sflag:s5] =	ssyncadd.s32 $0xFFFFF800  }
0x380: {  	_ =	swait.ge [sflag:s5], $0x800  }
0x381: {  	[sflag:s5] =	ssyncset.done $0x0  }
0x382: {  	[sflag:s5] =	ssyncadd.s32 $0xFFFFF800  }
0x383: {  	_ =	swait.ge [sflag:s5], $0x800  }
0x384: {  	[sflag:s5] =	ssyncset.done $0x0  }
0x385: {  	[sflag:s5] =	ssyncadd.s32 $0xFFFFF800  }
0x386: {  	_ =	swait.ge [sflag:s5], $0x800  }
0x387: {  	[sflag:s5] =	ssyncset.done $0x0  }
0x388: {  	s10 =	sadd.s32 $0x7D00, s0;
	[sflag:s5] =	ssyncadd.s32 $0xFFFFF800  }
0x389: {  	[spmem:s2] =	stream.indirect.scatter.add.f32 [tilespmem:s18], [sflag:$0x4], $0x10, s10, s25, $0xb8;
	[tilespmem:$0x1AC00] =	vst v63  }
0x38a: {  	s10 =	sadd.s32 $0x7D80, s0  }
0x38b: {  	[spmem:s2] =	stream.indirect.scatter.add.f32 [tilespmem:s30], [sflag:$0x4], $0x10, s10, s25, $0xb8;
	[tilespmem:$0x1AC00] =	vst v63  }
0x38c: {  	s10 =	sadd.s32 $0x7E00, s0  }
0x38d: {  	[spmem:s2] =	stream.indirect.scatter.add.f32 [tilespmem:s23], [sflag:$0x4], $0x10, s10, s25, $0xb8;
	[tilespmem:$0x1AC00] =	vst v63  }
0x38e: {  	s10 =	sadd.s32 $0x7E80, s0  }
0x38f: {  	[spmem:s2] =	stream.indirect.scatter.add.f32 [tilespmem:s7], [sflag:$0x4], $0x10, s10, s25, $0xb8;
	[tilespmem:$0x1AC00] =	vst v63  }
0x390: {  	s10 =	sadd.s32 $0x7F00, s0  }
0x391: {  	[spmem:s2] =	stream.indirect.scatter.add.f32 [tilespmem:s24], [sflag:$0x4], $0x10, s10, s25, $0xb8;
	[tilespmem:$0x1AC00] =	vst v63  }
0x392: {  	s10 =	sadd.s32 $0x7F80, s0  }
0x393: {  	[spmem:s2] =	stream.indirect.scatter.add.f32 [tilespmem:s6], [sflag:$0x4], $0x10, s10, s25, $0xb8;
	[tilespmem:$0x1AC00] =	vst v63  }
0x394: {  	s10 =	sadd.s32 $0x8000, s0  }
0x395: {  	[spmem:s2] =	stream.indirect.scatter.add.f32 [tilespmem:s8], [sflag:$0x4], $0x10, s10, s25, $0xb8;
	[tilespmem:$0x1AC00] =	vst v63  }
0x396: {  	s10 =	sadd.s32 $0x8080, s0  }
0x397: {  	[spmem:s2] =	stream.indirect.scatter.add.f32 [tilespmem:s9], [sflag:$0x4], $0x10, s10, s25, $0xb8;
	[tilespmem:$0x1AC00] =	vst v63  }
0x398: {  	s10 =	sadd.s32 $0x8100, s0  }
0x399: {  	[spmem:s2] =	stream.indirect.scatter.add.f32 [tilespmem:s11], [sflag:$0x4], $0x10, s10, s25, $0xb8;
	[tilespmem:$0x1AC00] =	vst v63  }
0x39a: {  	s0 =	sadd.s32 $0x8180, s0  }
0x39b: {  	[spmem:s2] =	stream.indirect.scatter.add.f32 [tilespmem:s17], [sflag:$0x4], $0x10, s0, s25, $0xb8;
	[tilespmem:$0x1AC00] =	vst v63  }
0x39c: {  	_ =	swait.ge [sflag:s29], $0x800  }
0x39d: {  	[sflag:s29] =	ssyncset.done $0x0  }
0x39e: {  	[sflag:s29] =	ssyncadd.s32 $0xFFFFF800  }
0x39f: {  	_ =	swait.ge [sflag:s29], $0x800  }
0x3a0: {  	[sflag:s29] =	ssyncset.done $0x0  }
0x3a1: {  	[sflag:s29] =	ssyncadd.s32 $0xFFFFF800  }
0x3a2: {  	_ =	swait.ge [sflag:s29], $0x800  }
0x3a3: {  	[sflag:s29] =	ssyncset.done $0x0  }
0x3a4: {  	[sflag:s29] =	ssyncadd.s32 $0xFFFFF800  }
0x3a5: {  	_ =	swait.ge [sflag:s29], $0x800  }
0x3a6: {  	[sflag:s29] =	ssyncset.done $0x0  }
0x3a7: {  	[sflag:s29] =	ssyncadd.s32 $0xFFFFF800  }
0x3a8: {  	_ =	swait.ge [sflag:s29], $0x800  }
0x3a9: {  	[sflag:s29] =	ssyncset.done $0x0  }
0x3aa: {  	[sflag:s29] =	ssyncadd.s32 $0xFFFFF800  }
0x3ab: {  	_ =	swait.ge [sflag:s29], $0x800  }
0x3ac: {  	[sflag:s29] =	ssyncset.done $0x0  }
0x3ad: {  	[sflag:s29] =	ssyncadd.s32 $0xFFFFF800  }
0x3ae: {  	_ =	swait.ge [sflag:s29], $0x800  }
0x3af: {  	[sflag:s29] =	ssyncset.done $0x0  }
0x3b0: {  	[sflag:s29] =	ssyncadd.s32 $0xFFFFF800  }
0x3b1: {  	_ =	swait.ge [sflag:s29], $0x800  }
0x3b2: {  	[sflag:s29] =	ssyncset.done $0x0  }
0x3b3: {  	[sflag:s29] =	ssyncadd.s32 $0xFFFFF800  }
.Ltmp4:
0x3b4: {  	_ =	swait.ge [sflag:s29], $0x800;
	(pc) =	sbr.rel @p0 .LBB2_11-.Ltmp4, $4  }
0x3b5: {  	[sflag:s29] =	ssyncset.done $0x0  }
0x3b6: {  	[sflag:s29] =	ssyncadd.s32 $0xFFFFF800  }
0x3b7: {  	_ =	swait.ge [sflag:s29], $0x800  }
0x3b8: {  	s0 =	sshra.s32 s22, $0x2;
	[sflag:s29] =	ssyncset.done $0x0  }
0x3b9: {  	s4 =	sadd.s32 $0x5500, s0;
	[sflag:s29] =	ssyncadd.s32 $0xFFFFF800  }
0x3ba: {  	[tilespmem:s18], [sflag:$0x2] =	stream.indirect.gather [spmem:s3], $0x10, s4, s25, $0xb8;
	[tilespmem:$0x1AC00] =	vst v63  }
0x3bb: {  	s10 =	sadd.s32 $0x5580, s0  }
0x3bc: {  	[tilespmem:s30], [sflag:$0x2] =	stream.indirect.gather [spmem:s3], $0x10, s10, s25, $0xb8;
	[tilespmem:$0x1AC00] =	vst v63  }
0x3bd: {  	s26 =	sadd.s32 $0x5600, s0  }
0x3be: {  	[tilespmem:s23], [sflag:$0x2] =	stream.indirect.gather [spmem:s3], $0x10, s26, s25, $0xb8;
	[tilespmem:$0x1AC00] =	vst v63  }
0x3bf: {  	s10 =	sadd.s32 $0x5680, s0  }
0x3c0: {  	[tilespmem:s7], [sflag:$0x2] =	stream.indirect.gather [spmem:s3], $0x10, s10, s25, $0xb8;
	[tilespmem:$0x1AC00] =	vst v63  }
0x3c1: {  	s26 =	sadd.s32 $0x5700, s0  }
0x3c2: {  	[tilespmem:s24], [sflag:$0x2] =	stream.indirect.gather [spmem:s3], $0x10, s26, s25, $0xb8;
	[tilespmem:$0x1AC00] =	vst v63  }
0x3c3: {  	s10 =	sadd.s32 $0x5780, s0  }
0x3c4: {  	[tilespmem:s6], [sflag:$0x2] =	stream.indirect.gather [spmem:s3], $0x10, s10, s25, $0xb8;
	[tilespmem:$0x1AC00] =	vst v63  }
0x3c5: {  	s26 =	sadd.s32 $0x5800, s0  }
0x3c6: {  	[tilespmem:s8], [sflag:$0x2] =	stream.indirect.gather [spmem:s3], $0x10, s26, s25, $0xb8;
	[tilespmem:$0x1AC00] =	vst v63  }
0x3c7: {  	s10 =	sadd.s32 $0x5880, s0  }
0x3c8: {  	[tilespmem:s9], [sflag:$0x2] =	stream.indirect.gather [spmem:s3], $0x10, s10, s25, $0xb8;
	[tilespmem:$0x1AC00] =	vst v63  }
0x3c9: {  	s26 =	sadd.s32 $0x5900, s0  }
0x3ca: {  	[tilespmem:s11], [sflag:$0x2] =	stream.indirect.gather [spmem:s3], $0x10, s26, s25, $0xb8;
	[tilespmem:$0x1AC00] =	vst v63  }
0x3cb: {  	s10 =	sadd.s32 $0x5980, s0  }
0x3cc: {  	[tilespmem:s17], [sflag:$0x2] =	stream.indirect.gather [spmem:s3], $0x10, s10, s25, $0xb8;
	[tilespmem:$0x1AC00] =	vst v63  }
0x3cd: {  	_ =	swait.ge [sflag:s1], $0x800  }
0x3ce: {  	[sflag:s1] =	ssyncset.done $0x0  }
0x3cf: {  	[sflag:s1] =	ssyncadd.s32 $0xFFFFF800  }
0x3d0: {  	_ =	swait.ge [sflag:s1], $0x800  }
0x3d1: {  	[sflag:s1] =	ssyncset.done $0x0  }
0x3d2: {  	[sflag:s1] =	ssyncadd.s32 $0xFFFFF800  }
0x3d3: {  	_ =	swait.ge [sflag:s1], $0x800  }
0x3d4: {  	[sflag:s1] =	ssyncset.done $0x0  }
0x3d5: {  	[sflag:s1] =	ssyncadd.s32 $0xFFFFF800  }
0x3d6: {  	_ =	swait.ge [sflag:s1], $0x800  }
0x3d7: {  	[sflag:s1] =	ssyncset.done $0x0  }
0x3d8: {  	[sflag:s1] =	ssyncadd.s32 $0xFFFFF800  }
0x3d9: {  	_ =	swait.ge [sflag:s1], $0x800  }
0x3da: {  	[sflag:s1] =	ssyncset.done $0x0  }
0x3db: {  	[sflag:s1] =	ssyncadd.s32 $0xFFFFF800  }
0x3dc: {  	_ =	swait.ge [sflag:s1], $0x800  }
0x3dd: {  	[sflag:s1] =	ssyncset.done $0x0  }
0x3de: {  	[sflag:s1] =	ssyncadd.s32 $0xFFFFF800  }
0x3df: {  	_ =	swait.ge [sflag:s1], $0x800  }
0x3e0: {  	[sflag:s1] =	ssyncset.done $0x0  }
0x3e1: {  	[sflag:s1] =	ssyncadd.s32 $0xFFFFF800  }
0x3e2: {  	_ =	swait.ge [sflag:s1], $0x800  }
0x3e3: {  	[sflag:s1] =	ssyncset.done $0x0  }
0x3e4: {  	[sflag:s1] =	ssyncadd.s32 $0xFFFFF800  }
0x3e5: {  	_ =	swait.ge [sflag:s1], $0x800  }
0x3e6: {  	[sflag:s1] =	ssyncset.done $0x0  }
0x3e7: {  	[sflag:s1] =	ssyncadd.s32 $0xFFFFF800  }
0x3e8: {  	_ =	swait.ge [sflag:s1], $0x800  }
0x3e9: {  	[sflag:s1] =	ssyncset.done $0x0  }
0x3ea: {  	s26 =	sadd.s32 $0x7800, s0;
	[sflag:s1] =	ssyncadd.s32 $0xFFFFF800  }
0x3eb: {  	[spmem:s2] =	stream.indirect.scatter.add.f32 [tilespmem:s31], [sflag:$0x3], $0x10, s26, s25, $0xb8;
	[tilespmem:$0x1AC00] =	vst v63  }
0x3ec: {  	s10 =	sadd.s32 $0x7880, s0  }
0x3ed: {  	[spmem:s2] =	stream.indirect.scatter.add.f32 [tilespmem:s14], [sflag:$0x3], $0x10, s10, s25, $0xb8;
	[tilespmem:$0x1AC00] =	vst v63  }
0x3ee: {  	s26 =	sadd.s32 $0x7900, s0  }
0x3ef: {  	[spmem:s2] =	stream.indirect.scatter.add.f32 [tilespmem:s19], [sflag:$0x3], $0x10, s26, s25, $0xb8;
	[tilespmem:$0x1AC00] =	vst v63  }
0x3f0: {  	s10 =	sadd.s32 $0x7980, s0  }
0x3f1: {  	[spmem:s2] =	stream.indirect.scatter.add.f32 [tilespmem:s13], [sflag:$0x3], $0x10, s10, s25, $0xb8;
	[tilespmem:$0x1AC00] =	vst v63  }
0x3f2: {  	s13 =	sadd.s32 $0x7A00, s0  }
0x3f3: {  	[spmem:s2] =	stream.indirect.scatter.add.f32 [tilespmem:s20], [sflag:$0x3], $0x10, s13, s25, $0xb8;
	[tilespmem:$0x1AC00] =	vst v63  }
0x3f4: {  	s20 =	sadd.s32 $0x7A80, s0  }
0x3f5: {  	[spmem:s2] =	stream.indirect.scatter.add.f32 [tilespmem:s21], [sflag:$0x3], $0x10, s20, s25, $0xb8;
	[tilespmem:$0x1AC00] =	vst v63  }
0x3f6: {  	s21 =	sadd.s32 $0x7B00, s0  }
0x3f7: {  	[spmem:s2] =	stream.indirect.scatter.add.f32 [tilespmem:s12], [sflag:$0x3], $0x10, s21, s25, $0xb8;
	[tilespmem:$0x1AC00] =	vst v63  }
0x3f8: {  	s26 =	sadd.s32 $0x7B80, s0;
	s10 =	simm.s32 $0xD800  }
0x3f9: {  	[spmem:s2] =	stream.indirect.scatter.add.f32 [tilespmem:s10], [sflag:$0x3], $0x10, s26, s25, $0xb8;
	[tilespmem:$0x1AC00] =	vst v63  }
0x3fa: {  	s12 =	sadd.s32 $0x7C00, s0  }
0x3fb: {  	[spmem:s2] =	stream.indirect.scatter.add.f32 [tilespmem:s15], [sflag:$0x3], $0x10, s12, s25, $0xb8;
	[tilespmem:$0x1AC00] =	vst v63  }
0x3fc: {  	s13 =	sadd.s32 $0x7C80, s0  }
0x3fd: {  	[spmem:s2] =	stream.indirect.scatter.add.f32 [tilespmem:s16], [sflag:$0x3], $0x10, s13, s25, $0xb8;
	[tilespmem:$0x1AC00] =	vst v63  }
0x3fe: {  	_ =	swait.ge [sflag:s28], $0x800  }
0x3ff: {  	[sflag:s28] =	ssyncset.done $0x0  }
0x400: {  	[sflag:s28] =	ssyncadd.s32 $0xFFFFF800  }
0x401: {  	_ =	swait.ge [sflag:s28], $0x800  }
0x402: {  	[sflag:s28] =	ssyncset.done $0x0  }
0x403: {  	[sflag:s28] =	ssyncadd.s32 $0xFFFFF800  }
0x404: {  	_ =	swait.ge [sflag:s28], $0x800  }
0x405: {  	[sflag:s28] =	ssyncset.done $0x0  }
0x406: {  	[sflag:s28] =	ssyncadd.s32 $0xFFFFF800  }
0x407: {  	_ =	swait.ge [sflag:s28], $0x800  }
0x408: {  	[sflag:s28] =	ssyncset.done $0x0  }
0x409: {  	[sflag:s28] =	ssyncadd.s32 $0xFFFFF800  }
0x40a: {  	_ =	swait.ge [sflag:s28], $0x800  }
0x40b: {  	[sflag:s28] =	ssyncset.done $0x0  }
0x40c: {  	[sflag:s28] =	ssyncadd.s32 $0xFFFFF800  }
0x40d: {  	_ =	swait.ge [sflag:s28], $0x800  }
0x40e: {  	[sflag:s28] =	ssyncset.done $0x0  }
0x40f: {  	[sflag:s28] =	ssyncadd.s32 $0xFFFFF800  }
0x410: {  	_ =	swait.ge [sflag:s28], $0x800  }
0x411: {  	[sflag:s28] =	ssyncset.done $0x0  }
0x412: {  	[sflag:s28] =	ssyncadd.s32 $0xFFFFF800  }
0x413: {  	_ =	swait.ge [sflag:s28], $0x800  }
0x414: {  	[sflag:s28] =	ssyncset.done $0x0  }
0x415: {  	[sflag:s28] =	ssyncadd.s32 $0xFFFFF800  }
0x416: {  	_ =	swait.ge [sflag:s28], $0x800  }
0x417: {  	[sflag:s28] =	ssyncset.done $0x0  }
0x418: {  	[sflag:s28] =	ssyncadd.s32 $0xFFFFF800  }
0x419: {  	p0 =	seq.s32 s22, $0x7800;
	_ =	swait.ge [sflag:s28], $0x800  }
0x41a: {  	s4 =	sshra.s32 @!p0 s22, $0x2;
	s10 =	simm.s32 @!p0 $0xA000;
	[sflag:s28] =	ssyncset.done $0x0  }
0x41b: {  	s12 =	sadd.s32 @!p0 $0x5A00, s4;
	s13 =	simm.s32 @!p0 $0x80;
	[sflag:s28] =	ssyncadd.s32 $0xFFFFF800  }
0x41c: {  	[tilespmem:s10], [sflag:$0x1] =	stream.indirect.gather @!p0 [spmem:s3], $0x10, s12, s13, $0xb8;
	[tilespmem:$0x1AC00] =	vst v63  }
0x41d: {  	s10 =	sadd.s32 @!p0 $0x5A80, s4;
	s12 =	simm.s32 @!p0 $0xA800  }
0x41e: {  	[tilespmem:s12], [sflag:$0x1] =	stream.indirect.gather @!p0 [spmem:s3], $0x10, s10, s13, $0xb8;
	[tilespmem:$0x1AC00] =	vst v63  }
0x41f: {  	s10 =	sadd.s32 @!p0 $0x5B00, s4;
	s12 =	simm.s32 @!p0 $0xB000  }
0x420: {  	[tilespmem:s12], [sflag:$0x1] =	stream.indirect.gather @!p0 [spmem:s3], $0x10, s10, s13, $0xb8;
	[tilespmem:$0x1AC00] =	vst v63  }
0x421: {  	s10 =	sadd.s32 @!p0 $0x5B80, s4;
	s12 =	simm.s32 @!p0 $0xB800  }
0x422: {  	[tilespmem:s12], [sflag:$0x1] =	stream.indirect.gather @!p0 [spmem:s3], $0x10, s10, s13, $0xb8;
	[tilespmem:$0x1AC00] =	vst v63  }
0x423: {  	s10 =	sadd.s32 @!p0 $0x5C00, s4;
	s12 =	simm.s32 @!p0 $0xC000  }
0x424: {  	[tilespmem:s12], [sflag:$0x1] =	stream.indirect.gather @!p0 [spmem:s3], $0x10, s10, s13, $0xb8;
	[tilespmem:$0x1AC00] =	vst v63  }
0x425: {  	s10 =	sadd.s32 @!p0 $0x5C80, s4;
	s12 =	simm.s32 @!p0 $0xC800  }
0x426: {  	[tilespmem:s12], [sflag:$0x1] =	stream.indirect.gather @!p0 [spmem:s3], $0x10, s10, s13, $0xb8;
	[tilespmem:$0x1AC00] =	vst v63  }
0x427: {  	s10 =	sadd.s32 @!p0 $0x5D00, s4;
	s12 =	simm.s32 @!p0 $0xD000  }
0x428: {  	[tilespmem:s12], [sflag:$0x1] =	stream.indirect.gather @!p0 [spmem:s3], $0x10, s10, s13, $0xb8;
	[tilespmem:$0x1AC00] =	vst v63  }
0x429: {  	s10 =	sadd.s32 @!p0 $0x5D80, s4;
	s12 =	simm.s32 @!p0 $0xD800  }
0x42a: {  	[tilespmem:s12], [sflag:$0x1] =	stream.indirect.gather @!p0 [spmem:s3], $0x10, s10, s13, $0xb8;
	[tilespmem:$0x1AC00] =	vst v63  }
0x42b: {  	s10 =	sadd.s32 @!p0 $0x5E00, s4;
	s12 =	simm.s32 @!p0 $0xE000  }
0x42c: {  	[tilespmem:s12], [sflag:$0x1] =	stream.indirect.gather @!p0 [spmem:s3], $0x10, s10, s13, $0xb8;
	[tilespmem:$0x1AC00] =	vst v63  }
0x42d: {  	s4 =	sadd.s32 @!p0 $0x5E80, s4;
	s10 =	simm.s32 @!p0 $0xE800  }
0x42e: {  	[tilespmem:s10], [sflag:$0x1] =	stream.indirect.gather @!p0 [spmem:s3], $0x10, s4, s13, $0xb8;
	[tilespmem:$0x1AC00] =	vst v63  }
0x42f: {  	_ =	swait.ge [sflag:s5], $0x800  }
0x430: {  	[sflag:s5] =	ssyncset.done $0x0  }
0x431: {  	[sflag:s5] =	ssyncadd.s32 $0xFFFFF800  }
0x432: {  	_ =	swait.ge [sflag:s5], $0x800  }
0x433: {  	[sflag:s5] =	ssyncset.done $0x0  }
0x434: {  	[sflag:s5] =	ssyncadd.s32 $0xFFFFF800  }
0x435: {  	_ =	swait.ge [sflag:s5], $0x800  }
0x436: {  	[sflag:s5] =	ssyncset.done $0x0  }
0x437: {  	[sflag:s5] =	ssyncadd.s32 $0xFFFFF800  }
0x438: {  	_ =	swait.ge [sflag:s5], $0x800  }
0x439: {  	[sflag:s5] =	ssyncset.done $0x0  }
0x43a: {  	[sflag:s5] =	ssyncadd.s32 $0xFFFFF800  }
0x43b: {  	_ =	swait.ge [sflag:s5], $0x800  }
0x43c: {  	[sflag:s5] =	ssyncset.done $0x0  }
0x43d: {  	[sflag:s5] =	ssyncadd.s32 $0xFFFFF800  }
0x43e: {  	_ =	swait.ge [sflag:s5], $0x800  }
0x43f: {  	[sflag:s5] =	ssyncset.done $0x0  }
0x440: {  	[sflag:s5] =	ssyncadd.s32 $0xFFFFF800  }
0x441: {  	_ =	swait.ge [sflag:s5], $0x800  }
0x442: {  	[sflag:s5] =	ssyncset.done $0x0  }
0x443: {  	[sflag:s5] =	ssyncadd.s32 $0xFFFFF800  }
0x444: {  	_ =	swait.ge [sflag:s5], $0x800  }
0x445: {  	[sflag:s5] =	ssyncset.done $0x0  }
0x446: {  	[sflag:s5] =	ssyncadd.s32 $0xFFFFF800  }
0x447: {  	_ =	swait.ge [sflag:s5], $0x800  }
0x448: {  	[sflag:s5] =	ssyncset.done $0x0  }
0x449: {  	[sflag:s5] =	ssyncadd.s32 $0xFFFFF800  }
0x44a: {  	_ =	swait.ge [sflag:s5], $0x800  }
0x44b: {  	[sflag:s5] =	ssyncset.done $0x0  }
0x44c: {  	s15 =	sadd.s32 $0x7D00, s0;
	[sflag:s5] =	ssyncadd.s32 $0xFFFFF800  }
0x44d: {  	[spmem:s2] =	stream.indirect.scatter.add.f32 [tilespmem:s18], [sflag:$0x4], $0x10, s15, s25, $0xb8;
	[tilespmem:$0x1AC00] =	vst v63  }
0x44e: {  	s16 =	sadd.s32 $0x7D80, s0  }
0x44f: {  	[spmem:s2] =	stream.indirect.scatter.add.f32 [tilespmem:s30], [sflag:$0x4], $0x10, s16, s25, $0xb8;
	[tilespmem:$0x1AC00] =	vst v63  }
0x450: {  	s18 =	sadd.s32 $0x7E00, s0  }
0x451: {  	[spmem:s2] =	stream.indirect.scatter.add.f32 [tilespmem:s23], [sflag:$0x4], $0x10, s18, s25, $0xb8;
	[tilespmem:$0x1AC00] =	vst v63  }
0x452: {  	s20 =	sadd.s32 $0x7E80, s0  }
0x453: {  	[spmem:s2] =	stream.indirect.scatter.add.f32 [tilespmem:s7], [sflag:$0x4], $0x10, s20, s25, $0xb8;
	[tilespmem:$0x1AC00] =	vst v63  }
0x454: {  	s21 =	sadd.s32 $0x7F00, s0  }
0x455: {  	[spmem:s2] =	stream.indirect.scatter.add.f32 [tilespmem:s24], [sflag:$0x4], $0x10, s21, s25, $0xb8;
	[tilespmem:$0x1AC00] =	vst v63  }
0x456: {  	s22 =	sadd.s32 $0x7F80, s0  }
0x457: {  	[spmem:s2] =	stream.indirect.scatter.add.f32 [tilespmem:s6], [sflag:$0x4], $0x10, s22, s25, $0xb8;
	[tilespmem:$0x1AC00] =	vst v63  }
0x458: {  	s23 =	sadd.s32 $0x8000, s0  }
0x459: {  	[spmem:s2] =	stream.indirect.scatter.add.f32 [tilespmem:s8], [sflag:$0x4], $0x10, s23, s25, $0xb8;
	[tilespmem:$0x1AC00] =	vst v63  }
0x45a: {  	s24 =	sadd.s32 $0x8080, s0  }
0x45b: {  	[spmem:s2] =	stream.indirect.scatter.add.f32 [tilespmem:s9], [sflag:$0x4], $0x10, s24, s25, $0xb8;
	[tilespmem:$0x1AC00] =	vst v63  }
0x45c: {  	s26 =	sadd.s32 $0x8100, s0  }
0x45d: {  	[spmem:s2] =	stream.indirect.scatter.add.f32 [tilespmem:s11], [sflag:$0x4], $0x10, s26, s25, $0xb8;
	[tilespmem:$0x1AC00] =	vst v63  }
0x45e: {  	s6 =	sadd.s32 $0x8180, s0  }
0x45f: {  	[spmem:s2] =	stream.indirect.scatter.add.f32 [tilespmem:s17], [sflag:$0x4], $0x10, s6, s25, $0xb8;
	[tilespmem:$0x1AC00] =	vst v63  }
0x460: {  	_ =	swait.ge [sflag:s29], $0x800  }
0x461: {  	[sflag:s29] =	ssyncset.done $0x0  }
0x462: {  	[sflag:s29] =	ssyncadd.s32 $0xFFFFF800  }
0x463: {  	_ =	swait.ge [sflag:s29], $0x800  }
0x464: {  	[sflag:s29] =	ssyncset.done $0x0  }
0x465: {  	[sflag:s29] =	ssyncadd.s32 $0xFFFFF800  }
0x466: {  	_ =	swait.ge [sflag:s29], $0x800  }
0x467: {  	[sflag:s29] =	ssyncset.done $0x0  }
0x468: {  	[sflag:s29] =	ssyncadd.s32 $0xFFFFF800  }
0x469: {  	_ =	swait.ge [sflag:s29], $0x800  }
0x46a: {  	[sflag:s29] =	ssyncset.done $0x0  }
0x46b: {  	[sflag:s29] =	ssyncadd.s32 $0xFFFFF800  }
0x46c: {  	_ =	swait.ge [sflag:s29], $0x800  }
0x46d: {  	[sflag:s29] =	ssyncset.done $0x0  }
0x46e: {  	[sflag:s29] =	ssyncadd.s32 $0xFFFFF800  }
0x46f: {  	_ =	swait.ge [sflag:s29], $0x800  }
0x470: {  	[sflag:s29] =	ssyncset.done $0x0  }
0x471: {  	[sflag:s29] =	ssyncadd.s32 $0xFFFFF800  }
0x472: {  	_ =	swait.ge [sflag:s29], $0x800  }
0x473: {  	[sflag:s29] =	ssyncset.done $0x0  }
0x474: {  	[sflag:s29] =	ssyncadd.s32 $0xFFFFF800  }
0x475: {  	_ =	swait.ge [sflag:s29], $0x800  }
0x476: {  	[sflag:s29] =	ssyncset.done $0x0  }
0x477: {  	[sflag:s29] =	ssyncadd.s32 $0xFFFFF800  }
0x478: {  	_ =	swait.ge [sflag:s29], $0x800  }
0x479: {  	[sflag:s29] =	ssyncset.done $0x0  }
0x47a: {  	[sflag:s29] =	ssyncadd.s32 $0xFFFFF800  }
0x47b: {  	_ =	swait.ge [sflag:s29], $0x800  }
0x47c: {  	[sflag:s29] =	ssyncset.done $0x0  }
0x47d: {  	[sflag:s29] =	ssyncadd.s32 $0xFFFFF800  }
0x47e: {  	[bflag:$0x0] =	sbarrier.arrive $0xFFFF  }
0x47f: {  	s8 =	simm.s32 $0x10400;
	s7 =	rddreg [dreg:$0x7]  }
0x480: {  	[tilespmem:s8], [sflag:$0x1] =	stream.linear.gather [spmem:s7], $0x1400, $0x38;
	[tilespmem:$0x1AC00] =	vst v63  }
0x481: {  	s9 =	rddreg [dreg:$0x8]  }
0x482: {  	[tilespmem:s31], [sflag:$0x2] =	stream.linear.gather [spmem:s9], $0x1400, $0x38;
	[tilespmem:$0x1AC00] =	vst v63  }
0x483: {  	_ =	swait.ge [sflag:s1], $0x1400  }
0x484: {  	[sflag:s1] =	ssyncset.done $0x0  }
0x485: {  	s11 =	simm.s32 $0x0;
	s15 =	rddreg [dreg:$0x9];
	[sflag:s1] =	ssyncadd.s32 $0xFFFFEC00  }
0x486: {  	[hbm4b:s15+s11] =	stream.linear.scatter [tilespmem:s8], [sflag:$0x1], $0x1400, $0x38;
	[tilespmem:$0x1AC00] =	vst v63  }
0x487: {  	s16 =	simm.s32 $0x14800;
	s21 =	simm.s32 $0x6  }
0x488: {  	[spmem:s7] =	stream.linear.scatter [tilespmem:s16], [sflag:$0x6], $0x1400, $0x38;
	[tilespmem:$0x1AC00] =	vst v63  }
0x489: {  	_ =	swait.ge [sflag:s21], $0x1400  }
0x48a: {  	[sflag:s21] =	ssyncset.done $0x0  }
0x48b: {  	[sflag:s21] =	ssyncadd.s32 $0xFFFFEC00  }
0x48c: {  	_ =	swait.ge [sflag:s1], $0x1400  }
0x48d: {  	[sflag:s1] =	ssyncset.done $0x0  }
0x48e: {  	s26 =	simm.s32 $0x100000;
	[sflag:s1] =	ssyncadd.s32 $0xFFFFEC00  }
0x48f: {  	[smem:s26], [sflag:$0x0] =	smem.add.s32 $0x0  }
0x490: {  	_ =	swait.done [sflag:s11]  }
0x491: {  	s18 =	ssyncread [sflag:$0x0];
	_ =	sdelay $0x1  }
0x492: {  	s20 =	rddreg [dreg:$0xa]  }
0x493: {  	s4 =	sadd.s32 s20, s18  }
0x494: {  	[sflag:s11] =	ssyncset.s32 $0x0;
	s15 =	rddreg [dreg:$0x15];
	s4 =	sshll.u32 s4, $0x11  }
0x495: {  	[sflag:s11] =	ssyncset.done $0x0;
	s4 =	sor.u32 s4, s15  }
0x496: {  	s22 =	simm.s32 $0x5;
	[sflag:s4] =	ssyncadd.remote.s32 $0x1  }
0x497: {  	_ =	swait.ge [sflag:s22], $0x1  }
0x498: {  	[sflag:s22] =	ssyncset.done $0x0  }
0x499: {  	[sflag:s22] =	ssyncadd.s32 $0xFFFFFFFF  }
0x49a: {  	_ =	swait.ge [sflag:s5], $0x1400  }
0x49b: {  	[sflag:s5] =	ssyncset.done $0x0  }
0x49c: {  	[sflag:s5] =	ssyncadd.s32 $0xFFFFEC00  }
0x49d: {  	[spmem:s9] =	stream.linear.scatter [tilespmem:s16], [sflag:$0x3], $0x1400, $0x38;
	[tilespmem:$0x1AC00] =	vst v63  }
0x49e: {  	s24 =	simm.s32 $0xB400;
	s23 =	rddreg [dreg:$0xc]  }
0x49f: {  	[tilespmem:s24], [sflag:$0x6] =	stream.linear.gather [hbm4b:s23+s11], $0x1400, $0x38;
	[tilespmem:$0x1AC00] =	vst v63  }
0x4a0: {  	_ =	swait.ge [sflag:s21], $0x1400  }
0x4a1: {  	[sflag:s21] =	ssyncset.done $0x0  }
0x4a2: {  	s0 =	simm.s32 $0x0;
	[sflag:s21] =	ssyncadd.s32 $0xFFFFEC00  }
0x4a3: {  	v2 =	vld [tilespmem:s0+$0xA000]  }
0x4a4: {  	v3 =	vld [tilespmem:s0+$0xB400]  }
0x4a5: {  	v4 =	vld [tilespmem:s0+$0x17000]  }
0x4a6: {  	v5 =	vld [tilespmem:s0+$0x19800];
	_ =	sdelay $0x2  }
0x4a7: {  	v2 =	vadd.f32 v3, v2  }
0x4a8: {  	v3 =	vld [tilespmem:s0+$0x18400]  }
0x4a9: {  	v2 =	vadd.f32 v5, v2;
	v5 =	vmul.f32 $8.999999760e-01, v4;
	_ =	sdelay $0x1  }
0x4aa: {  	s12 =	simm.s32 $0x10;
	v2 =	vmul.f32 v5, v2  }
0x4ab: {  	s13 =	simm.s32 $0x14800;
	s30 =	simm.s32 $0x10000;
	s6 =	simm.s32 $0x12000  }
0x4ac: {  	s8 =	simm.s32 $0x12800;
	s7 =	simm.s32 $0x11000;
	s18 =	simm.s32 $0xF000;
	v3 =	vadd.f32 v2, v3  }
0x4ad: {  	s4 =	simm.s32 $0x80;
	s22 =	simm.s32 $0xF800;
	s9 =	simm.s32 $0x13000  }
0x4ae: {  	s23 =	simm.s32 $0x10800;
	s24 =	simm.s32 $0x11800;
	s11 =	simm.s32 $0x13800;
	v2 =	vld [tilespmem:s12+$0xA000];
	[tilespmem:s0+$0xF000] =	vst v3;
	v3 =	vmul.f32 v3, v4  }
.LBB2_13:
0x4af: {  	p0 =	sne.s32 s4, $0x4FC0;
	v4 =	vld [tilespmem:s12+$0xB400]  }
0x4b0: {  	v5 =	vld [tilespmem:s12+$0x17000];
	[tilespmem:s0+$0x19800] =	vst v3;
	s0 =	smov.u32 s12  }
0x4b1: {  	v3 =	vld [tilespmem:s0+$0x19800];
	_ =	sdelay $0x2  }
0x4b2: {  	v2 =	vadd.f32 v4, v2  }
0x4b3: {  	v4 =	vld [tilespmem:s0+$0x18400]  }
0x4b4: {  	v2 =	vadd.f32 v3, v2;
	v3 =	vmul.f32 $8.999999760e-01, v5;
	_ =	sdelay $0x1  }
.Ltmp5:
0x4b5: {  	v2 =	vmul.f32 v3, v2;
	(pc) =	sbr.rel @p0 .LBB2_13-.Ltmp5, $4  }
0x4b6: {  	_ = 	snop  }
0x4b7: {  	v3 =	vadd.f32 v2, v4  }
0x4b8: {  	s12 =	sshra.s32 s4, $0x2  }
0x4b9: {  	s4 =	sadd.s32 $0x40, s4;
	v2 =	vld [tilespmem:s12+$0xA000];
	[tilespmem:s0+$0xF000] =	vst v3;
	v3 =	vmul.f32 v3, v5  }
0x4ba: {  	v4 =	vld [tilespmem:s12+$0xB400]  }
0x4bb: {  	v5 =	vld [tilespmem:s12+$0x17000];
	[tilespmem:s0+$0x19800] =	vst v3  }
0x4bc: {  	v3 =	vld [tilespmem:s12+$0x19800];
	_ =	sdelay $0x2  }
0x4bd: {  	v2 =	vadd.f32 v4, v2  }
0x4be: {  	v63 =	vld [tilespmem:s12+$0x18400]  }
0x4bf: {  	v2 =	vadd.f32 v3, v2;
	v3 =	vmul.f32 $8.999999760e-01, v5;
	_ =	sdelay $0x1  }
0x4c0: {  	v2 =	vmul.f32 v3, v2;
	_ =	sdelay $0x1  }
0x4c1: {  	v2 =	vadd.f32 v2, v63;
	_ =	sdelay $0x1  }
0x4c2: {  	v3 =	vmul.f32 v2, v5  }
0x4c3: {  	[tilespmem:s12+$0xF000] =	vst v2  }
0x4c4: {  	s4 =	simm.s32 $0x0;
	[tilespmem:s12+$0x19800] =	vst v3;
	s12 =	rddreg [dreg:$0x12]  }
0x4c5: {  	[hbm4b:s12+s4] =	stream.linear.scatter [tilespmem:s18], [sflag:$0x1], $0x1400, $0x38;
	[tilespmem:$0x1AC00] =	vst v63  }
0x4c6: {  	s16 =	rddreg [dreg:$0xe];
	s10 =	simm.s32 $0x19800  }
0x4c7: {  	[hbm4b:s16+s4] =	stream.linear.scatter [tilespmem:s10], [sflag:$0x2], $0x1400, $0x38;
	[tilespmem:$0x1AC00] =	vst v63  }
0x4c8: {  	s12 =	rddreg [dreg:$0xf]  }
0x4c9: {  	[spmem:s12] =	stream.linear.scatter [tilespmem:s10], [sflag:$0x4], $0x1400, $0x38;
	[tilespmem:$0x1AC00] =	vst v63  }
0x4ca: {  	_ =	swait.ge [sflag:s28], $0x1400  }
0x4cb: {  	[sflag:s28] =	ssyncset.done $0x0  }
0x4cc: {  	[sflag:s28] =	ssyncadd.s32 $0xFFFFEC00  }
0x4cd: {  	_ =	swait.ge [sflag:s1], $0x1400  }
0x4ce: {  	[sflag:s1] =	ssyncset.done $0x0  }
0x4cf: {  	[sflag:s1] =	ssyncadd.s32 $0xFFFFEC00  }
0x4d0: {  	_ =	swait.ge [sflag:s5], $0x1400  }
0x4d1: {  	[sflag:s5] =	ssyncset.done $0x0  }
0x4d2: {  	[sflag:s5] =	ssyncadd.s32 $0xFFFFEC00  }
0x4d3: {  	_ =	swait.ge [sflag:s29], $0x1400  }
0x4d4: {  	[sflag:s29] =	ssyncset.done $0x0  }
0x4d5: {  	[sflag:s29] =	ssyncadd.s32 $0xFFFFEC00  }
0x4d6: {  	[bflag:$0x0] =	sbarrier.arrive $0xFFFF  }
0x4d7: {  	[smem:s26], [sflag:$0x0] =	smem.add.s32 $0x0  }
0x4d8: {  	_ =	swait.done [sflag:s4]  }
0x4d9: {  	s16 =	ssyncread [sflag:$0x0];
	_ =	sdelay $0x2  }
0x4da: {  	s0 =	sadd.s32 s20, s16  }
0x4db: {  	[sflag:s4] =	ssyncset.s32 $0x0;
	s0 =	sshll.u32 s0, $0x11  }
0x4dc: {  	[sflag:s4] =	ssyncset.done $0x0;
	s0 =	sor.u32 s0, s15  }
0x4dd: {  	s10 =	simm.s32 $0x5;
	[sflag:s0] =	ssyncadd.remote.s32 $0x1  }
0x4de: {  	_ =	swait.ge [sflag:s10], $0x1  }
0x4df: {  	[sflag:s10] =	ssyncset.done $0x0  }
0x4e0: {  	s15 =	simm.s32 $0xB400;
	s12 =	rddreg [dreg:$0x10];
	[sflag:s10] =	ssyncadd.s32 $0xFFFFFFFF  }
0x4e1: {  	[tilespmem:s15], [sflag:$0x6] =	stream.linear.gather [hbm4b:s12+s4], $0x1400, $0x38;
	[tilespmem:$0x1AC00] =	vst v63  }
0x4e2: {  	_ =	swait.ge [sflag:s21], $0x1400  }
0x4e3: {  	[sflag:s21] =	ssyncset.done $0x0  }
0x4e4: {  	s16 =	rddreg [dreg:$0x11];
	[sflag:s21] =	ssyncadd.s32 $0xFFFFEC00  }
0x4e5: {  	[spmem:s16] =	stream.linear.scatter [tilespmem:s15], [sflag:$0x6], $0x1400, $0x38;
	[tilespmem:$0x1AC00] =	vst v63  }
0x4e6: {  	_ =	swait.ge [sflag:s21], $0x1400  }
0x4e7: {  	s16 =	rddreg [dreg:$0x16]  }
0x4e8: {  	s16 =	sadd.s32 $0x1, s16  }
0x4e9: {  	p0 =	sne.s32 s16, $0xA  }
.Ltmp6:
0x4ea: {  	_ = 	snop;
	(pc) =	sbr.rel @p0 .LBB2_10-.Ltmp6, $3  }
0x4eb: {  	[sflag:s21] =	ssyncset.done $0x0  }
0x4ec: {  	[sflag:s21] =	ssyncadd.s32 $0xFFFFEC00  }
0x4ed: {  	[bflag:$0x0] =	sbarrier.arrive $0xFFFF;
	_ =	sdelay $0x1  }
0x4ee: {  	s4 =	rddreg [dreg:$0x14]  }
0x4ef: {  	s0 =	rddreg [dreg:$0x13];
	s4 =	sadd.s32 $0x1, s4  }
0x4f0: {  	p0 =	sne.s32 s4, s0  }
.Ltmp7:
0x4f1: {  	_ = 	snop;
	(pc) =	sbr.rel @p0 .LBB2_1-.Ltmp7, $2  }
0x4f2: {  	_ =	sdelay $0x2  }
0x4f3: {  	s22 =	simm.s32 $0x14000  }
0x4f4: {  	_ =	sfence.sel $0x180000  }
0x4f5: {  	[bflag:$0x0] =	sbarrier.arrive $0xFFFF  }
0x4f6: {  	_ =	strace $0x90000047  }
0x4f7: {  	s0 =	stileid.u32;
	[bflag:$0x2] =	sbarrier.arrive $0xFFFF  }
0x4f8: {  	p0 =	sne.s32 s0, $0x0;
	s0 =	rddreg [dreg:$0x3]  }
0x4f9: {  	s0 =	sadd.s32 @!p0 $0x100000, s0  }
0x4fa: {  	[sflag:s0] =	ssyncadd.tile.s32 @!p0 $0x1;
	_ =	shalt  }
.Lfunc_end2:
_tile_overlayer_lowered:
.L_overlay_start_2:
0x4fb: {  	(tag) =	ssettag $0x2  }
0x4fc: {  	s0 =	rddreg [dreg:$0x0];
	s2 =	stileid.u32  }
0x4fd: {  	s1 =	rddreg [dreg:$0x1];
	p0 =	sne.s32 s2, $0x0  }
0x4fe: {  	s3 =	rddreg [dreg:$0x2];
	[bflag:$0x3] =	sbarrier.arrive $0xFFFF;
	s2 =	simm.s32 @!p0 $0x1C06  }
0x4ff: {  	[timem:s3], [sflag:s2] =	dma.local @!p0 [hbm:s0], s1  }
0x500: {  	s0 =	simm.s32 @!p0 $0x6  }
0x501: {  	_ =	swait.ge @!p0 [sflag:s0], s1  }
0x502: {  	s1 =	ssub.s32 @!p0 $0x0, s1;
	[sflag:s0] =	ssyncset.done @!p0 $0x0  }
0x503: {  	[sflag:s0] =	ssyncadd.s32 @!p0 s1  }
0x504: {  	[bflag:$0x3] =	sbarrier.arrive $0xFFFF  }
0x505: {  	_ =	shalt  }

</sc_bundles>
